<compile_context>
chip_gen: v7x
topology: tpu7x:2x2x1
jax: 0.10.2.dev20260603
libtpu: 0.0.44.dev20260713+nightly
codegen_flags: <defaults>
</compile_context>

<pallas_src>
import functools

import jax
import jax.numpy as jnp
from jax import lax
from jax.experimental import pallas as pl
from jax.experimental.pallas import tpu as pltpu
from jax.experimental.pallas import tpu_sc as plsc

_N = 10000
_E = 160000
_D = 256
_H = 256
_NPAD = 10240
_EPAD = 163840
_NB = _NPAD // 256
_NC = 2
_NS = 16
_CHUNK = 128
_STRIPE = _NPAD // _NS
_GRP = 8

_mesh = plsc.VectorSubcoreMesh(
    core_axis_name="c", subcore_axis_name="s", num_cores=_NC, num_subcores=_NS
)


def _sc_degree(dst_hbm, ones_hbm, zeros_hbm, out_hbm, dstv, buf, hist_sh, sem):
    c = lax.axis_index("c")
    s = lax.axis_index("s")

    pltpu.sync_copy(zeros_hbm, buf)

    @pl.loop(0, _STRIPE // _CHUNK)
    def _init(i):
        pltpu.sync_copy(buf, hist_sh.at[pl.ds(s * _STRIPE + i * _CHUNK, _CHUNK)])

    pltpu.sync_copy(ones_hbm, buf)
    plsc.subcore_barrier()

    ebase = c * (_EPAD // _NC) + s * (_EPAD // _NC // _NS)

    @pl.loop(0, _EPAD // _NC // _NS // _CHUNK)
    def _body(i):
        off = ebase + i * _CHUNK
        pltpu.sync_copy(dst_hbm.at[pl.ds(off, _CHUNK)], dstv)
        pltpu.sync_copy(buf, hist_sh.at[dstv], add=True)

    plsc.subcore_barrier()

    @pl.loop(0, _STRIPE // _CHUNK)
    def _wb(i):
        pltpu.sync_copy(hist_sh.at[pl.ds(s * _STRIPE + i * _CHUNK, _CHUNK)], buf)
        pltpu.sync_copy(
            buf, out_hbm.at[pl.ds(c * _NPAD + s * _STRIPE + i * _CHUNK, _CHUNK)])


_degree_call = pl.kernel(
    _sc_degree,
    out_type=jax.ShapeDtypeStruct((_NC * _NPAD, 128), jnp.float32),
    mesh=_mesh,
    scratch_types=[
        pltpu.VMEM((_CHUNK,), jnp.int32),
        pltpu.VMEM((_CHUNK, 128), jnp.float32),
        pltpu.VMEM_SHARED((_NPAD, 128), jnp.float32),
        pltpu.SemaphoreType.DMA,
    ],
)


_BLK = 16
_NCHUNK = _EPAD // _NS // _CHUNK
_NBLK = _NCHUNK // _BLK


def _sc_aggregate(table_hbm, src2_hbm, dst_hbm, out_hbm, sb0, sb1, db0, db1,
                  r0, r1, acc_sh, gs0, gs1, is0, is1):
    c = lax.axis_index("c")
    s = lax.axis_index("s")
    sbuf = (sb0, sb1)
    dbuf = (db0, db1)
    rows = (r0, r1)
    gsem = (gs0, gs1)

    row0 = c * _NPAD + s * _STRIPE

    @pl.loop(0, _STRIPE // _CHUNK)
    def _init(i):
        pltpu.sync_copy(table_hbm.at[pl.ds(row0 + i * _CHUNK, _CHUNK)], r0)
        pltpu.sync_copy(r0, acc_sh.at[pl.ds(s * _STRIPE + i * _CHUNK, _CHUNK)])

    plsc.subcore_barrier()

    sbase = c * (_EPAD // _CHUNK) + s * _NCHUNK
    dbase = s * _NCHUNK

    def idx_load(grp, sb, db, sem):
        pltpu.async_copy(src2_hbm.at[pl.ds(sbase + grp * _GRP, _GRP)], sb, sem)
        pltpu.async_copy(dst_hbm.at[pl.ds(dbase + grp * _GRP, _GRP)], db, sem)

    def idx_wait(sb, db, sem):
        pltpu.make_async_copy(src2_hbm.at[pl.ds(sbase, _GRP)], sb, sem).wait()
        pltpu.make_async_copy(dst_hbm.at[pl.ds(dbase, _GRP)], db, sem).wait()

    def gather_start(p, q, rbuf, sem):
        pltpu.async_copy(table_hbm.at[sbuf[p].at[q]], rbuf, sem)

    def gather_wait(p, q, rbuf, sem):
        pltpu.make_async_copy(table_hbm.at[sbuf[p].at[q]], rbuf, sem).wait()

    idx_load(0, sb0, db0, is0)
    idx_wait(sb0, db0, is0)
    gather_start(0, 0, r0, gs0)

    @pl.loop(0, _NBLK)
    def _block(g):
        for b in range(_BLK):
            p, q = b // _GRP, b % _GRP
            if b == 0:
                idx_load(2 * g + 1, sb1, db1, is1)
            if b == _GRP:
                @pl.when(g < _NBLK - 1)
                def _():
                    idx_load(2 * g + 2, sb0, db0, is0)

            gather_wait(p, q, rows[b % 2], gsem[b % 2])

            nb = b + 1
            if nb < _BLK:
                if nb == _GRP:
                    idx_wait(sb1, db1, is1)
                gather_start(nb // _GRP, nb % _GRP, rows[nb % 2], gsem[nb % 2])
            else:
                @pl.when(g < _NBLK - 1)
                def _():
                    idx_wait(sb0, db0, is0)
                    gather_start(0, 0, r0, gs0)

            pltpu.sync_copy(rows[b % 2], acc_sh.at[dbuf[p].at[q]], add=True)

    plsc.subcore_barrier()

    @pl.loop(0, _STRIPE // _CHUNK)
    def _wb(i):
        pltpu.sync_copy(acc_sh.at[pl.ds(s * _STRIPE + i * _CHUNK, _CHUNK)], r0)
        pltpu.sync_copy(r0, out_hbm.at[pl.ds(row0 + i * _CHUNK, _CHUNK)])


_aggregate_call = pl.kernel(
    _sc_aggregate,
    out_type=jax.ShapeDtypeStruct((_NC * _NPAD, 128), jnp.float32),
    mesh=_mesh,
    scratch_types=[
        pltpu.VMEM((_GRP, _CHUNK), jnp.int32),
        pltpu.VMEM((_GRP, _CHUNK), jnp.int32),
        pltpu.VMEM((_GRP, _CHUNK), jnp.int32),
        pltpu.VMEM((_GRP, _CHUNK), jnp.int32),
        pltpu.VMEM((_CHUNK, 128), jnp.float32),
        pltpu.VMEM((_CHUNK, 128), jnp.float32),
        pltpu.VMEM_SHARED((_NPAD, 128), jnp.float32),
        pltpu.SemaphoreType.DMA,
        pltpu.SemaphoreType.DMA,
        pltpu.SemaphoreType.DMA,
        pltpu.SemaphoreType.DMA,
    ],
)


def _tc_scale_matmul(x_ref, w_ref, dga_ref, dgb_ref, out_ref):
    dinv = lax.rsqrt(dga_ref[:, 0] + dgb_ref[:, 0] + 1.0)
    h = jnp.dot(x_ref[...], w_ref[...], preferred_element_type=jnp.float32)
    out_ref[...] = h * dinv[:, None]


def _first_layer_pre(x_pad, w1, deg2):
    return pl.pallas_call(
        _tc_scale_matmul,
        grid=(_NC, _NB),
        in_specs=[
            pl.BlockSpec((256, _D), lambda k, j: (j, 0)),
            pl.BlockSpec((_D, 128), lambda k, j: (0, k)),
            pl.BlockSpec((256, 128), lambda k, j: (j, 0)),
            pl.BlockSpec((256, 128), lambda k, j: (_NB + j, 0)),
        ],
        out_specs=pl.BlockSpec((256, 128), lambda k, j: (k * _NB + j, 0)),
        out_shape=jax.ShapeDtypeStruct((_NC * _NPAD, 128), jnp.float32),
    )(x_pad, w1, deg2, deg2)


def _tc_mid_layer(a0_ref, a1_ref, dga_ref, dgb_ref, b_ref, w_ref, out_ref):
    dinv = lax.rsqrt(dga_ref[:, 0] + dgb_ref[:, 0] + 1.0)
    h = jnp.concatenate([a0_ref[...], a1_ref[...]], axis=1)
    h = jnp.maximum(h * dinv[:, None] + b_ref[...], 0.0)
    h2 = jnp.dot(h, w_ref[...], preferred_element_type=jnp.float32)
    out_ref[...] = h2 * dinv[:, None]


def _mid_layer(acc, deg2, b1_row, w2):
    return pl.pallas_call(
        _tc_mid_layer,
        grid=(_NC, _NB),
        in_specs=[
            pl.BlockSpec((256, 128), lambda k, j: (j, 0)),
            pl.BlockSpec((256, 128), lambda k, j: (_NB + j, 0)),
            pl.BlockSpec((256, 128), lambda k, j: (j, 0)),
            pl.BlockSpec((256, 128), lambda k, j: (_NB + j, 0)),
            pl.BlockSpec((1, _H), lambda k, j: (0, 0)),
            pl.BlockSpec((_H, 128), lambda k, j: (0, k)),
        ],
        out_specs=pl.BlockSpec((256, 128), lambda k, j: (k * _NB + j, 0)),
        out_shape=jax.ShapeDtypeStruct((_NC * _NPAD, 128), jnp.float32),
    )(acc, acc, deg2, deg2, b1_row, w2)


def _tc_heads(a0_ref, a1_ref, dga_ref, dgb_ref, b_ref, wp_ref, bp_ref, wv_ref,
              bv_ref, logits_ref, val_ref, pool_ref):
    j = pl.program_id(0)
    dinv = lax.rsqrt(dga_ref[:, 0] + dgb_ref[:, 0] + 1.0)
    h = jnp.concatenate([a0_ref[...], a1_ref[...]], axis=1)
    h = jnp.maximum(h * dinv[:, None] + b_ref[...], 0.0)
    row = jnp.sum(h * wp_ref[...], axis=1) + bp_ref[0, 0]
    logits_ref[pl.ds(j, 1), :] = row[None, :]

    @pl.when(j == 0)
    def _():
        pool_ref[...] = jnp.zeros_like(pool_ref)

    rows = jax.lax.broadcasted_iota(jnp.int32, (256, 1), 0) + j * 256
    hm = jnp.where(rows < _N, h, 0.0)
    pool_ref[0, :] += jnp.sum(hm, axis=0)

    @pl.when(j == _NB - 1)
    def _():
        pooled = pool_ref[0, :] * (1.0 / _N)
        val_ref[...] = (jnp.sum(pooled * wv_ref[0, :]) + bv_ref[0, 0]).reshape(1, 1)


def _heads(acc, deg2, b2_row, wp_row, bp2, wv_row, bv2):
    return pl.pallas_call(
        _tc_heads,
        grid=(_NB,),
        in_specs=[
            pl.BlockSpec((256, 128), lambda j: (j, 0)),
            pl.BlockSpec((256, 128), lambda j: (_NB + j, 0)),
            pl.BlockSpec((256, 128), lambda j: (j, 0)),
            pl.BlockSpec((256, 128), lambda j: (_NB + j, 0)),
            pl.BlockSpec((1, _H), lambda j: (0, 0)),
            pl.BlockSpec((1, _H), lambda j: (0, 0)),
            pl.BlockSpec((1, 1), lambda j: (0, 0)),
            pl.BlockSpec((1, _H), lambda j: (0, 0)),
            pl.BlockSpec((1, 1), lambda j: (0, 0)),
        ],
        out_specs=[
            pl.BlockSpec((_NB, 256), lambda j: (0, 0)),
            pl.BlockSpec((1, 1), lambda j: (0, 0)),
        ],
        out_shape=[
            jax.ShapeDtypeStruct((_NB, 256), jnp.float32),
            jax.ShapeDtypeStruct((1, 1), jnp.float32),
        ],
        scratch_shapes=[pltpu.VMEM((8, 256), jnp.float32)],
    )(acc, acc, deg2, deg2, b2_row, wp_row, bp2, wv_row, bv2)


def kernel(x, edge_index, batch, mask, W1, b1, W2, b2, Wp, bp, Wv, bv):
    del batch, mask

    src = edge_index[0]
    dst = edge_index[1]
    pad_e = _EPAD - _E
    src_p = jnp.concatenate([src, jnp.full((pad_e,), _N, jnp.int32)])
    dst_p = jnp.concatenate([dst, jnp.full((pad_e,), _N, jnp.int32)])
    src2 = jnp.concatenate([src_p, src_p + _NPAD])
    src2_2d = src2.reshape(2 * _EPAD // _CHUNK, _CHUNK)
    dst_2d = dst_p.reshape(_EPAD // _CHUNK, _CHUNK)

    x_pad = jnp.pad(x, ((0, _NPAD - _N), (0, 0)))
    ones128 = jnp.ones((_CHUNK, 128), jnp.float32)
    zeros128 = jnp.zeros((_CHUNK, 128), jnp.float32)

    deg2 = _degree_call(dst_p, ones128, zeros128)

    h1p = _first_layer_pre(x_pad, W1, deg2)
    acc1 = _aggregate_call(h1p, src2_2d, dst_2d)
    h2p = _mid_layer(acc1, deg2, b1.reshape(1, _H), W2)
    acc2 = _aggregate_call(h2p, src2_2d, dst_2d)
    logits2d, val = _heads(acc2, deg2, b2.reshape(1, _H), Wp.reshape(1, _H),
                           bp.reshape(1, 1), Wv.reshape(1, _H), bv.reshape(1, 1))

    logits = logits2d.reshape(_NPAD)[:_N]
    return (logits, val.reshape(1))

# --- scband reference (transcript-rebuilt; emitter-appended) ---
"""Pipeline reference for scband-actor-critic-37881611550970 (READ-ONLY COPY).

The authoritative reference and input builder live on the scoring server;
editing this copy changes nothing except your own understanding.
"""

import jax, jax.numpy as jnp
import numpy as np

N = 10000
E = 160000
D = 256
H = 256

def setup_inputs(seed: int = 0) -> dict:
    key = jax.random.key(seed)
    ks = jax.random.split(key, 12)
    x = jax.random.normal(ks[0], (N, D), dtype=jnp.float32)
    edge_index = jax.random.randint(ks[1], (2, E), 0, N, dtype=jnp.int32)
    batch = jnp.zeros((N,), dtype=jnp.int32)
    mask = jnp.ones((N,), dtype=bool)
    W1 = jax.random.normal(ks[2], (D, H), dtype=jnp.float32) * (1.0 / np.sqrt(D))
    b1 = jnp.zeros((H,), dtype=jnp.float32)
    W2 = jax.random.normal(ks[3], (H, H), dtype=jnp.float32) * (1.0 / np.sqrt(H))
    b2 = jnp.zeros((H,), dtype=jnp.float32)
    Wp = jax.random.normal(ks[4], (H, 1), dtype=jnp.float32) * (1.0 / np.sqrt(H))
    bp = jnp.zeros((1,), dtype=jnp.float32)
    Wv = jax.random.normal(ks[5], (H, 1), dtype=jnp.float32) * (1.0 / np.sqrt(H))
    bv = jnp.zeros((1,), dtype=jnp.float32)
    return {"x": x, "edge_index": edge_index, "batch": batch, "mask": mask,
            "W1": W1, "b1": b1, "W2": W2, "b2": b2,
            "Wp": Wp, "bp": bp, "Wv": Wv, "bv": bv}

def _gcn_conv(x, edge_index, W, b):
    # GCNConv with added self-loops and symmetric normalization (PyG default)
    src = edge_index[0]
    dst = edge_index[1]
    loop = jnp.arange(N, dtype=src.dtype)
    src = jnp.concatenate([src, loop])
    dst = jnp.concatenate([dst, loop])
    deg = jnp.zeros((N,), dtype=x.dtype).at[dst].add(1.0)
    dinv = jnp.where(deg > 0, jax.lax.rsqrt(deg), 0.0)
    norm = dinv[src] * dinv[dst]
    h = x @ W
    msg = h[src] * norm[:, None]
    out = jnp.zeros((N, W.shape[1]), dtype=h.dtype).at[dst].add(msg)
    return out + b

def reference(x, edge_index, batch, mask, W1, b1, W2, b2, Wp, bp, Wv, bv):
    h = jax.nn.relu(_gcn_conv(x, edge_index, W1, b1))
    h = jax.nn.relu(_gcn_conv(h, edge_index, W2, b2))
    logits = (h @ Wp + bp).squeeze(-1)
    logits = jnp.where(mask, logits, jnp.full_like(logits, -1e9))
    ones = jnp.ones((N,), dtype=h.dtype)
    counts = jax.ops.segment_sum(ones, batch, num_segments=1)
    pooled = jax.ops.segment_sum(h, batch, num_segments=1) / jnp.maximum(counts, 1.0)[:, None]
    state_value = (pooled @ Wv + bv).squeeze(-1)
    return (logits, state_value)

if __name__ == "__main__":
    import jax
    _d = setup_inputs()
    print(jax.jit(kernel)(*tuple(_d.values())))

</pallas_src>

<mosaic_0001>
#map = affine_map<(d0, d1) -> (0)>
#map1 = affine_map<(d0, d1) -> (0, 0)>
module attributes {stable_mosaic.version = 14 : i64} {
  func.func @_sc_degree(%arg0: i32, %arg1: i32, %arg2: memref<163840xi32, #tpu.memory_space<hbm>>, %arg3: memref<128x128xf32, #tpu.memory_space<hbm>>, %arg4: memref<128x128xf32, #tpu.memory_space<hbm>>, %arg5: memref<20480x128xf32, #tpu.memory_space<hbm>>, %arg6: memref<128xi32, #tpu.memory_space<vmem>>, %arg7: memref<128x128xf32, #tpu.memory_space<vmem>>, %arg8: memref<10240x128xf32, #tpu.memory_space<vmem_shared>>, %arg9: memref<!tpu.dma_semaphore, #tpu.memory_space<semaphore_mem>>) attributes {dimension_semantics = [#tpu.dimension_semantics<core_parallel>, #tpu.dimension_semantics<subcore_parallel>], iteration_bounds = array<i64: 2, 16>, scalar_prefetch = 0 : i64, scratch_operands = 4 : i64, tpu.core_type = #tpu.core_type<sc_vector_subcore>, window_params = [{transform_indices = #map}, {transform_indices = #map1}, {transform_indices = #map1}, {transform_indices = #map1}]} {
    "tpu.region"() ({
      %run_scoped3A = tpu.sem_alloc : memref<!tpu.dma_semaphore, #tpu.memory_space<semaphore_mem>>
      tpu.enqueue_dma source(%arg4 : memref<128x128xf32, #tpu.memory_space<hbm>>) target(%arg7 : memref<128x128xf32, #tpu.memory_space<vmem>>) target_semaphore(%run_scoped3A : memref<!tpu.dma_semaphore, #tpu.memory_space<semaphore_mem>>)
      tpu.wait_dma2 semaphore(%run_scoped3A : memref<!tpu.dma_semaphore, #tpu.memory_space<semaphore_mem>>) src(%arg4 : memref<128x128xf32, #tpu.memory_space<hbm>>) dst(%arg7 : memref<128x128xf32, #tpu.memory_space<vmem>>)
      tpu.yield
    }) : () -> ()
    %scan3A = arith.constant 0 : i32
    %scan3A_0 = arith.constant 5 : i32
    %scan3A_1 = arith.addi %scan3A, %scan3A_0 : i32
    %scan3A_2 = arith.constant 1 : i32
    scf.for %scan3A_18 = %scan3A to %scan3A_1 step %scan3A_2  : i32 {
      %mul3A_19 = arith.constant 1 : i32
      %mul3A_20 = arith.muli %scan3A_18, %mul3A_19 : i32
      %add3A_21 = arith.constant 0 : i32
      %add3A_22 = arith.addi %add3A_21, %mul3A_20 : i32
      %mul3A_23 = arith.constant 640 : i32
      %mul3A_24 = arith.muli %arg1, %mul3A_23 : i32
      %mul3A_25 = arith.constant 128 : i32
      %mul3A_26 = arith.muli %add3A_22, %mul3A_25 : i32
      %add3A_27 = arith.addi %mul3A_24, %mul3A_26 : i32
      "tpu.region"() ({
        %run_scoped3A = tpu.sem_alloc : memref<!tpu.dma_semaphore, #tpu.memory_space<semaphore_mem>>
        %dma_start3A = arith.constant 0 : i32
        %dma_start3A_28 = tpu.memref_slice %arg8[%add3A_27, %dma_start3A] : memref<10240x128xf32, #tpu.memory_space<vmem_shared>> -> memref<128x128xf32, #tpu.memory_space<vmem_shared>>
        %dma_start3A_29 = arith.constant 0 : i32
        %dma_start3A_30 = tpu.memref_slice %arg8[%add3A_27, %dma_start3A_29] : memref<10240x128xf32, #tpu.memory_space<vmem_shared>> -> memref<128x128xf32, #tpu.memory_space<vmem_shared>>
        tpu.enqueue_dma source(%arg7 : memref<128x128xf32, #tpu.memory_space<vmem>>) target(%dma_start3A_30 : memref<128x128xf32, #tpu.memory_space<vmem_shared>>) target_semaphore(%run_scoped3A : memref<!tpu.dma_semaphore, #tpu.memory_space<semaphore_mem>>)
        %dma_wait3A = arith.constant 0 : i32
        %dma_wait3A_31 = tpu.memref_slice %arg8[%add3A_27, %dma_wait3A] : memref<10240x128xf32, #tpu.memory_space<vmem_shared>> -> memref<128x128xf32, #tpu.memory_space<vmem_shared>>
        %dma_wait3A_32 = arith.constant 0 : i32
        %dma_wait3A_33 = tpu.memref_slice %arg8[%add3A_27, %dma_wait3A_32] : memref<10240x128xf32, #tpu.memory_space<vmem_shared>> -> memref<128x128xf32, #tpu.memory_space<vmem_shared>>
        tpu.wait_dma2 semaphore(%run_scoped3A : memref<!tpu.dma_semaphore, #tpu.memory_space<semaphore_mem>>) src(%arg7 : memref<128x128xf32, #tpu.memory_space<vmem>>) dst(%dma_wait3A_33 : memref<128x128xf32, #tpu.memory_space<vmem_shared>>)
        tpu.yield
      }) : () -> ()
    }
    %scan3A_3 = arith.constant 5 : i32
    "tpu.region"() ({
      %run_scoped3A = tpu.sem_alloc : memref<!tpu.dma_semaphore, #tpu.memory_space<semaphore_mem>>
      tpu.enqueue_dma source(%arg3 : memref<128x128xf32, #tpu.memory_space<hbm>>) target(%arg7 : memref<128x128xf32, #tpu.memory_space<vmem>>) target_semaphore(%run_scoped3A : memref<!tpu.dma_semaphore, #tpu.memory_space<semaphore_mem>>)
      tpu.wait_dma2 semaphore(%run_scoped3A : memref<!tpu.dma_semaphore, #tpu.memory_space<semaphore_mem>>) src(%arg3 : memref<128x128xf32, #tpu.memory_space<hbm>>) dst(%arg7 : memref<128x128xf32, #tpu.memory_space<vmem>>)
      tpu.yield
    }) : () -> ()
    %barrier3A = arith.constant 0 : index
    tpu.barrier barrier_id(%barrier3A)
    %mul3A = arith.constant 81920 : i32
    %mul3A_4 = arith.muli %arg0, %mul3A : i32
    %mul3A_5 = arith.constant 5120 : i32
    %mul3A_6 = arith.muli %arg1, %mul3A_5 : i32
    %add3A = arith.addi %mul3A_4, %mul3A_6 : i32
    %scan3A_7 = arith.constant 0 : i32
    %scan3A_8 = arith.constant 40 : i32
    %scan3A_9 = arith.addi %scan3A_7, %scan3A_8 : i32
    %scan3A_10 = arith.constant 1 : i32
    scf.for %scan3A_18 = %scan3A_7 to %scan3A_9 step %scan3A_10  : i32 {
      %mul3A_19 = arith.constant 1 : i32
      %mul3A_20 = arith.muli %scan3A_18, %mul3A_19 : i32
      %add3A_21 = arith.constant 0 : i32
      %add3A_22 = arith.addi %add3A_21, %mul3A_20 : i32
      %mul3A_23 = arith.constant 128 : i32
      %mul3A_24 = arith.muli %add3A_22, %mul3A_23 : i32
      %add3A_25 = arith.addi %add3A, %mul3A_24 : i32
      "tpu.region"() ({
        %run_scoped3A = tpu.sem_alloc : memref<!tpu.dma_semaphore, #tpu.memory_space<semaphore_mem>>
        %dma_start3A = tpu.memref_slice %arg2[%add3A_25] : memref<163840xi32, #tpu.memory_space<hbm>> -> memref<128xi32, #tpu.memory_space<hbm>>
        %dma_start3A_26 = tpu.memref_slice %arg2[%add3A_25] : memref<163840xi32, #tpu.memory_space<hbm>> -> memref<128xi32, #tpu.memory_space<hbm>>
        tpu.enqueue_dma source(%dma_start3A_26 : memref<128xi32, #tpu.memory_space<hbm>>) target(%arg6 : memref<128xi32, #tpu.memory_space<vmem>>) target_semaphore(%run_scoped3A : memref<!tpu.dma_semaphore, #tpu.memory_space<semaphore_mem>>)
        %dma_wait3A = tpu.memref_slice %arg2[%add3A_25] : memref<163840xi32, #tpu.memory_space<hbm>> -> memref<128xi32, #tpu.memory_space<hbm>>
        %dma_wait3A_27 = tpu.memref_slice %arg2[%add3A_25] : memref<163840xi32, #tpu.memory_space<hbm>> -> memref<128xi32, #tpu.memory_space<hbm>>
        tpu.wait_dma2 semaphore(%run_scoped3A : memref<!tpu.dma_semaphore, #tpu.memory_space<semaphore_mem>>) src(%dma_wait3A_27 : memref<128xi32, #tpu.memory_space<hbm>>) dst(%arg6 : memref<128xi32, #tpu.memory_space<vmem>>)
        tpu.yield
      }) : () -> ()
      "tpu.region"() ({
        %run_scoped3A = tpu.sem_alloc : memref<!tpu.dma_semaphore, #tpu.memory_space<semaphore_mem>>
        %dma_start3A = arith.constant 0 : i32
        %dma_start3A_26 = arith.constant 0 : i32
        %dma_start3A_27 = tpu.memref_slice %arg8[%dma_start3A, %dma_start3A_26] : memref<10240x128xf32, #tpu.memory_space<vmem_shared>> -> memref<10240x128xf32, #tpu.memory_space<vmem_shared>>
        tpu.enqueue_indirect_dma source(%arg7 : memref<128x128xf32, #tpu.memory_space<vmem>>) target(%dma_start3A_27 : memref<10240x128xf32, #tpu.memory_space<vmem_shared>>) offsets(%arg6 : memref<128xi32, #tpu.memory_space<vmem>>) semaphore(%run_scoped3A : memref<!tpu.dma_semaphore, #tpu.memory_space<semaphore_mem>>) {add = true}
        %dma_wait3A = arith.constant 0 : i32
        %dma_wait3A_28 = arith.constant 0 : i32
        %dma_wait3A_29 = tpu.memref_slice %arg8[%dma_wait3A, %dma_wait3A_28] : memref<10240x128xf32, #tpu.memory_space<vmem_shared>> -> memref<10240x128xf32, #tpu.memory_space<vmem_shared>>
        tpu.wait_indirect_dma semaphore(%run_scoped3A : memref<!tpu.dma_semaphore, #tpu.memory_space<semaphore_mem>>) src(%arg7 : memref<128x128xf32, #tpu.memory_space<vmem>>) dst(%dma_wait3A_29 : memref<10240x128xf32, #tpu.memory_space<vmem_shared>>)
        tpu.yield
      }) : () -> ()
    }
    %scan3A_11 = arith.constant 40 : i32
    %barrier3A_12 = arith.constant 0 : index
    tpu.barrier barrier_id(%barrier3A_12)
    %scan3A_13 = arith.constant 0 : i32
    %scan3A_14 = arith.constant 5 : i32
    %scan3A_15 = arith.addi %scan3A_13, %scan3A_14 : i32
    %scan3A_16 = arith.constant 1 : i32
    scf.for %scan3A_18 = %scan3A_13 to %scan3A_15 step %scan3A_16  : i32 {
      %mul3A_19 = arith.constant 1 : i32
      %mul3A_20 = arith.muli %scan3A_18, %mul3A_19 : i32
      %add3A_21 = arith.constant 0 : i32
      %add3A_22 = arith.addi %add3A_21, %mul3A_20 : i32
      %mul3A_23 = arith.constant 640 : i32
      %mul3A_24 = arith.muli %arg1, %mul3A_23 : i32
      %mul3A_25 = arith.constant 128 : i32
      %mul3A_26 = arith.muli %add3A_22, %mul3A_25 : i32
      %add3A_27 = arith.addi %mul3A_24, %mul3A_26 : i32
      "tpu.region"() ({
        %run_scoped3A = tpu.sem_alloc : memref<!tpu.dma_semaphore, #tpu.memory_space<semaphore_mem>>
        %dma_start3A = arith.constant 0 : i32
        %dma_start3A_36 = tpu.memref_slice %arg8[%add3A_27, %dma_start3A] : memref<10240x128xf32, #tpu.memory_space<vmem_shared>> -> memref<128x128xf32, #tpu.memory_space<vmem_shared>>
        %dma_start3A_37 = arith.constant 0 : i32
        %dma_start3A_38 = tpu.memref_slice %arg8[%add3A_27, %dma_start3A_37] : memref<10240x128xf32, #tpu.memory_space<vmem_shared>> -> memref<128x128xf32, #tpu.memory_space<vmem_shared>>
        tpu.enqueue_dma source(%dma_start3A_38 : memref<128x128xf32, #tpu.memory_space<vmem_shared>>) target(%arg7 : memref<128x128xf32, #tpu.memory_space<vmem>>) target_semaphore(%run_scoped3A : memref<!tpu.dma_semaphore, #tpu.memory_space<semaphore_mem>>)
        %dma_wait3A = arith.constant 0 : i32
        %dma_wait3A_39 = tpu.memref_slice %arg8[%add3A_27, %dma_wait3A] : memref<10240x128xf32, #tpu.memory_space<vmem_shared>> -> memref<128x128xf32, #tpu.memory_space<vmem_shared>>
        %dma_wait3A_40 = arith.constant 0 : i32
        %dma_wait3A_41 = tpu.memref_slice %arg8[%add3A_27, %dma_wait3A_40] : memref<10240x128xf32, #tpu.memory_space<vmem_shared>> -> memref<128x128xf32, #tpu.memory_space<vmem_shared>>
        tpu.wait_dma2 semaphore(%run_scoped3A : memref<!tpu.dma_semaphore, #tpu.memory_space<semaphore_mem>>) src(%dma_wait3A_41 : memref<128x128xf32, #tpu.memory_space<vmem_shared>>) dst(%arg7 : memref<128x128xf32, #tpu.memory_space<vmem>>)
        tpu.yield
      }) : () -> ()
      %mul3A_28 = arith.constant 10240 : i32
      %mul3A_29 = arith.muli %arg0, %mul3A_28 : i32
      %mul3A_30 = arith.constant 640 : i32
      %mul3A_31 = arith.muli %arg1, %mul3A_30 : i32
      %add3A_32 = arith.addi %mul3A_29, %mul3A_31 : i32
      %mul3A_33 = arith.constant 128 : i32
      %mul3A_34 = arith.muli %add3A_22, %mul3A_33 : i32
      %add3A_35 = arith.addi %add3A_32, %mul3A_34 : i32
      "tpu.region"() ({
        %run_scoped3A = tpu.sem_alloc : memref<!tpu.dma_semaphore, #tpu.memory_space<semaphore_mem>>
        %dma_start3A = arith.constant 0 : i32
        %dma_start3A_36 = tpu.memref_slice %arg5[%add3A_35, %dma_start3A] : memref<20480x128xf32, #tpu.memory_space<hbm>> -> memref<128x128xf32, #tpu.memory_space<hbm>>
        %dma_start3A_37 = arith.constant 0 : i32
        %dma_start3A_38 = tpu.memref_slice %arg5[%add3A_35, %dma_start3A_37] : memref<20480x128xf32, #tpu.memory_space<hbm>> -> memref<128x128xf32, #tpu.memory_space<hbm>>
        tpu.enqueue_dma source(%arg7 : memref<128x128xf32, #tpu.memory_space<vmem>>) target(%dma_start3A_38 : memref<128x128xf32, #tpu.memory_space<hbm>>) target_semaphore(%run_scoped3A : memref<!tpu.dma_semaphore, #tpu.memory_space<semaphore_mem>>)
        %dma_wait3A = arith.constant 0 : i32
        %dma_wait3A_39 = tpu.memref_slice %arg5[%add3A_35, %dma_wait3A] : memref<20480x128xf32, #tpu.memory_space<hbm>> -> memref<128x128xf32, #tpu.memory_space<hbm>>
        %dma_wait3A_40 = arith.constant 0 : i32
        %dma_wait3A_41 = tpu.memref_slice %arg5[%add3A_35, %dma_wait3A_40] : memref<20480x128xf32, #tpu.memory_space<hbm>> -> memref<128x128xf32, #tpu.memory_space<hbm>>
        tpu.wait_dma2 semaphore(%run_scoped3A : memref<!tpu.dma_semaphore, #tpu.memory_space<semaphore_mem>>) src(%arg7 : memref<128x128xf32, #tpu.memory_space<vmem>>) dst(%dma_wait3A_41 : memref<128x128xf32, #tpu.memory_space<hbm>>)
        tpu.yield
      }) : () -> ()
    }
    %scan3A_17 = arith.constant 5 : i32
    return
  }
}

#map = affine_map<(d0, d1) -> (0, 0)>
module attributes {stable_mosaic.version = 14 : i64} {
  func.func @_sc_aggregate(%arg0: i32, %arg1: i32, %arg2: memref<20480x128xf32, #tpu.memory_space<hbm>>, %arg3: memref<2560x128xi32, #tpu.memory_space<hbm>>, %arg4: memref<1280x128xi32, #tpu.memory_space<hbm>>, %arg5: memref<20480x128xf32, #tpu.memory_space<hbm>>, %arg6: memref<8x128xi32, #tpu.memory_space<vmem>>, %arg7: memref<8x128xi32, #tpu.memory_space<vmem>>, %arg8: memref<8x128xi32, #tpu.memory_space<vmem>>, %arg9: memref<8x128xi32, #tpu.memory_space<vmem>>, %arg10: memref<128x128xf32, #tpu.memory_space<vmem>>, %arg11: memref<128x128xf32, #tpu.memory_space<vmem>>, %arg12: memref<10240x128xf32, #tpu.memory_space<vmem_shared>>, %arg13: memref<!tpu.dma_semaphore, #tpu.memory_space<semaphore_mem>>, %arg14: memref<!tpu.dma_semaphore, #tpu.memory_space<semaphore_mem>>, %arg15: memref<!tpu.dma_semaphore, #tpu.memory_space<semaphore_mem>>, %arg16: memref<!tpu.dma_semaphore, #tpu.memory_space<semaphore_mem>>) attributes {dimension_semantics = [#tpu.dimension_semantics<core_parallel>, #tpu.dimension_semantics<subcore_parallel>], iteration_bounds = array<i64: 2, 16>, scalar_prefetch = 0 : i64, scratch_operands = 11 : i64, tpu.core_type = #tpu.core_type<sc_vector_subcore>, window_params = [{transform_indices = #map}, {transform_indices = #map}, {transform_indices = #map}, {transform_indices = #map}]} {
    %mul3A = arith.constant 10240 : i32
    %mul3A_0 = arith.muli %arg0, %mul3A : i32
    %mul3A_1 = arith.constant 640 : i32
    %mul3A_2 = arith.muli %arg1, %mul3A_1 : i32
    %add3A = arith.addi %mul3A_0, %mul3A_2 : i32
    %scan3A = arith.constant 0 : i32
    %scan3A_3 = arith.constant 5 : i32
    %scan3A_4 = arith.addi %scan3A, %scan3A_3 : i32
    %scan3A_5 = arith.constant 1 : i32
    scf.for %scan3A_50 = %scan3A to %scan3A_4 step %scan3A_5  : i32 {
      %mul3A_51 = arith.constant 1 : i32
      %mul3A_52 = arith.muli %scan3A_50, %mul3A_51 : i32
      %add3A_53 = arith.constant 0 : i32
      %add3A_54 = arith.addi %add3A_53, %mul3A_52 : i32
      %mul3A_55 = arith.constant 128 : i32
      %mul3A_56 = arith.muli %add3A_54, %mul3A_55 : i32
      %add3A_57 = arith.addi %add3A, %mul3A_56 : i32
      "tpu.region"() ({
        %run_scoped3A = tpu.sem_alloc : memref<!tpu.dma_semaphore, #tpu.memory_space<semaphore_mem>>
        %dma_start3A_63 = arith.constant 0 : i32
        %dma_start3A_64 = tpu.memref_slice %arg2[%add3A_57, %dma_start3A_63] : memref<20480x128xf32, #tpu.memory_space<hbm>> -> memref<128x128xf32, #tpu.memory_space<hbm>>
        %dma_start3A_65 = arith.constant 0 : i32
        %dma_start3A_66 = tpu.memref_slice %arg2[%add3A_57, %dma_start3A_65] : memref<20480x128xf32, #tpu.memory_space<hbm>> -> memref<128x128xf32, #tpu.memory_space<hbm>>
        tpu.enqueue_dma source(%dma_start3A_66 : memref<128x128xf32, #tpu.memory_space<hbm>>) target(%arg10 : memref<128x128xf32, #tpu.memory_space<vmem>>) target_semaphore(%run_scoped3A : memref<!tpu.dma_semaphore, #tpu.memory_space<semaphore_mem>>)
        %dma_wait3A_67 = arith.constant 0 : i32
        %dma_wait3A_68 = tpu.memref_slice %arg2[%add3A_57, %dma_wait3A_67] : memref<20480x128xf32, #tpu.memory_space<hbm>> -> memref<128x128xf32, #tpu.memory_space<hbm>>
        %dma_wait3A_69 = arith.constant 0 : i32
        %dma_wait3A_70 = tpu.memref_slice %arg2[%add3A_57, %dma_wait3A_69] : memref<20480x128xf32, #tpu.memory_space<hbm>> -> memref<128x128xf32, #tpu.memory_space<hbm>>
        tpu.wait_dma2 semaphore(%run_scoped3A : memref<!tpu.dma_semaphore, #tpu.memory_space<semaphore_mem>>) src(%dma_wait3A_70 : memref<128x128xf32, #tpu.memory_space<hbm>>) dst(%arg10 : memref<128x128xf32, #tpu.memory_space<vmem>>)
        tpu.yield
      }) : () -> ()
      %mul3A_58 = arith.constant 640 : i32
      %mul3A_59 = arith.muli %arg1, %mul3A_58 : i32
      %mul3A_60 = arith.constant 128 : i32
      %mul3A_61 = arith.muli %add3A_54, %mul3A_60 : i32
      %add3A_62 = arith.addi %mul3A_59, %mul3A_61 : i32
      "tpu.region"() ({
        %run_scoped3A = tpu.sem_alloc : memref<!tpu.dma_semaphore, #tpu.memory_space<semaphore_mem>>
        %dma_start3A_63 = arith.constant 0 : i32
        %dma_start3A_64 = tpu.memref_slice %arg12[%add3A_62, %dma_start3A_63] : memref<10240x128xf32, #tpu.memory_space<vmem_shared>> -> memref<128x128xf32, #tpu.memory_space<vmem_shared>>
        %dma_start3A_65 = arith.constant 0 : i32
        %dma_start3A_66 = tpu.memref_slice %arg12[%add3A_62, %dma_start3A_65] : memref<10240x128xf32, #tpu.memory_space<vmem_shared>> -> memref<128x128xf32, #tpu.memory_space<vmem_shared>>
        tpu.enqueue_dma source(%arg10 : memref<128x128xf32, #tpu.memory_space<vmem>>) target(%dma_start3A_66 : memref<128x128xf32, #tpu.memory_space<vmem_shared>>) target_semaphore(%run_scoped3A : memref<!tpu.dma_semaphore, #tpu.memory_space<semaphore_mem>>)
        %dma_wait3A_67 = arith.constant 0 : i32
        %dma_wait3A_68 = tpu.memref_slice %arg12[%add3A_62, %dma_wait3A_67] : memref<10240x128xf32, #tpu.memory_space<vmem_shared>> -> memref<128x128xf32, #tpu.memory_space<vmem_shared>>
        %dma_wait3A_69 = arith.constant 0 : i32
        %dma_wait3A_70 = tpu.memref_slice %arg12[%add3A_62, %dma_wait3A_69] : memref<10240x128xf32, #tpu.memory_space<vmem_shared>> -> memref<128x128xf32, #tpu.memory_space<vmem_shared>>
        tpu.wait_dma2 semaphore(%run_scoped3A : memref<!tpu.dma_semaphore, #tpu.memory_space<semaphore_mem>>) src(%arg10 : memref<128x128xf32, #tpu.memory_space<vmem>>) dst(%dma_wait3A_70 : memref<128x128xf32, #tpu.memory_space<vmem_shared>>)
        tpu.yield
      }) : () -> ()
    }
    %scan3A_6 = arith.constant 5 : i32
    %barrier3A = arith.constant 0 : index
    tpu.barrier barrier_id(%barrier3A)
    %mul3A_7 = arith.constant 1280 : i32
    %mul3A_8 = arith.muli %arg0, %mul3A_7 : i32
    %mul3A_9 = arith.constant 80 : i32
    %mul3A_10 = arith.muli %arg1, %mul3A_9 : i32
    %add3A_11 = arith.addi %mul3A_8, %mul3A_10 : i32
    %mul3A_12 = arith.constant 80 : i32
    %mul3A_13 = arith.muli %arg1, %mul3A_12 : i32
    %add3A_14 = arith.constant 0 : i32
    %add3A_15 = arith.addi %add3A_11, %add3A_14 : i32
    %dma_start3A = arith.constant 0 : i32
    %dma_start3A_16 = tpu.memref_slice %arg3[%add3A_15, %dma_start3A] : memref<2560x128xi32, #tpu.memory_space<hbm>> -> memref<8x128xi32, #tpu.memory_space<hbm>>
    %dma_start3A_17 = arith.constant 0 : i32
    %dma_start3A_18 = tpu.memref_slice %arg3[%add3A_15, %dma_start3A_17] : memref<2560x128xi32, #tpu.memory_space<hbm>> -> memref<8x128xi32, #tpu.memory_space<hbm>>
    tpu.enqueue_dma source(%dma_start3A_18 : memref<8x128xi32, #tpu.memory_space<hbm>>) target(%arg6 : memref<8x128xi32, #tpu.memory_space<vmem>>) target_semaphore(%arg15 : memref<!tpu.dma_semaphore, #tpu.memory_space<semaphore_mem>>)
    %add3A_19 = arith.constant 0 : i32
    %add3A_20 = arith.addi %mul3A_13, %add3A_19 : i32
    %dma_start3A_21 = arith.constant 0 : i32
    %dma_start3A_22 = tpu.memref_slice %arg4[%add3A_20, %dma_start3A_21] : memref<1280x128xi32, #tpu.memory_space<hbm>> -> memref<8x128xi32, #tpu.memory_space<hbm>>
    %dma_start3A_23 = arith.constant 0 : i32
    %dma_start3A_24 = tpu.memref_slice %arg4[%add3A_20, %dma_start3A_23] : memref<1280x128xi32, #tpu.memory_space<hbm>> -> memref<8x128xi32, #tpu.memory_space<hbm>>
    tpu.enqueue_dma source(%dma_start3A_24 : memref<8x128xi32, #tpu.memory_space<hbm>>) target(%arg8 : memref<8x128xi32, #tpu.memory_space<vmem>>) target_semaphore(%arg15 : memref<!tpu.dma_semaphore, #tpu.memory_space<semaphore_mem>>)
    %dma_wait3A = arith.constant 0 : i32
    %dma_wait3A_25 = tpu.memref_slice %arg3[%add3A_11, %dma_wait3A] : memref<2560x128xi32, #tpu.memory_space<hbm>> -> memref<8x128xi32, #tpu.memory_space<hbm>>
    %dma_wait3A_26 = arith.constant 0 : i32
    %dma_wait3A_27 = tpu.memref_slice %arg3[%add3A_11, %dma_wait3A_26] : memref<2560x128xi32, #tpu.memory_space<hbm>> -> memref<8x128xi32, #tpu.memory_space<hbm>>
    tpu.wait_dma2 semaphore(%arg15 : memref<!tpu.dma_semaphore, #tpu.memory_space<semaphore_mem>>) src(%dma_wait3A_27 : memref<8x128xi32, #tpu.memory_space<hbm>>) dst(%arg6 : memref<8x128xi32, #tpu.memory_space<vmem>>)
    %dma_wait3A_28 = arith.constant 0 : i32
    %dma_wait3A_29 = tpu.memref_slice %arg4[%mul3A_13, %dma_wait3A_28] : memref<1280x128xi32, #tpu.memory_space<hbm>> -> memref<8x128xi32, #tpu.memory_space<hbm>>
    %dma_wait3A_30 = arith.constant 0 : i32
    %dma_wait3A_31 = tpu.memref_slice %arg4[%mul3A_13, %dma_wait3A_30] : memref<1280x128xi32, #tpu.memory_space<hbm>> -> memref<8x128xi32, #tpu.memory_space<hbm>>
    tpu.wait_dma2 semaphore(%arg15 : memref<!tpu.dma_semaphore, #tpu.memory_space<semaphore_mem>>) src(%dma_wait3A_31 : memref<8x128xi32, #tpu.memory_space<hbm>>) dst(%arg8 : memref<8x128xi32, #tpu.memory_space<vmem>>)
    %dma_start3A_32 = arith.constant 0 : i32
    %dma_start3A_33 = arith.constant 0 : i32
    %dma_start3A_34 = tpu.memref_slice %arg6[%dma_start3A_32, %dma_start3A_33] : memref<8x128xi32, #tpu.memory_space<vmem>> -> memref<1x128xi32, #tpu.memory_space<vmem>>
    %dma_start3A_35 = tpu.memref_squeeze %dma_start3A_34 : memref<1x128xi32, #tpu.memory_space<vmem>> -> memref<128xi32, #tpu.memory_space<vmem>>
    %dma_start3A_36 = arith.constant 0 : i32
    %dma_start3A_37 = arith.constant 0 : i32
    %dma_start3A_38 = tpu.memref_slice %arg2[%dma_start3A_36, %dma_start3A_37] : memref<20480x128xf32, #tpu.memory_space<hbm>> -> memref<20480x128xf32, #tpu.memory_space<hbm>>
    tpu.enqueue_indirect_dma source(%dma_start3A_38 : memref<20480x128xf32, #tpu.memory_space<hbm>>) target(%arg10 : memref<128x128xf32, #tpu.memory_space<vmem>>) offsets(%dma_start3A_35 : memref<128xi32, #tpu.memory_space<vmem>>) semaphore(%arg13 : memref<!tpu.dma_semaphore, #tpu.memory_space<semaphore_mem>>)
    %scan3A_39 = arith.constant 0 : i32
    %scan3A_40 = arith.constant 5 : i32
    %scan3A_41 = arith.addi %scan3A_39, %scan3A_40 : i32
    %scan3A_42 = arith.constant 1 : i32
    scf.for %scan3A_50 = %scan3A_39 to %scan3A_41 step %scan3A_42  : i32 {
      %mul3A_51 = arith.constant 1 : i32
      %mul3A_52 = arith.muli %scan3A_50, %mul3A_51 : i32
      %add3A_53 = arith.constant 0 : i32
      %add3A_54 = arith.addi %add3A_53, %mul3A_52 : i32
      %mul3A_55 = arith.constant 2 : i32
      %mul3A_56 = arith.muli %mul3A_55, %add3A_54 : i32
      %add3A_57 = arith.constant 1 : i32
      %add3A_58 = arith.addi %mul3A_56, %add3A_57 : i32
      %mul3A_59 = arith.constant 8 : i32
      %mul3A_60 = arith.muli %add3A_58, %mul3A_59 : i32
      %add3A_61 = arith.addi %add3A_11, %mul3A_60 : i32
      %dma_start3A_62 = arith.constant 0 : i32
      %dma_start3A_63 = tpu.memref_slice %arg3[%add3A_61, %dma_start3A_62] : memref<2560x128xi32, #tpu.memory_space<hbm>> -> memref<8x128xi32, #tpu.memory_space<hbm>>
      %dma_start3A_64 = arith.constant 0 : i32
      %dma_start3A_65 = tpu.memref_slice %arg3[%add3A_61, %dma_start3A_64] : memref<2560x128xi32, #tpu.memory_space<hbm>> -> memref<8x128xi32, #tpu.memory_space<hbm>>
      tpu.enqueue_dma source(%dma_start3A_65 : memref<8x128xi32, #tpu.memory_space<hbm>>) target(%arg7 : memref<8x128xi32, #tpu.memory_space<vmem>>) target_semaphore(%arg16 : memref<!tpu.dma_semaphore, #tpu.memory_space<semaphore_mem>>)
      %mul3A_66 = arith.constant 8 : i32
      %mul3A_67 = arith.muli %add3A_58, %mul3A_66 : i32
      %add3A_68 = arith.addi %mul3A_13, %mul3A_67 : i32
      %dma_start3A_69 = arith.constant 0 : i32
      %dma_start3A_70 = tpu.memref_slice %arg4[%add3A_68, %dma_start3A_69] : memref<1280x128xi32, #tpu.memory_space<hbm>> -> memref<8x128xi32, #tpu.memory_space<hbm>>
      %dma_start3A_71 = arith.constant 0 : i32
      %dma_start3A_72 = tpu.memref_slice %arg4[%add3A_68, %dma_start3A_71] : memref<1280x128xi32, #tpu.memory_space<hbm>> -> memref<8x128xi32, #tpu.memory_space<hbm>>
      tpu.enqueue_dma source(%dma_start3A_72 : memref<8x128xi32, #tpu.memory_space<hbm>>) target(%arg9 : memref<8x128xi32, #tpu.memory_space<vmem>>) target_semaphore(%arg16 : memref<!tpu.dma_semaphore, #tpu.memory_space<semaphore_mem>>)
      %dma_wait3A_73 = arith.constant 0 : i32
      %dma_wait3A_74 = arith.constant 0 : i32
      %dma_wait3A_75 = tpu.memref_slice %arg6[%dma_wait3A_73, %dma_wait3A_74] : memref<8x128xi32, #tpu.memory_space<vmem>> -> memref<1x128xi32, #tpu.memory_space<vmem>>
      %dma_wait3A_76 = tpu.memref_squeeze %dma_wait3A_75 : memref<1x128xi32, #tpu.memory_space<vmem>> -> memref<128xi32, #tpu.memory_space<vmem>>
      %dma_wait3A_77 = arith.constant 0 : i32
      %dma_wait3A_78 = arith.constant 0 : i32
      %dma_wait3A_79 = tpu.memref_slice %arg2[%dma_wait3A_77, %dma_wait3A_78] : memref<20480x128xf32, #tpu.memory_space<hbm>> -> memref<20480x128xf32, #tpu.memory_space<hbm>>
      tpu.wait_indirect_dma semaphore(%arg13 : memref<!tpu.dma_semaphore, #tpu.memory_space<semaphore_mem>>) src(%dma_wait3A_79 : memref<20480x128xf32, #tpu.memory_space<hbm>>) dst(%arg10 : memref<128x128xf32, #tpu.memory_space<vmem>>)
      %dma_start3A_80 = arith.constant 1 : i32
      %dma_start3A_81 = arith.constant 0 : i32
      %dma_start3A_82 = tpu.memref_slice %arg6[%dma_start3A_80, %dma_start3A_81] : memref<8x128xi32, #tpu.memory_space<vmem>> -> memref<1x128xi32, #tpu.memory_space<vmem>>
      %dma_start3A_83 = tpu.memref_squeeze %dma_start3A_82 : memref<1x128xi32, #tpu.memory_space<vmem>> -> memref<128xi32, #tpu.memory_space<vmem>>
      %dma_start3A_84 = arith.constant 0 : i32
      %dma_start3A_85 = arith.constant 0 : i32
      %dma_start3A_86 = tpu.memref_slice %arg2[%dma_start3A_84, %dma_start3A_85] : memref<20480x128xf32, #tpu.memory_space<hbm>> -> memref<20480x128xf32, #tpu.memory_space<hbm>>
      tpu.enqueue_indirect_dma source(%dma_start3A_86 : memref<20480x128xf32, #tpu.memory_space<hbm>>) target(%arg11 : memref<128x128xf32, #tpu.memory_space<vmem>>) offsets(%dma_start3A_83 : memref<128xi32, #tpu.memory_space<vmem>>) semaphore(%arg14 : memref<!tpu.dma_semaphore, #tpu.memory_space<semaphore_mem>>)
      %run_scoped3A = arith.constant 0 : i32
      "tpu.region"() ({
        %run_scoped3A_320 = tpu.sem_alloc : memref<!tpu.dma_semaphore, #tpu.memory_space<semaphore_mem>>
        %dma_start3A_321 = arith.constant 0 : i32
        %dma_start3A_322 = tpu.memref_slice %arg8[%run_scoped3A, %dma_start3A_321] : memref<8x128xi32, #tpu.memory_space<vmem>> -> memref<1x128xi32, #tpu.memory_space<vmem>>
        %dma_start3A_323 = tpu.memref_squeeze %dma_start3A_322 : memref<1x128xi32, #tpu.memory_space<vmem>> -> memref<128xi32, #tpu.memory_space<vmem>>
        %dma_start3A_324 = arith.constant 0 : i32
        %dma_start3A_325 = arith.constant 0 : i32
        %dma_start3A_326 = tpu.memref_slice %arg12[%dma_start3A_324, %dma_start3A_325] : memref<10240x128xf32, #tpu.memory_space<vmem_shared>> -> memref<10240x128xf32, #tpu.memory_space<vmem_shared>>
        tpu.enqueue_indirect_dma source(%arg10 : memref<128x128xf32, #tpu.memory_space<vmem>>) target(%dma_start3A_326 : memref<10240x128xf32, #tpu.memory_space<vmem_shared>>) offsets(%dma_start3A_323 : memref<128xi32, #tpu.memory_space<vmem>>) semaphore(%run_scoped3A_320 : memref<!tpu.dma_semaphore, #tpu.memory_space<semaphore_mem>>) {add = true}
        %dma_wait3A_327 = arith.constant 0 : i32
        %dma_wait3A_328 = tpu.memref_slice %arg8[%run_scoped3A, %dma_wait3A_327] : memref<8x128xi32, #tpu.memory_space<vmem>> -> memref<1x128xi32, #tpu.memory_space<vmem>>
        %dma_wait3A_329 = tpu.memref_squeeze %dma_wait3A_328 : memref<1x128xi32, #tpu.memory_space<vmem>> -> memref<128xi32, #tpu.memory_space<vmem>>
        %dma_wait3A_330 = arith.constant 0 : i32
        %dma_wait3A_331 = arith.constant 0 : i32
        %dma_wait3A_332 = tpu.memref_slice %arg12[%dma_wait3A_330, %dma_wait3A_331] : memref<10240x128xf32, #tpu.memory_space<vmem_shared>> -> memref<10240x128xf32, #tpu.memory_space<vmem_shared>>
        tpu.wait_indirect_dma semaphore(%run_scoped3A_320 : memref<!tpu.dma_semaphore, #tpu.memory_space<semaphore_mem>>) src(%arg10 : memref<128x128xf32, #tpu.memory_space<vmem>>) dst(%dma_wait3A_332 : memref<10240x128xf32, #tpu.memory_space<vmem_shared>>)
        tpu.yield
      }) : () -> ()
      %dma_wait3A_87 = arith.constant 1 : i32
      %dma_wait3A_88 = arith.constant 0 : i32
      %dma_wait3A_89 = tpu.memref_slice %arg6[%dma_wait3A_87, %dma_wait3A_88] : memref<8x128xi32, #tpu.memory_space<vmem>> -> memref<1x128xi32, #tpu.memory_space<vmem>>
      %dma_wait3A_90 = tpu.memref_squeeze %dma_wait3A_89 : memref<1x128xi32, #tpu.memory_space<vmem>> -> memref<128xi32, #tpu.memory_space<vmem>>
      %dma_wait3A_91 = arith.constant 0 : i32
      %dma_wait3A_92 = arith.constant 0 : i32
      %dma_wait3A_93 = tpu.memref_slice %arg2[%dma_wait3A_91, %dma_wait3A_92] : memref<20480x128xf32, #tpu.memory_space<hbm>> -> memref<20480x128xf32, #tpu.memory_space<hbm>>
      tpu.wait_indirect_dma semaphore(%arg14 : memref<!tpu.dma_semaphore, #tpu.memory_space<semaphore_mem>>) src(%dma_wait3A_93 : memref<20480x128xf32, #tpu.memory_space<hbm>>) dst(%arg11 : memref<128x128xf32, #tpu.memory_space<vmem>>)
      %dma_start3A_94 = arith.constant 2 : i32
      %dma_start3A_95 = arith.constant 0 : i32
      %dma_start3A_96 = tpu.memref_slice %arg6[%dma_start3A_94, %dma_start3A_95] : memref<8x128xi32, #tpu.memory_space<vmem>> -> memref<1x128xi32, #tpu.memory_space<vmem>>
      %dma_start3A_97 = tpu.memref_squeeze %dma_start3A_96 : memref<1x128xi32, #tpu.memory_space<vmem>> -> memref<128xi32, #tpu.memory_space<vmem>>
      %dma_start3A_98 = arith.constant 0 : i32
      %dma_start3A_99 = arith.constant 0 : i32
      %dma_start3A_100 = tpu.memref_slice %arg2[%dma_start3A_98, %dma_start3A_99] : memref<20480x128xf32, #tpu.memory_space<hbm>> -> memref<20480x128xf32, #tpu.memory_space<hbm>>
      tpu.enqueue_indirect_dma source(%dma_start3A_100 : memref<20480x128xf32, #tpu.memory_space<hbm>>) target(%arg10 : memref<128x128xf32, #tpu.memory_space<vmem>>) offsets(%dma_start3A_97 : memref<128xi32, #tpu.memory_space<vmem>>) semaphore(%arg13 : memref<!tpu.dma_semaphore, #tpu.memory_space<semaphore_mem>>)
      %run_scoped3A_101 = arith.constant 1 : i32
      "tpu.region"() ({
        %run_scoped3A_320 = tpu.sem_alloc : memref<!tpu.dma_semaphore, #tpu.memory_space<semaphore_mem>>
        %dma_start3A_321 = arith.constant 0 : i32
        %dma_start3A_322 = tpu.memref_slice %arg8[%run_scoped3A_101, %dma_start3A_321] : memref<8x128xi32, #tpu.memory_space<vmem>> -> memref<1x128xi32, #tpu.memory_space<vmem>>
        %dma_start3A_323 = tpu.memref_squeeze %dma_start3A_322 : memref<1x128xi32, #tpu.memory_space<vmem>> -> memref<128xi32, #tpu.memory_space<vmem>>
        %dma_start3A_324 = arith.constant 0 : i32
        %dma_start3A_325 = arith.constant 0 : i32
        %dma_start3A_326 = tpu.memref_slice %arg12[%dma_start3A_324, %dma_start3A_325] : memref<10240x128xf32, #tpu.memory_space<vmem_shared>> -> memref<10240x128xf32, #tpu.memory_space<vmem_shared>>
        tpu.enqueue_indirect_dma source(%arg11 : memref<128x128xf32, #tpu.memory_space<vmem>>) target(%dma_start3A_326 : memref<10240x128xf32, #tpu.memory_space<vmem_shared>>) offsets(%dma_start3A_323 : memref<128xi32, #tpu.memory_space<vmem>>) semaphore(%run_scoped3A_320 : memref<!tpu.dma_semaphore, #tpu.memory_space<semaphore_mem>>) {add = true}
        %dma_wait3A_327 = arith.constant 0 : i32
        %dma_wait3A_328 = tpu.memref_slice %arg8[%run_scoped3A_101, %dma_wait3A_327] : memref<8x128xi32, #tpu.memory_space<vmem>> -> memref<1x128xi32, #tpu.memory_space<vmem>>
        %dma_wait3A_329 = tpu.memref_squeeze %dma_wait3A_328 : memref<1x128xi32, #tpu.memory_space<vmem>> -> memref<128xi32, #tpu.memory_space<vmem>>
        %dma_wait3A_330 = arith.constant 0 : i32
        %dma_wait3A_331 = arith.constant 0 : i32
        %dma_wait3A_332 = tpu.memref_slice %arg12[%dma_wait3A_330, %dma_wait3A_331] : memref<10240x128xf32, #tpu.memory_space<vmem_shared>> -> memref<10240x128xf32, #tpu.memory_space<vmem_shared>>
        tpu.wait_indirect_dma semaphore(%run_scoped3A_320 : memref<!tpu.dma_semaphore, #tpu.memory_space<semaphore_mem>>) src(%arg11 : memref<128x128xf32, #tpu.memory_space<vmem>>) dst(%dma_wait3A_332 : memref<10240x128xf32, #tpu.memory_space<vmem_shared>>)
        tpu.yield
      }) : () -> ()
      %dma_wait3A_102 = arith.constant 2 : i32
      %dma_wait3A_103 = arith.constant 0 : i32
      %dma_wait3A_104 = tpu.memref_slice %arg6[%dma_wait3A_102, %dma_wait3A_103] : memref<8x128xi32, #tpu.memory_space<vmem>> -> memref<1x128xi32, #tpu.memory_space<vmem>>
      %dma_wait3A_105 = tpu.memref_squeeze %dma_wait3A_104 : memref<1x128xi32, #tpu.memory_space<vmem>> -> memref<128xi32, #tpu.memory_space<vmem>>
      %dma_wait3A_106 = arith.constant 0 : i32
      %dma_wait3A_107 = arith.constant 0 : i32
      %dma_wait3A_108 = tpu.memref_slice %arg2[%dma_wait3A_106, %dma_wait3A_107] : memref<20480x128xf32, #tpu.memory_space<hbm>> -> memref<20480x128xf32, #tpu.memory_space<hbm>>
      tpu.wait_indirect_dma semaphore(%arg13 : memref<!tpu.dma_semaphore, #tpu.memory_space<semaphore_mem>>) src(%dma_wait3A_108 : memref<20480x128xf32, #tpu.memory_space<hbm>>) dst(%arg10 : memref<128x128xf32, #tpu.memory_space<vmem>>)
      %dma_start3A_109 = arith.constant 3 : i32
      %dma_start3A_110 = arith.constant 0 : i32
      %dma_start3A_111 = tpu.memref_slice %arg6[%dma_start3A_109, %dma_start3A_110] : memref<8x128xi32, #tpu.memory_space<vmem>> -> memref<1x128xi32, #tpu.memory_space<vmem>>
      %dma_start3A_112 = tpu.memref_squeeze %dma_start3A_111 : memref<1x128xi32, #tpu.memory_space<vmem>> -> memref<128xi32, #tpu.memory_space<vmem>>
      %dma_start3A_113 = arith.constant 0 : i32
      %dma_start3A_114 = arith.constant 0 : i32
      %dma_start3A_115 = tpu.memref_slice %arg2[%dma_start3A_113, %dma_start3A_114] : memref<20480x128xf32, #tpu.memory_space<hbm>> -> memref<20480x128xf32, #tpu.memory_space<hbm>>
      tpu.enqueue_indirect_dma source(%dma_start3A_115 : memref<20480x128xf32, #tpu.memory_space<hbm>>) target(%arg11 : memref<128x128xf32, #tpu.memory_space<vmem>>) offsets(%dma_start3A_112 : memref<128xi32, #tpu.memory_space<vmem>>) semaphore(%arg14 : memref<!tpu.dma_semaphore, #tpu.memory_space<semaphore_mem>>)
      %run_scoped3A_116 = arith.constant 2 : i32
      "tpu.region"() ({
        %run_scoped3A_320 = tpu.sem_alloc : memref<!tpu.dma_semaphore, #tpu.memory_space<semaphore_mem>>
        %dma_start3A_321 = arith.constant 0 : i32
        %dma_start3A_322 = tpu.memref_slice %arg8[%run_scoped3A_116, %dma_start3A_321] : memref<8x128xi32, #tpu.memory_space<vmem>> -> memref<1x128xi32, #tpu.memory_space<vmem>>
        %dma_start3A_323 = tpu.memref_squeeze %dma_start3A_322 : memref<1x128xi32, #tpu.memory_space<vmem>> -> memref<128xi32, #tpu.memory_space<vmem>>
        %dma_start3A_324 = arith.constant 0 : i32
        %dma_start3A_325 = arith.constant 0 : i32
        %dma_start3A_326 = tpu.memref_slice %arg12[%dma_start3A_324, %dma_start3A_325] : memref<10240x128xf32, #tpu.memory_space<vmem_shared>> -> memref<10240x128xf32, #tpu.memory_space<vmem_shared>>
        tpu.enqueue_indirect_dma source(%arg10 : memref<128x128xf32, #tpu.memory_space<vmem>>) target(%dma_start3A_326 : memref<10240x128xf32, #tpu.memory_space<vmem_shared>>) offsets(%dma_start3A_323 : memref<128xi32, #tpu.memory_space<vmem>>) semaphore(%run_scoped3A_320 : memref<!tpu.dma_semaphore, #tpu.memory_space<semaphore_mem>>) {add = true}
        %dma_wait3A_327 = arith.constant 0 : i32
        %dma_wait3A_328 = tpu.memref_slice %arg8[%run_scoped3A_116, %dma_wait3A_327] : memref<8x128xi32, #tpu.memory_space<vmem>> -> memref<1x128xi32, #tpu.memory_space<vmem>>
        %dma_wait3A_329 = tpu.memref_squeeze %dma_wait3A_328 : memref<1x128xi32, #tpu.memory_space<vmem>> -> memref<128xi32, #tpu.memory_space<vmem>>
        %dma_wait3A_330 = arith.constant 0 : i32
        %dma_wait3A_331 = arith.constant 0 : i32
        %dma_wait3A_332 = tpu.memref_slice %arg12[%dma_wait3A_330, %dma_wait3A_331] : memref<10240x128xf32, #tpu.memory_space<vmem_shared>> -> memref<10240x128xf32, #tpu.memory_space<vmem_shared>>
        tpu.wait_indirect_dma semaphore(%run_scoped3A_320 : memref<!tpu.dma_semaphore, #tpu.memory_space<semaphore_mem>>) src(%arg10 : memref<128x128xf32, #tpu.memory_space<vmem>>) dst(%dma_wait3A_332 : memref<10240x128xf32, #tpu.memory_space<vmem_shared>>)
        tpu.yield
      }) : () -> ()
      %dma_wait3A_117 = arith.constant 3 : i32
      %dma_wait3A_118 = arith.constant 0 : i32
      %dma_wait3A_119 = tpu.memref_slice %arg6[%dma_wait3A_117, %dma_wait3A_118] : memref<8x128xi32, #tpu.memory_space<vmem>> -> memref<1x128xi32, #tpu.memory_space<vmem>>
      %dma_wait3A_120 = tpu.memref_squeeze %dma_wait3A_119 : memref<1x128xi32, #tpu.memory_space<vmem>> -> memref<128xi32, #tpu.memory_space<vmem>>
      %dma_wait3A_121 = arith.constant 0 : i32
      %dma_wait3A_122 = arith.constant 0 : i32
      %dma_wait3A_123 = tpu.memref_slice %arg2[%dma_wait3A_121, %dma_wait3A_122] : memref<20480x128xf32, #tpu.memory_space<hbm>> -> memref<20480x128xf32, #tpu.memory_space<hbm>>
      tpu.wait_indirect_dma semaphore(%arg14 : memref<!tpu.dma_semaphore, #tpu.memory_space<semaphore_mem>>) src(%dma_wait3A_123 : memref<20480x128xf32, #tpu.memory_space<hbm>>) dst(%arg11 : memref<128x128xf32, #tpu.memory_space<vmem>>)
      %dma_start3A_124 = arith.constant 4 : i32
      %dma_start3A_125 = arith.constant 0 : i32
      %dma_start3A_126 = tpu.memref_slice %arg6[%dma_start3A_124, %dma_start3A_125] : memref<8x128xi32, #tpu.memory_space<vmem>> -> memref<1x128xi32, #tpu.memory_space<vmem>>
      %dma_start3A_127 = tpu.memref_squeeze %dma_start3A_126 : memref<1x128xi32, #tpu.memory_space<vmem>> -> memref<128xi32, #tpu.memory_space<vmem>>
      %dma_start3A_128 = arith.constant 0 : i32
      %dma_start3A_129 = arith.constant 0 : i32
      %dma_start3A_130 = tpu.memref_slice %arg2[%dma_start3A_128, %dma_start3A_129] : memref<20480x128xf32, #tpu.memory_space<hbm>> -> memref<20480x128xf32, #tpu.memory_space<hbm>>
      tpu.enqueue_indirect_dma source(%dma_start3A_130 : memref<20480x128xf32, #tpu.memory_space<hbm>>) target(%arg10 : memref<128x128xf32, #tpu.memory_space<vmem>>) offsets(%dma_start3A_127 : memref<128xi32, #tpu.memory_space<vmem>>) semaphore(%arg13 : memref<!tpu.dma_semaphore, #tpu.memory_space<semaphore_mem>>)
      %run_scoped3A_131 = arith.constant 3 : i32
      "tpu.region"() ({
        %run_scoped3A_320 = tpu.sem_alloc : memref<!tpu.dma_semaphore, #tpu.memory_space<semaphore_mem>>
        %dma_start3A_321 = arith.constant 0 : i32
        %dma_start3A_322 = tpu.memref_slice %arg8[%run_scoped3A_131, %dma_start3A_321] : memref<8x128xi32, #tpu.memory_space<vmem>> -> memref<1x128xi32, #tpu.memory_space<vmem>>
        %dma_start3A_323 = tpu.memref_squeeze %dma_start3A_322 : memref<1x128xi32, #tpu.memory_space<vmem>> -> memref<128xi32, #tpu.memory_space<vmem>>
        %dma_start3A_324 = arith.constant 0 : i32
        %dma_start3A_325 = arith.constant 0 : i32
        %dma_start3A_326 = tpu.memref_slice %arg12[%dma_start3A_324, %dma_start3A_325] : memref<10240x128xf32, #tpu.memory_space<vmem_shared>> -> memref<10240x128xf32, #tpu.memory_space<vmem_shared>>
        tpu.enqueue_indirect_dma source(%arg11 : memref<128x128xf32, #tpu.memory_space<vmem>>) target(%dma_start3A_326 : memref<10240x128xf32, #tpu.memory_space<vmem_shared>>) offsets(%dma_start3A_323 : memref<128xi32, #tpu.memory_space<vmem>>) semaphore(%run_scoped3A_320 : memref<!tpu.dma_semaphore, #tpu.memory_space<semaphore_mem>>) {add = true}
        %dma_wait3A_327 = arith.constant 0 : i32
        %dma_wait3A_328 = tpu.memref_slice %arg8[%run_scoped3A_131, %dma_wait3A_327] : memref<8x128xi32, #tpu.memory_space<vmem>> -> memref<1x128xi32, #tpu.memory_space<vmem>>
        %dma_wait3A_329 = tpu.memref_squeeze %dma_wait3A_328 : memref<1x128xi32, #tpu.memory_space<vmem>> -> memref<128xi32, #tpu.memory_space<vmem>>
        %dma_wait3A_330 = arith.constant 0 : i32
        %dma_wait3A_331 = arith.constant 0 : i32
        %dma_wait3A_332 = tpu.memref_slice %arg12[%dma_wait3A_330, %dma_wait3A_331] : memref<10240x128xf32, #tpu.memory_space<vmem_shared>> -> memref<10240x128xf32, #tpu.memory_space<vmem_shared>>
        tpu.wait_indirect_dma semaphore(%run_scoped3A_320 : memref<!tpu.dma_semaphore, #tpu.memory_space<semaphore_mem>>) src(%arg11 : memref<128x128xf32, #tpu.memory_space<vmem>>) dst(%dma_wait3A_332 : memref<10240x128xf32, #tpu.memory_space<vmem_shared>>)
        tpu.yield
      }) : () -> ()
      %dma_wait3A_132 = arith.constant 4 : i32
      %dma_wait3A_133 = arith.constant 0 : i32
      %dma_wait3A_134 = tpu.memref_slice %arg6[%dma_wait3A_132, %dma_wait3A_133] : memref<8x128xi32, #tpu.memory_space<vmem>> -> memref<1x128xi32, #tpu.memory_space<vmem>>
      %dma_wait3A_135 = tpu.memref_squeeze %dma_wait3A_134 : memref<1x128xi32, #tpu.memory_space<vmem>> -> memref<128xi32, #tpu.memory_space<vmem>>
      %dma_wait3A_136 = arith.constant 0 : i32
      %dma_wait3A_137 = arith.constant 0 : i32
      %dma_wait3A_138 = tpu.memref_slice %arg2[%dma_wait3A_136, %dma_wait3A_137] : memref<20480x128xf32, #tpu.memory_space<hbm>> -> memref<20480x128xf32, #tpu.memory_space<hbm>>
      tpu.wait_indirect_dma semaphore(%arg13 : memref<!tpu.dma_semaphore, #tpu.memory_space<semaphore_mem>>) src(%dma_wait3A_138 : memref<20480x128xf32, #tpu.memory_space<hbm>>) dst(%arg10 : memref<128x128xf32, #tpu.memory_space<vmem>>)
      %dma_start3A_139 = arith.constant 5 : i32
      %dma_start3A_140 = arith.constant 0 : i32
      %dma_start3A_141 = tpu.memref_slice %arg6[%dma_start3A_139, %dma_start3A_140] : memref<8x128xi32, #tpu.memory_space<vmem>> -> memref<1x128xi32, #tpu.memory_space<vmem>>
      %dma_start3A_142 = tpu.memref_squeeze %dma_start3A_141 : memref<1x128xi32, #tpu.memory_space<vmem>> -> memref<128xi32, #tpu.memory_space<vmem>>
      %dma_start3A_143 = arith.constant 0 : i32
      %dma_start3A_144 = arith.constant 0 : i32
      %dma_start3A_145 = tpu.memref_slice %arg2[%dma_start3A_143, %dma_start3A_144] : memref<20480x128xf32, #tpu.memory_space<hbm>> -> memref<20480x128xf32, #tpu.memory_space<hbm>>
      tpu.enqueue_indirect_dma source(%dma_start3A_145 : memref<20480x128xf32, #tpu.memory_space<hbm>>) target(%arg11 : memref<128x128xf32, #tpu.memory_space<vmem>>) offsets(%dma_start3A_142 : memref<128xi32, #tpu.memory_space<vmem>>) semaphore(%arg14 : memref<!tpu.dma_semaphore, #tpu.memory_space<semaphore_mem>>)
      %run_scoped3A_146 = arith.constant 4 : i32
      "tpu.region"() ({
        %run_scoped3A_320 = tpu.sem_alloc : memref<!tpu.dma_semaphore, #tpu.memory_space<semaphore_mem>>
        %dma_start3A_321 = arith.constant 0 : i32
        %dma_start3A_322 = tpu.memref_slice %arg8[%run_scoped3A_146, %dma_start3A_321] : memref<8x128xi32, #tpu.memory_space<vmem>> -> memref<1x128xi32, #tpu.memory_space<vmem>>
        %dma_start3A_323 = tpu.memref_squeeze %dma_start3A_322 : memref<1x128xi32, #tpu.memory_space<vmem>> -> memref<128xi32, #tpu.memory_space<vmem>>
        %dma_start3A_324 = arith.constant 0 : i32
        %dma_start3A_325 = arith.constant 0 : i32
        %dma_start3A_326 = tpu.memref_slice %arg12[%dma_start3A_324, %dma_start3A_325] : memref<10240x128xf32, #tpu.memory_space<vmem_shared>> -> memref<10240x128xf32, #tpu.memory_space<vmem_shared>>
        tpu.enqueue_indirect_dma source(%arg10 : memref<128x128xf32, #tpu.memory_space<vmem>>) target(%dma_start3A_326 : memref<10240x128xf32, #tpu.memory_space<vmem_shared>>) offsets(%dma_start3A_323 : memref<128xi32, #tpu.memory_space<vmem>>) semaphore(%run_scoped3A_320 : memref<!tpu.dma_semaphore, #tpu.memory_space<semaphore_mem>>) {add = true}
        %dma_wait3A_327 = arith.constant 0 : i32
        %dma_wait3A_328 = tpu.memref_slice %arg8[%run_scoped3A_146, %dma_wait3A_327] : memref<8x128xi32, #tpu.memory_space<vmem>> -> memref<1x128xi32, #tpu.memory_space<vmem>>
        %dma_wait3A_329 = tpu.memref_squeeze %dma_wait3A_328 : memref<1x128xi32, #tpu.memory_space<vmem>> -> memref<128xi32, #tpu.memory_space<vmem>>
        %dma_wait3A_330 = arith.constant 0 : i32
        %dma_wait3A_331 = arith.constant 0 : i32
        %dma_wait3A_332 = tpu.memref_slice %arg12[%dma_wait3A_330, %dma_wait3A_331] : memref<10240x128xf32, #tpu.memory_space<vmem_shared>> -> memref<10240x128xf32, #tpu.memory_space<vmem_shared>>
        tpu.wait_indirect_dma semaphore(%run_scoped3A_320 : memref<!tpu.dma_semaphore, #tpu.memory_space<semaphore_mem>>) src(%arg10 : memref<128x128xf32, #tpu.memory_space<vmem>>) dst(%dma_wait3A_332 : memref<10240x128xf32, #tpu.memory_space<vmem_shared>>)
        tpu.yield
      }) : () -> ()
      %dma_wait3A_147 = arith.constant 5 : i32
      %dma_wait3A_148 = arith.constant 0 : i32
      %dma_wait3A_149 = tpu.memref_slice %arg6[%dma_wait3A_147, %dma_wait3A_148] : memref<8x128xi32, #tpu.memory_space<vmem>> -> memref<1x128xi32, #tpu.memory_space<vmem>>
      %dma_wait3A_150 = tpu.memref_squeeze %dma_wait3A_149 : memref<1x128xi32, #tpu.memory_space<vmem>> -> memref<128xi32, #tpu.memory_space<vmem>>
      %dma_wait3A_151 = arith.constant 0 : i32
      %dma_wait3A_152 = arith.constant 0 : i32
      %dma_wait3A_153 = tpu.memref_slice %arg2[%dma_wait3A_151, %dma_wait3A_152] : memref<20480x128xf32, #tpu.memory_space<hbm>> -> memref<20480x128xf32, #tpu.memory_space<hbm>>
      tpu.wait_indirect_dma semaphore(%arg14 : memref<!tpu.dma_semaphore, #tpu.memory_space<semaphore_mem>>) src(%dma_wait3A_153 : memref<20480x128xf32, #tpu.memory_space<hbm>>) dst(%arg11 : memref<128x128xf32, #tpu.memory_space<vmem>>)
      %dma_start3A_154 = arith.constant 6 : i32
      %dma_start3A_155 = arith.constant 0 : i32
      %dma_start3A_156 = tpu.memref_slice %arg6[%dma_start3A_154, %dma_start3A_155] : memref<8x128xi32, #tpu.memory_space<vmem>> -> memref<1x128xi32, #tpu.memory_space<vmem>>
      %dma_start3A_157 = tpu.memref_squeeze %dma_start3A_156 : memref<1x128xi32, #tpu.memory_space<vmem>> -> memref<128xi32, #tpu.memory_space<vmem>>
      %dma_start3A_158 = arith.constant 0 : i32
      %dma_start3A_159 = arith.constant 0 : i32
      %dma_start3A_160 = tpu.memref_slice %arg2[%dma_start3A_158, %dma_start3A_159] : memref<20480x128xf32, #tpu.memory_space<hbm>> -> memref<20480x128xf32, #tpu.memory_space<hbm>>
      tpu.enqueue_indirect_dma source(%dma_start3A_160 : memref<20480x128xf32, #tpu.memory_space<hbm>>) target(%arg10 : memref<128x128xf32, #tpu.memory_space<vmem>>) offsets(%dma_start3A_157 : memref<128xi32, #tpu.memory_space<vmem>>) semaphore(%arg13 : memref<!tpu.dma_semaphore, #tpu.memory_space<semaphore_mem>>)
      %run_scoped3A_161 = arith.constant 5 : i32
      "tpu.region"() ({
        %run_scoped3A_320 = tpu.sem_alloc : memref<!tpu.dma_semaphore, #tpu.memory_space<semaphore_mem>>
        %dma_start3A_321 = arith.constant 0 : i32
        %dma_start3A_322 = tpu.memref_slice %arg8[%run_scoped3A_161, %dma_start3A_321] : memref<8x128xi32, #tpu.memory_space<vmem>> -> memref<1x128xi32, #tpu.memory_space<vmem>>
        %dma_start3A_323 = tpu.memref_squeeze %dma_start3A_322 : memref<1x128xi32, #tpu.memory_space<vmem>> -> memref<128xi32, #tpu.memory_space<vmem>>
        %dma_start3A_324 = arith.constant 0 : i32
        %dma_start3A_325 = arith.constant 0 : i32
        %dma_start3A_326 = tpu.memref_slice %arg12[%dma_start3A_324, %dma_start3A_325] : memref<10240x128xf32, #tpu.memory_space<vmem_shared>> -> memref<10240x128xf32, #tpu.memory_space<vmem_shared>>
        tpu.enqueue_indirect_dma source(%arg11 : memref<128x128xf32, #tpu.memory_space<vmem>>) target(%dma_start3A_326 : memref<10240x128xf32, #tpu.memory_space<vmem_shared>>) offsets(%dma_start3A_323 : memref<128xi32, #tpu.memory_space<vmem>>) semaphore(%run_scoped3A_320 : memref<!tpu.dma_semaphore, #tpu.memory_space<semaphore_mem>>) {add = true}
        %dma_wait3A_327 = arith.constant 0 : i32
        %dma_wait3A_328 = tpu.memref_slice %arg8[%run_scoped3A_161, %dma_wait3A_327] : memref<8x128xi32, #tpu.memory_space<vmem>> -> memref<1x128xi32, #tpu.memory_space<vmem>>
        %dma_wait3A_329 = tpu.memref_squeeze %dma_wait3A_328 : memref<1x128xi32, #tpu.memory_space<vmem>> -> memref<128xi32, #tpu.memory_space<vmem>>
        %dma_wait3A_330 = arith.constant 0 : i32
        %dma_wait3A_331 = arith.constant 0 : i32
        %dma_wait3A_332 = tpu.memref_slice %arg12[%dma_wait3A_330, %dma_wait3A_331] : memref<10240x128xf32, #tpu.memory_space<vmem_shared>> -> memref<10240x128xf32, #tpu.memory_space<vmem_shared>>
        tpu.wait_indirect_dma semaphore(%run_scoped3A_320 : memref<!tpu.dma_semaphore, #tpu.memory_space<semaphore_mem>>) src(%arg11 : memref<128x128xf32, #tpu.memory_space<vmem>>) dst(%dma_wait3A_332 : memref<10240x128xf32, #tpu.memory_space<vmem_shared>>)
        tpu.yield
      }) : () -> ()
      %dma_wait3A_162 = arith.constant 6 : i32
      %dma_wait3A_163 = arith.constant 0 : i32
      %dma_wait3A_164 = tpu.memref_slice %arg6[%dma_wait3A_162, %dma_wait3A_163] : memref<8x128xi32, #tpu.memory_space<vmem>> -> memref<1x128xi32, #tpu.memory_space<vmem>>
      %dma_wait3A_165 = tpu.memref_squeeze %dma_wait3A_164 : memref<1x128xi32, #tpu.memory_space<vmem>> -> memref<128xi32, #tpu.memory_space<vmem>>
      %dma_wait3A_166 = arith.constant 0 : i32
      %dma_wait3A_167 = arith.constant 0 : i32
      %dma_wait3A_168 = tpu.memref_slice %arg2[%dma_wait3A_166, %dma_wait3A_167] : memref<20480x128xf32, #tpu.memory_space<hbm>> -> memref<20480x128xf32, #tpu.memory_space<hbm>>
      tpu.wait_indirect_dma semaphore(%arg13 : memref<!tpu.dma_semaphore, #tpu.memory_space<semaphore_mem>>) src(%dma_wait3A_168 : memref<20480x128xf32, #tpu.memory_space<hbm>>) dst(%arg10 : memref<128x128xf32, #tpu.memory_space<vmem>>)
      %dma_start3A_169 = arith.constant 7 : i32
      %dma_start3A_170 = arith.constant 0 : i32
      %dma_start3A_171 = tpu.memref_slice %arg6[%dma_start3A_169, %dma_start3A_170] : memref<8x128xi32, #tpu.memory_space<vmem>> -> memref<1x128xi32, #tpu.memory_space<vmem>>
      %dma_start3A_172 = tpu.memref_squeeze %dma_start3A_171 : memref<1x128xi32, #tpu.memory_space<vmem>> -> memref<128xi32, #tpu.memory_space<vmem>>
      %dma_start3A_173 = arith.constant 0 : i32
      %dma_start3A_174 = arith.constant 0 : i32
      %dma_start3A_175 = tpu.memref_slice %arg2[%dma_start3A_173, %dma_start3A_174] : memref<20480x128xf32, #tpu.memory_space<hbm>> -> memref<20480x128xf32, #tpu.memory_space<hbm>>
      tpu.enqueue_indirect_dma source(%dma_start3A_175 : memref<20480x128xf32, #tpu.memory_space<hbm>>) target(%arg11 : memref<128x128xf32, #tpu.memory_space<vmem>>) offsets(%dma_start3A_172 : memref<128xi32, #tpu.memory_space<vmem>>) semaphore(%arg14 : memref<!tpu.dma_semaphore, #tpu.memory_space<semaphore_mem>>)
      %run_scoped3A_176 = arith.constant 6 : i32
      "tpu.region"() ({
        %run_scoped3A_320 = tpu.sem_alloc : memref<!tpu.dma_semaphore, #tpu.memory_space<semaphore_mem>>
        %dma_start3A_321 = arith.constant 0 : i32
        %dma_start3A_322 = tpu.memref_slice %arg8[%run_scoped3A_176, %dma_start3A_321] : memref<8x128xi32, #tpu.memory_space<vmem>> -> memref<1x128xi32, #tpu.memory_space<vmem>>
        %dma_start3A_323 = tpu.memref_squeeze %dma_start3A_322 : memref<1x128xi32, #tpu.memory_space<vmem>> -> memref<128xi32, #tpu.memory_space<vmem>>
        %dma_start3A_324 = arith.constant 0 : i32
        %dma_start3A_325 = arith.constant 0 : i32
        %dma_start3A_326 = tpu.memref_slice %arg12[%dma_start3A_324, %dma_start3A_325] : memref<10240x128xf32, #tpu.memory_space<vmem_shared>> -> memref<10240x128xf32, #tpu.memory_space<vmem_shared>>
        tpu.enqueue_indirect_dma source(%arg10 : memref<128x128xf32, #tpu.memory_space<vmem>>) target(%dma_start3A_326 : memref<10240x128xf32, #tpu.memory_space<vmem_shared>>) offsets(%dma_start3A_323 : memref<128xi32, #tpu.memory_space<vmem>>) semaphore(%run_scoped3A_320 : memref<!tpu.dma_semaphore, #tpu.memory_space<semaphore_mem>>) {add = true}
        %dma_wait3A_327 = arith.constant 0 : i32
        %dma_wait3A_328 = tpu.memref_slice %arg8[%run_scoped3A_176, %dma_wait3A_327] : memref<8x128xi32, #tpu.memory_space<vmem>> -> memref<1x128xi32, #tpu.memory_space<vmem>>
        %dma_wait3A_329 = tpu.memref_squeeze %dma_wait3A_328 : memref<1x128xi32, #tpu.memory_space<vmem>> -> memref<128xi32, #tpu.memory_space<vmem>>
        %dma_wait3A_330 = arith.constant 0 : i32
        %dma_wait3A_331 = arith.constant 0 : i32
        %dma_wait3A_332 = tpu.memref_slice %arg12[%dma_wait3A_330, %dma_wait3A_331] : memref<10240x128xf32, #tpu.memory_space<vmem_shared>> -> memref<10240x128xf32, #tpu.memory_space<vmem_shared>>
        tpu.wait_indirect_dma semaphore(%run_scoped3A_320 : memref<!tpu.dma_semaphore, #tpu.memory_space<semaphore_mem>>) src(%arg10 : memref<128x128xf32, #tpu.memory_space<vmem>>) dst(%dma_wait3A_332 : memref<10240x128xf32, #tpu.memory_space<vmem_shared>>)
        tpu.yield
      }) : () -> ()
      %dma_wait3A_177 = arith.constant 7 : i32
      %dma_wait3A_178 = arith.constant 0 : i32
      %dma_wait3A_179 = tpu.memref_slice %arg6[%dma_wait3A_177, %dma_wait3A_178] : memref<8x128xi32, #tpu.memory_space<vmem>> -> memref<1x128xi32, #tpu.memory_space<vmem>>
      %dma_wait3A_180 = tpu.memref_squeeze %dma_wait3A_179 : memref<1x128xi32, #tpu.memory_space<vmem>> -> memref<128xi32, #tpu.memory_space<vmem>>
      %dma_wait3A_181 = arith.constant 0 : i32
      %dma_wait3A_182 = arith.constant 0 : i32
      %dma_wait3A_183 = tpu.memref_slice %arg2[%dma_wait3A_181, %dma_wait3A_182] : memref<20480x128xf32, #tpu.memory_space<hbm>> -> memref<20480x128xf32, #tpu.memory_space<hbm>>
      tpu.wait_indirect_dma semaphore(%arg14 : memref<!tpu.dma_semaphore, #tpu.memory_space<semaphore_mem>>) src(%dma_wait3A_183 : memref<20480x128xf32, #tpu.memory_space<hbm>>) dst(%arg11 : memref<128x128xf32, #tpu.memory_space<vmem>>)
      %dma_wait3A_184 = arith.constant 0 : i32
      %dma_wait3A_185 = tpu.memref_slice %arg3[%add3A_11, %dma_wait3A_184] : memref<2560x128xi32, #tpu.memory_space<hbm>> -> memref<8x128xi32, #tpu.memory_space<hbm>>
      %dma_wait3A_186 = arith.constant 0 : i32
      %dma_wait3A_187 = tpu.memref_slice %arg3[%add3A_11, %dma_wait3A_186] : memref<2560x128xi32, #tpu.memory_space<hbm>> -> memref<8x128xi32, #tpu.memory_space<hbm>>
      tpu.wait_dma2 semaphore(%arg16 : memref<!tpu.dma_semaphore, #tpu.memory_space<semaphore_mem>>) src(%dma_wait3A_187 : memref<8x128xi32, #tpu.memory_space<hbm>>) dst(%arg7 : memref<8x128xi32, #tpu.memory_space<vmem>>)
      %dma_wait3A_188 = arith.constant 0 : i32
      %dma_wait3A_189 = tpu.memref_slice %arg4[%mul3A_13, %dma_wait3A_188] : memref<1280x128xi32, #tpu.memory_space<hbm>> -> memref<8x128xi32, #tpu.memory_space<hbm>>
      %dma_wait3A_190 = arith.constant 0 : i32
      %dma_wait3A_191 = tpu.memref_slice %arg4[%mul3A_13, %dma_wait3A_190] : memref<1280x128xi32, #tpu.memory_space<hbm>> -> memref<8x128xi32, #tpu.memory_space<hbm>>
      tpu.wait_dma2 semaphore(%arg16 : memref<!tpu.dma_semaphore, #tpu.memory_space<semaphore_mem>>) src(%dma_wait3A_191 : memref<8x128xi32, #tpu.memory_space<hbm>>) dst(%arg9 : memref<8x128xi32, #tpu.memory_space<vmem>>)
      %dma_start3A_192 = arith.constant 0 : i32
      %dma_start3A_193 = arith.constant 0 : i32
      %dma_start3A_194 = tpu.memref_slice %arg7[%dma_start3A_192, %dma_start3A_193] : memref<8x128xi32, #tpu.memory_space<vmem>> -> memref<1x128xi32, #tpu.memory_space<vmem>>
      %dma_start3A_195 = tpu.memref_squeeze %dma_start3A_194 : memref<1x128xi32, #tpu.memory_space<vmem>> -> memref<128xi32, #tpu.memory_space<vmem>>
      %dma_start3A_196 = arith.constant 0 : i32
      %dma_start3A_197 = arith.constant 0 : i32
      %dma_start3A_198 = tpu.memref_slice %arg2[%dma_start3A_196, %dma_start3A_197] : memref<20480x128xf32, #tpu.memory_space<hbm>> -> memref<20480x128xf32, #tpu.memory_space<hbm>>
      tpu.enqueue_indirect_dma source(%dma_start3A_198 : memref<20480x128xf32, #tpu.memory_space<hbm>>) target(%arg10 : memref<128x128xf32, #tpu.memory_space<vmem>>) offsets(%dma_start3A_195 : memref<128xi32, #tpu.memory_space<vmem>>) semaphore(%arg13 : memref<!tpu.dma_semaphore, #tpu.memory_space<semaphore_mem>>)
      %run_scoped3A_199 = arith.constant 7 : i32
      "tpu.region"() ({
        %run_scoped3A_320 = tpu.sem_alloc : memref<!tpu.dma_semaphore, #tpu.memory_space<semaphore_mem>>
        %dma_start3A_321 = arith.constant 0 : i32
        %dma_start3A_322 = tpu.memref_slice %arg8[%run_scoped3A_199, %dma_start3A_321] : memref<8x128xi32, #tpu.memory_space<vmem>> -> memref<1x128xi32, #tpu.memory_space<vmem>>
        %dma_start3A_323 = tpu.memref_squeeze %dma_start3A_322 : memref<1x128xi32, #tpu.memory_space<vmem>> -> memref<128xi32, #tpu.memory_space<vmem>>
        %dma_start3A_324 = arith.constant 0 : i32
        %dma_start3A_325 = arith.constant 0 : i32
        %dma_start3A_326 = tpu.memref_slice %arg12[%dma_start3A_324, %dma_start3A_325] : memref<10240x128xf32, #tpu.memory_space<vmem_shared>> -> memref<10240x128xf32, #tpu.memory_space<vmem_shared>>
        tpu.enqueue_indirect_dma source(%arg11 : memref<128x128xf32, #tpu.memory_space<vmem>>) target(%dma_start3A_326 : memref<10240x128xf32, #tpu.memory_space<vmem_shared>>) offsets(%dma_start3A_323 : memref<128xi32, #tpu.memory_space<vmem>>) semaphore(%run_scoped3A_320 : memref<!tpu.dma_semaphore, #tpu.memory_space<semaphore_mem>>) {add = true}
        %dma_wait3A_327 = arith.constant 0 : i32
        %dma_wait3A_328 = tpu.memref_slice %arg8[%run_scoped3A_199, %dma_wait3A_327] : memref<8x128xi32, #tpu.memory_space<vmem>> -> memref<1x128xi32, #tpu.memory_space<vmem>>
        %dma_wait3A_329 = tpu.memref_squeeze %dma_wait3A_328 : memref<1x128xi32, #tpu.memory_space<vmem>> -> memref<128xi32, #tpu.memory_space<vmem>>
        %dma_wait3A_330 = arith.constant 0 : i32
        %dma_wait3A_331 = arith.constant 0 : i32
        %dma_wait3A_332 = tpu.memref_slice %arg12[%dma_wait3A_330, %dma_wait3A_331] : memref<10240x128xf32, #tpu.memory_space<vmem_shared>> -> memref<10240x128xf32, #tpu.memory_space<vmem_shared>>
        tpu.wait_indirect_dma semaphore(%run_scoped3A_320 : memref<!tpu.dma_semaphore, #tpu.memory_space<semaphore_mem>>) src(%arg11 : memref<128x128xf32, #tpu.memory_space<vmem>>) dst(%dma_wait3A_332 : memref<10240x128xf32, #tpu.memory_space<vmem_shared>>)
        tpu.yield
      }) : () -> ()
      %lt3A = arith.constant 4 : i32
      %lt3A_200 = arith.cmpi slt, %add3A_54, %lt3A : i32
      %convert_element_type3A = arith.extui %lt3A_200 : i1 to i32
      %cond3A = arith.constant 0 : i32
      %cond3A_201 = arith.cmpi ne, %convert_element_type3A, %cond3A : i32
      scf.if %cond3A_201 {
        %mul3A_320 = arith.constant 2 : i32
        %mul3A_321 = arith.muli %mul3A_320, %add3A_54 : i32
        %add3A_322 = arith.constant 2 : i32
        %add3A_323 = arith.addi %mul3A_321, %add3A_322 : i32
        %mul3A_324 = arith.constant 8 : i32
        %mul3A_325 = arith.muli %add3A_323, %mul3A_324 : i32
        %add3A_326 = arith.addi %add3A_11, %mul3A_325 : i32
        %dma_start3A_327 = arith.constant 0 : i32
        %dma_start3A_328 = tpu.memref_slice %arg3[%add3A_326, %dma_start3A_327] : memref<2560x128xi32, #tpu.memory_space<hbm>> -> memref<8x128xi32, #tpu.memory_space<hbm>>
        %dma_start3A_329 = arith.constant 0 : i32
        %dma_start3A_330 = tpu.memref_slice %arg3[%add3A_326, %dma_start3A_329] : memref<2560x128xi32, #tpu.memory_space<hbm>> -> memref<8x128xi32, #tpu.memory_space<hbm>>
        tpu.enqueue_dma source(%dma_start3A_330 : memref<8x128xi32, #tpu.memory_space<hbm>>) target(%arg6 : memref<8x128xi32, #tpu.memory_space<vmem>>) target_semaphore(%arg15 : memref<!tpu.dma_semaphore, #tpu.memory_space<semaphore_mem>>)
        %mul3A_331 = arith.constant 8 : i32
        %mul3A_332 = arith.muli %add3A_323, %mul3A_331 : i32
        %add3A_333 = arith.addi %mul3A_13, %mul3A_332 : i32
        %dma_start3A_334 = arith.constant 0 : i32
        %dma_start3A_335 = tpu.memref_slice %arg4[%add3A_333, %dma_start3A_334] : memref<1280x128xi32, #tpu.memory_space<hbm>> -> memref<8x128xi32, #tpu.memory_space<hbm>>
        %dma_start3A_336 = arith.constant 0 : i32
        %dma_start3A_337 = tpu.memref_slice %arg4[%add3A_333, %dma_start3A_336] : memref<1280x128xi32, #tpu.memory_space<hbm>> -> memref<8x128xi32, #tpu.memory_space<hbm>>
        tpu.enqueue_dma source(%dma_start3A_337 : memref<8x128xi32, #tpu.memory_space<hbm>>) target(%arg8 : memref<8x128xi32, #tpu.memory_space<vmem>>) target_semaphore(%arg15 : memref<!tpu.dma_semaphore, #tpu.memory_space<semaphore_mem>>)
      } else {
      }
      %dma_wait3A_202 = arith.constant 0 : i32
      %dma_wait3A_203 = arith.constant 0 : i32
      %dma_wait3A_204 = tpu.memref_slice %arg7[%dma_wait3A_202, %dma_wait3A_203] : memref<8x128xi32, #tpu.memory_space<vmem>> -> memref<1x128xi32, #tpu.memory_space<vmem>>
      %dma_wait3A_205 = tpu.memref_squeeze %dma_wait3A_204 : memref<1x128xi32, #tpu.memory_space<vmem>> -> memref<128xi32, #tpu.memory_space<vmem>>
      %dma_wait3A_206 = arith.constant 0 : i32
      %dma_wait3A_207 = arith.constant 0 : i32
      %dma_wait3A_208 = tpu.memref_slice %arg2[%dma_wait3A_206, %dma_wait3A_207] : memref<20480x128xf32, #tpu.memory_space<hbm>> -> memref<20480x128xf32, #tpu.memory_space<hbm>>
      tpu.wait_indirect_dma semaphore(%arg13 : memref<!tpu.dma_semaphore, #tpu.memory_space<semaphore_mem>>) src(%dma_wait3A_208 : memref<20480x128xf32, #tpu.memory_space<hbm>>) dst(%arg10 : memref<128x128xf32, #tpu.memory_space<vmem>>)
      %dma_start3A_209 = arith.constant 1 : i32
      %dma_start3A_210 = arith.constant 0 : i32
      %dma_start3A_211 = tpu.memref_slice %arg7[%dma_start3A_209, %dma_start3A_210] : memref<8x128xi32, #tpu.memory_space<vmem>> -> memref<1x128xi32, #tpu.memory_space<vmem>>
      %dma_start3A_212 = tpu.memref_squeeze %dma_start3A_211 : memref<1x128xi32, #tpu.memory_space<vmem>> -> memref<128xi32, #tpu.memory_space<vmem>>
      %dma_start3A_213 = arith.constant 0 : i32
      %dma_start3A_214 = arith.constant 0 : i32
      %dma_start3A_215 = tpu.memref_slice %arg2[%dma_start3A_213, %dma_start3A_214] : memref<20480x128xf32, #tpu.memory_space<hbm>> -> memref<20480x128xf32, #tpu.memory_space<hbm>>
      tpu.enqueue_indirect_dma source(%dma_start3A_215 : memref<20480x128xf32, #tpu.memory_space<hbm>>) target(%arg11 : memref<128x128xf32, #tpu.memory_space<vmem>>) offsets(%dma_start3A_212 : memref<128xi32, #tpu.memory_space<vmem>>) semaphore(%arg14 : memref<!tpu.dma_semaphore, #tpu.memory_space<semaphore_mem>>)
      %run_scoped3A_216 = arith.constant 0 : i32
      "tpu.region"() ({
        %run_scoped3A_320 = tpu.sem_alloc : memref<!tpu.dma_semaphore, #tpu.memory_space<semaphore_mem>>
        %dma_start3A_321 = arith.constant 0 : i32
        %dma_start3A_322 = tpu.memref_slice %arg9[%run_scoped3A_216, %dma_start3A_321] : memref<8x128xi32, #tpu.memory_space<vmem>> -> memref<1x128xi32, #tpu.memory_space<vmem>>
        %dma_start3A_323 = tpu.memref_squeeze %dma_start3A_322 : memref<1x128xi32, #tpu.memory_space<vmem>> -> memref<128xi32, #tpu.memory_space<vmem>>
        %dma_start3A_324 = arith.constant 0 : i32
        %dma_start3A_325 = arith.constant 0 : i32
        %dma_start3A_326 = tpu.memref_slice %arg12[%dma_start3A_324, %dma_start3A_325] : memref<10240x128xf32, #tpu.memory_space<vmem_shared>> -> memref<10240x128xf32, #tpu.memory_space<vmem_shared>>
        tpu.enqueue_indirect_dma source(%arg10 : memref<128x128xf32, #tpu.memory_space<vmem>>) target(%dma_start3A_326 : memref<10240x128xf32, #tpu.memory_space<vmem_shared>>) offsets(%dma_start3A_323 : memref<128xi32, #tpu.memory_space<vmem>>) semaphore(%run_scoped3A_320 : memref<!tpu.dma_semaphore, #tpu.memory_space<semaphore_mem>>) {add = true}
        %dma_wait3A_327 = arith.constant 0 : i32
        %dma_wait3A_328 = tpu.memref_slice %arg9[%run_scoped3A_216, %dma_wait3A_327] : memref<8x128xi32, #tpu.memory_space<vmem>> -> memref<1x128xi32, #tpu.memory_space<vmem>>
        %dma_wait3A_329 = tpu.memref_squeeze %dma_wait3A_328 : memref<1x128xi32, #tpu.memory_space<vmem>> -> memref<128xi32, #tpu.memory_space<vmem>>
        %dma_wait3A_330 = arith.constant 0 : i32
        %dma_wait3A_331 = arith.constant 0 : i32
        %dma_wait3A_332 = tpu.memref_slice %arg12[%dma_wait3A_330, %dma_wait3A_331] : memref<10240x128xf32, #tpu.memory_space<vmem_shared>> -> memref<10240x128xf32, #tpu.memory_space<vmem_shared>>
        tpu.wait_indirect_dma semaphore(%run_scoped3A_320 : memref<!tpu.dma_semaphore, #tpu.memory_space<semaphore_mem>>) src(%arg10 : memref<128x128xf32, #tpu.memory_space<vmem>>) dst(%dma_wait3A_332 : memref<10240x128xf32, #tpu.memory_space<vmem_shared>>)
        tpu.yield
      }) : () -> ()
      %dma_wait3A_217 = arith.constant 1 : i32
      %dma_wait3A_218 = arith.constant 0 : i32
      %dma_wait3A_219 = tpu.memref_slice %arg7[%dma_wait3A_217, %dma_wait3A_218] : memref<8x128xi32, #tpu.memory_space<vmem>> -> memref<1x128xi32, #tpu.memory_space<vmem>>
      %dma_wait3A_220 = tpu.memref_squeeze %dma_wait3A_219 : memref<1x128xi32, #tpu.memory_space<vmem>> -> memref<128xi32, #tpu.memory_space<vmem>>
      %dma_wait3A_221 = arith.constant 0 : i32
      %dma_wait3A_222 = arith.constant 0 : i32
      %dma_wait3A_223 = tpu.memref_slice %arg2[%dma_wait3A_221, %dma_wait3A_222] : memref<20480x128xf32, #tpu.memory_space<hbm>> -> memref<20480x128xf32, #tpu.memory_space<hbm>>
      tpu.wait_indirect_dma semaphore(%arg14 : memref<!tpu.dma_semaphore, #tpu.memory_space<semaphore_mem>>) src(%dma_wait3A_223 : memref<20480x128xf32, #tpu.memory_space<hbm>>) dst(%arg11 : memref<128x128xf32, #tpu.memory_space<vmem>>)
      %dma_start3A_224 = arith.constant 2 : i32
      %dma_start3A_225 = arith.constant 0 : i32
      %dma_start3A_226 = tpu.memref_slice %arg7[%dma_start3A_224, %dma_start3A_225] : memref<8x128xi32, #tpu.memory_space<vmem>> -> memref<1x128xi32, #tpu.memory_space<vmem>>
      %dma_start3A_227 = tpu.memref_squeeze %dma_start3A_226 : memref<1x128xi32, #tpu.memory_space<vmem>> -> memref<128xi32, #tpu.memory_space<vmem>>
      %dma_start3A_228 = arith.constant 0 : i32
      %dma_start3A_229 = arith.constant 0 : i32
      %dma_start3A_230 = tpu.memref_slice %arg2[%dma_start3A_228, %dma_start3A_229] : memref<20480x128xf32, #tpu.memory_space<hbm>> -> memref<20480x128xf32, #tpu.memory_space<hbm>>
      tpu.enqueue_indirect_dma source(%dma_start3A_230 : memref<20480x128xf32, #tpu.memory_space<hbm>>) target(%arg10 : memref<128x128xf32, #tpu.memory_space<vmem>>) offsets(%dma_start3A_227 : memref<128xi32, #tpu.memory_space<vmem>>) semaphore(%arg13 : memref<!tpu.dma_semaphore, #tpu.memory_space<semaphore_mem>>)
      %run_scoped3A_231 = arith.constant 1 : i32
      "tpu.region"() ({
        %run_scoped3A_320 = tpu.sem_alloc : memref<!tpu.dma_semaphore, #tpu.memory_space<semaphore_mem>>
        %dma_start3A_321 = arith.constant 0 : i32
        %dma_start3A_322 = tpu.memref_slice %arg9[%run_scoped3A_231, %dma_start3A_321] : memref<8x128xi32, #tpu.memory_space<vmem>> -> memref<1x128xi32, #tpu.memory_space<vmem>>
        %dma_start3A_323 = tpu.memref_squeeze %dma_start3A_322 : memref<1x128xi32, #tpu.memory_space<vmem>> -> memref<128xi32, #tpu.memory_space<vmem>>
        %dma_start3A_324 = arith.constant 0 : i32
        %dma_start3A_325 = arith.constant 0 : i32
        %dma_start3A_326 = tpu.memref_slice %arg12[%dma_start3A_324, %dma_start3A_325] : memref<10240x128xf32, #tpu.memory_space<vmem_shared>> -> memref<10240x128xf32, #tpu.memory_space<vmem_shared>>
        tpu.enqueue_indirect_dma source(%arg11 : memref<128x128xf32, #tpu.memory_space<vmem>>) target(%dma_start3A_326 : memref<10240x128xf32, #tpu.memory_space<vmem_shared>>) offsets(%dma_start3A_323 : memref<128xi32, #tpu.memory_space<vmem>>) semaphore(%run_scoped3A_320 : memref<!tpu.dma_semaphore, #tpu.memory_space<semaphore_mem>>) {add = true}
        %dma_wait3A_327 = arith.constant 0 : i32
        %dma_wait3A_328 = tpu.memref_slice %arg9[%run_scoped3A_231, %dma_wait3A_327] : memref<8x128xi32, #tpu.memory_space<vmem>> -> memref<1x128xi32, #tpu.memory_space<vmem>>
        %dma_wait3A_329 = tpu.memref_squeeze %dma_wait3A_328 : memref<1x128xi32, #tpu.memory_space<vmem>> -> memref<128xi32, #tpu.memory_space<vmem>>
        %dma_wait3A_330 = arith.constant 0 : i32
        %dma_wait3A_331 = arith.constant 0 : i32
        %dma_wait3A_332 = tpu.memref_slice %arg12[%dma_wait3A_330, %dma_wait3A_331] : memref<10240x128xf32, #tpu.memory_space<vmem_shared>> -> memref<10240x128xf32, #tpu.memory_space<vmem_shared>>
        tpu.wait_indirect_dma semaphore(%run_scoped3A_320 : memref<!tpu.dma_semaphore, #tpu.memory_space<semaphore_mem>>) src(%arg11 : memref<128x128xf32, #tpu.memory_space<vmem>>) dst(%dma_wait3A_332 : memref<10240x128xf32, #tpu.memory_space<vmem_shared>>)
        tpu.yield
      }) : () -> ()
      %dma_wait3A_232 = arith.constant 2 : i32
      %dma_wait3A_233 = arith.constant 0 : i32
      %dma_wait3A_234 = tpu.memref_slice %arg7[%dma_wait3A_232, %dma_wait3A_233] : memref<8x128xi32, #tpu.memory_space<vmem>> -> memref<1x128xi32, #tpu.memory_space<vmem>>
      %dma_wait3A_235 = tpu.memref_squeeze %dma_wait3A_234 : memref<1x128xi32, #tpu.memory_space<vmem>> -> memref<128xi32, #tpu.memory_space<vmem>>
      %dma_wait3A_236 = arith.constant 0 : i32
      %dma_wait3A_237 = arith.constant 0 : i32
      %dma_wait3A_238 = tpu.memref_slice %arg2[%dma_wait3A_236, %dma_wait3A_237] : memref<20480x128xf32, #tpu.memory_space<hbm>> -> memref<20480x128xf32, #tpu.memory_space<hbm>>
      tpu.wait_indirect_dma semaphore(%arg13 : memref<!tpu.dma_semaphore, #tpu.memory_space<semaphore_mem>>) src(%dma_wait3A_238 : memref<20480x128xf32, #tpu.memory_space<hbm>>) dst(%arg10 : memref<128x128xf32, #tpu.memory_space<vmem>>)
      %dma_start3A_239 = arith.constant 3 : i32
      %dma_start3A_240 = arith.constant 0 : i32
      %dma_start3A_241 = tpu.memref_slice %arg7[%dma_start3A_239, %dma_start3A_240] : memref<8x128xi32, #tpu.memory_space<vmem>> -> memref<1x128xi32, #tpu.memory_space<vmem>>
      %dma_start3A_242 = tpu.memref_squeeze %dma_start3A_241 : memref<1x128xi32, #tpu.memory_space<vmem>> -> memref<128xi32, #tpu.memory_space<vmem>>
      %dma_start3A_243 = arith.constant 0 : i32
      %dma_start3A_244 = arith.constant 0 : i32
      %dma_start3A_245 = tpu.memref_slice %arg2[%dma_start3A_243, %dma_start3A_244] : memref<20480x128xf32, #tpu.memory_space<hbm>> -> memref<20480x128xf32, #tpu.memory_space<hbm>>
      tpu.enqueue_indirect_dma source(%dma_start3A_245 : memref<20480x128xf32, #tpu.memory_space<hbm>>) target(%arg11 : memref<128x128xf32, #tpu.memory_space<vmem>>) offsets(%dma_start3A_242 : memref<128xi32, #tpu.memory_space<vmem>>) semaphore(%arg14 : memref<!tpu.dma_semaphore, #tpu.memory_space<semaphore_mem>>)
      %run_scoped3A_246 = arith.constant 2 : i32
      "tpu.region"() ({
        %run_scoped3A_320 = tpu.sem_alloc : memref<!tpu.dma_semaphore, #tpu.memory_space<semaphore_mem>>
        %dma_start3A_321 = arith.constant 0 : i32
        %dma_start3A_322 = tpu.memref_slice %arg9[%run_scoped3A_246, %dma_start3A_321] : memref<8x128xi32, #tpu.memory_space<vmem>> -> memref<1x128xi32, #tpu.memory_space<vmem>>
        %dma_start3A_323 = tpu.memref_squeeze %dma_start3A_322 : memref<1x128xi32, #tpu.memory_space<vmem>> -> memref<128xi32, #tpu.memory_space<vmem>>
        %dma_start3A_324 = arith.constant 0 : i32
        %dma_start3A_325 = arith.constant 0 : i32
        %dma_start3A_326 = tpu.memref_slice %arg12[%dma_start3A_324, %dma_start3A_325] : memref<10240x128xf32, #tpu.memory_space<vmem_shared>> -> memref<10240x128xf32, #tpu.memory_space<vmem_shared>>
        tpu.enqueue_indirect_dma source(%arg10 : memref<128x128xf32, #tpu.memory_space<vmem>>) target(%dma_start3A_326 : memref<10240x128xf32, #tpu.memory_space<vmem_shared>>) offsets(%dma_start3A_323 : memref<128xi32, #tpu.memory_space<vmem>>) semaphore(%run_scoped3A_320 : memref<!tpu.dma_semaphore, #tpu.memory_space<semaphore_mem>>) {add = true}
        %dma_wait3A_327 = arith.constant 0 : i32
        %dma_wait3A_328 = tpu.memref_slice %arg9[%run_scoped3A_246, %dma_wait3A_327] : memref<8x128xi32, #tpu.memory_space<vmem>> -> memref<1x128xi32, #tpu.memory_space<vmem>>
        %dma_wait3A_329 = tpu.memref_squeeze %dma_wait3A_328 : memref<1x128xi32, #tpu.memory_space<vmem>> -> memref<128xi32, #tpu.memory_space<vmem>>
        %dma_wait3A_330 = arith.constant 0 : i32
        %dma_wait3A_331 = arith.constant 0 : i32
        %dma_wait3A_332 = tpu.memref_slice %arg12[%dma_wait3A_330, %dma_wait3A_331] : memref<10240x128xf32, #tpu.memory_space<vmem_shared>> -> memref<10240x128xf32, #tpu.memory_space<vmem_shared>>
        tpu.wait_indirect_dma semaphore(%run_scoped3A_320 : memref<!tpu.dma_semaphore, #tpu.memory_space<semaphore_mem>>) src(%arg10 : memref<128x128xf32, #tpu.memory_space<vmem>>) dst(%dma_wait3A_332 : memref<10240x128xf32, #tpu.memory_space<vmem_shared>>)
        tpu.yield
      }) : () -> ()
      %dma_wait3A_247 = arith.constant 3 : i32
      %dma_wait3A_248 = arith.constant 0 : i32
      %dma_wait3A_249 = tpu.memref_slice %arg7[%dma_wait3A_247, %dma_wait3A_248] : memref<8x128xi32, #tpu.memory_space<vmem>> -> memref<1x128xi32, #tpu.memory_space<vmem>>
      %dma_wait3A_250 = tpu.memref_squeeze %dma_wait3A_249 : memref<1x128xi32, #tpu.memory_space<vmem>> -> memref<128xi32, #tpu.memory_space<vmem>>
      %dma_wait3A_251 = arith.constant 0 : i32
      %dma_wait3A_252 = arith.constant 0 : i32
      %dma_wait3A_253 = tpu.memref_slice %arg2[%dma_wait3A_251, %dma_wait3A_252] : memref<20480x128xf32, #tpu.memory_space<hbm>> -> memref<20480x128xf32, #tpu.memory_space<hbm>>
      tpu.wait_indirect_dma semaphore(%arg14 : memref<!tpu.dma_semaphore, #tpu.memory_space<semaphore_mem>>) src(%dma_wait3A_253 : memref<20480x128xf32, #tpu.memory_space<hbm>>) dst(%arg11 : memref<128x128xf32, #tpu.memory_space<vmem>>)
      %dma_start3A_254 = arith.constant 4 : i32
      %dma_start3A_255 = arith.constant 0 : i32
      %dma_start3A_256 = tpu.memref_slice %arg7[%dma_start3A_254, %dma_start3A_255] : memref<8x128xi32, #tpu.memory_space<vmem>> -> memref<1x128xi32, #tpu.memory_space<vmem>>
      %dma_start3A_257 = tpu.memref_squeeze %dma_start3A_256 : memref<1x128xi32, #tpu.memory_space<vmem>> -> memref<128xi32, #tpu.memory_space<vmem>>
      %dma_start3A_258 = arith.constant 0 : i32
      %dma_start3A_259 = arith.constant 0 : i32
      %dma_start3A_260 = tpu.memref_slice %arg2[%dma_start3A_258, %dma_start3A_259] : memref<20480x128xf32, #tpu.memory_space<hbm>> -> memref<20480x128xf32, #tpu.memory_space<hbm>>
      tpu.enqueue_indirect_dma source(%dma_start3A_260 : memref<20480x128xf32, #tpu.memory_space<hbm>>) target(%arg10 : memref<128x128xf32, #tpu.memory_space<vmem>>) offsets(%dma_start3A_257 : memref<128xi32, #tpu.memory_space<vmem>>) semaphore(%arg13 : memref<!tpu.dma_semaphore, #tpu.memory_space<semaphore_mem>>)
      %run_scoped3A_261 = arith.constant 3 : i32
      "tpu.region"() ({
        %run_scoped3A_320 = tpu.sem_alloc : memref<!tpu.dma_semaphore, #tpu.memory_space<semaphore_mem>>
        %dma_start3A_321 = arith.constant 0 : i32
        %dma_start3A_322 = tpu.memref_slice %arg9[%run_scoped3A_261, %dma_start3A_321] : memref<8x128xi32, #tpu.memory_space<vmem>> -> memref<1x128xi32, #tpu.memory_space<vmem>>
        %dma_start3A_323 = tpu.memref_squeeze %dma_start3A_322 : memref<1x128xi32, #tpu.memory_space<vmem>> -> memref<128xi32, #tpu.memory_space<vmem>>
        %dma_start3A_324 = arith.constant 0 : i32
        %dma_start3A_325 = arith.constant 0 : i32
        %dma_start3A_326 = tpu.memref_slice %arg12[%dma_start3A_324, %dma_start3A_325] : memref<10240x128xf32, #tpu.memory_space<vmem_shared>> -> memref<10240x128xf32, #tpu.memory_space<vmem_shared>>
        tpu.enqueue_indirect_dma source(%arg11 : memref<128x128xf32, #tpu.memory_space<vmem>>) target(%dma_start3A_326 : memref<10240x128xf32, #tpu.memory_space<vmem_shared>>) offsets(%dma_start3A_323 : memref<128xi32, #tpu.memory_space<vmem>>) semaphore(%run_scoped3A_320 : memref<!tpu.dma_semaphore, #tpu.memory_space<semaphore_mem>>) {add = true}
        %dma_wait3A_327 = arith.constant 0 : i32
        %dma_wait3A_328 = tpu.memref_slice %arg9[%run_scoped3A_261, %dma_wait3A_327] : memref<8x128xi32, #tpu.memory_space<vmem>> -> memref<1x128xi32, #tpu.memory_space<vmem>>
        %dma_wait3A_329 = tpu.memref_squeeze %dma_wait3A_328 : memref<1x128xi32, #tpu.memory_space<vmem>> -> memref<128xi32, #tpu.memory_space<vmem>>
        %dma_wait3A_330 = arith.constant 0 : i32
        %dma_wait3A_331 = arith.constant 0 : i32
        %dma_wait3A_332 = tpu.memref_slice %arg12[%dma_wait3A_330, %dma_wait3A_331] : memref<10240x128xf32, #tpu.memory_space<vmem_shared>> -> memref<10240x128xf32, #tpu.memory_space<vmem_shared>>
        tpu.wait_indirect_dma semaphore(%run_scoped3A_320 : memref<!tpu.dma_semaphore, #tpu.memory_space<semaphore_mem>>) src(%arg11 : memref<128x128xf32, #tpu.memory_space<vmem>>) dst(%dma_wait3A_332 : memref<10240x128xf32, #tpu.memory_space<vmem_shared>>)
        tpu.yield
      }) : () -> ()
      %dma_wait3A_262 = arith.constant 4 : i32
      %dma_wait3A_263 = arith.constant 0 : i32
      %dma_wait3A_264 = tpu.memref_slice %arg7[%dma_wait3A_262, %dma_wait3A_263] : memref<8x128xi32, #tpu.memory_space<vmem>> -> memref<1x128xi32, #tpu.memory_space<vmem>>
      %dma_wait3A_265 = tpu.memref_squeeze %dma_wait3A_264 : memref<1x128xi32, #tpu.memory_space<vmem>> -> memref<128xi32, #tpu.memory_space<vmem>>
      %dma_wait3A_266 = arith.constant 0 : i32
      %dma_wait3A_267 = arith.constant 0 : i32
      %dma_wait3A_268 = tpu.memref_slice %arg2[%dma_wait3A_266, %dma_wait3A_267] : memref<20480x128xf32, #tpu.memory_space<hbm>> -> memref<20480x128xf32, #tpu.memory_space<hbm>>
      tpu.wait_indirect_dma semaphore(%arg13 : memref<!tpu.dma_semaphore, #tpu.memory_space<semaphore_mem>>) src(%dma_wait3A_268 : memref<20480x128xf32, #tpu.memory_space<hbm>>) dst(%arg10 : memref<128x128xf32, #tpu.memory_space<vmem>>)
      %dma_start3A_269 = arith.constant 5 : i32
      %dma_start3A_270 = arith.constant 0 : i32
      %dma_start3A_271 = tpu.memref_slice %arg7[%dma_start3A_269, %dma_start3A_270] : memref<8x128xi32, #tpu.memory_space<vmem>> -> memref<1x128xi32, #tpu.memory_space<vmem>>
      %dma_start3A_272 = tpu.memref_squeeze %dma_start3A_271 : memref<1x128xi32, #tpu.memory_space<vmem>> -> memref<128xi32, #tpu.memory_space<vmem>>
      %dma_start3A_273 = arith.constant 0 : i32
      %dma_start3A_274 = arith.constant 0 : i32
      %dma_start3A_275 = tpu.memref_slice %arg2[%dma_start3A_273, %dma_start3A_274] : memref<20480x128xf32, #tpu.memory_space<hbm>> -> memref<20480x128xf32, #tpu.memory_space<hbm>>
      tpu.enqueue_indirect_dma source(%dma_start3A_275 : memref<20480x128xf32, #tpu.memory_space<hbm>>) target(%arg11 : memref<128x128xf32, #tpu.memory_space<vmem>>) offsets(%dma_start3A_272 : memref<128xi32, #tpu.memory_space<vmem>>) semaphore(%arg14 : memref<!tpu.dma_semaphore, #tpu.memory_space<semaphore_mem>>)
      %run_scoped3A_276 = arith.constant 4 : i32
      "tpu.region"() ({
        %run_scoped3A_320 = tpu.sem_alloc : memref<!tpu.dma_semaphore, #tpu.memory_space<semaphore_mem>>
        %dma_start3A_321 = arith.constant 0 : i32
        %dma_start3A_322 = tpu.memref_slice %arg9[%run_scoped3A_276, %dma_start3A_321] : memref<8x128xi32, #tpu.memory_space<vmem>> -> memref<1x128xi32, #tpu.memory_space<vmem>>
        %dma_start3A_323 = tpu.memref_squeeze %dma_start3A_322 : memref<1x128xi32, #tpu.memory_space<vmem>> -> memref<128xi32, #tpu.memory_space<vmem>>
        %dma_start3A_324 = arith.constant 0 : i32
        %dma_start3A_325 = arith.constant 0 : i32
        %dma_start3A_326 = tpu.memref_slice %arg12[%dma_start3A_324, %dma_start3A_325] : memref<10240x128xf32, #tpu.memory_space<vmem_shared>> -> memref<10240x128xf32, #tpu.memory_space<vmem_shared>>
        tpu.enqueue_indirect_dma source(%arg10 : memref<128x128xf32, #tpu.memory_space<vmem>>) target(%dma_start3A_326 : memref<10240x128xf32, #tpu.memory_space<vmem_shared>>) offsets(%dma_start3A_323 : memref<128xi32, #tpu.memory_space<vmem>>) semaphore(%run_scoped3A_320 : memref<!tpu.dma_semaphore, #tpu.memory_space<semaphore_mem>>) {add = true}
        %dma_wait3A_327 = arith.constant 0 : i32
        %dma_wait3A_328 = tpu.memref_slice %arg9[%run_scoped3A_276, %dma_wait3A_327] : memref<8x128xi32, #tpu.memory_space<vmem>> -> memref<1x128xi32, #tpu.memory_space<vmem>>
        %dma_wait3A_329 = tpu.memref_squeeze %dma_wait3A_328 : memref<1x128xi32, #tpu.memory_space<vmem>> -> memref<128xi32, #tpu.memory_space<vmem>>
        %dma_wait3A_330 = arith.constant 0 : i32
        %dma_wait3A_331 = arith.constant 0 : i32
        %dma_wait3A_332 = tpu.memref_slice %arg12[%dma_wait3A_330, %dma_wait3A_331] : memref<10240x128xf32, #tpu.memory_space<vmem_shared>> -> memref<10240x128xf32, #tpu.memory_space<vmem_shared>>
        tpu.wait_indirect_dma semaphore(%run_scoped3A_320 : memref<!tpu.dma_semaphore, #tpu.memory_space<semaphore_mem>>) src(%arg10 : memref<128x128xf32, #tpu.memory_space<vmem>>) dst(%dma_wait3A_332 : memref<10240x128xf32, #tpu.memory_space<vmem_shared>>)
        tpu.yield
      }) : () -> ()
      %dma_wait3A_277 = arith.constant 5 : i32
      %dma_wait3A_278 = arith.constant 0 : i32
      %dma_wait3A_279 = tpu.memref_slice %arg7[%dma_wait3A_277, %dma_wait3A_278] : memref<8x128xi32, #tpu.memory_space<vmem>> -> memref<1x128xi32, #tpu.memory_space<vmem>>
      %dma_wait3A_280 = tpu.memref_squeeze %dma_wait3A_279 : memref<1x128xi32, #tpu.memory_space<vmem>> -> memref<128xi32, #tpu.memory_space<vmem>>
      %dma_wait3A_281 = arith.constant 0 : i32
      %dma_wait3A_282 = arith.constant 0 : i32
      %dma_wait3A_283 = tpu.memref_slice %arg2[%dma_wait3A_281, %dma_wait3A_282] : memref<20480x128xf32, #tpu.memory_space<hbm>> -> memref<20480x128xf32, #tpu.memory_space<hbm>>
      tpu.wait_indirect_dma semaphore(%arg14 : memref<!tpu.dma_semaphore, #tpu.memory_space<semaphore_mem>>) src(%dma_wait3A_283 : memref<20480x128xf32, #tpu.memory_space<hbm>>) dst(%arg11 : memref<128x128xf32, #tpu.memory_space<vmem>>)
      %dma_start3A_284 = arith.constant 6 : i32
      %dma_start3A_285 = arith.constant 0 : i32
      %dma_start3A_286 = tpu.memref_slice %arg7[%dma_start3A_284, %dma_start3A_285] : memref<8x128xi32, #tpu.memory_space<vmem>> -> memref<1x128xi32, #tpu.memory_space<vmem>>
      %dma_start3A_287 = tpu.memref_squeeze %dma_start3A_286 : memref<1x128xi32, #tpu.memory_space<vmem>> -> memref<128xi32, #tpu.memory_space<vmem>>
      %dma_start3A_288 = arith.constant 0 : i32
      %dma_start3A_289 = arith.constant 0 : i32
      %dma_start3A_290 = tpu.memref_slice %arg2[%dma_start3A_288, %dma_start3A_289] : memref<20480x128xf32, #tpu.memory_space<hbm>> -> memref<20480x128xf32, #tpu.memory_space<hbm>>
      tpu.enqueue_indirect_dma source(%dma_start3A_290 : memref<20480x128xf32, #tpu.memory_space<hbm>>) target(%arg10 : memref<128x128xf32, #tpu.memory_space<vmem>>) offsets(%dma_start3A_287 : memref<128xi32, #tpu.memory_space<vmem>>) semaphore(%arg13 : memref<!tpu.dma_semaphore, #tpu.memory_space<semaphore_mem>>)
      %run_scoped3A_291 = arith.constant 5 : i32
      "tpu.region"() ({
        %run_scoped3A_320 = tpu.sem_alloc : memref<!tpu.dma_semaphore, #tpu.memory_space<semaphore_mem>>
        %dma_start3A_321 = arith.constant 0 : i32
        %dma_start3A_322 = tpu.memref_slice %arg9[%run_scoped3A_291, %dma_start3A_321] : memref<8x128xi32, #tpu.memory_space<vmem>> -> memref<1x128xi32, #tpu.memory_space<vmem>>
        %dma_start3A_323 = tpu.memref_squeeze %dma_start3A_322 : memref<1x128xi32, #tpu.memory_space<vmem>> -> memref<128xi32, #tpu.memory_space<vmem>>
        %dma_start3A_324 = arith.constant 0 : i32
        %dma_start3A_325 = arith.constant 0 : i32
        %dma_start3A_326 = tpu.memref_slice %arg12[%dma_start3A_324, %dma_start3A_325] : memref<10240x128xf32, #tpu.memory_space<vmem_shared>> -> memref<10240x128xf32, #tpu.memory_space<vmem_shared>>
        tpu.enqueue_indirect_dma source(%arg11 : memref<128x128xf32, #tpu.memory_space<vmem>>) target(%dma_start3A_326 : memref<10240x128xf32, #tpu.memory_space<vmem_shared>>) offsets(%dma_start3A_323 : memref<128xi32, #tpu.memory_space<vmem>>) semaphore(%run_scoped3A_320 : memref<!tpu.dma_semaphore, #tpu.memory_space<semaphore_mem>>) {add = true}
        %dma_wait3A_327 = arith.constant 0 : i32
        %dma_wait3A_328 = tpu.memref_slice %arg9[%run_scoped3A_291, %dma_wait3A_327] : memref<8x128xi32, #tpu.memory_space<vmem>> -> memref<1x128xi32, #tpu.memory_space<vmem>>
        %dma_wait3A_329 = tpu.memref_squeeze %dma_wait3A_328 : memref<1x128xi32, #tpu.memory_space<vmem>> -> memref<128xi32, #tpu.memory_space<vmem>>
        %dma_wait3A_330 = arith.constant 0 : i32
        %dma_wait3A_331 = arith.constant 0 : i32
        %dma_wait3A_332 = tpu.memref_slice %arg12[%dma_wait3A_330, %dma_wait3A_331] : memref<10240x128xf32, #tpu.memory_space<vmem_shared>> -> memref<10240x128xf32, #tpu.memory_space<vmem_shared>>
        tpu.wait_indirect_dma semaphore(%run_scoped3A_320 : memref<!tpu.dma_semaphore, #tpu.memory_space<semaphore_mem>>) src(%arg11 : memref<128x128xf32, #tpu.memory_space<vmem>>) dst(%dma_wait3A_332 : memref<10240x128xf32, #tpu.memory_space<vmem_shared>>)
        tpu.yield
      }) : () -> ()
      %dma_wait3A_292 = arith.constant 6 : i32
      %dma_wait3A_293 = arith.constant 0 : i32
      %dma_wait3A_294 = tpu.memref_slice %arg7[%dma_wait3A_292, %dma_wait3A_293] : memref<8x128xi32, #tpu.memory_space<vmem>> -> memref<1x128xi32, #tpu.memory_space<vmem>>
      %dma_wait3A_295 = tpu.memref_squeeze %dma_wait3A_294 : memref<1x128xi32, #tpu.memory_space<vmem>> -> memref<128xi32, #tpu.memory_space<vmem>>
      %dma_wait3A_296 = arith.constant 0 : i32
      %dma_wait3A_297 = arith.constant 0 : i32
      %dma_wait3A_298 = tpu.memref_slice %arg2[%dma_wait3A_296, %dma_wait3A_297] : memref<20480x128xf32, #tpu.memory_space<hbm>> -> memref<20480x128xf32, #tpu.memory_space<hbm>>
      tpu.wait_indirect_dma semaphore(%arg13 : memref<!tpu.dma_semaphore, #tpu.memory_space<semaphore_mem>>) src(%dma_wait3A_298 : memref<20480x128xf32, #tpu.memory_space<hbm>>) dst(%arg10 : memref<128x128xf32, #tpu.memory_space<vmem>>)
      %dma_start3A_299 = arith.constant 7 : i32
      %dma_start3A_300 = arith.constant 0 : i32
      %dma_start3A_301 = tpu.memref_slice %arg7[%dma_start3A_299, %dma_start3A_300] : memref<8x128xi32, #tpu.memory_space<vmem>> -> memref<1x128xi32, #tpu.memory_space<vmem>>
      %dma_start3A_302 = tpu.memref_squeeze %dma_start3A_301 : memref<1x128xi32, #tpu.memory_space<vmem>> -> memref<128xi32, #tpu.memory_space<vmem>>
      %dma_start3A_303 = arith.constant 0 : i32
      %dma_start3A_304 = arith.constant 0 : i32
      %dma_start3A_305 = tpu.memref_slice %arg2[%dma_start3A_303, %dma_start3A_304] : memref<20480x128xf32, #tpu.memory_space<hbm>> -> memref<20480x128xf32, #tpu.memory_space<hbm>>
      tpu.enqueue_indirect_dma source(%dma_start3A_305 : memref<20480x128xf32, #tpu.memory_space<hbm>>) target(%arg11 : memref<128x128xf32, #tpu.memory_space<vmem>>) offsets(%dma_start3A_302 : memref<128xi32, #tpu.memory_space<vmem>>) semaphore(%arg14 : memref<!tpu.dma_semaphore, #tpu.memory_space<semaphore_mem>>)
      %run_scoped3A_306 = arith.constant 6 : i32
      "tpu.region"() ({
        %run_scoped3A_320 = tpu.sem_alloc : memref<!tpu.dma_semaphore, #tpu.memory_space<semaphore_mem>>
        %dma_start3A_321 = arith.constant 0 : i32
        %dma_start3A_322 = tpu.memref_slice %arg9[%run_scoped3A_306, %dma_start3A_321] : memref<8x128xi32, #tpu.memory_space<vmem>> -> memref<1x128xi32, #tpu.memory_space<vmem>>
        %dma_start3A_323 = tpu.memref_squeeze %dma_start3A_322 : memref<1x128xi32, #tpu.memory_space<vmem>> -> memref<128xi32, #tpu.memory_space<vmem>>
        %dma_start3A_324 = arith.constant 0 : i32
        %dma_start3A_325 = arith.constant 0 : i32
        %dma_start3A_326 = tpu.memref_slice %arg12[%dma_start3A_324, %dma_start3A_325] : memref<10240x128xf32, #tpu.memory_space<vmem_shared>> -> memref<10240x128xf32, #tpu.memory_space<vmem_shared>>
        tpu.enqueue_indirect_dma source(%arg10 : memref<128x128xf32, #tpu.memory_space<vmem>>) target(%dma_start3A_326 : memref<10240x128xf32, #tpu.memory_space<vmem_shared>>) offsets(%dma_start3A_323 : memref<128xi32, #tpu.memory_space<vmem>>) semaphore(%run_scoped3A_320 : memref<!tpu.dma_semaphore, #tpu.memory_space<semaphore_mem>>) {add = true}
        %dma_wait3A_327 = arith.constant 0 : i32
        %dma_wait3A_328 = tpu.memref_slice %arg9[%run_scoped3A_306, %dma_wait3A_327] : memref<8x128xi32, #tpu.memory_space<vmem>> -> memref<1x128xi32, #tpu.memory_space<vmem>>
        %dma_wait3A_329 = tpu.memref_squeeze %dma_wait3A_328 : memref<1x128xi32, #tpu.memory_space<vmem>> -> memref<128xi32, #tpu.memory_space<vmem>>
        %dma_wait3A_330 = arith.constant 0 : i32
        %dma_wait3A_331 = arith.constant 0 : i32
        %dma_wait3A_332 = tpu.memref_slice %arg12[%dma_wait3A_330, %dma_wait3A_331] : memref<10240x128xf32, #tpu.memory_space<vmem_shared>> -> memref<10240x128xf32, #tpu.memory_space<vmem_shared>>
        tpu.wait_indirect_dma semaphore(%run_scoped3A_320 : memref<!tpu.dma_semaphore, #tpu.memory_space<semaphore_mem>>) src(%arg10 : memref<128x128xf32, #tpu.memory_space<vmem>>) dst(%dma_wait3A_332 : memref<10240x128xf32, #tpu.memory_space<vmem_shared>>)
        tpu.yield
      }) : () -> ()
      %dma_wait3A_307 = arith.constant 7 : i32
      %dma_wait3A_308 = arith.constant 0 : i32
      %dma_wait3A_309 = tpu.memref_slice %arg7[%dma_wait3A_307, %dma_wait3A_308] : memref<8x128xi32, #tpu.memory_space<vmem>> -> memref<1x128xi32, #tpu.memory_space<vmem>>
      %dma_wait3A_310 = tpu.memref_squeeze %dma_wait3A_309 : memref<1x128xi32, #tpu.memory_space<vmem>> -> memref<128xi32, #tpu.memory_space<vmem>>
      %dma_wait3A_311 = arith.constant 0 : i32
      %dma_wait3A_312 = arith.constant 0 : i32
      %dma_wait3A_313 = tpu.memref_slice %arg2[%dma_wait3A_311, %dma_wait3A_312] : memref<20480x128xf32, #tpu.memory_space<hbm>> -> memref<20480x128xf32, #tpu.memory_space<hbm>>
      tpu.wait_indirect_dma semaphore(%arg14 : memref<!tpu.dma_semaphore, #tpu.memory_space<semaphore_mem>>) src(%dma_wait3A_313 : memref<20480x128xf32, #tpu.memory_space<hbm>>) dst(%arg11 : memref<128x128xf32, #tpu.memory_space<vmem>>)
      %lt3A_314 = arith.constant 4 : i32
      %lt3A_315 = arith.cmpi slt, %add3A_54, %lt3A_314 : i32
      %convert_element_type3A_316 = arith.extui %lt3A_315 : i1 to i32
      %cond3A_317 = arith.constant 0 : i32
      %cond3A_318 = arith.cmpi ne, %convert_element_type3A_316, %cond3A_317 : i32
      scf.if %cond3A_318 {
        %dma_wait3A_320 = arith.constant 0 : i32
        %dma_wait3A_321 = tpu.memref_slice %arg3[%add3A_11, %dma_wait3A_320] : memref<2560x128xi32, #tpu.memory_space<hbm>> -> memref<8x128xi32, #tpu.memory_space<hbm>>
        %dma_wait3A_322 = arith.constant 0 : i32
        %dma_wait3A_323 = tpu.memref_slice %arg3[%add3A_11, %dma_wait3A_322] : memref<2560x128xi32, #tpu.memory_space<hbm>> -> memref<8x128xi32, #tpu.memory_space<hbm>>
        tpu.wait_dma2 semaphore(%arg15 : memref<!tpu.dma_semaphore, #tpu.memory_space<semaphore_mem>>) src(%dma_wait3A_323 : memref<8x128xi32, #tpu.memory_space<hbm>>) dst(%arg6 : memref<8x128xi32, #tpu.memory_space<vmem>>)
        %dma_wait3A_324 = arith.constant 0 : i32
        %dma_wait3A_325 = tpu.memref_slice %arg4[%mul3A_13, %dma_wait3A_324] : memref<1280x128xi32, #tpu.memory_space<hbm>> -> memref<8x128xi32, #tpu.memory_space<hbm>>
        %dma_wait3A_326 = arith.constant 0 : i32
        %dma_wait3A_327 = tpu.memref_slice %arg4[%mul3A_13, %dma_wait3A_326] : memref<1280x128xi32, #tpu.memory_space<hbm>> -> memref<8x128xi32, #tpu.memory_space<hbm>>
        tpu.wait_dma2 semaphore(%arg15 : memref<!tpu.dma_semaphore, #tpu.memory_space<semaphore_mem>>) src(%dma_wait3A_327 : memref<8x128xi32, #tpu.memory_space<hbm>>) dst(%arg8 : memref<8x128xi32, #tpu.memory_space<vmem>>)
        %dma_start3A_328 = arith.constant 0 : i32
        %dma_start3A_329 = arith.constant 0 : i32
        %dma_start3A_330 = tpu.memref_slice %arg6[%dma_start3A_328, %dma_start3A_329] : memref<8x128xi32, #tpu.memory_space<vmem>> -> memref<1x128xi32, #tpu.memory_space<vmem>>
        %dma_start3A_331 = tpu.memref_squeeze %dma_start3A_330 : memref<1x128xi32, #tpu.memory_space<vmem>> -> memref<128xi32, #tpu.memory_space<vmem>>
        %dma_start3A_332 = arith.constant 0 : i32
        %dma_start3A_333 = arith.constant 0 : i32
        %dma_start3A_334 = tpu.memref_slice %arg2[%dma_start3A_332, %dma_start3A_333] : memref<20480x128xf32, #tpu.memory_space<hbm>> -> memref<20480x128xf32, #tpu.memory_space<hbm>>
        tpu.enqueue_indirect_dma source(%dma_start3A_334 : memref<20480x128xf32, #tpu.memory_space<hbm>>) target(%arg10 : memref<128x128xf32, #tpu.memory_space<vmem>>) offsets(%dma_start3A_331 : memref<128xi32, #tpu.memory_space<vmem>>) semaphore(%arg13 : memref<!tpu.dma_semaphore, #tpu.memory_space<semaphore_mem>>)
      } else {
      }
      %run_scoped3A_319 = arith.constant 7 : i32
      "tpu.region"() ({
        %run_scoped3A_320 = tpu.sem_alloc : memref<!tpu.dma_semaphore, #tpu.memory_space<semaphore_mem>>
        %dma_start3A_321 = arith.constant 0 : i32
        %dma_start3A_322 = tpu.memref_slice %arg9[%run_scoped3A_319, %dma_start3A_321] : memref<8x128xi32, #tpu.memory_space<vmem>> -> memref<1x128xi32, #tpu.memory_space<vmem>>
        %dma_start3A_323 = tpu.memref_squeeze %dma_start3A_322 : memref<1x128xi32, #tpu.memory_space<vmem>> -> memref<128xi32, #tpu.memory_space<vmem>>
        %dma_start3A_324 = arith.constant 0 : i32
        %dma_start3A_325 = arith.constant 0 : i32
        %dma_start3A_326 = tpu.memref_slice %arg12[%dma_start3A_324, %dma_start3A_325] : memref<10240x128xf32, #tpu.memory_space<vmem_shared>> -> memref<10240x128xf32, #tpu.memory_space<vmem_shared>>
        tpu.enqueue_indirect_dma source(%arg11 : memref<128x128xf32, #tpu.memory_space<vmem>>) target(%dma_start3A_326 : memref<10240x128xf32, #tpu.memory_space<vmem_shared>>) offsets(%dma_start3A_323 : memref<128xi32, #tpu.memory_space<vmem>>) semaphore(%run_scoped3A_320 : memref<!tpu.dma_semaphore, #tpu.memory_space<semaphore_mem>>) {add = true}
        %dma_wait3A_327 = arith.constant 0 : i32
        %dma_wait3A_328 = tpu.memref_slice %arg9[%run_scoped3A_319, %dma_wait3A_327] : memref<8x128xi32, #tpu.memory_space<vmem>> -> memref<1x128xi32, #tpu.memory_space<vmem>>
        %dma_wait3A_329 = tpu.memref_squeeze %dma_wait3A_328 : memref<1x128xi32, #tpu.memory_space<vmem>> -> memref<128xi32, #tpu.memory_space<vmem>>
        %dma_wait3A_330 = arith.constant 0 : i32
        %dma_wait3A_331 = arith.constant 0 : i32
        %dma_wait3A_332 = tpu.memref_slice %arg12[%dma_wait3A_330, %dma_wait3A_331] : memref<10240x128xf32, #tpu.memory_space<vmem_shared>> -> memref<10240x128xf32, #tpu.memory_space<vmem_shared>>
        tpu.wait_indirect_dma semaphore(%run_scoped3A_320 : memref<!tpu.dma_semaphore, #tpu.memory_space<semaphore_mem>>) src(%arg11 : memref<128x128xf32, #tpu.memory_space<vmem>>) dst(%dma_wait3A_332 : memref<10240x128xf32, #tpu.memory_space<vmem_shared>>)
        tpu.yield
      }) : () -> ()
    }
    %scan3A_43 = arith.constant 5 : i32
    %barrier3A_44 = arith.constant 0 : index
    tpu.barrier barrier_id(%barrier3A_44)
    %scan3A_45 = arith.constant 0 : i32
    %scan3A_46 = arith.constant 5 : i32
    %scan3A_47 = arith.addi %scan3A_45, %scan3A_46 : i32
    %scan3A_48 = arith.constant 1 : i32
    scf.for %scan3A_50 = %scan3A_45 to %scan3A_47 step %scan3A_48  : i32 {
      %mul3A_51 = arith.constant 1 : i32
      %mul3A_52 = arith.muli %scan3A_50, %mul3A_51 : i32
      %add3A_53 = arith.constant 0 : i32
      %add3A_54 = arith.addi %add3A_53, %mul3A_52 : i32
      %mul3A_55 = arith.constant 640 : i32
      %mul3A_56 = arith.muli %arg1, %mul3A_55 : i32
      %mul3A_57 = arith.constant 128 : i32
      %mul3A_58 = arith.muli %add3A_54, %mul3A_57 : i32
      %add3A_59 = arith.addi %mul3A_56, %mul3A_58 : i32
      "tpu.region"() ({
        %run_scoped3A = tpu.sem_alloc : memref<!tpu.dma_semaphore, #tpu.memory_space<semaphore_mem>>
        %dma_start3A_63 = arith.constant 0 : i32
        %dma_start3A_64 = tpu.memref_slice %arg12[%add3A_59, %dma_start3A_63] : memref<10240x128xf32, #tpu.memory_space<vmem_shared>> -> memref<128x128xf32, #tpu.memory_space<vmem_shared>>
        %dma_start3A_65 = arith.constant 0 : i32
        %dma_start3A_66 = tpu.memref_slice %arg12[%add3A_59, %dma_start3A_65] : memref<10240x128xf32, #tpu.memory_space<vmem_shared>> -> memref<128x128xf32, #tpu.memory_space<vmem_shared>>
        tpu.enqueue_dma source(%dma_start3A_66 : memref<128x128xf32, #tpu.memory_space<vmem_shared>>) target(%arg10 : memref<128x128xf32, #tpu.memory_space<vmem>>) target_semaphore(%run_scoped3A : memref<!tpu.dma_semaphore, #tpu.memory_space<semaphore_mem>>)
        %dma_wait3A_67 = arith.constant 0 : i32
        %dma_wait3A_68 = tpu.memref_slice %arg12[%add3A_59, %dma_wait3A_67] : memref<10240x128xf32, #tpu.memory_space<vmem_shared>> -> memref<128x128xf32, #tpu.memory_space<vmem_shared>>
        %dma_wait3A_69 = arith.constant 0 : i32
        %dma_wait3A_70 = tpu.memref_slice %arg12[%add3A_59, %dma_wait3A_69] : memref<10240x128xf32, #tpu.memory_space<vmem_shared>> -> memref<128x128xf32, #tpu.memory_space<vmem_shared>>
        tpu.wait_dma2 semaphore(%run_scoped3A : memref<!tpu.dma_semaphore, #tpu.memory_space<semaphore_mem>>) src(%dma_wait3A_70 : memref<128x128xf32, #tpu.memory_space<vmem_shared>>) dst(%arg10 : memref<128x128xf32, #tpu.memory_space<vmem>>)
        tpu.yield
      }) : () -> ()
      %mul3A_60 = arith.constant 128 : i32
      %mul3A_61 = arith.muli %add3A_54, %mul3A_60 : i32
      %add3A_62 = arith.addi %add3A, %mul3A_61 : i32
      "tpu.region"() ({
        %run_scoped3A = tpu.sem_alloc : memref<!tpu.dma_semaphore, #tpu.memory_space<semaphore_mem>>
        %dma_start3A_63 = arith.constant 0 : i32
        %dma_start3A_64 = tpu.memref_slice %arg5[%add3A_62, %dma_start3A_63] : memref<20480x128xf32, #tpu.memory_space<hbm>> -> memref<128x128xf32, #tpu.memory_space<hbm>>
        %dma_start3A_65 = arith.constant 0 : i32
        %dma_start3A_66 = tpu.memref_slice %arg5[%add3A_62, %dma_start3A_65] : memref<20480x128xf32, #tpu.memory_space<hbm>> -> memref<128x128xf32, #tpu.memory_space<hbm>>
        tpu.enqueue_dma source(%arg10 : memref<128x128xf32, #tpu.memory_space<vmem>>) target(%dma_start3A_66 : memref<128x128xf32, #tpu.memory_space<hbm>>) target_semaphore(%run_scoped3A : memref<!tpu.dma_semaphore, #tpu.memory_space<semaphore_mem>>)
        %dma_wait3A_67 = arith.constant 0 : i32
        %dma_wait3A_68 = tpu.memref_slice %arg5[%add3A_62, %dma_wait3A_67] : memref<20480x128xf32, #tpu.memory_space<hbm>> -> memref<128x128xf32, #tpu.memory_space<hbm>>
        %dma_wait3A_69 = arith.constant 0 : i32
        %dma_wait3A_70 = tpu.memref_slice %arg5[%add3A_62, %dma_wait3A_69] : memref<20480x128xf32, #tpu.memory_space<hbm>> -> memref<128x128xf32, #tpu.memory_space<hbm>>
        tpu.wait_dma2 semaphore(%run_scoped3A : memref<!tpu.dma_semaphore, #tpu.memory_space<semaphore_mem>>) src(%arg10 : memref<128x128xf32, #tpu.memory_space<vmem>>) dst(%dma_wait3A_70 : memref<128x128xf32, #tpu.memory_space<hbm>>)
        tpu.yield
      }) : () -> ()
    }
    %scan3A_49 = arith.constant 5 : i32
    return
  }
}

#map = affine_map<(d0, d1) -> (0, 0)>
module attributes {stable_mosaic.version = 14 : i64} {
  func.func @_sc_aggregate(%arg0: i32, %arg1: i32, %arg2: memref<20480x128xf32, #tpu.memory_space<hbm>>, %arg3: memref<2560x128xi32, #tpu.memory_space<hbm>>, %arg4: memref<1280x128xi32, #tpu.memory_space<hbm>>, %arg5: memref<20480x128xf32, #tpu.memory_space<hbm>>, %arg6: memref<8x128xi32, #tpu.memory_space<vmem>>, %arg7: memref<8x128xi32, #tpu.memory_space<vmem>>, %arg8: memref<8x128xi32, #tpu.memory_space<vmem>>, %arg9: memref<8x128xi32, #tpu.memory_space<vmem>>, %arg10: memref<128x128xf32, #tpu.memory_space<vmem>>, %arg11: memref<128x128xf32, #tpu.memory_space<vmem>>, %arg12: memref<10240x128xf32, #tpu.memory_space<vmem_shared>>, %arg13: memref<!tpu.dma_semaphore, #tpu.memory_space<semaphore_mem>>, %arg14: memref<!tpu.dma_semaphore, #tpu.memory_space<semaphore_mem>>, %arg15: memref<!tpu.dma_semaphore, #tpu.memory_space<semaphore_mem>>, %arg16: memref<!tpu.dma_semaphore, #tpu.memory_space<semaphore_mem>>) attributes {dimension_semantics = [#tpu.dimension_semantics<core_parallel>, #tpu.dimension_semantics<subcore_parallel>], iteration_bounds = array<i64: 2, 16>, scalar_prefetch = 0 : i64, scratch_operands = 11 : i64, tpu.core_type = #tpu.core_type<sc_vector_subcore>, window_params = [{transform_indices = #map}, {transform_indices = #map}, {transform_indices = #map}, {transform_indices = #map}]} {
    %mul3A = arith.constant 10240 : i32
    %mul3A_0 = arith.muli %arg0, %mul3A : i32
    %mul3A_1 = arith.constant 640 : i32
    %mul3A_2 = arith.muli %arg1, %mul3A_1 : i32
    %add3A = arith.addi %mul3A_0, %mul3A_2 : i32
    %scan3A = arith.constant 0 : i32
    %scan3A_3 = arith.constant 5 : i32
    %scan3A_4 = arith.addi %scan3A, %scan3A_3 : i32
    %scan3A_5 = arith.constant 1 : i32
    scf.for %scan3A_50 = %scan3A to %scan3A_4 step %scan3A_5  : i32 {
      %mul3A_51 = arith.constant 1 : i32
      %mul3A_52 = arith.muli %scan3A_50, %mul3A_51 : i32
      %add3A_53 = arith.constant 0 : i32
      %add3A_54 = arith.addi %add3A_53, %mul3A_52 : i32
      %mul3A_55 = arith.constant 128 : i32
      %mul3A_56 = arith.muli %add3A_54, %mul3A_55 : i32
      %add3A_57 = arith.addi %add3A, %mul3A_56 : i32
      "tpu.region"() ({
        %run_scoped3A = tpu.sem_alloc : memref<!tpu.dma_semaphore, #tpu.memory_space<semaphore_mem>>
        %dma_start3A_63 = arith.constant 0 : i32
        %dma_start3A_64 = tpu.memref_slice %arg2[%add3A_57, %dma_start3A_63] : memref<20480x128xf32, #tpu.memory_space<hbm>> -> memref<128x128xf32, #tpu.memory_space<hbm>>
        %dma_start3A_65 = arith.constant 0 : i32
        %dma_start3A_66 = tpu.memref_slice %arg2[%add3A_57, %dma_start3A_65] : memref<20480x128xf32, #tpu.memory_space<hbm>> -> memref<128x128xf32, #tpu.memory_space<hbm>>
        tpu.enqueue_dma source(%dma_start3A_66 : memref<128x128xf32, #tpu.memory_space<hbm>>) target(%arg10 : memref<128x128xf32, #tpu.memory_space<vmem>>) target_semaphore(%run_scoped3A : memref<!tpu.dma_semaphore, #tpu.memory_space<semaphore_mem>>)
        %dma_wait3A_67 = arith.constant 0 : i32
        %dma_wait3A_68 = tpu.memref_slice %arg2[%add3A_57, %dma_wait3A_67] : memref<20480x128xf32, #tpu.memory_space<hbm>> -> memref<128x128xf32, #tpu.memory_space<hbm>>
        %dma_wait3A_69 = arith.constant 0 : i32
        %dma_wait3A_70 = tpu.memref_slice %arg2[%add3A_57, %dma_wait3A_69] : memref<20480x128xf32, #tpu.memory_space<hbm>> -> memref<128x128xf32, #tpu.memory_space<hbm>>
        tpu.wait_dma2 semaphore(%run_scoped3A : memref<!tpu.dma_semaphore, #tpu.memory_space<semaphore_mem>>) src(%dma_wait3A_70 : memref<128x128xf32, #tpu.memory_space<hbm>>) dst(%arg10 : memref<128x128xf32, #tpu.memory_space<vmem>>)
        tpu.yield
      }) : () -> ()
      %mul3A_58 = arith.constant 640 : i32
      %mul3A_59 = arith.muli %arg1, %mul3A_58 : i32
      %mul3A_60 = arith.constant 128 : i32
      %mul3A_61 = arith.muli %add3A_54, %mul3A_60 : i32
      %add3A_62 = arith.addi %mul3A_59, %mul3A_61 : i32
      "tpu.region"() ({
        %run_scoped3A = tpu.sem_alloc : memref<!tpu.dma_semaphore, #tpu.memory_space<semaphore_mem>>
        %dma_start3A_63 = arith.constant 0 : i32
        %dma_start3A_64 = tpu.memref_slice %arg12[%add3A_62, %dma_start3A_63] : memref<10240x128xf32, #tpu.memory_space<vmem_shared>> -> memref<128x128xf32, #tpu.memory_space<vmem_shared>>
        %dma_start3A_65 = arith.constant 0 : i32
        %dma_start3A_66 = tpu.memref_slice %arg12[%add3A_62, %dma_start3A_65] : memref<10240x128xf32, #tpu.memory_space<vmem_shared>> -> memref<128x128xf32, #tpu.memory_space<vmem_shared>>
        tpu.enqueue_dma source(%arg10 : memref<128x128xf32, #tpu.memory_space<vmem>>) target(%dma_start3A_66 : memref<128x128xf32, #tpu.memory_space<vmem_shared>>) target_semaphore(%run_scoped3A : memref<!tpu.dma_semaphore, #tpu.memory_space<semaphore_mem>>)
        %dma_wait3A_67 = arith.constant 0 : i32
        %dma_wait3A_68 = tpu.memref_slice %arg12[%add3A_62, %dma_wait3A_67] : memref<10240x128xf32, #tpu.memory_space<vmem_shared>> -> memref<128x128xf32, #tpu.memory_space<vmem_shared>>
        %dma_wait3A_69 = arith.constant 0 : i32
        %dma_wait3A_70 = tpu.memref_slice %arg12[%add3A_62, %dma_wait3A_69] : memref<10240x128xf32, #tpu.memory_space<vmem_shared>> -> memref<128x128xf32, #tpu.memory_space<vmem_shared>>
        tpu.wait_dma2 semaphore(%run_scoped3A : memref<!tpu.dma_semaphore, #tpu.memory_space<semaphore_mem>>) src(%arg10 : memref<128x128xf32, #tpu.memory_space<vmem>>) dst(%dma_wait3A_70 : memref<128x128xf32, #tpu.memory_space<vmem_shared>>)
        tpu.yield
      }) : () -> ()
    }
    %scan3A_6 = arith.constant 5 : i32
    %barrier3A = arith.constant 0 : index
    tpu.barrier barrier_id(%barrier3A)
    %mul3A_7 = arith.constant 1280 : i32
    %mul3A_8 = arith.muli %arg0, %mul3A_7 : i32
    %mul3A_9 = arith.constant 80 : i32
    %mul3A_10 = arith.muli %arg1, %mul3A_9 : i32
    %add3A_11 = arith.addi %mul3A_8, %mul3A_10 : i32
    %mul3A_12 = arith.constant 80 : i32
    %mul3A_13 = arith.muli %arg1, %mul3A_12 : i32
    %add3A_14 = arith.constant 0 : i32
    %add3A_15 = arith.addi %add3A_11, %add3A_14 : i32
    %dma_start3A = arith.constant 0 : i32
    %dma_start3A_16 = tpu.memref_slice %arg3[%add3A_15, %dma_start3A] : memref<2560x128xi32, #tpu.memory_space<hbm>> -> memref<8x128xi32, #tpu.memory_space<hbm>>
    %dma_start3A_17 = arith.constant 0 : i32
    %dma_start3A_18 = tpu.memref_slice %arg3[%add3A_15, %dma_start3A_17] : memref<2560x128xi32, #tpu.memory_space<hbm>> -> memref<8x128xi32, #tpu.memory_space<hbm>>
    tpu.enqueue_dma source(%dma_start3A_18 : memref<8x128xi32, #tpu.memory_space<hbm>>) target(%arg6 : memref<8x128xi32, #tpu.memory_space<vmem>>) target_semaphore(%arg15 : memref<!tpu.dma_semaphore, #tpu.memory_space<semaphore_mem>>)
    %add3A_19 = arith.constant 0 : i32
    %add3A_20 = arith.addi %mul3A_13, %add3A_19 : i32
    %dma_start3A_21 = arith.constant 0 : i32
    %dma_start3A_22 = tpu.memref_slice %arg4[%add3A_20, %dma_start3A_21] : memref<1280x128xi32, #tpu.memory_space<hbm>> -> memref<8x128xi32, #tpu.memory_space<hbm>>
    %dma_start3A_23 = arith.constant 0 : i32
    %dma_start3A_24 = tpu.memref_slice %arg4[%add3A_20, %dma_start3A_23] : memref<1280x128xi32, #tpu.memory_space<hbm>> -> memref<8x128xi32, #tpu.memory_space<hbm>>
    tpu.enqueue_dma source(%dma_start3A_24 : memref<8x128xi32, #tpu.memory_space<hbm>>) target(%arg8 : memref<8x128xi32, #tpu.memory_space<vmem>>) target_semaphore(%arg15 : memref<!tpu.dma_semaphore, #tpu.memory_space<semaphore_mem>>)
    %dma_wait3A = arith.constant 0 : i32
    %dma_wait3A_25 = tpu.memref_slice %arg3[%add3A_11, %dma_wait3A] : memref<2560x128xi32, #tpu.memory_space<hbm>> -> memref<8x128xi32, #tpu.memory_space<hbm>>
    %dma_wait3A_26 = arith.constant 0 : i32
    %dma_wait3A_27 = tpu.memref_slice %arg3[%add3A_11, %dma_wait3A_26] : memref<2560x128xi32, #tpu.memory_space<hbm>> -> memref<8x128xi32, #tpu.memory_space<hbm>>
    tpu.wait_dma2 semaphore(%arg15 : memref<!tpu.dma_semaphore, #tpu.memory_space<semaphore_mem>>) src(%dma_wait3A_27 : memref<8x128xi32, #tpu.memory_space<hbm>>) dst(%arg6 : memref<8x128xi32, #tpu.memory_space<vmem>>)
    %dma_wait3A_28 = arith.constant 0 : i32
    %dma_wait3A_29 = tpu.memref_slice %arg4[%mul3A_13, %dma_wait3A_28] : memref<1280x128xi32, #tpu.memory_space<hbm>> -> memref<8x128xi32, #tpu.memory_space<hbm>>
    %dma_wait3A_30 = arith.constant 0 : i32
    %dma_wait3A_31 = tpu.memref_slice %arg4[%mul3A_13, %dma_wait3A_30] : memref<1280x128xi32, #tpu.memory_space<hbm>> -> memref<8x128xi32, #tpu.memory_space<hbm>>
    tpu.wait_dma2 semaphore(%arg15 : memref<!tpu.dma_semaphore, #tpu.memory_space<semaphore_mem>>) src(%dma_wait3A_31 : memref<8x128xi32, #tpu.memory_space<hbm>>) dst(%arg8 : memref<8x128xi32, #tpu.memory_space<vmem>>)
    %dma_start3A_32 = arith.constant 0 : i32
    %dma_start3A_33 = arith.constant 0 : i32
    %dma_start3A_34 = tpu.memref_slice %arg6[%dma_start3A_32, %dma_start3A_33] : memref<8x128xi32, #tpu.memory_space<vmem>> -> memref<1x128xi32, #tpu.memory_space<vmem>>
    %dma_start3A_35 = tpu.memref_squeeze %dma_start3A_34 : memref<1x128xi32, #tpu.memory_space<vmem>> -> memref<128xi32, #tpu.memory_space<vmem>>
    %dma_start3A_36 = arith.constant 0 : i32
    %dma_start3A_37 = arith.constant 0 : i32
    %dma_start3A_38 = tpu.memref_slice %arg2[%dma_start3A_36, %dma_start3A_37] : memref<20480x128xf32, #tpu.memory_space<hbm>> -> memref<20480x128xf32, #tpu.memory_space<hbm>>
    tpu.enqueue_indirect_dma source(%dma_start3A_38 : memref<20480x128xf32, #tpu.memory_space<hbm>>) target(%arg10 : memref<128x128xf32, #tpu.memory_space<vmem>>) offsets(%dma_start3A_35 : memref<128xi32, #tpu.memory_space<vmem>>) semaphore(%arg13 : memref<!tpu.dma_semaphore, #tpu.memory_space<semaphore_mem>>)
    %scan3A_39 = arith.constant 0 : i32
    %scan3A_40 = arith.constant 5 : i32
    %scan3A_41 = arith.addi %scan3A_39, %scan3A_40 : i32
    %scan3A_42 = arith.constant 1 : i32
    scf.for %scan3A_50 = %scan3A_39 to %scan3A_41 step %scan3A_42  : i32 {
      %mul3A_51 = arith.constant 1 : i32
      %mul3A_52 = arith.muli %scan3A_50, %mul3A_51 : i32
      %add3A_53 = arith.constant 0 : i32
      %add3A_54 = arith.addi %add3A_53, %mul3A_52 : i32
      %mul3A_55 = arith.constant 2 : i32
      %mul3A_56 = arith.muli %mul3A_55, %add3A_54 : i32
      %add3A_57 = arith.constant 1 : i32
      %add3A_58 = arith.addi %mul3A_56, %add3A_57 : i32
      %mul3A_59 = arith.constant 8 : i32
      %mul3A_60 = arith.muli %add3A_58, %mul3A_59 : i32
      %add3A_61 = arith.addi %add3A_11, %mul3A_60 : i32
      %dma_start3A_62 = arith.constant 0 : i32
      %dma_start3A_63 = tpu.memref_slice %arg3[%add3A_61, %dma_start3A_62] : memref<2560x128xi32, #tpu.memory_space<hbm>> -> memref<8x128xi32, #tpu.memory_space<hbm>>
      %dma_start3A_64 = arith.constant 0 : i32
      %dma_start3A_65 = tpu.memref_slice %arg3[%add3A_61, %dma_start3A_64] : memref<2560x128xi32, #tpu.memory_space<hbm>> -> memref<8x128xi32, #tpu.memory_space<hbm>>
      tpu.enqueue_dma source(%dma_start3A_65 : memref<8x128xi32, #tpu.memory_space<hbm>>) target(%arg7 : memref<8x128xi32, #tpu.memory_space<vmem>>) target_semaphore(%arg16 : memref<!tpu.dma_semaphore, #tpu.memory_space<semaphore_mem>>)
      %mul3A_66 = arith.constant 8 : i32
      %mul3A_67 = arith.muli %add3A_58, %mul3A_66 : i32
      %add3A_68 = arith.addi %mul3A_13, %mul3A_67 : i32
      %dma_start3A_69 = arith.constant 0 : i32
      %dma_start3A_70 = tpu.memref_slice %arg4[%add3A_68, %dma_start3A_69] : memref<1280x128xi32, #tpu.memory_space<hbm>> -> memref<8x128xi32, #tpu.memory_space<hbm>>
      %dma_start3A_71 = arith.constant 0 : i32
      %dma_start3A_72 = tpu.memref_slice %arg4[%add3A_68, %dma_start3A_71] : memref<1280x128xi32, #tpu.memory_space<hbm>> -> memref<8x128xi32, #tpu.memory_space<hbm>>
      tpu.enqueue_dma source(%dma_start3A_72 : memref<8x128xi32, #tpu.memory_space<hbm>>) target(%arg9 : memref<8x128xi32, #tpu.memory_space<vmem>>) target_semaphore(%arg16 : memref<!tpu.dma_semaphore, #tpu.memory_space<semaphore_mem>>)
      %dma_wait3A_73 = arith.constant 0 : i32
      %dma_wait3A_74 = arith.constant 0 : i32
      %dma_wait3A_75 = tpu.memref_slice %arg6[%dma_wait3A_73, %dma_wait3A_74] : memref<8x128xi32, #tpu.memory_space<vmem>> -> memref<1x128xi32, #tpu.memory_space<vmem>>
      %dma_wait3A_76 = tpu.memref_squeeze %dma_wait3A_75 : memref<1x128xi32, #tpu.memory_space<vmem>> -> memref<128xi32, #tpu.memory_space<vmem>>
      %dma_wait3A_77 = arith.constant 0 : i32
      %dma_wait3A_78 = arith.constant 0 : i32
      %dma_wait3A_79 = tpu.memref_slice %arg2[%dma_wait3A_77, %dma_wait3A_78] : memref<20480x128xf32, #tpu.memory_space<hbm>> -> memref<20480x128xf32, #tpu.memory_space<hbm>>
      tpu.wait_indirect_dma semaphore(%arg13 : memref<!tpu.dma_semaphore, #tpu.memory_space<semaphore_mem>>) src(%dma_wait3A_79 : memref<20480x128xf32, #tpu.memory_space<hbm>>) dst(%arg10 : memref<128x128xf32, #tpu.memory_space<vmem>>)
      %dma_start3A_80 = arith.constant 1 : i32
      %dma_start3A_81 = arith.constant 0 : i32
      %dma_start3A_82 = tpu.memref_slice %arg6[%dma_start3A_80, %dma_start3A_81] : memref<8x128xi32, #tpu.memory_space<vmem>> -> memref<1x128xi32, #tpu.memory_space<vmem>>
      %dma_start3A_83 = tpu.memref_squeeze %dma_start3A_82 : memref<1x128xi32, #tpu.memory_space<vmem>> -> memref<128xi32, #tpu.memory_space<vmem>>
      %dma_start3A_84 = arith.constant 0 : i32
      %dma_start3A_85 = arith.constant 0 : i32
      %dma_start3A_86 = tpu.memref_slice %arg2[%dma_start3A_84, %dma_start3A_85] : memref<20480x128xf32, #tpu.memory_space<hbm>> -> memref<20480x128xf32, #tpu.memory_space<hbm>>
      tpu.enqueue_indirect_dma source(%dma_start3A_86 : memref<20480x128xf32, #tpu.memory_space<hbm>>) target(%arg11 : memref<128x128xf32, #tpu.memory_space<vmem>>) offsets(%dma_start3A_83 : memref<128xi32, #tpu.memory_space<vmem>>) semaphore(%arg14 : memref<!tpu.dma_semaphore, #tpu.memory_space<semaphore_mem>>)
      %run_scoped3A = arith.constant 0 : i32
      "tpu.region"() ({
        %run_scoped3A_320 = tpu.sem_alloc : memref<!tpu.dma_semaphore, #tpu.memory_space<semaphore_mem>>
        %dma_start3A_321 = arith.constant 0 : i32
        %dma_start3A_322 = tpu.memref_slice %arg8[%run_scoped3A, %dma_start3A_321] : memref<8x128xi32, #tpu.memory_space<vmem>> -> memref<1x128xi32, #tpu.memory_space<vmem>>
        %dma_start3A_323 = tpu.memref_squeeze %dma_start3A_322 : memref<1x128xi32, #tpu.memory_space<vmem>> -> memref<128xi32, #tpu.memory_space<vmem>>
        %dma_start3A_324 = arith.constant 0 : i32
        %dma_start3A_325 = arith.constant 0 : i32
        %dma_start3A_326 = tpu.memref_slice %arg12[%dma_start3A_324, %dma_start3A_325] : memref<10240x128xf32, #tpu.memory_space<vmem_shared>> -> memref<10240x128xf32, #tpu.memory_space<vmem_shared>>
        tpu.enqueue_indirect_dma source(%arg10 : memref<128x128xf32, #tpu.memory_space<vmem>>) target(%dma_start3A_326 : memref<10240x128xf32, #tpu.memory_space<vmem_shared>>) offsets(%dma_start3A_323 : memref<128xi32, #tpu.memory_space<vmem>>) semaphore(%run_scoped3A_320 : memref<!tpu.dma_semaphore, #tpu.memory_space<semaphore_mem>>) {add = true}
        %dma_wait3A_327 = arith.constant 0 : i32
        %dma_wait3A_328 = tpu.memref_slice %arg8[%run_scoped3A, %dma_wait3A_327] : memref<8x128xi32, #tpu.memory_space<vmem>> -> memref<1x128xi32, #tpu.memory_space<vmem>>
        %dma_wait3A_329 = tpu.memref_squeeze %dma_wait3A_328 : memref<1x128xi32, #tpu.memory_space<vmem>> -> memref<128xi32, #tpu.memory_space<vmem>>
        %dma_wait3A_330 = arith.constant 0 : i32
        %dma_wait3A_331 = arith.constant 0 : i32
        %dma_wait3A_332 = tpu.memref_slice %arg12[%dma_wait3A_330, %dma_wait3A_331] : memref<10240x128xf32, #tpu.memory_space<vmem_shared>> -> memref<10240x128xf32, #tpu.memory_space<vmem_shared>>
        tpu.wait_indirect_dma semaphore(%run_scoped3A_320 : memref<!tpu.dma_semaphore, #tpu.memory_space<semaphore_mem>>) src(%arg10 : memref<128x128xf32, #tpu.memory_space<vmem>>) dst(%dma_wait3A_332 : memref<10240x128xf32, #tpu.memory_space<vmem_shared>>)
        tpu.yield
      }) : () -> ()
      %dma_wait3A_87 = arith.constant 1 : i32
      %dma_wait3A_88 = arith.constant 0 : i32
      %dma_wait3A_89 = tpu.memref_slice %arg6[%dma_wait3A_87, %dma_wait3A_88] : memref<8x128xi32, #tpu.memory_space<vmem>> -> memref<1x128xi32, #tpu.memory_space<vmem>>
      %dma_wait3A_90 = tpu.memref_squeeze %dma_wait3A_89 : memref<1x128xi32, #tpu.memory_space<vmem>> -> memref<128xi32, #tpu.memory_space<vmem>>
      %dma_wait3A_91 = arith.constant 0 : i32
      %dma_wait3A_92 = arith.constant 0 : i32
      %dma_wait3A_93 = tpu.memref_slice %arg2[%dma_wait3A_91, %dma_wait3A_92] : memref<20480x128xf32, #tpu.memory_space<hbm>> -> memref<20480x128xf32, #tpu.memory_space<hbm>>
      tpu.wait_indirect_dma semaphore(%arg14 : memref<!tpu.dma_semaphore, #tpu.memory_space<semaphore_mem>>) src(%dma_wait3A_93 : memref<20480x128xf32, #tpu.memory_space<hbm>>) dst(%arg11 : memref<128x128xf32, #tpu.memory_space<vmem>>)
      %dma_start3A_94 = arith.constant 2 : i32
      %dma_start3A_95 = arith.constant 0 : i32
      %dma_start3A_96 = tpu.memref_slice %arg6[%dma_start3A_94, %dma_start3A_95] : memref<8x128xi32, #tpu.memory_space<vmem>> -> memref<1x128xi32, #tpu.memory_space<vmem>>
      %dma_start3A_97 = tpu.memref_squeeze %dma_start3A_96 : memref<1x128xi32, #tpu.memory_space<vmem>> -> memref<128xi32, #tpu.memory_space<vmem>>
      %dma_start3A_98 = arith.constant 0 : i32
      %dma_start3A_99 = arith.constant 0 : i32
      %dma_start3A_100 = tpu.memref_slice %arg2[%dma_start3A_98, %dma_start3A_99] : memref<20480x128xf32, #tpu.memory_space<hbm>> -> memref<20480x128xf32, #tpu.memory_space<hbm>>
      tpu.enqueue_indirect_dma source(%dma_start3A_100 : memref<20480x128xf32, #tpu.memory_space<hbm>>) target(%arg10 : memref<128x128xf32, #tpu.memory_space<vmem>>) offsets(%dma_start3A_97 : memref<128xi32, #tpu.memory_space<vmem>>) semaphore(%arg13 : memref<!tpu.dma_semaphore, #tpu.memory_space<semaphore_mem>>)
      %run_scoped3A_101 = arith.constant 1 : i32
      "tpu.region"() ({
        %run_scoped3A_320 = tpu.sem_alloc : memref<!tpu.dma_semaphore, #tpu.memory_space<semaphore_mem>>
        %dma_start3A_321 = arith.constant 0 : i32
        %dma_start3A_322 = tpu.memref_slice %arg8[%run_scoped3A_101, %dma_start3A_321] : memref<8x128xi32, #tpu.memory_space<vmem>> -> memref<1x128xi32, #tpu.memory_space<vmem>>
        %dma_start3A_323 = tpu.memref_squeeze %dma_start3A_322 : memref<1x128xi32, #tpu.memory_space<vmem>> -> memref<128xi32, #tpu.memory_space<vmem>>
        %dma_start3A_324 = arith.constant 0 : i32
        %dma_start3A_325 = arith.constant 0 : i32
        %dma_start3A_326 = tpu.memref_slice %arg12[%dma_start3A_324, %dma_start3A_325] : memref<10240x128xf32, #tpu.memory_space<vmem_shared>> -> memref<10240x128xf32, #tpu.memory_space<vmem_shared>>
        tpu.enqueue_indirect_dma source(%arg11 : memref<128x128xf32, #tpu.memory_space<vmem>>) target(%dma_start3A_326 : memref<10240x128xf32, #tpu.memory_space<vmem_shared>>) offsets(%dma_start3A_323 : memref<128xi32, #tpu.memory_space<vmem>>) semaphore(%run_scoped3A_320 : memref<!tpu.dma_semaphore, #tpu.memory_space<semaphore_mem>>) {add = true}
        %dma_wait3A_327 = arith.constant 0 : i32
        %dma_wait3A_328 = tpu.memref_slice %arg8[%run_scoped3A_101, %dma_wait3A_327] : memref<8x128xi32, #tpu.memory_space<vmem>> -> memref<1x128xi32, #tpu.memory_space<vmem>>
        %dma_wait3A_329 = tpu.memref_squeeze %dma_wait3A_328 : memref<1x128xi32, #tpu.memory_space<vmem>> -> memref<128xi32, #tpu.memory_space<vmem>>
        %dma_wait3A_330 = arith.constant 0 : i32
        %dma_wait3A_331 = arith.constant 0 : i32
        %dma_wait3A_332 = tpu.memref_slice %arg12[%dma_wait3A_330, %dma_wait3A_331] : memref<10240x128xf32, #tpu.memory_space<vmem_shared>> -> memref<10240x128xf32, #tpu.memory_space<vmem_shared>>
        tpu.wait_indirect_dma semaphore(%run_scoped3A_320 : memref<!tpu.dma_semaphore, #tpu.memory_space<semaphore_mem>>) src(%arg11 : memref<128x128xf32, #tpu.memory_space<vmem>>) dst(%dma_wait3A_332 : memref<10240x128xf32, #tpu.memory_space<vmem_shared>>)
        tpu.yield
      }) : () -> ()
      %dma_wait3A_102 = arith.constant 2 : i32
      %dma_wait3A_103 = arith.constant 0 : i32
      %dma_wait3A_104 = tpu.memref_slice %arg6[%dma_wait3A_102, %dma_wait3A_103] : memref<8x128xi32, #tpu.memory_space<vmem>> -> memref<1x128xi32, #tpu.memory_space<vmem>>
      %dma_wait3A_105 = tpu.memref_squeeze %dma_wait3A_104 : memref<1x128xi32, #tpu.memory_space<vmem>> -> memref<128xi32, #tpu.memory_space<vmem>>
      %dma_wait3A_106 = arith.constant 0 : i32
      %dma_wait3A_107 = arith.constant 0 : i32
      %dma_wait3A_108 = tpu.memref_slice %arg2[%dma_wait3A_106, %dma_wait3A_107] : memref<20480x128xf32, #tpu.memory_space<hbm>> -> memref<20480x128xf32, #tpu.memory_space<hbm>>
      tpu.wait_indirect_dma semaphore(%arg13 : memref<!tpu.dma_semaphore, #tpu.memory_space<semaphore_mem>>) src(%dma_wait3A_108 : memref<20480x128xf32, #tpu.memory_space<hbm>>) dst(%arg10 : memref<128x128xf32, #tpu.memory_space<vmem>>)
      %dma_start3A_109 = arith.constant 3 : i32
      %dma_start3A_110 = arith.constant 0 : i32
      %dma_start3A_111 = tpu.memref_slice %arg6[%dma_start3A_109, %dma_start3A_110] : memref<8x128xi32, #tpu.memory_space<vmem>> -> memref<1x128xi32, #tpu.memory_space<vmem>>
      %dma_start3A_112 = tpu.memref_squeeze %dma_start3A_111 : memref<1x128xi32, #tpu.memory_space<vmem>> -> memref<128xi32, #tpu.memory_space<vmem>>
      %dma_start3A_113 = arith.constant 0 : i32
      %dma_start3A_114 = arith.constant 0 : i32
      %dma_start3A_115 = tpu.memref_slice %arg2[%dma_start3A_113, %dma_start3A_114] : memref<20480x128xf32, #tpu.memory_space<hbm>> -> memref<20480x128xf32, #tpu.memory_space<hbm>>
      tpu.enqueue_indirect_dma source(%dma_start3A_115 : memref<20480x128xf32, #tpu.memory_space<hbm>>) target(%arg11 : memref<128x128xf32, #tpu.memory_space<vmem>>) offsets(%dma_start3A_112 : memref<128xi32, #tpu.memory_space<vmem>>) semaphore(%arg14 : memref<!tpu.dma_semaphore, #tpu.memory_space<semaphore_mem>>)
      %run_scoped3A_116 = arith.constant 2 : i32
      "tpu.region"() ({
        %run_scoped3A_320 = tpu.sem_alloc : memref<!tpu.dma_semaphore, #tpu.memory_space<semaphore_mem>>
        %dma_start3A_321 = arith.constant 0 : i32
        %dma_start3A_322 = tpu.memref_slice %arg8[%run_scoped3A_116, %dma_start3A_321] : memref<8x128xi32, #tpu.memory_space<vmem>> -> memref<1x128xi32, #tpu.memory_space<vmem>>
        %dma_start3A_323 = tpu.memref_squeeze %dma_start3A_322 : memref<1x128xi32, #tpu.memory_space<vmem>> -> memref<128xi32, #tpu.memory_space<vmem>>
        %dma_start3A_324 = arith.constant 0 : i32
        %dma_start3A_325 = arith.constant 0 : i32
        %dma_start3A_326 = tpu.memref_slice %arg12[%dma_start3A_324, %dma_start3A_325] : memref<10240x128xf32, #tpu.memory_space<vmem_shared>> -> memref<10240x128xf32, #tpu.memory_space<vmem_shared>>
        tpu.enqueue_indirect_dma source(%arg10 : memref<128x128xf32, #tpu.memory_space<vmem>>) target(%dma_start3A_326 : memref<10240x128xf32, #tpu.memory_space<vmem_shared>>) offsets(%dma_start3A_323 : memref<128xi32, #tpu.memory_space<vmem>>) semaphore(%run_scoped3A_320 : memref<!tpu.dma_semaphore, #tpu.memory_space<semaphore_mem>>) {add = true}
        %dma_wait3A_327 = arith.constant 0 : i32
        %dma_wait3A_328 = tpu.memref_slice %arg8[%run_scoped3A_116, %dma_wait3A_327] : memref<8x128xi32, #tpu.memory_space<vmem>> -> memref<1x128xi32, #tpu.memory_space<vmem>>
        %dma_wait3A_329 = tpu.memref_squeeze %dma_wait3A_328 : memref<1x128xi32, #tpu.memory_space<vmem>> -> memref<128xi32, #tpu.memory_space<vmem>>
        %dma_wait3A_330 = arith.constant 0 : i32
        %dma_wait3A_331 = arith.constant 0 : i32
        %dma_wait3A_332 = tpu.memref_slice %arg12[%dma_wait3A_330, %dma_wait3A_331] : memref<10240x128xf32, #tpu.memory_space<vmem_shared>> -> memref<10240x128xf32, #tpu.memory_space<vmem_shared>>
        tpu.wait_indirect_dma semaphore(%run_scoped3A_320 : memref<!tpu.dma_semaphore, #tpu.memory_space<semaphore_mem>>) src(%arg10 : memref<128x128xf32, #tpu.memory_space<vmem>>) dst(%dma_wait3A_332 : memref<10240x128xf32, #tpu.memory_space<vmem_shared>>)
        tpu.yield
      }) : () -> ()
      %dma_wait3A_117 = arith.constant 3 : i32
      %dma_wait3A_118 = arith.constant 0 : i32
      %dma_wait3A_119 = tpu.memref_slice %arg6[%dma_wait3A_117, %dma_wait3A_118] : memref<8x128xi32, #tpu.memory_space<vmem>> -> memref<1x128xi32, #tpu.memory_space<vmem>>
      %dma_wait3A_120 = tpu.memref_squeeze %dma_wait3A_119 : memref<1x128xi32, #tpu.memory_space<vmem>> -> memref<128xi32, #tpu.memory_space<vmem>>
      %dma_wait3A_121 = arith.constant 0 : i32
      %dma_wait3A_122 = arith.constant 0 : i32
      %dma_wait3A_123 = tpu.memref_slice %arg2[%dma_wait3A_121, %dma_wait3A_122] : memref<20480x128xf32, #tpu.memory_space<hbm>> -> memref<20480x128xf32, #tpu.memory_space<hbm>>
      tpu.wait_indirect_dma semaphore(%arg14 : memref<!tpu.dma_semaphore, #tpu.memory_space<semaphore_mem>>) src(%dma_wait3A_123 : memref<20480x128xf32, #tpu.memory_space<hbm>>) dst(%arg11 : memref<128x128xf32, #tpu.memory_space<vmem>>)
      %dma_start3A_124 = arith.constant 4 : i32
      %dma_start3A_125 = arith.constant 0 : i32
      %dma_start3A_126 = tpu.memref_slice %arg6[%dma_start3A_124, %dma_start3A_125] : memref<8x128xi32, #tpu.memory_space<vmem>> -> memref<1x128xi32, #tpu.memory_space<vmem>>
      %dma_start3A_127 = tpu.memref_squeeze %dma_start3A_126 : memref<1x128xi32, #tpu.memory_space<vmem>> -> memref<128xi32, #tpu.memory_space<vmem>>
      %dma_start3A_128 = arith.constant 0 : i32
      %dma_start3A_129 = arith.constant 0 : i32
      %dma_start3A_130 = tpu.memref_slice %arg2[%dma_start3A_128, %dma_start3A_129] : memref<20480x128xf32, #tpu.memory_space<hbm>> -> memref<20480x128xf32, #tpu.memory_space<hbm>>
      tpu.enqueue_indirect_dma source(%dma_start3A_130 : memref<20480x128xf32, #tpu.memory_space<hbm>>) target(%arg10 : memref<128x128xf32, #tpu.memory_space<vmem>>) offsets(%dma_start3A_127 : memref<128xi32, #tpu.memory_space<vmem>>) semaphore(%arg13 : memref<!tpu.dma_semaphore, #tpu.memory_space<semaphore_mem>>)
      %run_scoped3A_131 = arith.constant 3 : i32
      "tpu.region"() ({
        %run_scoped3A_320 = tpu.sem_alloc : memref<!tpu.dma_semaphore, #tpu.memory_space<semaphore_mem>>
        %dma_start3A_321 = arith.constant 0 : i32
        %dma_start3A_322 = tpu.memref_slice %arg8[%run_scoped3A_131, %dma_start3A_321] : memref<8x128xi32, #tpu.memory_space<vmem>> -> memref<1x128xi32, #tpu.memory_space<vmem>>
        %dma_start3A_323 = tpu.memref_squeeze %dma_start3A_322 : memref<1x128xi32, #tpu.memory_space<vmem>> -> memref<128xi32, #tpu.memory_space<vmem>>
        %dma_start3A_324 = arith.constant 0 : i32
        %dma_start3A_325 = arith.constant 0 : i32
        %dma_start3A_326 = tpu.memref_slice %arg12[%dma_start3A_324, %dma_start3A_325] : memref<10240x128xf32, #tpu.memory_space<vmem_shared>> -> memref<10240x128xf32, #tpu.memory_space<vmem_shared>>
        tpu.enqueue_indirect_dma source(%arg11 : memref<128x128xf32, #tpu.memory_space<vmem>>) target(%dma_start3A_326 : memref<10240x128xf32, #tpu.memory_space<vmem_shared>>) offsets(%dma_start3A_323 : memref<128xi32, #tpu.memory_space<vmem>>) semaphore(%run_scoped3A_320 : memref<!tpu.dma_semaphore, #tpu.memory_space<semaphore_mem>>) {add = true}
        %dma_wait3A_327 = arith.constant 0 : i32
        %dma_wait3A_328 = tpu.memref_slice %arg8[%run_scoped3A_131, %dma_wait3A_327] : memref<8x128xi32, #tpu.memory_space<vmem>> -> memref<1x128xi32, #tpu.memory_space<vmem>>
        %dma_wait3A_329 = tpu.memref_squeeze %dma_wait3A_328 : memref<1x128xi32, #tpu.memory_space<vmem>> -> memref<128xi32, #tpu.memory_space<vmem>>
        %dma_wait3A_330 = arith.constant 0 : i32
        %dma_wait3A_331 = arith.constant 0 : i32
        %dma_wait3A_332 = tpu.memref_slice %arg12[%dma_wait3A_330, %dma_wait3A_331] : memref<10240x128xf32, #tpu.memory_space<vmem_shared>> -> memref<10240x128xf32, #tpu.memory_space<vmem_shared>>
        tpu.wait_indirect_dma semaphore(%run_scoped3A_320 : memref<!tpu.dma_semaphore, #tpu.memory_space<semaphore_mem>>) src(%arg11 : memref<128x128xf32, #tpu.memory_space<vmem>>) dst(%dma_wait3A_332 : memref<10240x128xf32, #tpu.memory_space<vmem_shared>>)
        tpu.yield
      }) : () -> ()
      %dma_wait3A_132 = arith.constant 4 : i32
      %dma_wait3A_133 = arith.constant 0 : i32
      %dma_wait3A_134 = tpu.memref_slice %arg6[%dma_wait3A_132, %dma_wait3A_133] : memref<8x128xi32, #tpu.memory_space<vmem>> -> memref<1x128xi32, #tpu.memory_space<vmem>>
      %dma_wait3A_135 = tpu.memref_squeeze %dma_wait3A_134 : memref<1x128xi32, #tpu.memory_space<vmem>> -> memref<128xi32, #tpu.memory_space<vmem>>
      %dma_wait3A_136 = arith.constant 0 : i32
      %dma_wait3A_137 = arith.constant 0 : i32
      %dma_wait3A_138 = tpu.memref_slice %arg2[%dma_wait3A_136, %dma_wait3A_137] : memref<20480x128xf32, #tpu.memory_space<hbm>> -> memref<20480x128xf32, #tpu.memory_space<hbm>>
      tpu.wait_indirect_dma semaphore(%arg13 : memref<!tpu.dma_semaphore, #tpu.memory_space<semaphore_mem>>) src(%dma_wait3A_138 : memref<20480x128xf32, #tpu.memory_space<hbm>>) dst(%arg10 : memref<128x128xf32, #tpu.memory_space<vmem>>)
      %dma_start3A_139 = arith.constant 5 : i32
      %dma_start3A_140 = arith.constant 0 : i32
      %dma_start3A_141 = tpu.memref_slice %arg6[%dma_start3A_139, %dma_start3A_140] : memref<8x128xi32, #tpu.memory_space<vmem>> -> memref<1x128xi32, #tpu.memory_space<vmem>>
      %dma_start3A_142 = tpu.memref_squeeze %dma_start3A_141 : memref<1x128xi32, #tpu.memory_space<vmem>> -> memref<128xi32, #tpu.memory_space<vmem>>
      %dma_start3A_143 = arith.constant 0 : i32
      %dma_start3A_144 = arith.constant 0 : i32
      %dma_start3A_145 = tpu.memref_slice %arg2[%dma_start3A_143, %dma_start3A_144] : memref<20480x128xf32, #tpu.memory_space<hbm>> -> memref<20480x128xf32, #tpu.memory_space<hbm>>
      tpu.enqueue_indirect_dma source(%dma_start3A_145 : memref<20480x128xf32, #tpu.memory_space<hbm>>) target(%arg11 : memref<128x128xf32, #tpu.memory_space<vmem>>) offsets(%dma_start3A_142 : memref<128xi32, #tpu.memory_space<vmem>>) semaphore(%arg14 : memref<!tpu.dma_semaphore, #tpu.memory_space<semaphore_mem>>)
      %run_scoped3A_146 = arith.constant 4 : i32
      "tpu.region"() ({
        %run_scoped3A_320 = tpu.sem_alloc : memref<!tpu.dma_semaphore, #tpu.memory_space<semaphore_mem>>
        %dma_start3A_321 = arith.constant 0 : i32
        %dma_start3A_322 = tpu.memref_slice %arg8[%run_scoped3A_146, %dma_start3A_321] : memref<8x128xi32, #tpu.memory_space<vmem>> -> memref<1x128xi32, #tpu.memory_space<vmem>>
        %dma_start3A_323 = tpu.memref_squeeze %dma_start3A_322 : memref<1x128xi32, #tpu.memory_space<vmem>> -> memref<128xi32, #tpu.memory_space<vmem>>
        %dma_start3A_324 = arith.constant 0 : i32
        %dma_start3A_325 = arith.constant 0 : i32
        %dma_start3A_326 = tpu.memref_slice %arg12[%dma_start3A_324, %dma_start3A_325] : memref<10240x128xf32, #tpu.memory_space<vmem_shared>> -> memref<10240x128xf32, #tpu.memory_space<vmem_shared>>
        tpu.enqueue_indirect_dma source(%arg10 : memref<128x128xf32, #tpu.memory_space<vmem>>) target(%dma_start3A_326 : memref<10240x128xf32, #tpu.memory_space<vmem_shared>>) offsets(%dma_start3A_323 : memref<128xi32, #tpu.memory_space<vmem>>) semaphore(%run_scoped3A_320 : memref<!tpu.dma_semaphore, #tpu.memory_space<semaphore_mem>>) {add = true}
        %dma_wait3A_327 = arith.constant 0 : i32
        %dma_wait3A_328 = tpu.memref_slice %arg8[%run_scoped3A_146, %dma_wait3A_327] : memref<8x128xi32, #tpu.memory_space<vmem>> -> memref<1x128xi32, #tpu.memory_space<vmem>>
        %dma_wait3A_329 = tpu.memref_squeeze %dma_wait3A_328 : memref<1x128xi32, #tpu.memory_space<vmem>> -> memref<128xi32, #tpu.memory_space<vmem>>
        %dma_wait3A_330 = arith.constant 0 : i32
        %dma_wait3A_331 = arith.constant 0 : i32
        %dma_wait3A_332 = tpu.memref_slice %arg12[%dma_wait3A_330, %dma_wait3A_331] : memref<10240x128xf32, #tpu.memory_space<vmem_shared>> -> memref<10240x128xf32, #tpu.memory_space<vmem_shared>>
        tpu.wait_indirect_dma semaphore(%run_scoped3A_320 : memref<!tpu.dma_semaphore, #tpu.memory_space<semaphore_mem>>) src(%arg10 : memref<128x128xf32, #tpu.memory_space<vmem>>) dst(%dma_wait3A_332 : memref<10240x128xf32, #tpu.memory_space<vmem_shared>>)
        tpu.yield
      }) : () -> ()
      %dma_wait3A_147 = arith.constant 5 : i32
      %dma_wait3A_148 = arith.constant 0 : i32
      %dma_wait3A_149 = tpu.memref_slice %arg6[%dma_wait3A_147, %dma_wait3A_148] : memref<8x128xi32, #tpu.memory_space<vmem>> -> memref<1x128xi32, #tpu.memory_space<vmem>>
      %dma_wait3A_150 = tpu.memref_squeeze %dma_wait3A_149 : memref<1x128xi32, #tpu.memory_space<vmem>> -> memref<128xi32, #tpu.memory_space<vmem>>
      %dma_wait3A_151 = arith.constant 0 : i32
      %dma_wait3A_152 = arith.constant 0 : i32
      %dma_wait3A_153 = tpu.memref_slice %arg2[%dma_wait3A_151, %dma_wait3A_152] : memref<20480x128xf32, #tpu.memory_space<hbm>> -> memref<20480x128xf32, #tpu.memory_space<hbm>>
      tpu.wait_indirect_dma semaphore(%arg14 : memref<!tpu.dma_semaphore, #tpu.memory_space<semaphore_mem>>) src(%dma_wait3A_153 : memref<20480x128xf32, #tpu.memory_space<hbm>>) dst(%arg11 : memref<128x128xf32, #tpu.memory_space<vmem>>)
      %dma_start3A_154 = arith.constant 6 : i32
      %dma_start3A_155 = arith.constant 0 : i32
      %dma_start3A_156 = tpu.memref_slice %arg6[%dma_start3A_154, %dma_start3A_155] : memref<8x128xi32, #tpu.memory_space<vmem>> -> memref<1x128xi32, #tpu.memory_space<vmem>>
      %dma_start3A_157 = tpu.memref_squeeze %dma_start3A_156 : memref<1x128xi32, #tpu.memory_space<vmem>> -> memref<128xi32, #tpu.memory_space<vmem>>
      %dma_start3A_158 = arith.constant 0 : i32
      %dma_start3A_159 = arith.constant 0 : i32
      %dma_start3A_160 = tpu.memref_slice %arg2[%dma_start3A_158, %dma_start3A_159] : memref<20480x128xf32, #tpu.memory_space<hbm>> -> memref<20480x128xf32, #tpu.memory_space<hbm>>
      tpu.enqueue_indirect_dma source(%dma_start3A_160 : memref<20480x128xf32, #tpu.memory_space<hbm>>) target(%arg10 : memref<128x128xf32, #tpu.memory_space<vmem>>) offsets(%dma_start3A_157 : memref<128xi32, #tpu.memory_space<vmem>>) semaphore(%arg13 : memref<!tpu.dma_semaphore, #tpu.memory_space<semaphore_mem>>)
      %run_scoped3A_161 = arith.constant 5 : i32
      "tpu.region"() ({
        %run_scoped3A_320 = tpu.sem_alloc : memref<!tpu.dma_semaphore, #tpu.memory_space<semaphore_mem>>
        %dma_start3A_321 = arith.constant 0 : i32
        %dma_start3A_322 = tpu.memref_slice %arg8[%run_scoped3A_161, %dma_start3A_321] : memref<8x128xi32, #tpu.memory_space<vmem>> -> memref<1x128xi32, #tpu.memory_space<vmem>>
        %dma_start3A_323 = tpu.memref_squeeze %dma_start3A_322 : memref<1x128xi32, #tpu.memory_space<vmem>> -> memref<128xi32, #tpu.memory_space<vmem>>
        %dma_start3A_324 = arith.constant 0 : i32
        %dma_start3A_325 = arith.constant 0 : i32
        %dma_start3A_326 = tpu.memref_slice %arg12[%dma_start3A_324, %dma_start3A_325] : memref<10240x128xf32, #tpu.memory_space<vmem_shared>> -> memref<10240x128xf32, #tpu.memory_space<vmem_shared>>
        tpu.enqueue_indirect_dma source(%arg11 : memref<128x128xf32, #tpu.memory_space<vmem>>) target(%dma_start3A_326 : memref<10240x128xf32, #tpu.memory_space<vmem_shared>>) offsets(%dma_start3A_323 : memref<128xi32, #tpu.memory_space<vmem>>) semaphore(%run_scoped3A_320 : memref<!tpu.dma_semaphore, #tpu.memory_space<semaphore_mem>>) {add = true}
        %dma_wait3A_327 = arith.constant 0 : i32
        %dma_wait3A_328 = tpu.memref_slice %arg8[%run_scoped3A_161, %dma_wait3A_327] : memref<8x128xi32, #tpu.memory_space<vmem>> -> memref<1x128xi32, #tpu.memory_space<vmem>>
        %dma_wait3A_329 = tpu.memref_squeeze %dma_wait3A_328 : memref<1x128xi32, #tpu.memory_space<vmem>> -> memref<128xi32, #tpu.memory_space<vmem>>
        %dma_wait3A_330 = arith.constant 0 : i32
        %dma_wait3A_331 = arith.constant 0 : i32
        %dma_wait3A_332 = tpu.memref_slice %arg12[%dma_wait3A_330, %dma_wait3A_331] : memref<10240x128xf32, #tpu.memory_space<vmem_shared>> -> memref<10240x128xf32, #tpu.memory_space<vmem_shared>>
        tpu.wait_indirect_dma semaphore(%run_scoped3A_320 : memref<!tpu.dma_semaphore, #tpu.memory_space<semaphore_mem>>) src(%arg11 : memref<128x128xf32, #tpu.memory_space<vmem>>) dst(%dma_wait3A_332 : memref<10240x128xf32, #tpu.memory_space<vmem_shared>>)
        tpu.yield
      }) : () -> ()
      %dma_wait3A_162 = arith.constant 6 : i32
      %dma_wait3A_163 = arith.constant 0 : i32
      %dma_wait3A_164 = tpu.memref_slice %arg6[%dma_wait3A_162, %dma_wait3A_163] : memref<8x128xi32, #tpu.memory_space<vmem>> -> memref<1x128xi32, #tpu.memory_space<vmem>>
      %dma_wait3A_165 = tpu.memref_squeeze %dma_wait3A_164 : memref<1x128xi32, #tpu.memory_space<vmem>> -> memref<128xi32, #tpu.memory_space<vmem>>
      %dma_wait3A_166 = arith.constant 0 : i32
      %dma_wait3A_167 = arith.constant 0 : i32
      %dma_wait3A_168 = tpu.memref_slice %arg2[%dma_wait3A_166, %dma_wait3A_167] : memref<20480x128xf32, #tpu.memory_space<hbm>> -> memref<20480x128xf32, #tpu.memory_space<hbm>>
      tpu.wait_indirect_dma semaphore(%arg13 : memref<!tpu.dma_semaphore, #tpu.memory_space<semaphore_mem>>) src(%dma_wait3A_168 : memref<20480x128xf32, #tpu.memory_space<hbm>>) dst(%arg10 : memref<128x128xf32, #tpu.memory_space<vmem>>)
      %dma_start3A_169 = arith.constant 7 : i32
      %dma_start3A_170 = arith.constant 0 : i32
      %dma_start3A_171 = tpu.memref_slice %arg6[%dma_start3A_169, %dma_start3A_170] : memref<8x128xi32, #tpu.memory_space<vmem>> -> memref<1x128xi32, #tpu.memory_space<vmem>>
      %dma_start3A_172 = tpu.memref_squeeze %dma_start3A_171 : memref<1x128xi32, #tpu.memory_space<vmem>> -> memref<128xi32, #tpu.memory_space<vmem>>
      %dma_start3A_173 = arith.constant 0 : i32
      %dma_start3A_174 = arith.constant 0 : i32
      %dma_start3A_175 = tpu.memref_slice %arg2[%dma_start3A_173, %dma_start3A_174] : memref<20480x128xf32, #tpu.memory_space<hbm>> -> memref<20480x128xf32, #tpu.memory_space<hbm>>
      tpu.enqueue_indirect_dma source(%dma_start3A_175 : memref<20480x128xf32, #tpu.memory_space<hbm>>) target(%arg11 : memref<128x128xf32, #tpu.memory_space<vmem>>) offsets(%dma_start3A_172 : memref<128xi32, #tpu.memory_space<vmem>>) semaphore(%arg14 : memref<!tpu.dma_semaphore, #tpu.memory_space<semaphore_mem>>)
      %run_scoped3A_176 = arith.constant 6 : i32
      "tpu.region"() ({
        %run_scoped3A_320 = tpu.sem_alloc : memref<!tpu.dma_semaphore, #tpu.memory_space<semaphore_mem>>
        %dma_start3A_321 = arith.constant 0 : i32
        %dma_start3A_322 = tpu.memref_slice %arg8[%run_scoped3A_176, %dma_start3A_321] : memref<8x128xi32, #tpu.memory_space<vmem>> -> memref<1x128xi32, #tpu.memory_space<vmem>>
        %dma_start3A_323 = tpu.memref_squeeze %dma_start3A_322 : memref<1x128xi32, #tpu.memory_space<vmem>> -> memref<128xi32, #tpu.memory_space<vmem>>
        %dma_start3A_324 = arith.constant 0 : i32
        %dma_start3A_325 = arith.constant 0 : i32
        %dma_start3A_326 = tpu.memref_slice %arg12[%dma_start3A_324, %dma_start3A_325] : memref<10240x128xf32, #tpu.memory_space<vmem_shared>> -> memref<10240x128xf32, #tpu.memory_space<vmem_shared>>
        tpu.enqueue_indirect_dma source(%arg10 : memref<128x128xf32, #tpu.memory_space<vmem>>) target(%dma_start3A_326 : memref<10240x128xf32, #tpu.memory_space<vmem_shared>>) offsets(%dma_start3A_323 : memref<128xi32, #tpu.memory_space<vmem>>) semaphore(%run_scoped3A_320 : memref<!tpu.dma_semaphore, #tpu.memory_space<semaphore_mem>>) {add = true}
        %dma_wait3A_327 = arith.constant 0 : i32
        %dma_wait3A_328 = tpu.memref_slice %arg8[%run_scoped3A_176, %dma_wait3A_327] : memref<8x128xi32, #tpu.memory_space<vmem>> -> memref<1x128xi32, #tpu.memory_space<vmem>>
        %dma_wait3A_329 = tpu.memref_squeeze %dma_wait3A_328 : memref<1x128xi32, #tpu.memory_space<vmem>> -> memref<128xi32, #tpu.memory_space<vmem>>
        %dma_wait3A_330 = arith.constant 0 : i32
        %dma_wait3A_331 = arith.constant 0 : i32
        %dma_wait3A_332 = tpu.memref_slice %arg12[%dma_wait3A_330, %dma_wait3A_331] : memref<10240x128xf32, #tpu.memory_space<vmem_shared>> -> memref<10240x128xf32, #tpu.memory_space<vmem_shared>>
        tpu.wait_indirect_dma semaphore(%run_scoped3A_320 : memref<!tpu.dma_semaphore, #tpu.memory_space<semaphore_mem>>) src(%arg10 : memref<128x128xf32, #tpu.memory_space<vmem>>) dst(%dma_wait3A_332 : memref<10240x128xf32, #tpu.memory_space<vmem_shared>>)
        tpu.yield
      }) : () -> ()
      %dma_wait3A_177 = arith.constant 7 : i32
      %dma_wait3A_178 = arith.constant 0 : i32
      %dma_wait3A_179 = tpu.memref_slice %arg6[%dma_wait3A_177, %dma_wait3A_178] : memref<8x128xi32, #tpu.memory_space<vmem>> -> memref<1x128xi32, #tpu.memory_space<vmem>>
      %dma_wait3A_180 = tpu.memref_squeeze %dma_wait3A_179 : memref<1x128xi32, #tpu.memory_space<vmem>> -> memref<128xi32, #tpu.memory_space<vmem>>
      %dma_wait3A_181 = arith.constant 0 : i32
      %dma_wait3A_182 = arith.constant 0 : i32
      %dma_wait3A_183 = tpu.memref_slice %arg2[%dma_wait3A_181, %dma_wait3A_182] : memref<20480x128xf32, #tpu.memory_space<hbm>> -> memref<20480x128xf32, #tpu.memory_space<hbm>>
      tpu.wait_indirect_dma semaphore(%arg14 : memref<!tpu.dma_semaphore, #tpu.memory_space<semaphore_mem>>) src(%dma_wait3A_183 : memref<20480x128xf32, #tpu.memory_space<hbm>>) dst(%arg11 : memref<128x128xf32, #tpu.memory_space<vmem>>)
      %dma_wait3A_184 = arith.constant 0 : i32
      %dma_wait3A_185 = tpu.memref_slice %arg3[%add3A_11, %dma_wait3A_184] : memref<2560x128xi32, #tpu.memory_space<hbm>> -> memref<8x128xi32, #tpu.memory_space<hbm>>
      %dma_wait3A_186 = arith.constant 0 : i32
      %dma_wait3A_187 = tpu.memref_slice %arg3[%add3A_11, %dma_wait3A_186] : memref<2560x128xi32, #tpu.memory_space<hbm>> -> memref<8x128xi32, #tpu.memory_space<hbm>>
      tpu.wait_dma2 semaphore(%arg16 : memref<!tpu.dma_semaphore, #tpu.memory_space<semaphore_mem>>) src(%dma_wait3A_187 : memref<8x128xi32, #tpu.memory_space<hbm>>) dst(%arg7 : memref<8x128xi32, #tpu.memory_space<vmem>>)
      %dma_wait3A_188 = arith.constant 0 : i32
      %dma_wait3A_189 = tpu.memref_slice %arg4[%mul3A_13, %dma_wait3A_188] : memref<1280x128xi32, #tpu.memory_space<hbm>> -> memref<8x128xi32, #tpu.memory_space<hbm>>
      %dma_wait3A_190 = arith.constant 0 : i32
      %dma_wait3A_191 = tpu.memref_slice %arg4[%mul3A_13, %dma_wait3A_190] : memref<1280x128xi32, #tpu.memory_space<hbm>> -> memref<8x128xi32, #tpu.memory_space<hbm>>
      tpu.wait_dma2 semaphore(%arg16 : memref<!tpu.dma_semaphore, #tpu.memory_space<semaphore_mem>>) src(%dma_wait3A_191 : memref<8x128xi32, #tpu.memory_space<hbm>>) dst(%arg9 : memref<8x128xi32, #tpu.memory_space<vmem>>)
      %dma_start3A_192 = arith.constant 0 : i32
      %dma_start3A_193 = arith.constant 0 : i32
      %dma_start3A_194 = tpu.memref_slice %arg7[%dma_start3A_192, %dma_start3A_193] : memref<8x128xi32, #tpu.memory_space<vmem>> -> memref<1x128xi32, #tpu.memory_space<vmem>>
      %dma_start3A_195 = tpu.memref_squeeze %dma_start3A_194 : memref<1x128xi32, #tpu.memory_space<vmem>> -> memref<128xi32, #tpu.memory_space<vmem>>
      %dma_start3A_196 = arith.constant 0 : i32
      %dma_start3A_197 = arith.constant 0 : i32
      %dma_start3A_198 = tpu.memref_slice %arg2[%dma_start3A_196, %dma_start3A_197] : memref<20480x128xf32, #tpu.memory_space<hbm>> -> memref<20480x128xf32, #tpu.memory_space<hbm>>
      tpu.enqueue_indirect_dma source(%dma_start3A_198 : memref<20480x128xf32, #tpu.memory_space<hbm>>) target(%arg10 : memref<128x128xf32, #tpu.memory_space<vmem>>) offsets(%dma_start3A_195 : memref<128xi32, #tpu.memory_space<vmem>>) semaphore(%arg13 : memref<!tpu.dma_semaphore, #tpu.memory_space<semaphore_mem>>)
      %run_scoped3A_199 = arith.constant 7 : i32
      "tpu.region"() ({
        %run_scoped3A_320 = tpu.sem_alloc : memref<!tpu.dma_semaphore, #tpu.memory_space<semaphore_mem>>
        %dma_start3A_321 = arith.constant 0 : i32
        %dma_start3A_322 = tpu.memref_slice %arg8[%run_scoped3A_199, %dma_start3A_321] : memref<8x128xi32, #tpu.memory_space<vmem>> -> memref<1x128xi32, #tpu.memory_space<vmem>>
        %dma_start3A_323 = tpu.memref_squeeze %dma_start3A_322 : memref<1x128xi32, #tpu.memory_space<vmem>> -> memref<128xi32, #tpu.memory_space<vmem>>
        %dma_start3A_324 = arith.constant 0 : i32
        %dma_start3A_325 = arith.constant 0 : i32
        %dma_start3A_326 = tpu.memref_slice %arg12[%dma_start3A_324, %dma_start3A_325] : memref<10240x128xf32, #tpu.memory_space<vmem_shared>> -> memref<10240x128xf32, #tpu.memory_space<vmem_shared>>
        tpu.enqueue_indirect_dma source(%arg11 : memref<128x128xf32, #tpu.memory_space<vmem>>) target(%dma_start3A_326 : memref<10240x128xf32, #tpu.memory_space<vmem_shared>>) offsets(%dma_start3A_323 : memref<128xi32, #tpu.memory_space<vmem>>) semaphore(%run_scoped3A_320 : memref<!tpu.dma_semaphore, #tpu.memory_space<semaphore_mem>>) {add = true}
        %dma_wait3A_327 = arith.constant 0 : i32
        %dma_wait3A_328 = tpu.memref_slice %arg8[%run_scoped3A_199, %dma_wait3A_327] : memref<8x128xi32, #tpu.memory_space<vmem>> -> memref<1x128xi32, #tpu.memory_space<vmem>>
        %dma_wait3A_329 = tpu.memref_squeeze %dma_wait3A_328 : memref<1x128xi32, #tpu.memory_space<vmem>> -> memref<128xi32, #tpu.memory_space<vmem>>
        %dma_wait3A_330 = arith.constant 0 : i32
        %dma_wait3A_331 = arith.constant 0 : i32
        %dma_wait3A_332 = tpu.memref_slice %arg12[%dma_wait3A_330, %dma_wait3A_331] : memref<10240x128xf32, #tpu.memory_space<vmem_shared>> -> memref<10240x128xf32, #tpu.memory_space<vmem_shared>>
        tpu.wait_indirect_dma semaphore(%run_scoped3A_320 : memref<!tpu.dma_semaphore, #tpu.memory_space<semaphore_mem>>) src(%arg11 : memref<128x128xf32, #tpu.memory_space<vmem>>) dst(%dma_wait3A_332 : memref<10240x128xf32, #tpu.memory_space<vmem_shared>>)
        tpu.yield
      }) : () -> ()
      %lt3A = arith.constant 4 : i32
      %lt3A_200 = arith.cmpi slt, %add3A_54, %lt3A : i32
      %convert_element_type3A = arith.extui %lt3A_200 : i1 to i32
      %cond3A = arith.constant 0 : i32
      %cond3A_201 = arith.cmpi ne, %convert_element_type3A, %cond3A : i32
      scf.if %cond3A_201 {
        %mul3A_320 = arith.constant 2 : i32
        %mul3A_321 = arith.muli %mul3A_320, %add3A_54 : i32
        %add3A_322 = arith.constant 2 : i32
        %add3A_323 = arith.addi %mul3A_321, %add3A_322 : i32
        %mul3A_324 = arith.constant 8 : i32
        %mul3A_325 = arith.muli %add3A_323, %mul3A_324 : i32
        %add3A_326 = arith.addi %add3A_11, %mul3A_325 : i32
        %dma_start3A_327 = arith.constant 0 : i32
        %dma_start3A_328 = tpu.memref_slice %arg3[%add3A_326, %dma_start3A_327] : memref<2560x128xi32, #tpu.memory_space<hbm>> -> memref<8x128xi32, #tpu.memory_space<hbm>>
        %dma_start3A_329 = arith.constant 0 : i32
        %dma_start3A_330 = tpu.memref_slice %arg3[%add3A_326, %dma_start3A_329] : memref<2560x128xi32, #tpu.memory_space<hbm>> -> memref<8x128xi32, #tpu.memory_space<hbm>>
        tpu.enqueue_dma source(%dma_start3A_330 : memref<8x128xi32, #tpu.memory_space<hbm>>) target(%arg6 : memref<8x128xi32, #tpu.memory_space<vmem>>) target_semaphore(%arg15 : memref<!tpu.dma_semaphore, #tpu.memory_space<semaphore_mem>>)
        %mul3A_331 = arith.constant 8 : i32
        %mul3A_332 = arith.muli %add3A_323, %mul3A_331 : i32
        %add3A_333 = arith.addi %mul3A_13, %mul3A_332 : i32
        %dma_start3A_334 = arith.constant 0 : i32
        %dma_start3A_335 = tpu.memref_slice %arg4[%add3A_333, %dma_start3A_334] : memref<1280x128xi32, #tpu.memory_space<hbm>> -> memref<8x128xi32, #tpu.memory_space<hbm>>
        %dma_start3A_336 = arith.constant 0 : i32
        %dma_start3A_337 = tpu.memref_slice %arg4[%add3A_333, %dma_start3A_336] : memref<1280x128xi32, #tpu.memory_space<hbm>> -> memref<8x128xi32, #tpu.memory_space<hbm>>
        tpu.enqueue_dma source(%dma_start3A_337 : memref<8x128xi32, #tpu.memory_space<hbm>>) target(%arg8 : memref<8x128xi32, #tpu.memory_space<vmem>>) target_semaphore(%arg15 : memref<!tpu.dma_semaphore, #tpu.memory_space<semaphore_mem>>)
      } else {
      }
      %dma_wait3A_202 = arith.constant 0 : i32
      %dma_wait3A_203 = arith.constant 0 : i32
      %dma_wait3A_204 = tpu.memref_slice %arg7[%dma_wait3A_202, %dma_wait3A_203] : memref<8x128xi32, #tpu.memory_space<vmem>> -> memref<1x128xi32, #tpu.memory_space<vmem>>
      %dma_wait3A_205 = tpu.memref_squeeze %dma_wait3A_204 : memref<1x128xi32, #tpu.memory_space<vmem>> -> memref<128xi32, #tpu.memory_space<vmem>>
      %dma_wait3A_206 = arith.constant 0 : i32
      %dma_wait3A_207 = arith.constant 0 : i32
      %dma_wait3A_208 = tpu.memref_slice %arg2[%dma_wait3A_206, %dma_wait3A_207] : memref<20480x128xf32, #tpu.memory_space<hbm>> -> memref<20480x128xf32, #tpu.memory_space<hbm>>
      tpu.wait_indirect_dma semaphore(%arg13 : memref<!tpu.dma_semaphore, #tpu.memory_space<semaphore_mem>>) src(%dma_wait3A_208 : memref<20480x128xf32, #tpu.memory_space<hbm>>) dst(%arg10 : memref<128x128xf32, #tpu.memory_space<vmem>>)
      %dma_start3A_209 = arith.constant 1 : i32
      %dma_start3A_210 = arith.constant 0 : i32
      %dma_start3A_211 = tpu.memref_slice %arg7[%dma_start3A_209, %dma_start3A_210] : memref<8x128xi32, #tpu.memory_space<vmem>> -> memref<1x128xi32, #tpu.memory_space<vmem>>
      %dma_start3A_212 = tpu.memref_squeeze %dma_start3A_211 : memref<1x128xi32, #tpu.memory_space<vmem>> -> memref<128xi32, #tpu.memory_space<vmem>>
      %dma_start3A_213 = arith.constant 0 : i32
      %dma_start3A_214 = arith.constant 0 : i32
      %dma_start3A_215 = tpu.memref_slice %arg2[%dma_start3A_213, %dma_start3A_214] : memref<20480x128xf32, #tpu.memory_space<hbm>> -> memref<20480x128xf32, #tpu.memory_space<hbm>>
      tpu.enqueue_indirect_dma source(%dma_start3A_215 : memref<20480x128xf32, #tpu.memory_space<hbm>>) target(%arg11 : memref<128x128xf32, #tpu.memory_space<vmem>>) offsets(%dma_start3A_212 : memref<128xi32, #tpu.memory_space<vmem>>) semaphore(%arg14 : memref<!tpu.dma_semaphore, #tpu.memory_space<semaphore_mem>>)
      %run_scoped3A_216 = arith.constant 0 : i32
      "tpu.region"() ({
        %run_scoped3A_320 = tpu.sem_alloc : memref<!tpu.dma_semaphore, #tpu.memory_space<semaphore_mem>>
        %dma_start3A_321 = arith.constant 0 : i32
        %dma_start3A_322 = tpu.memref_slice %arg9[%run_scoped3A_216, %dma_start3A_321] : memref<8x128xi32, #tpu.memory_space<vmem>> -> memref<1x128xi32, #tpu.memory_space<vmem>>
        %dma_start3A_323 = tpu.memref_squeeze %dma_start3A_322 : memref<1x128xi32, #tpu.memory_space<vmem>> -> memref<128xi32, #tpu.memory_space<vmem>>
        %dma_start3A_324 = arith.constant 0 : i32
        %dma_start3A_325 = arith.constant 0 : i32
        %dma_start3A_326 = tpu.memref_slice %arg12[%dma_start3A_324, %dma_start3A_325] : memref<10240x128xf32, #tpu.memory_space<vmem_shared>> -> memref<10240x128xf32, #tpu.memory_space<vmem_shared>>
        tpu.enqueue_indirect_dma source(%arg10 : memref<128x128xf32, #tpu.memory_space<vmem>>) target(%dma_start3A_326 : memref<10240x128xf32, #tpu.memory_space<vmem_shared>>) offsets(%dma_start3A_323 : memref<128xi32, #tpu.memory_space<vmem>>) semaphore(%run_scoped3A_320 : memref<!tpu.dma_semaphore, #tpu.memory_space<semaphore_mem>>) {add = true}
        %dma_wait3A_327 = arith.constant 0 : i32
        %dma_wait3A_328 = tpu.memref_slice %arg9[%run_scoped3A_216, %dma_wait3A_327] : memref<8x128xi32, #tpu.memory_space<vmem>> -> memref<1x128xi32, #tpu.memory_space<vmem>>
        %dma_wait3A_329 = tpu.memref_squeeze %dma_wait3A_328 : memref<1x128xi32, #tpu.memory_space<vmem>> -> memref<128xi32, #tpu.memory_space<vmem>>
        %dma_wait3A_330 = arith.constant 0 : i32
        %dma_wait3A_331 = arith.constant 0 : i32
        %dma_wait3A_332 = tpu.memref_slice %arg12[%dma_wait3A_330, %dma_wait3A_331] : memref<10240x128xf32, #tpu.memory_space<vmem_shared>> -> memref<10240x128xf32, #tpu.memory_space<vmem_shared>>
        tpu.wait_indirect_dma semaphore(%run_scoped3A_320 : memref<!tpu.dma_semaphore, #tpu.memory_space<semaphore_mem>>) src(%arg10 : memref<128x128xf32, #tpu.memory_space<vmem>>) dst(%dma_wait3A_332 : memref<10240x128xf32, #tpu.memory_space<vmem_shared>>)
        tpu.yield
      }) : () -> ()
      %dma_wait3A_217 = arith.constant 1 : i32
      %dma_wait3A_218 = arith.constant 0 : i32
      %dma_wait3A_219 = tpu.memref_slice %arg7[%dma_wait3A_217, %dma_wait3A_218] : memref<8x128xi32, #tpu.memory_space<vmem>> -> memref<1x128xi32, #tpu.memory_space<vmem>>
      %dma_wait3A_220 = tpu.memref_squeeze %dma_wait3A_219 : memref<1x128xi32, #tpu.memory_space<vmem>> -> memref<128xi32, #tpu.memory_space<vmem>>
      %dma_wait3A_221 = arith.constant 0 : i32
      %dma_wait3A_222 = arith.constant 0 : i32
      %dma_wait3A_223 = tpu.memref_slice %arg2[%dma_wait3A_221, %dma_wait3A_222] : memref<20480x128xf32, #tpu.memory_space<hbm>> -> memref<20480x128xf32, #tpu.memory_space<hbm>>
      tpu.wait_indirect_dma semaphore(%arg14 : memref<!tpu.dma_semaphore, #tpu.memory_space<semaphore_mem>>) src(%dma_wait3A_223 : memref<20480x128xf32, #tpu.memory_space<hbm>>) dst(%arg11 : memref<128x128xf32, #tpu.memory_space<vmem>>)
      %dma_start3A_224 = arith.constant 2 : i32
      %dma_start3A_225 = arith.constant 0 : i32
      %dma_start3A_226 = tpu.memref_slice %arg7[%dma_start3A_224, %dma_start3A_225] : memref<8x128xi32, #tpu.memory_space<vmem>> -> memref<1x128xi32, #tpu.memory_space<vmem>>
      %dma_start3A_227 = tpu.memref_squeeze %dma_start3A_226 : memref<1x128xi32, #tpu.memory_space<vmem>> -> memref<128xi32, #tpu.memory_space<vmem>>
      %dma_start3A_228 = arith.constant 0 : i32
      %dma_start3A_229 = arith.constant 0 : i32
      %dma_start3A_230 = tpu.memref_slice %arg2[%dma_start3A_228, %dma_start3A_229] : memref<20480x128xf32, #tpu.memory_space<hbm>> -> memref<20480x128xf32, #tpu.memory_space<hbm>>
      tpu.enqueue_indirect_dma source(%dma_start3A_230 : memref<20480x128xf32, #tpu.memory_space<hbm>>) target(%arg10 : memref<128x128xf32, #tpu.memory_space<vmem>>) offsets(%dma_start3A_227 : memref<128xi32, #tpu.memory_space<vmem>>) semaphore(%arg13 : memref<!tpu.dma_semaphore, #tpu.memory_space<semaphore_mem>>)
      %run_scoped3A_231 = arith.constant 1 : i32
      "tpu.region"() ({
        %run_scoped3A_320 = tpu.sem_alloc : memref<!tpu.dma_semaphore, #tpu.memory_space<semaphore_mem>>
        %dma_start3A_321 = arith.constant 0 : i32
        %dma_start3A_322 = tpu.memref_slice %arg9[%run_scoped3A_231, %dma_start3A_321] : memref<8x128xi32, #tpu.memory_space<vmem>> -> memref<1x128xi32, #tpu.memory_space<vmem>>
        %dma_start3A_323 = tpu.memref_squeeze %dma_start3A_322 : memref<1x128xi32, #tpu.memory_space<vmem>> -> memref<128xi32, #tpu.memory_space<vmem>>
        %dma_start3A_324 = arith.constant 0 : i32
        %dma_start3A_325 = arith.constant 0 : i32
        %dma_start3A_326 = tpu.memref_slice %arg12[%dma_start3A_324, %dma_start3A_325] : memref<10240x128xf32, #tpu.memory_space<vmem_shared>> -> memref<10240x128xf32, #tpu.memory_space<vmem_shared>>
        tpu.enqueue_indirect_dma source(%arg11 : memref<128x128xf32, #tpu.memory_space<vmem>>) target(%dma_start3A_326 : memref<10240x128xf32, #tpu.memory_space<vmem_shared>>) offsets(%dma_start3A_323 : memref<128xi32, #tpu.memory_space<vmem>>) semaphore(%run_scoped3A_320 : memref<!tpu.dma_semaphore, #tpu.memory_space<semaphore_mem>>) {add = true}
        %dma_wait3A_327 = arith.constant 0 : i32
        %dma_wait3A_328 = tpu.memref_slice %arg9[%run_scoped3A_231, %dma_wait3A_327] : memref<8x128xi32, #tpu.memory_space<vmem>> -> memref<1x128xi32, #tpu.memory_space<vmem>>
        %dma_wait3A_329 = tpu.memref_squeeze %dma_wait3A_328 : memref<1x128xi32, #tpu.memory_space<vmem>> -> memref<128xi32, #tpu.memory_space<vmem>>
        %dma_wait3A_330 = arith.constant 0 : i32
        %dma_wait3A_331 = arith.constant 0 : i32
        %dma_wait3A_332 = tpu.memref_slice %arg12[%dma_wait3A_330, %dma_wait3A_331] : memref<10240x128xf32, #tpu.memory_space<vmem_shared>> -> memref<10240x128xf32, #tpu.memory_space<vmem_shared>>
        tpu.wait_indirect_dma semaphore(%run_scoped3A_320 : memref<!tpu.dma_semaphore, #tpu.memory_space<semaphore_mem>>) src(%arg11 : memref<128x128xf32, #tpu.memory_space<vmem>>) dst(%dma_wait3A_332 : memref<10240x128xf32, #tpu.memory_space<vmem_shared>>)
        tpu.yield
      }) : () -> ()
      %dma_wait3A_232 = arith.constant 2 : i32
      %dma_wait3A_233 = arith.constant 0 : i32
      %dma_wait3A_234 = tpu.memref_slice %arg7[%dma_wait3A_232, %dma_wait3A_233] : memref<8x128xi32, #tpu.memory_space<vmem>> -> memref<1x128xi32, #tpu.memory_space<vmem>>
      %dma_wait3A_235 = tpu.memref_squeeze %dma_wait3A_234 : memref<1x128xi32, #tpu.memory_space<vmem>> -> memref<128xi32, #tpu.memory_space<vmem>>
      %dma_wait3A_236 = arith.constant 0 : i32
      %dma_wait3A_237 = arith.constant 0 : i32
      %dma_wait3A_238 = tpu.memref_slice %arg2[%dma_wait3A_236, %dma_wait3A_237] : memref<20480x128xf32, #tpu.memory_space<hbm>> -> memref<20480x128xf32, #tpu.memory_space<hbm>>
      tpu.wait_indirect_dma semaphore(%arg13 : memref<!tpu.dma_semaphore, #tpu.memory_space<semaphore_mem>>) src(%dma_wait3A_238 : memref<20480x128xf32, #tpu.memory_space<hbm>>) dst(%arg10 : memref<128x128xf32, #tpu.memory_space<vmem>>)
      %dma_start3A_239 = arith.constant 3 : i32
      %dma_start3A_240 = arith.constant 0 : i32
      %dma_start3A_241 = tpu.memref_slice %arg7[%dma_start3A_239, %dma_start3A_240] : memref<8x128xi32, #tpu.memory_space<vmem>> -> memref<1x128xi32, #tpu.memory_space<vmem>>
      %dma_start3A_242 = tpu.memref_squeeze %dma_start3A_241 : memref<1x128xi32, #tpu.memory_space<vmem>> -> memref<128xi32, #tpu.memory_space<vmem>>
      %dma_start3A_243 = arith.constant 0 : i32
      %dma_start3A_244 = arith.constant 0 : i32
      %dma_start3A_245 = tpu.memref_slice %arg2[%dma_start3A_243, %dma_start3A_244] : memref<20480x128xf32, #tpu.memory_space<hbm>> -> memref<20480x128xf32, #tpu.memory_space<hbm>>
      tpu.enqueue_indirect_dma source(%dma_start3A_245 : memref<20480x128xf32, #tpu.memory_space<hbm>>) target(%arg11 : memref<128x128xf32, #tpu.memory_space<vmem>>) offsets(%dma_start3A_242 : memref<128xi32, #tpu.memory_space<vmem>>) semaphore(%arg14 : memref<!tpu.dma_semaphore, #tpu.memory_space<semaphore_mem>>)
      %run_scoped3A_246 = arith.constant 2 : i32
      "tpu.region"() ({
        %run_scoped3A_320 = tpu.sem_alloc : memref<!tpu.dma_semaphore, #tpu.memory_space<semaphore_mem>>
        %dma_start3A_321 = arith.constant 0 : i32
        %dma_start3A_322 = tpu.memref_slice %arg9[%run_scoped3A_246, %dma_start3A_321] : memref<8x128xi32, #tpu.memory_space<vmem>> -> memref<1x128xi32, #tpu.memory_space<vmem>>
        %dma_start3A_323 = tpu.memref_squeeze %dma_start3A_322 : memref<1x128xi32, #tpu.memory_space<vmem>> -> memref<128xi32, #tpu.memory_space<vmem>>
        %dma_start3A_324 = arith.constant 0 : i32
        %dma_start3A_325 = arith.constant 0 : i32
        %dma_start3A_326 = tpu.memref_slice %arg12[%dma_start3A_324, %dma_start3A_325] : memref<10240x128xf32, #tpu.memory_space<vmem_shared>> -> memref<10240x128xf32, #tpu.memory_space<vmem_shared>>
        tpu.enqueue_indirect_dma source(%arg10 : memref<128x128xf32, #tpu.memory_space<vmem>>) target(%dma_start3A_326 : memref<10240x128xf32, #tpu.memory_space<vmem_shared>>) offsets(%dma_start3A_323 : memref<128xi32, #tpu.memory_space<vmem>>) semaphore(%run_scoped3A_320 : memref<!tpu.dma_semaphore, #tpu.memory_space<semaphore_mem>>) {add = true}
        %dma_wait3A_327 = arith.constant 0 : i32
        %dma_wait3A_328 = tpu.memref_slice %arg9[%run_scoped3A_246, %dma_wait3A_327] : memref<8x128xi32, #tpu.memory_space<vmem>> -> memref<1x128xi32, #tpu.memory_space<vmem>>
        %dma_wait3A_329 = tpu.memref_squeeze %dma_wait3A_328 : memref<1x128xi32, #tpu.memory_space<vmem>> -> memref<128xi32, #tpu.memory_space<vmem>>
        %dma_wait3A_330 = arith.constant 0 : i32
        %dma_wait3A_331 = arith.constant 0 : i32
        %dma_wait3A_332 = tpu.memref_slice %arg12[%dma_wait3A_330, %dma_wait3A_331] : memref<10240x128xf32, #tpu.memory_space<vmem_shared>> -> memref<10240x128xf32, #tpu.memory_space<vmem_shared>>
        tpu.wait_indirect_dma semaphore(%run_scoped3A_320 : memref<!tpu.dma_semaphore, #tpu.memory_space<semaphore_mem>>) src(%arg10 : memref<128x128xf32, #tpu.memory_space<vmem>>) dst(%dma_wait3A_332 : memref<10240x128xf32, #tpu.memory_space<vmem_shared>>)
        tpu.yield
      }) : () -> ()
      %dma_wait3A_247 = arith.constant 3 : i32
      %dma_wait3A_248 = arith.constant 0 : i32
      %dma_wait3A_249 = tpu.memref_slice %arg7[%dma_wait3A_247, %dma_wait3A_248] : memref<8x128xi32, #tpu.memory_space<vmem>> -> memref<1x128xi32, #tpu.memory_space<vmem>>
      %dma_wait3A_250 = tpu.memref_squeeze %dma_wait3A_249 : memref<1x128xi32, #tpu.memory_space<vmem>> -> memref<128xi32, #tpu.memory_space<vmem>>
      %dma_wait3A_251 = arith.constant 0 : i32
      %dma_wait3A_252 = arith.constant 0 : i32
      %dma_wait3A_253 = tpu.memref_slice %arg2[%dma_wait3A_251, %dma_wait3A_252] : memref<20480x128xf32, #tpu.memory_space<hbm>> -> memref<20480x128xf32, #tpu.memory_space<hbm>>
      tpu.wait_indirect_dma semaphore(%arg14 : memref<!tpu.dma_semaphore, #tpu.memory_space<semaphore_mem>>) src(%dma_wait3A_253 : memref<20480x128xf32, #tpu.memory_space<hbm>>) dst(%arg11 : memref<128x128xf32, #tpu.memory_space<vmem>>)
      %dma_start3A_254 = arith.constant 4 : i32
      %dma_start3A_255 = arith.constant 0 : i32
      %dma_start3A_256 = tpu.memref_slice %arg7[%dma_start3A_254, %dma_start3A_255] : memref<8x128xi32, #tpu.memory_space<vmem>> -> memref<1x128xi32, #tpu.memory_space<vmem>>
      %dma_start3A_257 = tpu.memref_squeeze %dma_start3A_256 : memref<1x128xi32, #tpu.memory_space<vmem>> -> memref<128xi32, #tpu.memory_space<vmem>>
      %dma_start3A_258 = arith.constant 0 : i32
      %dma_start3A_259 = arith.constant 0 : i32
      %dma_start3A_260 = tpu.memref_slice %arg2[%dma_start3A_258, %dma_start3A_259] : memref<20480x128xf32, #tpu.memory_space<hbm>> -> memref<20480x128xf32, #tpu.memory_space<hbm>>
      tpu.enqueue_indirect_dma source(%dma_start3A_260 : memref<20480x128xf32, #tpu.memory_space<hbm>>) target(%arg10 : memref<128x128xf32, #tpu.memory_space<vmem>>) offsets(%dma_start3A_257 : memref<128xi32, #tpu.memory_space<vmem>>) semaphore(%arg13 : memref<!tpu.dma_semaphore, #tpu.memory_space<semaphore_mem>>)
      %run_scoped3A_261 = arith.constant 3 : i32
      "tpu.region"() ({
        %run_scoped3A_320 = tpu.sem_alloc : memref<!tpu.dma_semaphore, #tpu.memory_space<semaphore_mem>>
        %dma_start3A_321 = arith.constant 0 : i32
        %dma_start3A_322 = tpu.memref_slice %arg9[%run_scoped3A_261, %dma_start3A_321] : memref<8x128xi32, #tpu.memory_space<vmem>> -> memref<1x128xi32, #tpu.memory_space<vmem>>
        %dma_start3A_323 = tpu.memref_squeeze %dma_start3A_322 : memref<1x128xi32, #tpu.memory_space<vmem>> -> memref<128xi32, #tpu.memory_space<vmem>>
        %dma_start3A_324 = arith.constant 0 : i32
        %dma_start3A_325 = arith.constant 0 : i32
        %dma_start3A_326 = tpu.memref_slice %arg12[%dma_start3A_324, %dma_start3A_325] : memref<10240x128xf32, #tpu.memory_space<vmem_shared>> -> memref<10240x128xf32, #tpu.memory_space<vmem_shared>>
        tpu.enqueue_indirect_dma source(%arg11 : memref<128x128xf32, #tpu.memory_space<vmem>>) target(%dma_start3A_326 : memref<10240x128xf32, #tpu.memory_space<vmem_shared>>) offsets(%dma_start3A_323 : memref<128xi32, #tpu.memory_space<vmem>>) semaphore(%run_scoped3A_320 : memref<!tpu.dma_semaphore, #tpu.memory_space<semaphore_mem>>) {add = true}
        %dma_wait3A_327 = arith.constant 0 : i32
        %dma_wait3A_328 = tpu.memref_slice %arg9[%run_scoped3A_261, %dma_wait3A_327] : memref<8x128xi32, #tpu.memory_space<vmem>> -> memref<1x128xi32, #tpu.memory_space<vmem>>
        %dma_wait3A_329 = tpu.memref_squeeze %dma_wait3A_328 : memref<1x128xi32, #tpu.memory_space<vmem>> -> memref<128xi32, #tpu.memory_space<vmem>>
        %dma_wait3A_330 = arith.constant 0 : i32
        %dma_wait3A_331 = arith.constant 0 : i32
        %dma_wait3A_332 = tpu.memref_slice %arg12[%dma_wait3A_330, %dma_wait3A_331] : memref<10240x128xf32, #tpu.memory_space<vmem_shared>> -> memref<10240x128xf32, #tpu.memory_space<vmem_shared>>
        tpu.wait_indirect_dma semaphore(%run_scoped3A_320 : memref<!tpu.dma_semaphore, #tpu.memory_space<semaphore_mem>>) src(%arg11 : memref<128x128xf32, #tpu.memory_space<vmem>>) dst(%dma_wait3A_332 : memref<10240x128xf32, #tpu.memory_space<vmem_shared>>)
        tpu.yield
      }) : () -> ()
      %dma_wait3A_262 = arith.constant 4 : i32
      %dma_wait3A_263 = arith.constant 0 : i32
      %dma_wait3A_264 = tpu.memref_slice %arg7[%dma_wait3A_262, %dma_wait3A_263] : memref<8x128xi32, #tpu.memory_space<vmem>> -> memref<1x128xi32, #tpu.memory_space<vmem>>
      %dma_wait3A_265 = tpu.memref_squeeze %dma_wait3A_264 : memref<1x128xi32, #tpu.memory_space<vmem>> -> memref<128xi32, #tpu.memory_space<vmem>>
      %dma_wait3A_266 = arith.constant 0 : i32
      %dma_wait3A_267 = arith.constant 0 : i32
      %dma_wait3A_268 = tpu.memref_slice %arg2[%dma_wait3A_266, %dma_wait3A_267] : memref<20480x128xf32, #tpu.memory_space<hbm>> -> memref<20480x128xf32, #tpu.memory_space<hbm>>
      tpu.wait_indirect_dma semaphore(%arg13 : memref<!tpu.dma_semaphore, #tpu.memory_space<semaphore_mem>>) src(%dma_wait3A_268 : memref<20480x128xf32, #tpu.memory_space<hbm>>) dst(%arg10 : memref<128x128xf32, #tpu.memory_space<vmem>>)
      %dma_start3A_269 = arith.constant 5 : i32
      %dma_start3A_270 = arith.constant 0 : i32
      %dma_start3A_271 = tpu.memref_slice %arg7[%dma_start3A_269, %dma_start3A_270] : memref<8x128xi32, #tpu.memory_space<vmem>> -> memref<1x128xi32, #tpu.memory_space<vmem>>
      %dma_start3A_272 = tpu.memref_squeeze %dma_start3A_271 : memref<1x128xi32, #tpu.memory_space<vmem>> -> memref<128xi32, #tpu.memory_space<vmem>>
      %dma_start3A_273 = arith.constant 0 : i32
      %dma_start3A_274 = arith.constant 0 : i32
      %dma_start3A_275 = tpu.memref_slice %arg2[%dma_start3A_273, %dma_start3A_274] : memref<20480x128xf32, #tpu.memory_space<hbm>> -> memref<20480x128xf32, #tpu.memory_space<hbm>>
      tpu.enqueue_indirect_dma source(%dma_start3A_275 : memref<20480x128xf32, #tpu.memory_space<hbm>>) target(%arg11 : memref<128x128xf32, #tpu.memory_space<vmem>>) offsets(%dma_start3A_272 : memref<128xi32, #tpu.memory_space<vmem>>) semaphore(%arg14 : memref<!tpu.dma_semaphore, #tpu.memory_space<semaphore_mem>>)
      %run_scoped3A_276 = arith.constant 4 : i32
      "tpu.region"() ({
        %run_scoped3A_320 = tpu.sem_alloc : memref<!tpu.dma_semaphore, #tpu.memory_space<semaphore_mem>>
        %dma_start3A_321 = arith.constant 0 : i32
        %dma_start3A_322 = tpu.memref_slice %arg9[%run_scoped3A_276, %dma_start3A_321] : memref<8x128xi32, #tpu.memory_space<vmem>> -> memref<1x128xi32, #tpu.memory_space<vmem>>
        %dma_start3A_323 = tpu.memref_squeeze %dma_start3A_322 : memref<1x128xi32, #tpu.memory_space<vmem>> -> memref<128xi32, #tpu.memory_space<vmem>>
        %dma_start3A_324 = arith.constant 0 : i32
        %dma_start3A_325 = arith.constant 0 : i32
        %dma_start3A_326 = tpu.memref_slice %arg12[%dma_start3A_324, %dma_start3A_325] : memref<10240x128xf32, #tpu.memory_space<vmem_shared>> -> memref<10240x128xf32, #tpu.memory_space<vmem_shared>>
        tpu.enqueue_indirect_dma source(%arg10 : memref<128x128xf32, #tpu.memory_space<vmem>>) target(%dma_start3A_326 : memref<10240x128xf32, #tpu.memory_space<vmem_shared>>) offsets(%dma_start3A_323 : memref<128xi32, #tpu.memory_space<vmem>>) semaphore(%run_scoped3A_320 : memref<!tpu.dma_semaphore, #tpu.memory_space<semaphore_mem>>) {add = true}
        %dma_wait3A_327 = arith.constant 0 : i32
        %dma_wait3A_328 = tpu.memref_slice %arg9[%run_scoped3A_276, %dma_wait3A_327] : memref<8x128xi32, #tpu.memory_space<vmem>> -> memref<1x128xi32, #tpu.memory_space<vmem>>
        %dma_wait3A_329 = tpu.memref_squeeze %dma_wait3A_328 : memref<1x128xi32, #tpu.memory_space<vmem>> -> memref<128xi32, #tpu.memory_space<vmem>>
        %dma_wait3A_330 = arith.constant 0 : i32
        %dma_wait3A_331 = arith.constant 0 : i32
        %dma_wait3A_332 = tpu.memref_slice %arg12[%dma_wait3A_330, %dma_wait3A_331] : memref<10240x128xf32, #tpu.memory_space<vmem_shared>> -> memref<10240x128xf32, #tpu.memory_space<vmem_shared>>
        tpu.wait_indirect_dma semaphore(%run_scoped3A_320 : memref<!tpu.dma_semaphore, #tpu.memory_space<semaphore_mem>>) src(%arg10 : memref<128x128xf32, #tpu.memory_space<vmem>>) dst(%dma_wait3A_332 : memref<10240x128xf32, #tpu.memory_space<vmem_shared>>)
        tpu.yield
      }) : () -> ()
      %dma_wait3A_277 = arith.constant 5 : i32
      %dma_wait3A_278 = arith.constant 0 : i32
      %dma_wait3A_279 = tpu.memref_slice %arg7[%dma_wait3A_277, %dma_wait3A_278] : memref<8x128xi32, #tpu.memory_space<vmem>> -> memref<1x128xi32, #tpu.memory_space<vmem>>
      %dma_wait3A_280 = tpu.memref_squeeze %dma_wait3A_279 : memref<1x128xi32, #tpu.memory_space<vmem>> -> memref<128xi32, #tpu.memory_space<vmem>>
      %dma_wait3A_281 = arith.constant 0 : i32
      %dma_wait3A_282 = arith.constant 0 : i32
      %dma_wait3A_283 = tpu.memref_slice %arg2[%dma_wait3A_281, %dma_wait3A_282] : memref<20480x128xf32, #tpu.memory_space<hbm>> -> memref<20480x128xf32, #tpu.memory_space<hbm>>
      tpu.wait_indirect_dma semaphore(%arg14 : memref<!tpu.dma_semaphore, #tpu.memory_space<semaphore_mem>>) src(%dma_wait3A_283 : memref<20480x128xf32, #tpu.memory_space<hbm>>) dst(%arg11 : memref<128x128xf32, #tpu.memory_space<vmem>>)
      %dma_start3A_284 = arith.constant 6 : i32
      %dma_start3A_285 = arith.constant 0 : i32
      %dma_start3A_286 = tpu.memref_slice %arg7[%dma_start3A_284, %dma_start3A_285] : memref<8x128xi32, #tpu.memory_space<vmem>> -> memref<1x128xi32, #tpu.memory_space<vmem>>
      %dma_start3A_287 = tpu.memref_squeeze %dma_start3A_286 : memref<1x128xi32, #tpu.memory_space<vmem>> -> memref<128xi32, #tpu.memory_space<vmem>>
      %dma_start3A_288 = arith.constant 0 : i32
      %dma_start3A_289 = arith.constant 0 : i32
      %dma_start3A_290 = tpu.memref_slice %arg2[%dma_start3A_288, %dma_start3A_289] : memref<20480x128xf32, #tpu.memory_space<hbm>> -> memref<20480x128xf32, #tpu.memory_space<hbm>>
      tpu.enqueue_indirect_dma source(%dma_start3A_290 : memref<20480x128xf32, #tpu.memory_space<hbm>>) target(%arg10 : memref<128x128xf32, #tpu.memory_space<vmem>>) offsets(%dma_start3A_287 : memref<128xi32, #tpu.memory_space<vmem>>) semaphore(%arg13 : memref<!tpu.dma_semaphore, #tpu.memory_space<semaphore_mem>>)
      %run_scoped3A_291 = arith.constant 5 : i32
      "tpu.region"() ({
        %run_scoped3A_320 = tpu.sem_alloc : memref<!tpu.dma_semaphore, #tpu.memory_space<semaphore_mem>>
        %dma_start3A_321 = arith.constant 0 : i32
        %dma_start3A_322 = tpu.memref_slice %arg9[%run_scoped3A_291, %dma_start3A_321] : memref<8x128xi32, #tpu.memory_space<vmem>> -> memref<1x128xi32, #tpu.memory_space<vmem>>
        %dma_start3A_323 = tpu.memref_squeeze %dma_start3A_322 : memref<1x128xi32, #tpu.memory_space<vmem>> -> memref<128xi32, #tpu.memory_space<vmem>>
        %dma_start3A_324 = arith.constant 0 : i32
        %dma_start3A_325 = arith.constant 0 : i32
        %dma_start3A_326 = tpu.memref_slice %arg12[%dma_start3A_324, %dma_start3A_325] : memref<10240x128xf32, #tpu.memory_space<vmem_shared>> -> memref<10240x128xf32, #tpu.memory_space<vmem_shared>>
        tpu.enqueue_indirect_dma source(%arg11 : memref<128x128xf32, #tpu.memory_space<vmem>>) target(%dma_start3A_326 : memref<10240x128xf32, #tpu.memory_space<vmem_shared>>) offsets(%dma_start3A_323 : memref<128xi32, #tpu.memory_space<vmem>>) semaphore(%run_scoped3A_320 : memref<!tpu.dma_semaphore, #tpu.memory_space<semaphore_mem>>) {add = true}
        %dma_wait3A_327 = arith.constant 0 : i32
        %dma_wait3A_328 = tpu.memref_slice %arg9[%run_scoped3A_291, %dma_wait3A_327] : memref<8x128xi32, #tpu.memory_space<vmem>> -> memref<1x128xi32, #tpu.memory_space<vmem>>
        %dma_wait3A_329 = tpu.memref_squeeze %dma_wait3A_328 : memref<1x128xi32, #tpu.memory_space<vmem>> -> memref<128xi32, #tpu.memory_space<vmem>>
        %dma_wait3A_330 = arith.constant 0 : i32
        %dma_wait3A_331 = arith.constant 0 : i32
        %dma_wait3A_332 = tpu.memref_slice %arg12[%dma_wait3A_330, %dma_wait3A_331] : memref<10240x128xf32, #tpu.memory_space<vmem_shared>> -> memref<10240x128xf32, #tpu.memory_space<vmem_shared>>
        tpu.wait_indirect_dma semaphore(%run_scoped3A_320 : memref<!tpu.dma_semaphore, #tpu.memory_space<semaphore_mem>>) src(%arg11 : memref<128x128xf32, #tpu.memory_space<vmem>>) dst(%dma_wait3A_332 : memref<10240x128xf32, #tpu.memory_space<vmem_shared>>)
        tpu.yield
      }) : () -> ()
      %dma_wait3A_292 = arith.constant 6 : i32
      %dma_wait3A_293 = arith.constant 0 : i32
      %dma_wait3A_294 = tpu.memref_slice %arg7[%dma_wait3A_292, %dma_wait3A_293] : memref<8x128xi32, #tpu.memory_space<vmem>> -> memref<1x128xi32, #tpu.memory_space<vmem>>
      %dma_wait3A_295 = tpu.memref_squeeze %dma_wait3A_294 : memref<1x128xi32, #tpu.memory_space<vmem>> -> memref<128xi32, #tpu.memory_space<vmem>>
      %dma_wait3A_296 = arith.constant 0 : i32
      %dma_wait3A_297 = arith.constant 0 : i32
      %dma_wait3A_298 = tpu.memref_slice %arg2[%dma_wait3A_296, %dma_wait3A_297] : memref<20480x128xf32, #tpu.memory_space<hbm>> -> memref<20480x128xf32, #tpu.memory_space<hbm>>
      tpu.wait_indirect_dma semaphore(%arg13 : memref<!tpu.dma_semaphore, #tpu.memory_space<semaphore_mem>>) src(%dma_wait3A_298 : memref<20480x128xf32, #tpu.memory_space<hbm>>) dst(%arg10 : memref<128x128xf32, #tpu.memory_space<vmem>>)
      %dma_start3A_299 = arith.constant 7 : i32
      %dma_start3A_300 = arith.constant 0 : i32
      %dma_start3A_301 = tpu.memref_slice %arg7[%dma_start3A_299, %dma_start3A_300] : memref<8x128xi32, #tpu.memory_space<vmem>> -> memref<1x128xi32, #tpu.memory_space<vmem>>
      %dma_start3A_302 = tpu.memref_squeeze %dma_start3A_301 : memref<1x128xi32, #tpu.memory_space<vmem>> -> memref<128xi32, #tpu.memory_space<vmem>>
      %dma_start3A_303 = arith.constant 0 : i32
      %dma_start3A_304 = arith.constant 0 : i32
      %dma_start3A_305 = tpu.memref_slice %arg2[%dma_start3A_303, %dma_start3A_304] : memref<20480x128xf32, #tpu.memory_space<hbm>> -> memref<20480x128xf32, #tpu.memory_space<hbm>>
      tpu.enqueue_indirect_dma source(%dma_start3A_305 : memref<20480x128xf32, #tpu.memory_space<hbm>>) target(%arg11 : memref<128x128xf32, #tpu.memory_space<vmem>>) offsets(%dma_start3A_302 : memref<128xi32, #tpu.memory_space<vmem>>) semaphore(%arg14 : memref<!tpu.dma_semaphore, #tpu.memory_space<semaphore_mem>>)
      %run_scoped3A_306 = arith.constant 6 : i32
      "tpu.region"() ({
        %run_scoped3A_320 = tpu.sem_alloc : memref<!tpu.dma_semaphore, #tpu.memory_space<semaphore_mem>>
        %dma_start3A_321 = arith.constant 0 : i32
        %dma_start3A_322 = tpu.memref_slice %arg9[%run_scoped3A_306, %dma_start3A_321] : memref<8x128xi32, #tpu.memory_space<vmem>> -> memref<1x128xi32, #tpu.memory_space<vmem>>
        %dma_start3A_323 = tpu.memref_squeeze %dma_start3A_322 : memref<1x128xi32, #tpu.memory_space<vmem>> -> memref<128xi32, #tpu.memory_space<vmem>>
        %dma_start3A_324 = arith.constant 0 : i32
        %dma_start3A_325 = arith.constant 0 : i32
        %dma_start3A_326 = tpu.memref_slice %arg12[%dma_start3A_324, %dma_start3A_325] : memref<10240x128xf32, #tpu.memory_space<vmem_shared>> -> memref<10240x128xf32, #tpu.memory_space<vmem_shared>>
        tpu.enqueue_indirect_dma source(%arg10 : memref<128x128xf32, #tpu.memory_space<vmem>>) target(%dma_start3A_326 : memref<10240x128xf32, #tpu.memory_space<vmem_shared>>) offsets(%dma_start3A_323 : memref<128xi32, #tpu.memory_space<vmem>>) semaphore(%run_scoped3A_320 : memref<!tpu.dma_semaphore, #tpu.memory_space<semaphore_mem>>) {add = true}
        %dma_wait3A_327 = arith.constant 0 : i32
        %dma_wait3A_328 = tpu.memref_slice %arg9[%run_scoped3A_306, %dma_wait3A_327] : memref<8x128xi32, #tpu.memory_space<vmem>> -> memref<1x128xi32, #tpu.memory_space<vmem>>
        %dma_wait3A_329 = tpu.memref_squeeze %dma_wait3A_328 : memref<1x128xi32, #tpu.memory_space<vmem>> -> memref<128xi32, #tpu.memory_space<vmem>>
        %dma_wait3A_330 = arith.constant 0 : i32
        %dma_wait3A_331 = arith.constant 0 : i32
        %dma_wait3A_332 = tpu.memref_slice %arg12[%dma_wait3A_330, %dma_wait3A_331] : memref<10240x128xf32, #tpu.memory_space<vmem_shared>> -> memref<10240x128xf32, #tpu.memory_space<vmem_shared>>
        tpu.wait_indirect_dma semaphore(%run_scoped3A_320 : memref<!tpu.dma_semaphore, #tpu.memory_space<semaphore_mem>>) src(%arg10 : memref<128x128xf32, #tpu.memory_space<vmem>>) dst(%dma_wait3A_332 : memref<10240x128xf32, #tpu.memory_space<vmem_shared>>)
        tpu.yield
      }) : () -> ()
      %dma_wait3A_307 = arith.constant 7 : i32
      %dma_wait3A_308 = arith.constant 0 : i32
      %dma_wait3A_309 = tpu.memref_slice %arg7[%dma_wait3A_307, %dma_wait3A_308] : memref<8x128xi32, #tpu.memory_space<vmem>> -> memref<1x128xi32, #tpu.memory_space<vmem>>
      %dma_wait3A_310 = tpu.memref_squeeze %dma_wait3A_309 : memref<1x128xi32, #tpu.memory_space<vmem>> -> memref<128xi32, #tpu.memory_space<vmem>>
      %dma_wait3A_311 = arith.constant 0 : i32
      %dma_wait3A_312 = arith.constant 0 : i32
      %dma_wait3A_313 = tpu.memref_slice %arg2[%dma_wait3A_311, %dma_wait3A_312] : memref<20480x128xf32, #tpu.memory_space<hbm>> -> memref<20480x128xf32, #tpu.memory_space<hbm>>
      tpu.wait_indirect_dma semaphore(%arg14 : memref<!tpu.dma_semaphore, #tpu.memory_space<semaphore_mem>>) src(%dma_wait3A_313 : memref<20480x128xf32, #tpu.memory_space<hbm>>) dst(%arg11 : memref<128x128xf32, #tpu.memory_space<vmem>>)
      %lt3A_314 = arith.constant 4 : i32
      %lt3A_315 = arith.cmpi slt, %add3A_54, %lt3A_314 : i32
      %convert_element_type3A_316 = arith.extui %lt3A_315 : i1 to i32
      %cond3A_317 = arith.constant 0 : i32
      %cond3A_318 = arith.cmpi ne, %convert_element_type3A_316, %cond3A_317 : i32
      scf.if %cond3A_318 {
        %dma_wait3A_320 = arith.constant 0 : i32
        %dma_wait3A_321 = tpu.memref_slice %arg3[%add3A_11, %dma_wait3A_320] : memref<2560x128xi32, #tpu.memory_space<hbm>> -> memref<8x128xi32, #tpu.memory_space<hbm>>
        %dma_wait3A_322 = arith.constant 0 : i32
        %dma_wait3A_323 = tpu.memref_slice %arg3[%add3A_11, %dma_wait3A_322] : memref<2560x128xi32, #tpu.memory_space<hbm>> -> memref<8x128xi32, #tpu.memory_space<hbm>>
        tpu.wait_dma2 semaphore(%arg15 : memref<!tpu.dma_semaphore, #tpu.memory_space<semaphore_mem>>) src(%dma_wait3A_323 : memref<8x128xi32, #tpu.memory_space<hbm>>) dst(%arg6 : memref<8x128xi32, #tpu.memory_space<vmem>>)
        %dma_wait3A_324 = arith.constant 0 : i32
        %dma_wait3A_325 = tpu.memref_slice %arg4[%mul3A_13, %dma_wait3A_324] : memref<1280x128xi32, #tpu.memory_space<hbm>> -> memref<8x128xi32, #tpu.memory_space<hbm>>
        %dma_wait3A_326 = arith.constant 0 : i32
        %dma_wait3A_327 = tpu.memref_slice %arg4[%mul3A_13, %dma_wait3A_326] : memref<1280x128xi32, #tpu.memory_space<hbm>> -> memref<8x128xi32, #tpu.memory_space<hbm>>
        tpu.wait_dma2 semaphore(%arg15 : memref<!tpu.dma_semaphore, #tpu.memory_space<semaphore_mem>>) src(%dma_wait3A_327 : memref<8x128xi32, #tpu.memory_space<hbm>>) dst(%arg8 : memref<8x128xi32, #tpu.memory_space<vmem>>)
        %dma_start3A_328 = arith.constant 0 : i32
        %dma_start3A_329 = arith.constant 0 : i32
        %dma_start3A_330 = tpu.memref_slice %arg6[%dma_start3A_328, %dma_start3A_329] : memref<8x128xi32, #tpu.memory_space<vmem>> -> memref<1x128xi32, #tpu.memory_space<vmem>>
        %dma_start3A_331 = tpu.memref_squeeze %dma_start3A_330 : memref<1x128xi32, #tpu.memory_space<vmem>> -> memref<128xi32, #tpu.memory_space<vmem>>
        %dma_start3A_332 = arith.constant 0 : i32
        %dma_start3A_333 = arith.constant 0 : i32
        %dma_start3A_334 = tpu.memref_slice %arg2[%dma_start3A_332, %dma_start3A_333] : memref<20480x128xf32, #tpu.memory_space<hbm>> -> memref<20480x128xf32, #tpu.memory_space<hbm>>
        tpu.enqueue_indirect_dma source(%dma_start3A_334 : memref<20480x128xf32, #tpu.memory_space<hbm>>) target(%arg10 : memref<128x128xf32, #tpu.memory_space<vmem>>) offsets(%dma_start3A_331 : memref<128xi32, #tpu.memory_space<vmem>>) semaphore(%arg13 : memref<!tpu.dma_semaphore, #tpu.memory_space<semaphore_mem>>)
      } else {
      }
      %run_scoped3A_319 = arith.constant 7 : i32
      "tpu.region"() ({
        %run_scoped3A_320 = tpu.sem_alloc : memref<!tpu.dma_semaphore, #tpu.memory_space<semaphore_mem>>
        %dma_start3A_321 = arith.constant 0 : i32
        %dma_start3A_322 = tpu.memref_slice %arg9[%run_scoped3A_319, %dma_start3A_321] : memref<8x128xi32, #tpu.memory_space<vmem>> -> memref<1x128xi32, #tpu.memory_space<vmem>>
        %dma_start3A_323 = tpu.memref_squeeze %dma_start3A_322 : memref<1x128xi32, #tpu.memory_space<vmem>> -> memref<128xi32, #tpu.memory_space<vmem>>
        %dma_start3A_324 = arith.constant 0 : i32
        %dma_start3A_325 = arith.constant 0 : i32
        %dma_start3A_326 = tpu.memref_slice %arg12[%dma_start3A_324, %dma_start3A_325] : memref<10240x128xf32, #tpu.memory_space<vmem_shared>> -> memref<10240x128xf32, #tpu.memory_space<vmem_shared>>
        tpu.enqueue_indirect_dma source(%arg11 : memref<128x128xf32, #tpu.memory_space<vmem>>) target(%dma_start3A_326 : memref<10240x128xf32, #tpu.memory_space<vmem_shared>>) offsets(%dma_start3A_323 : memref<128xi32, #tpu.memory_space<vmem>>) semaphore(%run_scoped3A_320 : memref<!tpu.dma_semaphore, #tpu.memory_space<semaphore_mem>>) {add = true}
        %dma_wait3A_327 = arith.constant 0 : i32
        %dma_wait3A_328 = tpu.memref_slice %arg9[%run_scoped3A_319, %dma_wait3A_327] : memref<8x128xi32, #tpu.memory_space<vmem>> -> memref<1x128xi32, #tpu.memory_space<vmem>>
        %dma_wait3A_329 = tpu.memref_squeeze %dma_wait3A_328 : memref<1x128xi32, #tpu.memory_space<vmem>> -> memref<128xi32, #tpu.memory_space<vmem>>
        %dma_wait3A_330 = arith.constant 0 : i32
        %dma_wait3A_331 = arith.constant 0 : i32
        %dma_wait3A_332 = tpu.memref_slice %arg12[%dma_wait3A_330, %dma_wait3A_331] : memref<10240x128xf32, #tpu.memory_space<vmem_shared>> -> memref<10240x128xf32, #tpu.memory_space<vmem_shared>>
        tpu.wait_indirect_dma semaphore(%run_scoped3A_320 : memref<!tpu.dma_semaphore, #tpu.memory_space<semaphore_mem>>) src(%arg11 : memref<128x128xf32, #tpu.memory_space<vmem>>) dst(%dma_wait3A_332 : memref<10240x128xf32, #tpu.memory_space<vmem_shared>>)
        tpu.yield
      }) : () -> ()
    }
    %scan3A_43 = arith.constant 5 : i32
    %barrier3A_44 = arith.constant 0 : index
    tpu.barrier barrier_id(%barrier3A_44)
    %scan3A_45 = arith.constant 0 : i32
    %scan3A_46 = arith.constant 5 : i32
    %scan3A_47 = arith.addi %scan3A_45, %scan3A_46 : i32
    %scan3A_48 = arith.constant 1 : i32
    scf.for %scan3A_50 = %scan3A_45 to %scan3A_47 step %scan3A_48  : i32 {
      %mul3A_51 = arith.constant 1 : i32
      %mul3A_52 = arith.muli %scan3A_50, %mul3A_51 : i32
      %add3A_53 = arith.constant 0 : i32
      %add3A_54 = arith.addi %add3A_53, %mul3A_52 : i32
      %mul3A_55 = arith.constant 640 : i32
      %mul3A_56 = arith.muli %arg1, %mul3A_55 : i32
      %mul3A_57 = arith.constant 128 : i32
      %mul3A_58 = arith.muli %add3A_54, %mul3A_57 : i32
      %add3A_59 = arith.addi %mul3A_56, %mul3A_58 : i32
      "tpu.region"() ({
        %run_scoped3A = tpu.sem_alloc : memref<!tpu.dma_semaphore, #tpu.memory_space<semaphore_mem>>
        %dma_start3A_63 = arith.constant 0 : i32
        %dma_start3A_64 = tpu.memref_slice %arg12[%add3A_59, %dma_start3A_63] : memref<10240x128xf32, #tpu.memory_space<vmem_shared>> -> memref<128x128xf32, #tpu.memory_space<vmem_shared>>
        %dma_start3A_65 = arith.constant 0 : i32
        %dma_start3A_66 = tpu.memref_slice %arg12[%add3A_59, %dma_start3A_65] : memref<10240x128xf32, #tpu.memory_space<vmem_shared>> -> memref<128x128xf32, #tpu.memory_space<vmem_shared>>
        tpu.enqueue_dma source(%dma_start3A_66 : memref<128x128xf32, #tpu.memory_space<vmem_shared>>) target(%arg10 : memref<128x128xf32, #tpu.memory_space<vmem>>) target_semaphore(%run_scoped3A : memref<!tpu.dma_semaphore, #tpu.memory_space<semaphore_mem>>)
        %dma_wait3A_67 = arith.constant 0 : i32
        %dma_wait3A_68 = tpu.memref_slice %arg12[%add3A_59, %dma_wait3A_67] : memref<10240x128xf32, #tpu.memory_space<vmem_shared>> -> memref<128x128xf32, #tpu.memory_space<vmem_shared>>
        %dma_wait3A_69 = arith.constant 0 : i32
        %dma_wait3A_70 = tpu.memref_slice %arg12[%add3A_59, %dma_wait3A_69] : memref<10240x128xf32, #tpu.memory_space<vmem_shared>> -> memref<128x128xf32, #tpu.memory_space<vmem_shared>>
        tpu.wait_dma2 semaphore(%run_scoped3A : memref<!tpu.dma_semaphore, #tpu.memory_space<semaphore_mem>>) src(%dma_wait3A_70 : memref<128x128xf32, #tpu.memory_space<vmem_shared>>) dst(%arg10 : memref<128x128xf32, #tpu.memory_space<vmem>>)
        tpu.yield
      }) : () -> ()
      %mul3A_60 = arith.constant 128 : i32
      %mul3A_61 = arith.muli %add3A_54, %mul3A_60 : i32
      %add3A_62 = arith.addi %add3A, %mul3A_61 : i32
      "tpu.region"() ({
        %run_scoped3A = tpu.sem_alloc : memref<!tpu.dma_semaphore, #tpu.memory_space<semaphore_mem>>
        %dma_start3A_63 = arith.constant 0 : i32
        %dma_start3A_64 = tpu.memref_slice %arg5[%add3A_62, %dma_start3A_63] : memref<20480x128xf32, #tpu.memory_space<hbm>> -> memref<128x128xf32, #tpu.memory_space<hbm>>
        %dma_start3A_65 = arith.constant 0 : i32
        %dma_start3A_66 = tpu.memref_slice %arg5[%add3A_62, %dma_start3A_65] : memref<20480x128xf32, #tpu.memory_space<hbm>> -> memref<128x128xf32, #tpu.memory_space<hbm>>
        tpu.enqueue_dma source(%arg10 : memref<128x128xf32, #tpu.memory_space<vmem>>) target(%dma_start3A_66 : memref<128x128xf32, #tpu.memory_space<hbm>>) target_semaphore(%run_scoped3A : memref<!tpu.dma_semaphore, #tpu.memory_space<semaphore_mem>>)
        %dma_wait3A_67 = arith.constant 0 : i32
        %dma_wait3A_68 = tpu.memref_slice %arg5[%add3A_62, %dma_wait3A_67] : memref<20480x128xf32, #tpu.memory_space<hbm>> -> memref<128x128xf32, #tpu.memory_space<hbm>>
        %dma_wait3A_69 = arith.constant 0 : i32
        %dma_wait3A_70 = tpu.memref_slice %arg5[%add3A_62, %dma_wait3A_69] : memref<20480x128xf32, #tpu.memory_space<hbm>> -> memref<128x128xf32, #tpu.memory_space<hbm>>
        tpu.wait_dma2 semaphore(%run_scoped3A : memref<!tpu.dma_semaphore, #tpu.memory_space<semaphore_mem>>) src(%arg10 : memref<128x128xf32, #tpu.memory_space<vmem>>) dst(%dma_wait3A_70 : memref<128x128xf32, #tpu.memory_space<hbm>>)
        tpu.yield
      }) : () -> ()
    }
    %scan3A_49 = arith.constant 5 : i32
    return
  }
}

module attributes {stable_mosaic.version = 14 : i64} {
  func.func @_tc_scale_matmul(%arg0: i32, %arg1: i32, %arg2: memref<256x256xf32, #tpu.memory_space<vmem>>, %arg3: memref<256x128xf32, #tpu.memory_space<vmem>>, %arg4: memref<256x128xf32, #tpu.memory_space<vmem>>, %arg5: memref<256x128xf32, #tpu.memory_space<vmem>>, %arg6: memref<256x128xf32, #tpu.memory_space<vmem>>) attributes {dimension_semantics = [#tpu.dimension_semantics<arbitrary>, #tpu.dimension_semantics<arbitrary>], iteration_bounds = array<i64: 2, 40>, scalar_prefetch = 0 : i64, scratch_operands = 0 : i64, tpu.core_type = #tpu.core_type<tc>, window_params = [{transform_indices = @transform_0, window_bounds = array<i64: 256, 256>}, {transform_indices = @transform_1, window_bounds = array<i64: 256, 128>}, {transform_indices = @transform_2, window_bounds = array<i64: 256, 128>}, {transform_indices = @transform_3, window_bounds = array<i64: 256, 128>}, {transform_indices = @transform_4, window_bounds = array<i64: 256, 128>}]} {
    %get3A = arith.constant 0 : index
    %get3A_0 = arith.constant 0 : index
    %get3A_1 = vector.load %arg4[%get3A, %get3A_0] : memref<256x128xf32, #tpu.memory_space<vmem>>, vector<256x1xf32>
    %get3A_2 = vector.shape_cast %get3A_1 : vector<256x1xf32> to vector<256xf32>
    %get3A_3 = arith.constant 0 : index
    %get3A_4 = arith.constant 0 : index
    %get3A_5 = vector.load %arg5[%get3A_3, %get3A_4] : memref<256x128xf32, #tpu.memory_space<vmem>>, vector<256x1xf32>
    %get3A_6 = vector.shape_cast %get3A_5 : vector<256x1xf32> to vector<256xf32>
    %add3A = arith.addf %get3A_2, %get3A_6 : vector<256xf32>
    %add3A_7 = arith.constant 1.000000e+00 : f32
    %add3A_8 = vector.broadcast %add3A_7 : f32 to vector<256xf32>
    %add3A_9 = arith.addf %add3A, %add3A_8 : vector<256xf32>
    %rsqrt3A = math.rsqrt %add3A_9 : vector<256xf32>
    %get3A_10 = arith.constant 0 : index
    %get3A_11 = arith.constant 0 : index
    %get3A_12 = vector.load %arg2[%get3A_10, %get3A_11] : memref<256x256xf32, #tpu.memory_space<vmem>>, vector<256x256xf32>
    %get3A_13 = arith.constant 0 : index
    %get3A_14 = arith.constant 0 : index
    %get3A_15 = vector.load %arg3[%get3A_13, %get3A_14] : memref<256x128xf32, #tpu.memory_space<vmem>>, vector<256x128xf32>
    %dot_general3A = arith.constant dense<0.000000e+00> : vector<256x128xf32>
    %dot_general3A_16 = tpu.matmul %get3A_12, %get3A_15, %dot_general3A {dimension_numbers = #tpu.dot_dimension_numbers<[1], [0], [0], [1], [0, 0, 1, 1], [], []>, transpose_lhs_hint = false} : vector<256x256xf32>, vector<256x128xf32>, vector<256x128xf32> -> vector<256x128xf32>
    %broadcast_in_dim3A = vector.shape_cast %rsqrt3A : vector<256xf32> to vector<256x1xf32>
    %mul3A = vector.broadcast %broadcast_in_dim3A : vector<256x1xf32> to vector<256x128xf32>
    %mul3A_17 = arith.mulf %dot_general3A_16, %mul3A : vector<256x128xf32>
    %swap3A = arith.constant 0 : index
    %swap3A_18 = arith.constant 0 : index
    %swap3A_19 = vector.load %arg6[%swap3A, %swap3A_18] : memref<256x128xf32, #tpu.memory_space<vmem>>, vector<256x128xf32>
    tpu.vector_store %arg6[%swap3A, %swap3A_18], %mul3A_17 {strides = array<i32>} : memref<256x128xf32, #tpu.memory_space<vmem>>, vector<256x128xf32>,
    return
  }
  func.func @transform_0(%arg0: i32, %arg1: i32) -> (i32, i32) {
    %c0_i32 = arith.constant 0 : i32
    %c0_i32_0 = arith.constant 0 : i32
    return %arg1, %c0_i32 : i32, i32
  }
  func.func @transform_1(%arg0: i32, %arg1: i32) -> (i32, i32) {
    %c0_i32 = arith.constant 0 : i32
    %c0_i32_0 = arith.constant 0 : i32
    return %c0_i32, %arg0 : i32, i32
  }
  func.func @transform_2(%arg0: i32, %arg1: i32) -> (i32, i32) {
    %c0_i32 = arith.constant 0 : i32
    %c0_i32_0 = arith.constant 0 : i32
    return %arg1, %c0_i32 : i32, i32
  }
  func.func @transform_3(%arg0: i32, %arg1: i32) -> (i32, i32) {
    %add3A = arith.constant 40 : i32
    %add3A_0 = arith.addi %add3A, %arg1 : i32
    %c0_i32 = arith.constant 0 : i32
    %c0_i32_1 = arith.constant 0 : i32
    return %add3A_0, %c0_i32 : i32, i32
  }
  func.func @transform_4(%arg0: i32, %arg1: i32) -> (i32, i32) {
    %mul3A = arith.constant 40 : i32
    %mul3A_0 = arith.muli %arg0, %mul3A : i32
    %add3A = arith.addi %mul3A_0, %arg1 : i32
    %c0_i32 = arith.constant 0 : i32
    %c0_i32_1 = arith.constant 0 : i32
    return %add3A, %c0_i32 : i32, i32
  }
}

module attributes {stable_mosaic.version = 14 : i64} {
  func.func @_tc_mid_layer(%arg0: i32, %arg1: i32, %arg2: memref<256x128xf32, #tpu.memory_space<vmem>>, %arg3: memref<256x128xf32, #tpu.memory_space<vmem>>, %arg4: memref<256x128xf32, #tpu.memory_space<vmem>>, %arg5: memref<256x128xf32, #tpu.memory_space<vmem>>, %arg6: memref<1x256xf32, #tpu.memory_space<vmem>>, %arg7: memref<256x128xf32, #tpu.memory_space<vmem>>, %arg8: memref<256x128xf32, #tpu.memory_space<vmem>>) attributes {dimension_semantics = [#tpu.dimension_semantics<arbitrary>, #tpu.dimension_semantics<arbitrary>], iteration_bounds = array<i64: 2, 40>, scalar_prefetch = 0 : i64, scratch_operands = 0 : i64, tpu.core_type = #tpu.core_type<tc>, window_params = [{transform_indices = @transform_0, window_bounds = array<i64: 256, 128>}, {transform_indices = @transform_1, window_bounds = array<i64: 256, 128>}, {transform_indices = @transform_2, window_bounds = array<i64: 256, 128>}, {transform_indices = @transform_3, window_bounds = array<i64: 256, 128>}, {pipeline_mode = #tpu.pipeline_mode<synchronous>, transform_indices = @transform_4, window_bounds = array<i64: 1, 256>}, {transform_indices = @transform_5, window_bounds = array<i64: 256, 128>}, {transform_indices = @transform_6, window_bounds = array<i64: 256, 128>}]} {
    %get3A = arith.constant 0 : index
    %get3A_0 = arith.constant 0 : index
    %get3A_1 = vector.load %arg4[%get3A, %get3A_0] : memref<256x128xf32, #tpu.memory_space<vmem>>, vector<256x1xf32>
    %get3A_2 = vector.shape_cast %get3A_1 : vector<256x1xf32> to vector<256xf32>
    %get3A_3 = arith.constant 0 : index
    %get3A_4 = arith.constant 0 : index
    %get3A_5 = vector.load %arg5[%get3A_3, %get3A_4] : memref<256x128xf32, #tpu.memory_space<vmem>>, vector<256x1xf32>
    %get3A_6 = vector.shape_cast %get3A_5 : vector<256x1xf32> to vector<256xf32>
    %add3A = arith.addf %get3A_2, %get3A_6 : vector<256xf32>
    %add3A_7 = arith.constant 1.000000e+00 : f32
    %add3A_8 = vector.broadcast %add3A_7 : f32 to vector<256xf32>
    %add3A_9 = arith.addf %add3A, %add3A_8 : vector<256xf32>
    %rsqrt3A = math.rsqrt %add3A_9 : vector<256xf32>
    %get3A_10 = arith.constant 0 : index
    %get3A_11 = arith.constant 0 : index
    %get3A_12 = vector.load %arg2[%get3A_10, %get3A_11] : memref<256x128xf32, #tpu.memory_space<vmem>>, vector<256x128xf32>
    %get3A_13 = arith.constant 0 : index
    %get3A_14 = arith.constant 0 : index
    %get3A_15 = vector.load %arg3[%get3A_13, %get3A_14] : memref<256x128xf32, #tpu.memory_space<vmem>>, vector<256x128xf32>
    %concatenate3A = tpu.concatenate %get3A_12, %get3A_15 in 1 : vector<256x128xf32>, vector<256x128xf32> -> vector<256x256xf32>
    %broadcast_in_dim3A = vector.shape_cast %rsqrt3A : vector<256xf32> to vector<256x1xf32>
    %mul3A = vector.broadcast %broadcast_in_dim3A : vector<256x1xf32> to vector<256x256xf32>
    %mul3A_16 = arith.mulf %concatenate3A, %mul3A : vector<256x256xf32>
    %get3A_17 = arith.constant 0 : index
    %get3A_18 = arith.constant 0 : index
    %get3A_19 = vector.load %arg6[%get3A_17, %get3A_18] : memref<1x256xf32, #tpu.memory_space<vmem>>, vector<1x256xf32>
    %add3A_20 = vector.broadcast %get3A_19 : vector<1x256xf32> to vector<256x256xf32>
    %add3A_21 = arith.addf %mul3A_16, %add3A_20 : vector<256x256xf32>
    %max3A = arith.constant 0.000000e+00 : f32
    %max3A_22 = vector.broadcast %max3A : f32 to vector<256x256xf32>
    %max3A_23 = arith.maximumf %add3A_21, %max3A_22 : vector<256x256xf32>
    %get3A_24 = arith.constant 0 : index
    %get3A_25 = arith.constant 0 : index
    %get3A_26 = vector.load %arg7[%get3A_24, %get3A_25] : memref<256x128xf32, #tpu.memory_space<vmem>>, vector<256x128xf32>
    %dot_general3A = arith.constant dense<0.000000e+00> : vector<256x128xf32>
    %dot_general3A_27 = tpu.matmul %max3A_23, %get3A_26, %dot_general3A {dimension_numbers = #tpu.dot_dimension_numbers<[1], [0], [0], [1], [0, 0, 1, 1], [], []>, transpose_lhs_hint = false} : vector<256x256xf32>, vector<256x128xf32>, vector<256x128xf32> -> vector<256x128xf32>
    %broadcast_in_dim3A_28 = vector.shape_cast %rsqrt3A : vector<256xf32> to vector<256x1xf32>
    %mul3A_29 = vector.broadcast %broadcast_in_dim3A_28 : vector<256x1xf32> to vector<256x128xf32>
    %mul3A_30 = arith.mulf %dot_general3A_27, %mul3A_29 : vector<256x128xf32>
    %swap3A = arith.constant 0 : index
    %swap3A_31 = arith.constant 0 : index
    %swap3A_32 = vector.load %arg8[%swap3A, %swap3A_31] : memref<256x128xf32, #tpu.memory_space<vmem>>, vector<256x128xf32>
    tpu.vector_store %arg8[%swap3A, %swap3A_31], %mul3A_30 {strides = array<i32>} : memref<256x128xf32, #tpu.memory_space<vmem>>, vector<256x128xf32>,
    return
  }
  func.func @transform_0(%arg0: i32, %arg1: i32) -> (i32, i32) {
    %c0_i32 = arith.constant 0 : i32
    %c0_i32_0 = arith.constant 0 : i32
    return %arg1, %c0_i32 : i32, i32
  }
  func.func @transform_1(%arg0: i32, %arg1: i32) -> (i32, i32) {
    %add3A = arith.constant 40 : i32
    %add3A_0 = arith.addi %add3A, %arg1 : i32
    %c0_i32 = arith.constant 0 : i32
    %c0_i32_1 = arith.constant 0 : i32
    return %add3A_0, %c0_i32 : i32, i32
  }
  func.func @transform_2(%arg0: i32, %arg1: i32) -> (i32, i32) {
    %c0_i32 = arith.constant 0 : i32
    %c0_i32_0 = arith.constant 0 : i32
    return %arg1, %c0_i32 : i32, i32
  }
  func.func @transform_3(%arg0: i32, %arg1: i32) -> (i32, i32) {
    %add3A = arith.constant 40 : i32
    %add3A_0 = arith.addi %add3A, %arg1 : i32
    %c0_i32 = arith.constant 0 : i32
    %c0_i32_1 = arith.constant 0 : i32
    return %add3A_0, %c0_i32 : i32, i32
  }
  func.func @transform_4(%arg0: i32, %arg1: i32) -> (i32, i32) {
    %c0_i32 = arith.constant 0 : i32
    %c0_i32_0 = arith.constant 0 : i32
    %c0_i32_1 = arith.constant 0 : i32
    return %c0_i32, %c0_i32_0 : i32, i32
  }
  func.func @transform_5(%arg0: i32, %arg1: i32) -> (i32, i32) {
    %c0_i32 = arith.constant 0 : i32
    %c0_i32_0 = arith.constant 0 : i32
    return %c0_i32, %arg0 : i32, i32
  }
  func.func @transform_6(%arg0: i32, %arg1: i32) -> (i32, i32) {
    %mul3A = arith.constant 40 : i32
    %mul3A_0 = arith.muli %arg0, %mul3A : i32
    %add3A = arith.addi %mul3A_0, %arg1 : i32
    %c0_i32 = arith.constant 0 : i32
    %c0_i32_1 = arith.constant 0 : i32
    return %add3A, %c0_i32 : i32, i32
  }
}

module attributes {stable_mosaic.version = 14 : i64} {
  func.func @_tc_heads(%arg0: i32, %arg1: memref<256x128xf32, #tpu.memory_space<vmem>>, %arg2: memref<256x128xf32, #tpu.memory_space<vmem>>, %arg3: memref<256x128xf32, #tpu.memory_space<vmem>>, %arg4: memref<256x128xf32, #tpu.memory_space<vmem>>, %arg5: memref<1x256xf32, #tpu.memory_space<vmem>>, %arg6: memref<1x256xf32, #tpu.memory_space<vmem>>, %arg7: memref<1x1xf32, #tpu.memory_space<vmem>>, %arg8: memref<1x256xf32, #tpu.memory_space<vmem>>, %arg9: memref<1x1xf32, #tpu.memory_space<vmem>>, %arg10: memref<40x256xf32, #tpu.memory_space<vmem>>, %arg11: memref<1x1xf32, #tpu.memory_space<vmem>>, %arg12: memref<8x256xf32, #tpu.memory_space<vmem>>) attributes {dimension_semantics = [#tpu.dimension_semantics<arbitrary>], iteration_bounds = array<i64: 40>, scalar_prefetch = 0 : i64, scratch_operands = 1 : i64, tpu.core_type = #tpu.core_type<tc>, window_params = [{transform_indices = @transform_0, window_bounds = array<i64: 256, 128>}, {transform_indices = @transform_1, window_bounds = array<i64: 256, 128>}, {transform_indices = @transform_2, window_bounds = array<i64: 256, 128>}, {transform_indices = @transform_3, window_bounds = array<i64: 256, 128>}, {pipeline_mode = #tpu.pipeline_mode<synchronous>, transform_indices = @transform_4, window_bounds = array<i64: 1, 256>}, {pipeline_mode = #tpu.pipeline_mode<synchronous>, transform_indices = @transform_5, window_bounds = array<i64: 1, 256>}, {pipeline_mode = #tpu.pipeline_mode<synchronous>, transform_indices = @transform_6, window_bounds = array<i64: 1, 1>}, {pipeline_mode = #tpu.pipeline_mode<synchronous>, transform_indices = @transform_7, window_bounds = array<i64: 1, 256>}, {pipeline_mode = #tpu.pipeline_mode<synchronous>, transform_indices = @transform_8, window_bounds = array<i64: 1, 1>}, {pipeline_mode = #tpu.pipeline_mode<synchronous>, transform_indices = @transform_9, window_bounds = array<i64: 40, 256>}, {pipeline_mode = #tpu.pipeline_mode<synchronous>, transform_indices = @transform_10, window_bounds = array<i64: 1, 1>}]} {
    %get3A = arith.constant 0 : index
    %get3A_0 = arith.constant 0 : index
    %get3A_1 = vector.load %arg3[%get3A, %get3A_0] : memref<256x128xf32, #tpu.memory_space<vmem>>, vector<256x1xf32>
    %get3A_2 = vector.shape_cast %get3A_1 : vector<256x1xf32> to vector<256xf32>
    %get3A_3 = arith.constant 0 : index
    %get3A_4 = arith.constant 0 : index
    %get3A_5 = vector.load %arg4[%get3A_3, %get3A_4] : memref<256x128xf32, #tpu.memory_space<vmem>>, vector<256x1xf32>
    %get3A_6 = vector.shape_cast %get3A_5 : vector<256x1xf32> to vector<256xf32>
    %add3A = arith.addf %get3A_2, %get3A_6 : vector<256xf32>
    %add3A_7 = arith.constant 1.000000e+00 : f32
    %add3A_8 = vector.broadcast %add3A_7 : f32 to vector<256xf32>
    %add3A_9 = arith.addf %add3A, %add3A_8 : vector<256xf32>
    %rsqrt3A = math.rsqrt %add3A_9 : vector<256xf32>
    %get3A_10 = arith.constant 0 : index
    %get3A_11 = arith.constant 0 : index
    %get3A_12 = vector.load %arg1[%get3A_10, %get3A_11] : memref<256x128xf32, #tpu.memory_space<vmem>>, vector<256x128xf32>
    %get3A_13 = arith.constant 0 : index
    %get3A_14 = arith.constant 0 : index
    %get3A_15 = vector.load %arg2[%get3A_13, %get3A_14] : memref<256x128xf32, #tpu.memory_space<vmem>>, vector<256x128xf32>
    %concatenate3A = tpu.concatenate %get3A_12, %get3A_15 in 1 : vector<256x128xf32>, vector<256x128xf32> -> vector<256x256xf32>
    %broadcast_in_dim3A = vector.shape_cast %rsqrt3A : vector<256xf32> to vector<256x1xf32>
    %mul3A = vector.broadcast %broadcast_in_dim3A : vector<256x1xf32> to vector<256x256xf32>
    %mul3A_16 = arith.mulf %concatenate3A, %mul3A : vector<256x256xf32>
    %get3A_17 = arith.constant 0 : index
    %get3A_18 = arith.constant 0 : index
    %get3A_19 = vector.load %arg5[%get3A_17, %get3A_18] : memref<1x256xf32, #tpu.memory_space<vmem>>, vector<1x256xf32>
    %add3A_20 = vector.broadcast %get3A_19 : vector<1x256xf32> to vector<256x256xf32>
    %add3A_21 = arith.addf %mul3A_16, %add3A_20 : vector<256x256xf32>
    %max3A = arith.constant 0.000000e+00 : f32
    %max3A_22 = vector.broadcast %max3A : f32 to vector<256x256xf32>
    %max3A_23 = arith.maximumf %add3A_21, %max3A_22 : vector<256x256xf32>
    %get3A_24 = arith.constant 0 : index
    %get3A_25 = arith.constant 0 : index
    %get3A_26 = vector.load %arg6[%get3A_24, %get3A_25] : memref<1x256xf32, #tpu.memory_space<vmem>>, vector<1x256xf32>
    %mul3A_27 = vector.broadcast %get3A_26 : vector<1x256xf32> to vector<256x256xf32>
    %mul3A_28 = arith.mulf %max3A_23, %mul3A_27 : vector<256x256xf32>
    %reduce_sum3A = arith.constant dense<0.000000e+00> : vector<256xf32>
    %reduce_sum3A_29 = vector.multi_reduction <add>, %mul3A_28, %reduce_sum3A [1] : vector<256x256xf32> to vector<256xf32>
    %get3A_30 = arith.constant 0 : index
    %get3A_31 = arith.constant 0 : index
    %get3A_32 = vector.load %arg7[%get3A_30, %get3A_31] : memref<1x1xf32, #tpu.memory_space<vmem>>, vector<1x1xf32>
    %get3A_33 = vector.extract %get3A_32[0, 0] : f32 from vector<1x1xf32>
    %add3A_34 = vector.broadcast %get3A_33 : f32 to vector<256xf32>
    %add3A_35 = arith.addf %reduce_sum3A_29, %add3A_34 : vector<256xf32>
    %broadcast_in_dim3A_36 = vector.shape_cast %add3A_35 : vector<256xf32> to vector<1x256xf32>
    %swap3A = arith.index_cast %arg0 : i32 to index
    %swap3A_37 = arith.constant 0 : index
    %swap3A_38 = vector.load %arg10[%swap3A, %swap3A_37] : memref<40x256xf32, #tpu.memory_space<vmem>>, vector<1x256xf32>
    tpu.vector_store %arg10[%swap3A, %swap3A_37], %broadcast_in_dim3A_36 {strides = array<i32>} : memref<40x256xf32, #tpu.memory_space<vmem>>, vector<1x256xf32>,
    %eq3A = arith.constant 0 : i32
    %eq3A_39 = arith.cmpi eq, %arg0, %eq3A : i32
    %convert_element_type3A = arith.extui %eq3A_39 : i1 to i32
    %cond3A = arith.constant 0 : i32
    %cond3A_40 = arith.cmpi ne, %convert_element_type3A, %cond3A : i32
    scf.if %cond3A_40 {
      %broadcast_in_dim3A_67 = arith.constant 0.000000e+00 : f32
      %broadcast_in_dim3A_68 = vector.broadcast %broadcast_in_dim3A_67 : f32 to vector<8x256xf32>
      %swap3A_69 = arith.constant 0 : index
      %swap3A_70 = arith.constant 0 : index
      %swap3A_71 = vector.load %arg12[%swap3A_69, %swap3A_70] : memref<8x256xf32, #tpu.memory_space<vmem>>, vector<8x256xf32>
      tpu.vector_store %arg12[%swap3A_69, %swap3A_70], %broadcast_in_dim3A_68 {strides = array<i32>} : memref<8x256xf32, #tpu.memory_space<vmem>>, vector<8x256xf32>,
    } else {
    }
    %iota3A = tpu.iota {dimensions = array<i32: 0>} : vector<256x1xi32>
    %mul3A_41 = arith.constant 256 : i32
    %mul3A_42 = arith.muli %arg0, %mul3A_41 : i32
    %add3A_43 = vector.broadcast %mul3A_42 : i32 to vector<256x1xi32>
    %add3A_44 = arith.addi %iota3A, %add3A_43 : vector<256x1xi32>
    %lt3A = arith.constant 10000 : i32
    %lt3A_45 = vector.broadcast %lt3A : i32 to vector<256x1xi32>
    %lt3A_46 = arith.cmpi slt, %add3A_44, %lt3A_45 : vector<256x1xi32>
    %jit3A = arith.constant 0.000000e+00 : f32
    %broadcast_in_dim3A_47 = vector.shape_cast %lt3A_46 : vector<256x1xi1> to vector<256x1xi1>
    %broadcast_in_dim3A_48 = vector.broadcast %broadcast_in_dim3A_47 : vector<256x1xi1> to vector<256x256xi1>
    %broadcast_in_dim3A_49 = vector.broadcast %jit3A : f32 to vector<256x256xf32>
    %select_n3A = arith.select %broadcast_in_dim3A_48, %max3A_23, %broadcast_in_dim3A_49 : vector<256x256xi1>, vector<256x256xf32>
    %get3A_50 = arith.constant 0 : index
    %get3A_51 = arith.constant 0 : index
    %get3A_52 = vector.load %arg12[%get3A_50, %get3A_51] : memref<8x256xf32, #tpu.memory_space<vmem>>, vector<1x256xf32>
    %get3A_53 = vector.shape_cast %get3A_52 : vector<1x256xf32> to vector<256xf32>
    %reduce_sum3A_54 = arith.constant dense<0.000000e+00> : vector<256xf32>
    %reduce_sum3A_55 = vector.multi_reduction <add>, %select_n3A, %reduce_sum3A_54 [0] : vector<256x256xf32> to vector<256xf32>
    %add3A_56 = arith.addf %get3A_53, %reduce_sum3A_55 : vector<256xf32>
    %swap3A_57 = arith.constant 0 : index
    %swap3A_58 = arith.constant 0 : index
    %swap3A_59 = vector.load %arg12[%swap3A_57, %swap3A_58] : memref<8x256xf32, #tpu.memory_space<vmem>>, vector<1x256xf32>
    %swap3A_60 = vector.shape_cast %swap3A_59 : vector<1x256xf32> to vector<256xf32>
    %swap3A_61 = vector.shape_cast %add3A_56 : vector<256xf32> to vector<1x256xf32>
    tpu.vector_store %arg12[%swap3A_57, %swap3A_58], %swap3A_61 {strides = array<i32>} : memref<8x256xf32, #tpu.memory_space<vmem>>, vector<1x256xf32>,
    %eq3A_62 = arith.constant 39 : i32
    %eq3A_63 = arith.cmpi eq, %arg0, %eq3A_62 : i32
    %convert_element_type3A_64 = arith.extui %eq3A_63 : i1 to i32
    %cond3A_65 = arith.constant 0 : i32
    %cond3A_66 = arith.cmpi ne, %convert_element_type3A_64, %cond3A_65 : i32
    scf.if %cond3A_66 {
      %get3A_67 = arith.constant 0 : index
      %get3A_68 = arith.constant 0 : index
      %get3A_69 = vector.load %arg12[%get3A_67, %get3A_68] : memref<8x256xf32, #tpu.memory_space<vmem>>, vector<1x256xf32>
      %get3A_70 = vector.shape_cast %get3A_69 : vector<1x256xf32> to vector<256xf32>
      %mul3A_71 = arith.constant 9.99999974E-5 : f32
      %mul3A_72 = vector.broadcast %mul3A_71 : f32 to vector<256xf32>
      %mul3A_73 = arith.mulf %get3A_70, %mul3A_72 : vector<256xf32>
      %get3A_74 = arith.constant 0 : index
      %get3A_75 = arith.constant 0 : index
      %get3A_76 = vector.load %arg8[%get3A_74, %get3A_75] : memref<1x256xf32, #tpu.memory_space<vmem>>, vector<1x256xf32>
      %get3A_77 = vector.shape_cast %get3A_76 : vector<1x256xf32> to vector<256xf32>
      %mul3A_78 = arith.mulf %mul3A_73, %get3A_77 : vector<256xf32>
      %reduce_sum3A_79 = vector.shape_cast %mul3A_78 : vector<256xf32> to vector<1x256xf32>
      %reduce_sum3A_80 = arith.constant dense<0.000000e+00> : vector<1xf32>
      %reduce_sum3A_81 = vector.multi_reduction <add>, %reduce_sum3A_79, %reduce_sum3A_80 [1] : vector<1x256xf32> to vector<1xf32>
      %reduce_sum3A_82 = vector.shape_cast %reduce_sum3A_81 : vector<1xf32> to vector<1x1xf32>
      %reduce_sum3A_83 = vector.extract %reduce_sum3A_82[0, 0] : f32 from vector<1x1xf32>
      %get3A_84 = arith.constant 0 : index
      %get3A_85 = arith.constant 0 : index
      %get3A_86 = vector.load %arg9[%get3A_84, %get3A_85] : memref<1x1xf32, #tpu.memory_space<vmem>>, vector<1x1xf32>
      %get3A_87 = vector.extract %get3A_86[0, 0] : f32 from vector<1x1xf32>
      %add3A_88 = arith.addf %reduce_sum3A_83, %get3A_87 : f32
      %reshape3A = vector.broadcast %add3A_88 : f32 to vector<1x1xf32>
      %swap3A_89 = arith.constant 0 : index
      %swap3A_90 = arith.constant 0 : index
      %swap3A_91 = vector.load %arg11[%swap3A_89, %swap3A_90] : memref<1x1xf32, #tpu.memory_space<vmem>>, vector<1x1xf32>
      tpu.vector_store %arg11[%swap3A_89, %swap3A_90], %reshape3A {strides = array<i32>} : memref<1x1xf32, #tpu.memory_space<vmem>>, vector<1x1xf32>,
    } else {
    }
    return
  }
  func.func @transform_0(%arg0: i32) -> (i32, i32) {
    %c0_i32 = arith.constant 0 : i32
    %c0_i32_0 = arith.constant 0 : i32
    return %arg0, %c0_i32 : i32, i32
  }
  func.func @transform_1(%arg0: i32) -> (i32, i32) {
    %add3A = arith.constant 40 : i32
    %add3A_0 = arith.addi %add3A, %arg0 : i32
    %c0_i32 = arith.constant 0 : i32
    %c0_i32_1 = arith.constant 0 : i32
    return %add3A_0, %c0_i32 : i32, i32
  }
  func.func @transform_2(%arg0: i32) -> (i32, i32) {
    %c0_i32 = arith.constant 0 : i32
    %c0_i32_0 = arith.constant 0 : i32
    return %arg0, %c0_i32 : i32, i32
  }
  func.func @transform_3(%arg0: i32) -> (i32, i32) {
    %add3A = arith.constant 40 : i32
    %add3A_0 = arith.addi %add3A, %arg0 : i32
    %c0_i32 = arith.constant 0 : i32
    %c0_i32_1 = arith.constant 0 : i32
    return %add3A_0, %c0_i32 : i32, i32
  }
  func.func @transform_4(%arg0: i32) -> (i32, i32) {
    %c0_i32 = arith.constant 0 : i32
    %c0_i32_0 = arith.constant 0 : i32
    %c0_i32_1 = arith.constant 0 : i32
    return %c0_i32, %c0_i32_0 : i32, i32
  }
  func.func @transform_5(%arg0: i32) -> (i32, i32) {
    %c0_i32 = arith.constant 0 : i32
    %c0_i32_0 = arith.constant 0 : i32
    %c0_i32_1 = arith.constant 0 : i32
    return %c0_i32, %c0_i32_0 : i32, i32
  }
  func.func @transform_6(%arg0: i32) -> (i32, i32) {
    %c0_i32 = arith.constant 0 : i32
    %c0_i32_0 = arith.constant 0 : i32
    %c0_i32_1 = arith.constant 0 : i32
    return %c0_i32, %c0_i32_0 : i32, i32
  }
  func.func @transform_7(%arg0: i32) -> (i32, i32) {
    %c0_i32 = arith.constant 0 : i32
    %c0_i32_0 = arith.constant 0 : i32
    %c0_i32_1 = arith.constant 0 : i32
    return %c0_i32, %c0_i32_0 : i32, i32
  }
  func.func @transform_8(%arg0: i32) -> (i32, i32) {
    %c0_i32 = arith.constant 0 : i32
    %c0_i32_0 = arith.constant 0 : i32
    %c0_i32_1 = arith.constant 0 : i32
    return %c0_i32, %c0_i32_0 : i32, i32
  }
  func.func @transform_9(%arg0: i32) -> (i32, i32) {
    %c0_i32 = arith.constant 0 : i32
    %c0_i32_0 = arith.constant 0 : i32
    %c0_i32_1 = arith.constant 0 : i32
    return %c0_i32, %c0_i32_0 : i32, i32
  }
  func.func @transform_10(%arg0: i32) -> (i32, i32) {
    %c0_i32 = arith.constant 0 : i32
    %c0_i32_0 = arith.constant 0 : i32
    %c0_i32_1 = arith.constant 0 : i32
    return %c0_i32, %c0_i32_0 : i32, i32
  }
}

</mosaic_0001>

<sc_bundles>
// kernel: kernel.11.cloned.1.call-start
scs
__scs_entry_jumppad:
0x0: {  	(pc) =	sbr.rel $0x88, $3  }
0x1: {  	(tag) =	ssettag $0x0;
	lr =	simm.s32 $0x1  }
0x2: {  	[smem:$0x3F97] =	sst lr;
	_ =	strace $0xD0000000  }
0x3: {  	_ = 	snop  }
0x4: {  	_ = 	snop  }
0x5: {  	_ = 	snop  }
0x6: {  	_ = 	snop  }
0x7: {  	_ = 	snop  }
__scs_overlays_trampoline_lowered:
0x8: {  	[smem:$0x3FA6] =	sst s0  }
0x9: {  	[smem:$0x3FA7] =	sst s1  }
0xa: {  	[smem:$0x3FA8] =	sst s2  }
0xb: {  	[smem:$0x3FA9] =	sst s3  }
0xc: {  	[smem:$0x3FAA] =	sst s4  }
0xd: {  	[smem:$0x3FAB] =	sst s5  }
0xe: {  	[smem:$0x3FAC] =	sst s6  }
0xf: {  	[smem:$0x3FAD] =	sst s7  }
0x10: {  	[smem:$0x3FAE] =	sst s8  }
0x11: {  	[smem:$0x3FAF] =	sst s9;
	s0 =	simm.s32 @!p0 $0x0  }
0x12: {  	s1 =	sld [smem:$0x3F95];
	s0 =	simm.s32 @p0 $0x1  }
0x13: {  	[smem:$0x3FB0] =	sst s0;
	s0 =	simm.s32 @!p1 $0x0  }
0x14: {  	s2 =	sld [smem:$0x3F94];
	s0 =	simm.s32 @p1 $0x1  }
0x15: {  	[smem:$0x3FB1] =	sst s0;
	s0 =	simm.s32 @!p2 $0x0  }
0x16: {  	s3 =	sld [smem:$0x3FDB];
	s0 =	simm.s32 @p2 $0x1  }
0x17: {  	s4 =	simm.s32 $0x1BF5;
	[smem:$0x3FB3] =	sst s0  }
0x18: {  	s0 =	sld [smem:$0x3F96];
	_ =	swait.ge [sflag:s4], $0x0  }
0x19: {  	s7 =	sld [smem:$0x3F97]  }
0x1a: {  	s8 =	sadd.s32 $0xFFFFE003, lr  }
0x1b: {  	s9 =	sadd.s32 $0xFFFFFEF7, lr;
	s5 =	simm.s32 $0xFFFFFFFF;
	p2 =	slt.u32 s8, $0xFFFFF086  }
0x1c: {  	p1 =	slt.u32 s9, $0xF7A;
	s5 =	simm.s32 @!p2 $0x0  }
0x1d: {  	s5 =	simm.s32 @p1 $0x1;
	p0 =	seq.s32 s7, s2  }
0x1e: {  	s7 =	smul.u32 @!p0 $0xF7A, s2;
	p2 =	seq.s32 @!p0 s5, $0x0  }
0x1f: {  	s9 =	smul.u32 $0xF7A, s1;
	s8 =	simm.s32 @!p0 $0x1BF5;
	p2 =	por !p2, p0  }
0x20: {  	[sflag:s8] =	ssyncset.s32 @!p0 $0xFFFFF086;
	s6 =	sadd.s32 @!p0 s3, s7;
	s7 =	simm.s32 @!p0 $0x108  }
0x21: {  	s3 =	sadd.s32 s3, s9;
	s6 =	sadd.s32 @!p0 $0x88, s6;
	s7 =	simm.s32 @p2 $0x1082  }
0x22: {  	[simem:s7], [sflag:s8] =	dma.local @!p0 [hbm:s6], $0xF7A  }
0x23: {  	s9 =	sor.u32 $0xD0000000, s2;
	s6 =	simm.s32 $0x108;
	_ =	swait.ge @!p0 [sflag:s8], $0x0  }
0x24: {  	s3 =	sadd.s32 $0x88, s3;
	s6 =	simm.s32 @!p1 $0x1082;
	[sflag:s4] =	ssyncset.s32 $0xFFFFF086  }
0x25: {  	[simem:s6], [sflag:s4] =	dma.local [hbm:s3], $0xF7A  }
0x26: {  	[smem:$0x3F97] =	sst s1;
	(tag) =	ssettag s2;
	_ =	strace s9  }
0x27: {  	s1 =	sld [smem:$0x3FA7]  }
0x28: {  	s2 =	sld [smem:$0x3FA8]  }
0x29: {  	s4 =	sld [smem:$0x3FAA]  }
0x2a: {  	p0 =	seq.s32 s5, $0x0;
	s5 =	sld [smem:$0x3FAB]  }
0x2b: {  	s6 =	sld [smem:$0x3FAC]  }
0x2c: {  	s7 =	sld [smem:$0x3FAD]  }
0x2d: {  	s3 =	simm.s32 $0x108;
	s8 =	sld [smem:$0x3FAE]  }
0x2e: {  	s3 =	simm.s32 @!p0 $0x1082;
	s9 =	sld [smem:$0x3FAF]  }
0x2f: {  	lr =	sadd.s32 s0, s3;
	s0 =	sld [smem:$0x3FA6]  }
0x30: {  	s3 =	sld [smem:$0x3FA9]  }
0x31: {  	[smem:$0x3FB2] =	sst s10  }
0x32: {  	s10 =	sld [smem:$0x3FB0];
	_ =	sdelay $0x3  }
0x33: {  	p0 =	seq.s32 s10, $0x1;
	s10 =	sld [smem:$0x3FB2];
	_ =	sdelay $0x3  }
0x34: {  	[smem:$0x3FB2] =	sst s10  }
0x35: {  	s10 =	sld [smem:$0x3FB1];
	_ =	sdelay $0x3  }
0x36: {  	p1 =	seq.s32 s10, $0x1;
	s10 =	sld [smem:$0x3FB2];
	_ =	sdelay $0x3  }
0x37: {  	[smem:$0x3FB2] =	sst s10  }
0x38: {  	s10 =	sld [smem:$0x3FB3]  }
0x39: {  	_ = 	snop;
	(pc) =	sbr.ind lr, $3  }
0x3a: {  	_ = 	snop  }
0x3b: {  	_ = 	snop  }
0x3c: {  	p2 =	seq.s32 s10, $0x1;
	s10 =	sld [smem:$0x3FB2]  }
0x3d: {  	_ =	shalt  }
0x3e: {  	_ =	shalt  }
0x3f: {  	_ =	shalt  }
0x40: {  	_ =	shalt  }
0x41: {  	_ =	shalt  }
0x42: {  	_ =	shalt  }
0x43: {  	_ =	shalt  }
0x44: {  	_ =	shalt  }
0x45: {  	_ =	shalt  }
0x46: {  	_ =	shalt  }
0x47: {  	_ =	shalt  }
0x48: {  	_ =	shalt  }
0x49: {  	_ =	shalt  }
0x4a: {  	_ =	shalt  }
0x4b: {  	_ =	shalt  }
0x4c: {  	_ =	shalt  }
0x4d: {  	_ =	shalt  }
0x4e: {  	_ =	shalt  }
0x4f: {  	_ =	shalt  }
0x50: {  	_ =	shalt  }
0x51: {  	_ =	shalt  }
0x52: {  	_ =	shalt  }
0x53: {  	_ =	shalt  }
0x54: {  	_ =	shalt  }
0x55: {  	_ =	shalt  }
0x56: {  	_ =	shalt  }
0x57: {  	_ =	shalt  }
0x58: {  	_ =	shalt  }
0x59: {  	_ =	shalt  }
0x5a: {  	_ =	shalt  }
0x5b: {  	_ =	shalt  }
0x5c: {  	_ =	shalt  }
0x5d: {  	_ =	shalt  }
0x5e: {  	_ =	shalt  }
0x5f: {  	_ =	shalt  }
0x60: {  	_ =	shalt  }
0x61: {  	_ =	shalt  }
0x62: {  	_ =	shalt  }
0x63: {  	_ =	shalt  }
0x64: {  	_ =	shalt  }
0x65: {  	_ =	shalt  }
0x66: {  	_ =	shalt  }
0x67: {  	_ =	shalt  }
0x68: {  	_ =	shalt  }
0x69: {  	_ =	shalt  }
0x6a: {  	_ =	shalt  }
0x6b: {  	_ =	shalt  }
0x6c: {  	_ =	shalt  }
0x6d: {  	_ =	shalt  }
0x6e: {  	_ =	shalt  }
0x6f: {  	_ =	shalt  }
0x70: {  	_ =	shalt  }
0x71: {  	_ =	shalt  }
0x72: {  	_ =	shalt  }
0x73: {  	_ =	shalt  }
0x74: {  	_ =	shalt  }
0x75: {  	_ =	shalt  }
0x76: {  	_ =	shalt  }
0x77: {  	_ =	shalt  }
0x78: {  	_ =	shalt  }
0x79: {  	_ =	shalt  }
0x7a: {  	_ =	shalt  }
0x7b: {  	_ =	shalt  }
0x7c: {  	_ =	shalt  }
0x7d: {  	_ =	shalt  }
0x7e: {  	_ =	shalt  }
0x7f: {  	_ =	shalt  }
0x80: {  	_ =	shalt  }
0x81: {  	_ =	shalt  }
0x82: {  	_ =	shalt  }
0x83: {  	_ =	shalt  }
0x84: {  	_ =	shalt  }
0x85: {  	_ =	shalt  }
0x86: {  	_ =	shalt  }
0x87: {  	_ =	shalt  }
.Lfunc_end0:
.L_simem_size_0:
called_computation.1_lowered:
.L_overlay_start_0:
0x88: {  	s2 =	sld [smem:$0x3FD9]  }
0x89: {  	s3 =	sld [smem:$0x3FFE];
	_ =	sdelay $0x1  }
0x8a: {  	s1 =	srdreg.scid  }
0x8b: {  	s0 =	sand.u32 $0x1, s1  }
0x8c: {  	s16 =	sshll.u32 s0, $0xA;
	s2 =	sadd.s32 s3, s2  }
0x8d: {  	s2 =	sadd.s32 s2, s16  }
0x8e: {  	[smem:$0x3FBE] =	sst s2  }
0x8f: {  	_ = 	snop  }
0x90: {  	(tm) =	ssettm $0x1  }
0x91: {  	s17 =	sld [smem:$0x3FFB];
	_ =	sdelay $0x3  }
0x92: {  	_ =	strace s17  }
0x93: {  	s2 =	sld [smem:$0x3FFC];
	_ =	sdelay $0x3  }
0x94: {  	_ =	strace s2  }
0x95: {  	s2 =	sld [smem:$0x3FFD];
	_ =	sdelay $0x3  }
0x96: {  	_ =	strace s2  }
0x97: {  	_ =	strace $0x8FFFFFFF  }
0x98: {  	s18 =	sld [smem:$0x3FDB];
	_ =	sdelay $0x1  }
0x99: {  	s19 =	simm.s32 $_scs_section_size  }
0x9a: {  	s4 =	simm.s32 $_size__tile_overlayer_lowered;
	s5 =	simm.s32 $_tile_overlayer_lowered  }
0x9b: {  	s22 =	simm.s32 $0x1BFF;
	s21 =	sshll.u32 s5, $0x1;
	s2 =	sadd.s32 s19, s18  }
0x9c: {  	s6 =	simm.s32 $0x0;
	s20 =	sshll.u32 s4, $0x1;
	s4 =	sadd.s32 s21, s2  }
0x9d: {  	[timem:s6], [sflag:s22] =	dma.local [hbm:s4], s20  }
0x9e: {  	_ =	swait.ge [sflag:s22], s20  }
0x9f: {  	s3 =	ssub.s32 $0x0, s20;
	[sflag:s22] =	ssyncset.done $0x0  }
0xa0: {  	[sflag:s22] =	ssyncadd.s32 s3;
	_ =	sdelay $0x1  }
0xa1: {  	s23 =	simm.s32 $0x1B8B  }
0xa2: {  	_ =	swait.ge [sflag:s23], $0x1  }
0xa3: {  	[sflag:s23] =	ssyncset.done $0x0  }
0xa4: {  	s25 =	simm.s32 $0x1B8E;
	s24 =	sld [smem:$0x3FFE];
	[sflag:s23] =	ssyncadd.s32 $0xFFFFFFFF  }
0xa5: {  	s26 =	simm.s32 $execute0_lowered;
	[smem:$0x3FD2] =	sst s25  }
0xa6: {  	s4 =	sshll.u32 s26, $0x1;
	_ =	strace $0x80000049;
	[dreg:$0x1] =	wrdreg $0xFFFFFFFF  }
0xa7: {  	s28 =	simm.s32 $_size_execute0_lowered;
	s2 =	sadd.s32 s2, s4;
	[dreg:$0x0] =	wrdreg $0x0  }
0xa8: {  	s4 =	sshll.u32 s28, $0x1;
	[dreg:$0x2] =	wrdreg s2  }
0xa9: {  	[dreg:$0x3] =	wrdreg s4  }
0xaa: {  	[dreg:$0x4] =	wrdreg $0xC0  }
0xab: {  	_ =	task [dreg:s6], $0x5FFFF  }
0xac: {  	[dreg:$0x1] =	wrdreg $0xFFFFFFFF  }
0xad: {  	[dreg:$0x0] =	wrdreg $0x60  }
0xae: {  	[dreg:$0x2] =	wrdreg s24  }
0xaf: {  	[dreg:$0x3] =	wrdreg $0x90000  }
0xb0: {  	[dreg:$0x4] =	wrdreg $0x9  }
0xb1: {  	_ =	task.clear_ibuf [dreg:s6], $0x5FFFF;
	_ =	strace $0x90000049  }
0xb2: {  	s29 =	simm.s32 $0x9;
	_ =	strace $0x8000004B  }
0xb3: {  	_ =	swait.ge [sflag:s29], $0x1  }
0xb4: {  	[sflag:s29] =	ssyncadd.s32 $0xFFFFFFFF  }
0xb5: {  	_ =	strace $0x9000004B  }
0xb6: {  	_ =	sfence  }
0xb7: {  	s30 =	sld [smem:$0x0];
	_ =	sdelay $0x2  }
0xb8: {  	s31 =	sshll.u32 s1, $0xD;
	s1 =	sshrl.u32 s1, $0x2  }
0xb9: {  	s3 =	sand.u32 $0x4000, s31;
	s1 =	sadd.s32 s1, s30  }
0xba: {  	s0 =	sor.u32 s3, s0;
	s1 =	sshll.u32 s1, $0x11  }
0xbb: {  	s0 =	sor.u32 s1, s0  }
0xbc: {  	s0 =	sadd.s32 $0x8F2B, s0  }
0xbd: {  	[sflag:s0] =	ssyncadd.remote.s32 $0x1  }
0xbe: {  	_ =	sfence.sel $0xFFFF  }
0xbf: {  	[dreg:$0x0] =	wrdreg $0xFFFFFFFF;
	(pc) =	sbr.abs _section_cstart, $3  }
0xc0: {  	[dreg:$0x1] =	wrdreg $0xFFFFFFFF  }
0xc1: {  	_ =	task.clear_ibuf [dreg:s6], $0x2FFFF;
	_ =	strace $0x9FFFFFFF  }
0xc2: {  	(tm) =	ssettm $0x7FFFFFFF  }
0xc3: {  	_ =	shalt  }
tec
execute0_lowered:
.L_overlay_start_1:
0x0: {  	(tag) =	ssettag $0x1  }
0x1: {  	s6 =	rddreg [dreg:$0x0]  }
0x2: {  	s2 =	rddreg [dreg:$0x1];
	s14 =	stileid.u32  }
0x3: {  	s1 =	srdreg.scid;
	s3 =	simm.s32 $0x0;
	s22 =	simm.s32 $0x100  }
0x4: {  	s23 =	simm.s32 $0x880;
	s25 =	simm.s32 $0x180;
	s26 =	simm.s32 $0x900  }
0x5: {  	s15 =	simm.s32 $0x980;
	s16 =	simm.s32 $0x280;
	s28 =	simm.s32 $0x3  }
0x6: {  	s29 =	simm.s32 $0x80;
	s30 =	simm.s32 $0x400;
	[smem:$0x7FF] =	sst s3  }
0x7: {  	s0 =	smul.u32 $0x500, s14;
	_ =	strace $0x8000004A;
	[dreg:$0x3] =	wrdreg s22  }
0x8: {  	s31 =	simm.s32 $0xC00;
	s11 =	smul.u32 $0x50, s14;
	[dreg:$0x4] =	wrdreg s23  }
0x9: {  	s5 =	sand.u32 $0x1, s1;
	s12 =	smul.u32 $0x280, s14;
	[dreg:$0x5] =	wrdreg s25  }
0xa: {  	s18 =	smul.u32 $0x50000, s14;
	s14 =	simm.s32 $0x200;
	[dreg:$0x6] =	wrdreg s26  }
0xb: {  	s4 =	sadd.s32 $0x68400, s6;
	s1 =	sadd.s32 $0x5E400, s6;
	[dreg:$0x7] =	wrdreg s14  }
0xc: {  	s8 =	sadd.s32 $0xB8400, s6;
	s7 =	smul.u32 $0x2800, s5;
	[dreg:$0x8] =	wrdreg s15  }
0xd: {  	s9 =	smul.u32 $0x500, s5;
	s17 =	ssub.s32 $0x2, s5;
	[dreg:$0x9] =	wrdreg s16  }
0xe: {  	s22 =	simm.s32 $0xB00;
	s23 =	simm.s32 $0xB80;
	s26 =	simm.s32 $0x500  }
0xf: {  	s5 =	smul.u32 $0x5000, s5;
	s10 =	sadd.s32 s0, s6;
	[dreg:$0xe] =	wrdreg s22  }
0x10: {  	s13 =	sshrl.u32 s17, $0x1;
	s20 =	sshrl.u32 s18, $0x2;
	[dreg:$0xf] =	wrdreg s23  }
0x11: {  	s18 =	simm.s32 $0xA00;
	[dreg:$0x11] =	wrdreg s26;
	s22 =	simm.s32 $0xD80  }
0x12: {  	s23 =	simm.s32 $0x680;
	s26 =	simm.s32 $0xE80;
	[dreg:$0xa] =	wrdreg s18  }
0x13: {  	s9 =	sadd.s32 s11, s9;
	s13 =	ssub.s32 s17, s13;
	[dreg:$0x16] =	wrdreg s22  }
0x14: {  	s12 =	sadd.s32 s12, s7;
	s7 =	sadd.s32 s20, s2;
	[dreg:$0x17] =	wrdreg s23  }
0x15: {  	s20 =	simm.s32 $0xA80;
	s18 =	simm.s32 $0x580;
	[dreg:$0x1a] =	wrdreg s26  }
0x16: {  	s26 =	simm.s32 $0x800;
	s19 =	sshll.u32 s9, $0x4;
	[dreg:$0xc] =	wrdreg s20  }
0x17: {  	s21 =	smax.u32 s13, $0x1;
	s11 =	sadd.s32 $0x4000, s7;
	[dreg:$0x13] =	wrdreg s18  }
0x18: {  	s20 =	simm.s32 $0x600;
	s22 =	sadd.s32 $0x10000, s7;
	[dreg:$0x1c] =	wrdreg s21  }
0x19: {  	s9 =	simm.s32 $0x780;
	s6 =	sadd.s32 s1, s19;
	[dreg:$0x15] =	wrdreg s20  }
0x1a: {  	s19 =	simm.s32 $0x300;
	s21 =	simm.s32 $0x380;
	[dreg:$0x1b] =	wrdreg s6  }
0x1b: {  	s1 =	sadd.s32 s5, s1;
	s6 =	sadd.s32 $0x8400, s10;
	[dreg:$0xb] =	wrdreg s19  }
0x1c: {  	s10 =	sshll.u32 s12, $0x4;
	[dreg:$0xd] =	wrdreg s21;
	s19 =	simm.s32 $0xD00  }
0x1d: {  	s24 =	sadd.s32 s4, s10;
	s12 =	sadd.s32 $0x800, s10;
	[dreg:$0x14] =	wrdreg s19  }
0x1e: {  	s14 =	sadd.s32 $0x1000, s10;
	[dreg:$0x1d] =	wrdreg s24;
	s13 =	sadd.s32 s4, s12  }
0x1f: {  	s16 =	sadd.s32 $0x1800, s10;
	s17 =	sadd.s32 s4, s14;
	[dreg:$0x1e] =	wrdreg s13  }
0x20: {  	s5 =	simm.s32 $0x2;
	s15 =	sadd.s32 s4, s16;
	[dreg:$0x1f] =	wrdreg s17  }
0x21: {  	s23 =	sadd.s32 s0, s1;
	s25 =	sadd.s32 s8, s12;
	[smem:$0x7F7] =	sst s15  }
0x22: {  	s0 =	simm.s32 $0x1;
	s24 =	simm.s32 $0x480;
	[smem:$0x7F9] =	sst s25  }
0x23: {  	s1 =	simm.s32 $0x5000;
	s12 =	sadd.s32 s8, s14;
	[dreg:$0x10] =	wrdreg s24  }
0x24: {  	s14 =	simm.s32 $0xC80;
	s16 =	sadd.s32 s8, s16;
	[smem:$0x7FA] =	sst s12  }
0x25: {  	s13 =	sadd.s32 $0x8000, s7;
	s15 =	sadd.s32 $0xC000, s7;
	[smem:$0x7FB] =	sst s16  }
0x26: {  	s17 =	sadd.s32 $0x2000, s10;
	s10 =	sadd.s32 s8, s10;
	[dreg:$0x12] =	wrdreg s14  }
0x27: {  	s24 =	simm.s32 $0xE00;
	s25 =	simm.s32 $0x700;
	[smem:$0x7F8] =	sst s10  }
0x28: {  	s12 =	simm.s32 $0xF80;
	s14 =	simm.s32 $0x0;
	[dreg:$0x18] =	wrdreg s24  }
0x29: {  	s8 =	sadd.s32 s8, s17;
	s21 =	sadd.s32 s4, s17;
	[dreg:$0x19] =	wrdreg s25  }
0x2a: {  	s24 =	simm.s32 $0x1000;
	s25 =	simm.s32 $0x5;
	[smem:$0x7FC] =	sst s8  }
0x2b: {  	s10 =	simm.s32 $0xF00;
	[smem:$0x7FD] =	sst s21;
	s8 =	simm.s32 $0x4  }
.LBB2_1:
0x2c: {  	s16 =	rddreg [dreg:$0x1d]  }
0x2d: {  	[tilespmem:s24], [sflag:$0x5] =	stream.linear.gather [hbm4b:s16+s3], $0x4000, $0x38;
	[tilespmem:$0x1D000] =	vst v63  }
0x2e: {  	_ =	swait.ge [sflag:s25], $0x4000  }
0x2f: {  	[sflag:s25] =	ssyncset.done $0x0  }
0x30: {  	[sflag:s25] =	ssyncadd.s32 $0xFFFFC000  }
0x31: {  	[spmem:s7] =	stream.linear.scatter [tilespmem:s24], [sflag:$0x5], $0x4000, $0x38;
	[tilespmem:$0x1D000] =	vst v63  }
0x32: {  	_ =	swait.ge [sflag:s25], $0x4000  }
0x33: {  	[sflag:s25] =	ssyncset.done $0x0  }
0x34: {  	s21 =	rddreg [dreg:$0x1e];
	[sflag:s25] =	ssyncadd.s32 $0xFFFFC000  }
0x35: {  	[tilespmem:s24], [sflag:$0x5] =	stream.linear.gather [hbm4b:s21+s3], $0x4000, $0x38;
	[tilespmem:$0x1D000] =	vst v63  }
0x36: {  	_ =	swait.ge [sflag:s25], $0x4000  }
0x37: {  	[sflag:s25] =	ssyncset.done $0x0  }
0x38: {  	[sflag:s25] =	ssyncadd.s32 $0xFFFFC000  }
0x39: {  	[spmem:s11] =	stream.linear.scatter [tilespmem:s24], [sflag:$0x5], $0x4000, $0x38;
	[tilespmem:$0x1D000] =	vst v63  }
0x3a: {  	_ =	swait.ge [sflag:s25], $0x4000  }
0x3b: {  	[sflag:s25] =	ssyncset.done $0x0  }
0x3c: {  	s17 =	rddreg [dreg:$0x1f];
	[sflag:s25] =	ssyncadd.s32 $0xFFFFC000  }
0x3d: {  	[tilespmem:s24], [sflag:$0x5] =	stream.linear.gather [hbm4b:s17+s3], $0x4000, $0x38;
	[tilespmem:$0x1D000] =	vst v63  }
0x3e: {  	_ =	swait.ge [sflag:s25], $0x4000  }
0x3f: {  	[sflag:s25] =	ssyncset.done $0x0  }
0x40: {  	[sflag:s25] =	ssyncadd.s32 $0xFFFFC000  }
0x41: {  	[spmem:s13] =	stream.linear.scatter [tilespmem:s24], [sflag:$0x5], $0x4000, $0x38;
	[tilespmem:$0x1D000] =	vst v63  }
0x42: {  	_ =	swait.ge [sflag:s25], $0x4000  }
0x43: {  	s18 =	sld [smem:$0x7F7]  }
0x44: {  	[sflag:s25] =	ssyncset.done $0x0  }
0x45: {  	[sflag:s25] =	ssyncadd.s32 $0xFFFFC000  }
0x46: {  	[tilespmem:s24], [sflag:$0x5] =	stream.linear.gather [hbm4b:s18+s3], $0x4000, $0x38;
	[tilespmem:$0x1D000] =	vst v63  }
0x47: {  	_ =	swait.ge [sflag:s25], $0x4000  }
0x48: {  	[sflag:s25] =	ssyncset.done $0x0  }
0x49: {  	[sflag:s25] =	ssyncadd.s32 $0xFFFFC000  }
0x4a: {  	[spmem:s15] =	stream.linear.scatter [tilespmem:s24], [sflag:$0x5], $0x4000, $0x38;
	[tilespmem:$0x1D000] =	vst v63  }
0x4b: {  	_ =	swait.ge [sflag:s25], $0x4000  }
0x4c: {  	s19 =	sld [smem:$0x7FD]  }
0x4d: {  	[sflag:s25] =	ssyncset.done $0x0  }
0x4e: {  	[sflag:s25] =	ssyncadd.s32 $0xFFFFC000  }
0x4f: {  	[tilespmem:s24], [sflag:$0x5] =	stream.linear.gather [hbm4b:s19+s3], $0x4000, $0x38;
	[tilespmem:$0x1D000] =	vst v63  }
0x50: {  	_ =	swait.ge [sflag:s25], $0x4000  }
0x51: {  	[sflag:s25] =	ssyncset.done $0x0  }
0x52: {  	[sflag:s25] =	ssyncadd.s32 $0xFFFFC000  }
0x53: {  	[spmem:s22] =	stream.linear.scatter [tilespmem:s24], [sflag:$0x5], $0x4000, $0x38;
	[tilespmem:$0x1D000] =	vst v63  }
0x54: {  	_ =	swait.ge [sflag:s25], $0x4000  }
0x55: {  	[sflag:s25] =	ssyncset.done $0x0  }
0x56: {  	[sflag:s25] =	ssyncadd.s32 $0xFFFFC000  }
0x57: {  	[bflag:$0x0] =	sbarrier.arrive $0xFFFF  }
0x58: {  	s20 =	rddreg [dreg:$0x1b]  }
0x59: {  	[tilespmem:s3], [sflag:$0x3] =	stream.linear.gather [hbm4b:s20+s3], $0x400, $0x38;
	[tilespmem:$0x1D000] =	vst v63  }
0x5a: {  	_ = 	snop  }
0x5b: {  	[tilespmem:s26], [sflag:$0x3] =	stream.linear.gather [hbm4b:s6+s3], $0x400, $0x38;
	[tilespmem:$0x1D000] =	vst v63  }
0x5c: {  	_ =	swait.ge [sflag:s28], $0x400  }
0x5d: {  	[sflag:s28] =	ssyncset.done $0x0  }
0x5e: {  	[sflag:s28] =	ssyncadd.s32 $0xFFFFFC00  }
0x5f: {  	_ =	swait.ge [sflag:s28], $0x400  }
0x60: {  	[sflag:s28] =	ssyncset.done $0x0  }
0x61: {  	s21 =	sadd.s32 $0x0, s23;
	[sflag:s28] =	ssyncadd.s32 $0xFFFFFC00  }
0x62: {  	[tilespmem:s24], [sflag:$0x1] =	stream.indirect.gather [hbm4b:s4+s29], $0x80, s3, s29, $0xb8;
	[tilespmem:$0x1D000] =	vst v63  }
0x63: {  	s16 =	sadd.s32 $0x80, s21;
	s17 =	sadd.s32 $0x0, s6  }
0x64: {  	[tilespmem:s30], [sflag:$0x4] =	stream.linear.gather [hbm4b:s16+s3], $0x400, $0x38;
	[tilespmem:$0x1D000] =	vst v63  }
0x65: {  	s17 =	sadd.s32 $0x80, s17  }
0x66: {  	[tilespmem:s31], [sflag:$0x4] =	stream.linear.gather [hbm4b:s17+s3], $0x400, $0x38;
	[tilespmem:$0x1D000] =	vst v63  }
0x67: {  	_ =	swait.ge [sflag:s0], $0x4000  }
0x68: {  	[sflag:s0] =	ssyncset.done $0x0  }
0x69: {  	[sflag:s0] =	ssyncadd.s32 $0xFFFFC000  }
0x6a: {  	[tilespmem:s1], [sflag:$0x2] =	stream.indirect.gather [hbm4b:s4+s29], $0x80, s29, s29, $0xb8;
	[tilespmem:$0x1D000] =	vst v63  }
0x6b: {  	_ = 	snop  }
0x6c: {  	[spmem:s2] =	stream.indirect.scatter.add.f32 [tilespmem:s24], [sflag:$0x5], $0x80, s26, s29, $0xb8;
	[tilespmem:$0x1D000] =	vst v63  }
0x6d: {  	_ =	swait.ge [sflag:s25], $0x4000  }
0x6e: {  	[sflag:s25] =	ssyncset.done $0x0  }
0x6f: {  	[sflag:s25] =	ssyncadd.s32 $0xFFFFC000  }
0x70: {  	_ =	swait.ge [sflag:s5], $0x4000  }
0x71: {  	[sflag:s5] =	ssyncset.done $0x0  }
0x72: {  	s18 =	rddreg [dreg:$0x3];
	[sflag:s5] =	ssyncadd.s32 $0xFFFFC000  }
0x73: {  	[tilespmem:s24], [sflag:$0x1] =	stream.indirect.gather [hbm4b:s4+s29], $0x80, s18, s29, $0xb8;
	[tilespmem:$0x1D000] =	vst v63  }
0x74: {  	s19 =	rddreg [dreg:$0x4]  }
0x75: {  	[spmem:s2] =	stream.indirect.scatter.add.f32 [tilespmem:s1], [sflag:$0x5], $0x80, s19, s29, $0xb8;
	[tilespmem:$0x1D000] =	vst v63  }
0x76: {  	_ =	swait.ge [sflag:s25], $0x4000  }
0x77: {  	[sflag:s25] =	ssyncset.done $0x0  }
0x78: {  	[sflag:s25] =	ssyncadd.s32 $0xFFFFC000  }
0x79: {  	_ =	swait.ge [sflag:s0], $0x4000  }
0x7a: {  	[sflag:s0] =	ssyncset.done $0x0  }
0x7b: {  	s20 =	rddreg [dreg:$0x5];
	[sflag:s0] =	ssyncadd.s32 $0xFFFFC000  }
0x7c: {  	[tilespmem:s1], [sflag:$0x2] =	stream.indirect.gather [hbm4b:s4+s29], $0x80, s20, s29, $0xb8;
	[tilespmem:$0x1D000] =	vst v63  }
0x7d: {  	s21 =	rddreg [dreg:$0x6]  }
0x7e: {  	[spmem:s2] =	stream.indirect.scatter.add.f32 [tilespmem:s24], [sflag:$0x5], $0x80, s21, s29, $0xb8;
	[tilespmem:$0x1D000] =	vst v63  }
0x7f: {  	_ =	swait.ge [sflag:s25], $0x4000  }
0x80: {  	[sflag:s25] =	ssyncset.done $0x0  }
0x81: {  	[sflag:s25] =	ssyncadd.s32 $0xFFFFC000  }
0x82: {  	_ =	swait.ge [sflag:s5], $0x4000  }
0x83: {  	[sflag:s5] =	ssyncset.done $0x0  }
0x84: {  	s18 =	rddreg [dreg:$0x7];
	[sflag:s5] =	ssyncadd.s32 $0xFFFFC000  }
0x85: {  	[tilespmem:s24], [sflag:$0x1] =	stream.indirect.gather [hbm4b:s4+s29], $0x80, s18, s29, $0xb8;
	[tilespmem:$0x1D000] =	vst v63  }
0x86: {  	s19 =	rddreg [dreg:$0x8]  }
0x87: {  	[spmem:s2] =	stream.indirect.scatter.add.f32 [tilespmem:s1], [sflag:$0x5], $0x80, s19, s29, $0xb8;
	[tilespmem:$0x1D000] =	vst v63  }
0x88: {  	_ =	swait.ge [sflag:s25], $0x4000  }
0x89: {  	[sflag:s25] =	ssyncset.done $0x0  }
0x8a: {  	[sflag:s25] =	ssyncadd.s32 $0xFFFFC000  }
0x8b: {  	_ =	swait.ge [sflag:s0], $0x4000  }
0x8c: {  	[sflag:s0] =	ssyncset.done $0x0  }
0x8d: {  	s20 =	rddreg [dreg:$0x9];
	[sflag:s0] =	ssyncadd.s32 $0xFFFFC000  }
0x8e: {  	[tilespmem:s1], [sflag:$0x2] =	stream.indirect.gather [hbm4b:s4+s29], $0x80, s20, s29, $0xb8;
	[tilespmem:$0x1D000] =	vst v63  }
0x8f: {  	s21 =	rddreg [dreg:$0xa]  }
0x90: {  	[spmem:s2] =	stream.indirect.scatter.add.f32 [tilespmem:s24], [sflag:$0x5], $0x80, s21, s29, $0xb8;
	[tilespmem:$0x1D000] =	vst v63  }
0x91: {  	_ =	swait.ge [sflag:s25], $0x4000  }
0x92: {  	[sflag:s25] =	ssyncset.done $0x0  }
0x93: {  	[sflag:s25] =	ssyncadd.s32 $0xFFFFC000  }
0x94: {  	_ =	swait.ge [sflag:s5], $0x4000  }
0x95: {  	[sflag:s5] =	ssyncset.done $0x0  }
0x96: {  	s18 =	rddreg [dreg:$0xb];
	[sflag:s5] =	ssyncadd.s32 $0xFFFFC000  }
0x97: {  	[tilespmem:s24], [sflag:$0x1] =	stream.indirect.gather [hbm4b:s4+s29], $0x80, s18, s29, $0xb8;
	[tilespmem:$0x1D000] =	vst v63  }
0x98: {  	s19 =	rddreg [dreg:$0xc]  }
0x99: {  	[spmem:s2] =	stream.indirect.scatter.add.f32 [tilespmem:s1], [sflag:$0x5], $0x80, s19, s29, $0xb8;
	[tilespmem:$0x1D000] =	vst v63  }
0x9a: {  	_ =	swait.ge [sflag:s25], $0x4000  }
0x9b: {  	[sflag:s25] =	ssyncset.done $0x0  }
0x9c: {  	[sflag:s25] =	ssyncadd.s32 $0xFFFFC000  }
0x9d: {  	_ =	swait.ge [sflag:s0], $0x4000  }
0x9e: {  	[sflag:s0] =	ssyncset.done $0x0  }
0x9f: {  	s20 =	rddreg [dreg:$0xd];
	[sflag:s0] =	ssyncadd.s32 $0xFFFFC000  }
0xa0: {  	[tilespmem:s1], [sflag:$0x2] =	stream.indirect.gather [hbm4b:s4+s29], $0x80, s20, s29, $0xb8;
	[tilespmem:$0x1D000] =	vst v63  }
0xa1: {  	s21 =	rddreg [dreg:$0xe]  }
0xa2: {  	[spmem:s2] =	stream.indirect.scatter.add.f32 [tilespmem:s24], [sflag:$0x5], $0x80, s21, s29, $0xb8;
	[tilespmem:$0x1D000] =	vst v63  }
0xa3: {  	_ =	swait.ge [sflag:s25], $0x4000  }
0xa4: {  	[sflag:s25] =	ssyncset.done $0x0  }
0xa5: {  	[sflag:s25] =	ssyncadd.s32 $0xFFFFC000  }
0xa6: {  	_ =	swait.ge [sflag:s5], $0x4000  }
0xa7: {  	[sflag:s5] =	ssyncset.done $0x0  }
0xa8: {  	[sflag:s5] =	ssyncadd.s32 $0xFFFFC000  }
0xa9: {  	_ =	swait.ge [sflag:s8], $0x400  }
0xaa: {  	[sflag:s8] =	ssyncset.done $0x0  }
0xab: {  	[sflag:s8] =	ssyncadd.s32 $0xFFFFFC00  }
0xac: {  	_ =	swait.ge [sflag:s8], $0x400  }
0xad: {  	[sflag:s8] =	ssyncset.done $0x0  }
0xae: {  	[sflag:s8] =	ssyncadd.s32 $0xFFFFFC00  }
0xaf: {  	[tilespmem:s24], [sflag:$0x1] =	stream.indirect.gather [hbm4b:s4+s29], $0x80, s30, s29, $0xb8;
	[tilespmem:$0x1D000] =	vst v63  }
0xb0: {  	s18 =	rddreg [dreg:$0xf]  }
0xb1: {  	[spmem:s2] =	stream.indirect.scatter.add.f32 [tilespmem:s1], [sflag:$0x5], $0x80, s18, s29, $0xb8;
	[tilespmem:$0x1D000] =	vst v63  }
0xb2: {  	p0 =	por $0x0, $0x0;
	_ =	swait.ge [sflag:s25], $0x4000  }
0xb3: {  	s16 =	sadd.s32 @!p0 $0x0, s23;
	s17 =	sadd.s32 @!p0 $0x0, s6;
	[sflag:s25] =	ssyncset.done $0x0  }
0xb4: {  	s18 =	sadd.s32 @!p0 $0x100, s16;
	s16 =	simm.s32 @!p0 $0x0;
	[sflag:s25] =	ssyncadd.s32 $0xFFFFC000  }
0xb5: {  	[tilespmem:s16], [sflag:$0x3] =	stream.linear.gather @!p0 [hbm4b:s18+s16], $0x400, $0x38;
	[tilespmem:$0x1D000] =	vst v63  }
0xb6: {  	s17 =	sadd.s32 @!p0 $0x100, s17;
	s18 =	simm.s32 @!p0 $0x800  }
0xb7: {  	[tilespmem:s18], [sflag:$0x3] =	stream.linear.gather @!p0 [hbm4b:s17+s16], $0x400, $0x38;
	[tilespmem:$0x1D000] =	vst v63  }
0xb8: {  	_ =	swait.ge [sflag:s0], $0x4000  }
0xb9: {  	[sflag:s0] =	ssyncset.done $0x0  }
0xba: {  	s19 =	rddreg [dreg:$0x10];
	[sflag:s0] =	ssyncadd.s32 $0xFFFFC000  }
0xbb: {  	[tilespmem:s1], [sflag:$0x2] =	stream.indirect.gather [hbm4b:s4+s29], $0x80, s19, s29, $0xb8;
	[tilespmem:$0x1D000] =	vst v63  }
0xbc: {  	_ = 	snop  }
0xbd: {  	[spmem:s2] =	stream.indirect.scatter.add.f32 [tilespmem:s24], [sflag:$0x5], $0x80, s31, s29, $0xb8;
	[tilespmem:$0x1D000] =	vst v63  }
0xbe: {  	_ =	swait.ge [sflag:s25], $0x4000  }
0xbf: {  	[sflag:s25] =	ssyncset.done $0x0  }
0xc0: {  	[sflag:s25] =	ssyncadd.s32 $0xFFFFC000  }
0xc1: {  	_ =	swait.ge [sflag:s5], $0x4000  }
0xc2: {  	[sflag:s5] =	ssyncset.done $0x0  }
0xc3: {  	s20 =	rddreg [dreg:$0x11];
	[sflag:s5] =	ssyncadd.s32 $0xFFFFC000  }
0xc4: {  	[tilespmem:s24], [sflag:$0x1] =	stream.indirect.gather [hbm4b:s4+s29], $0x80, s20, s29, $0xb8;
	[tilespmem:$0x1D000] =	vst v63  }
0xc5: {  	s21 =	rddreg [dreg:$0x12]  }
0xc6: {  	[spmem:s2] =	stream.indirect.scatter.add.f32 [tilespmem:s1], [sflag:$0x5], $0x80, s21, s29, $0xb8;
	[tilespmem:$0x1D000] =	vst v63  }
0xc7: {  	_ =	swait.ge [sflag:s25], $0x4000  }
0xc8: {  	[sflag:s25] =	ssyncset.done $0x0  }
0xc9: {  	[sflag:s25] =	ssyncadd.s32 $0xFFFFC000  }
0xca: {  	_ =	swait.ge [sflag:s0], $0x4000  }
0xcb: {  	[sflag:s0] =	ssyncset.done $0x0  }
0xcc: {  	s18 =	rddreg [dreg:$0x13];
	[sflag:s0] =	ssyncadd.s32 $0xFFFFC000  }
0xcd: {  	[tilespmem:s1], [sflag:$0x2] =	stream.indirect.gather [hbm4b:s4+s29], $0x80, s18, s29, $0xb8;
	[tilespmem:$0x1D000] =	vst v63  }
0xce: {  	s19 =	rddreg [dreg:$0x14]  }
0xcf: {  	[spmem:s2] =	stream.indirect.scatter.add.f32 [tilespmem:s24], [sflag:$0x5], $0x80, s19, s29, $0xb8;
	[tilespmem:$0x1D000] =	vst v63  }
0xd0: {  	_ =	swait.ge [sflag:s25], $0x4000  }
0xd1: {  	[sflag:s25] =	ssyncset.done $0x0  }
0xd2: {  	[sflag:s25] =	ssyncadd.s32 $0xFFFFC000  }
0xd3: {  	_ =	swait.ge [sflag:s5], $0x4000  }
0xd4: {  	[sflag:s5] =	ssyncset.done $0x0  }
0xd5: {  	s20 =	rddreg [dreg:$0x15];
	[sflag:s5] =	ssyncadd.s32 $0xFFFFC000  }
0xd6: {  	[tilespmem:s24], [sflag:$0x1] =	stream.indirect.gather [hbm4b:s4+s29], $0x80, s20, s29, $0xb8;
	[tilespmem:$0x1D000] =	vst v63  }
0xd7: {  	s21 =	rddreg [dreg:$0x16]  }
0xd8: {  	[spmem:s2] =	stream.indirect.scatter.add.f32 [tilespmem:s1], [sflag:$0x5], $0x80, s21, s29, $0xb8;
	[tilespmem:$0x1D000] =	vst v63  }
0xd9: {  	_ =	swait.ge [sflag:s25], $0x4000  }
0xda: {  	[sflag:s25] =	ssyncset.done $0x0  }
0xdb: {  	[sflag:s25] =	ssyncadd.s32 $0xFFFFC000  }
0xdc: {  	_ =	swait.ge [sflag:s0], $0x4000  }
0xdd: {  	[sflag:s0] =	ssyncset.done $0x0  }
0xde: {  	s18 =	rddreg [dreg:$0x17];
	[sflag:s0] =	ssyncadd.s32 $0xFFFFC000  }
0xdf: {  	[tilespmem:s1], [sflag:$0x2] =	stream.indirect.gather [hbm4b:s4+s29], $0x80, s18, s29, $0xb8;
	[tilespmem:$0x1D000] =	vst v63  }
0xe0: {  	s19 =	rddreg [dreg:$0x18]  }
0xe1: {  	[spmem:s2] =	stream.indirect.scatter.add.f32 [tilespmem:s24], [sflag:$0x5], $0x80, s19, s29, $0xb8;
	[tilespmem:$0x1D000] =	vst v63  }
0xe2: {  	_ =	swait.ge [sflag:s25], $0x4000  }
0xe3: {  	[sflag:s25] =	ssyncset.done $0x0  }
0xe4: {  	[sflag:s25] =	ssyncadd.s32 $0xFFFFC000  }
0xe5: {  	_ =	swait.ge [sflag:s5], $0x4000  }
0xe6: {  	[sflag:s5] =	ssyncset.done $0x0  }
0xe7: {  	s20 =	rddreg [dreg:$0x19];
	[sflag:s5] =	ssyncadd.s32 $0xFFFFC000  }
0xe8: {  	[tilespmem:s24], [sflag:$0x1] =	stream.indirect.gather [hbm4b:s4+s29], $0x80, s20, s29, $0xb8;
	[tilespmem:$0x1D000] =	vst v63  }
0xe9: {  	s21 =	rddreg [dreg:$0x1a]  }
0xea: {  	[spmem:s2] =	stream.indirect.scatter.add.f32 [tilespmem:s1], [sflag:$0x5], $0x80, s21, s29, $0xb8;
	[tilespmem:$0x1D000] =	vst v63  }
0xeb: {  	_ =	swait.ge [sflag:s25], $0x4000  }
0xec: {  	[sflag:s25] =	ssyncset.done $0x0  }
0xed: {  	[sflag:s25] =	ssyncadd.s32 $0xFFFFC000  }
0xee: {  	_ =	swait.ge [sflag:s0], $0x4000  }
0xef: {  	[sflag:s0] =	ssyncset.done $0x0  }
0xf0: {  	[sflag:s0] =	ssyncadd.s32 $0xFFFFC000  }
0xf1: {  	[tilespmem:s1], [sflag:$0x2] =	stream.indirect.gather [hbm4b:s4+s29], $0x80, s9, s29, $0xb8;
	[tilespmem:$0x1D000] =	vst v63  }
0xf2: {  	_ = 	snop  }
0xf3: {  	[spmem:s2] =	stream.indirect.scatter.add.f32 [tilespmem:s24], [sflag:$0x5], $0x80, s10, s29, $0xb8;
	[tilespmem:$0x1D000] =	vst v63  }
0xf4: {  	_ =	swait.ge [sflag:s25], $0x4000  }
0xf5: {  	[sflag:s25] =	ssyncset.done $0x0  }
0xf6: {  	[sflag:s25] =	ssyncadd.s32 $0xFFFFC000  }
0xf7: {  	_ =	swait.ge [sflag:s5], $0x4000  }
0xf8: {  	[sflag:s5] =	ssyncset.done $0x0  }
0xf9: {  	s17 =	simm.s32 @!p0 $0x3;
	[sflag:s5] =	ssyncadd.s32 $0xFFFFC000  }
0xfa: {  	_ =	swait.ge @!p0 [sflag:s17], $0x400  }
0xfb: {  	[sflag:s17] =	ssyncset.done @!p0 $0x0  }
0xfc: {  	[sflag:s17] =	ssyncadd.s32 @!p0 $0xFFFFFC00  }
0xfd: {  	_ =	swait.ge @!p0 [sflag:s17], $0x400  }
0xfe: {  	[sflag:s17] =	ssyncset.done @!p0 $0x0  }
0xff: {  	s18 =	simm.s32 @!p0 $0x1000;
	[sflag:s17] =	ssyncadd.s32 @!p0 $0xFFFFFC00;
	s17 =	simm.s32 @!p0 $0x80  }
0x100: {  	[tilespmem:s18], [sflag:$0x1] =	stream.indirect.gather @!p0 [hbm4b:s4+s17], $0x80, s16, s17, $0xb8;
	[tilespmem:$0x1D000] =	vst v63  }
0x101: {  	_ = 	snop  }
0x102: {  	[spmem:s2] =	stream.indirect.scatter.add.f32 [tilespmem:s1], [sflag:$0x5], $0x80, s12, s29, $0xb8;
	[tilespmem:$0x1D000] =	vst v63  }
0x103: {  	_ =	swait.ge [sflag:s25], $0x4000  }
0x104: {  	s16 =	simm.s32 $0x100;
	s17 =	simm.s32 $0x200;
	[sflag:s25] =	ssyncset.done $0x0  }
.LBB2_2:
0x105: {  	s19 =	sadd.s32 s16, s23  }
0x106: {  	[sflag:s25] =	ssyncadd.s32 $0xFFFFC000;
	s20 =	sadd.s32 s16, s6;
	s19 =	sadd.s32 $0x80, s19  }
0x107: {  	[tilespmem:s30], [sflag:$0x4] =	stream.linear.gather [hbm4b:s19+s3], $0x400, $0x38;
	[tilespmem:$0x1D000] =	vst v63  }
0x108: {  	s21 =	sadd.s32 $0x80, s20  }
0x109: {  	[tilespmem:s31], [sflag:$0x4] =	stream.linear.gather [hbm4b:s21+s3], $0x400, $0x38;
	[tilespmem:$0x1D000] =	vst v63  }
0x10a: {  	_ =	swait.ge [sflag:s0], $0x4000  }
0x10b: {  	[sflag:s0] =	ssyncset.done $0x0  }
0x10c: {  	[sflag:s0] =	ssyncadd.s32 $0xFFFFC000  }
0x10d: {  	[tilespmem:s1], [sflag:$0x2] =	stream.indirect.gather [hbm4b:s4+s29], $0x80, s29, s29, $0xb8;
	[tilespmem:$0x1D000] =	vst v63  }
0x10e: {  	_ = 	snop  }
0x10f: {  	[spmem:s2] =	stream.indirect.scatter.add.f32 [tilespmem:s24], [sflag:$0x5], $0x80, s26, s29, $0xb8;
	[tilespmem:$0x1D000] =	vst v63  }
0x110: {  	_ =	swait.ge [sflag:s25], $0x4000  }
0x111: {  	[sflag:s25] =	ssyncset.done $0x0  }
0x112: {  	[sflag:s25] =	ssyncadd.s32 $0xFFFFC000  }
0x113: {  	_ =	swait.ge [sflag:s5], $0x4000  }
0x114: {  	[sflag:s5] =	ssyncset.done $0x0  }
0x115: {  	s20 =	rddreg [dreg:$0x3];
	[sflag:s5] =	ssyncadd.s32 $0xFFFFC000  }
0x116: {  	[tilespmem:s24], [sflag:$0x1] =	stream.indirect.gather [hbm4b:s4+s29], $0x80, s20, s29, $0xb8;
	[tilespmem:$0x1D000] =	vst v63  }
0x117: {  	s21 =	rddreg [dreg:$0x4]  }
0x118: {  	[spmem:s2] =	stream.indirect.scatter.add.f32 [tilespmem:s1], [sflag:$0x5], $0x80, s21, s29, $0xb8;
	[tilespmem:$0x1D000] =	vst v63  }
0x119: {  	_ =	swait.ge [sflag:s25], $0x4000  }
0x11a: {  	[sflag:s25] =	ssyncset.done $0x0  }
0x11b: {  	[sflag:s25] =	ssyncadd.s32 $0xFFFFC000  }
0x11c: {  	_ =	swait.ge [sflag:s0], $0x4000  }
0x11d: {  	[sflag:s0] =	ssyncset.done $0x0  }
0x11e: {  	s20 =	rddreg [dreg:$0x5];
	[sflag:s0] =	ssyncadd.s32 $0xFFFFC000  }
0x11f: {  	[tilespmem:s1], [sflag:$0x2] =	stream.indirect.gather [hbm4b:s4+s29], $0x80, s20, s29, $0xb8;
	[tilespmem:$0x1D000] =	vst v63  }
0x120: {  	s21 =	rddreg [dreg:$0x6]  }
0x121: {  	[spmem:s2] =	stream.indirect.scatter.add.f32 [tilespmem:s24], [sflag:$0x5], $0x80, s21, s29, $0xb8;
	[tilespmem:$0x1D000] =	vst v63  }
0x122: {  	_ =	swait.ge [sflag:s25], $0x4000  }
0x123: {  	[sflag:s25] =	ssyncset.done $0x0  }
0x124: {  	[sflag:s25] =	ssyncadd.s32 $0xFFFFC000  }
0x125: {  	_ =	swait.ge [sflag:s5], $0x4000  }
0x126: {  	[sflag:s5] =	ssyncset.done $0x0  }
0x127: {  	s20 =	rddreg [dreg:$0x7];
	[sflag:s5] =	ssyncadd.s32 $0xFFFFC000  }
0x128: {  	[tilespmem:s24], [sflag:$0x1] =	stream.indirect.gather [hbm4b:s4+s29], $0x80, s20, s29, $0xb8;
	[tilespmem:$0x1D000] =	vst v63  }
0x129: {  	s21 =	rddreg [dreg:$0x8]  }
0x12a: {  	[spmem:s2] =	stream.indirect.scatter.add.f32 [tilespmem:s1], [sflag:$0x5], $0x80, s21, s29, $0xb8;
	[tilespmem:$0x1D000] =	vst v63  }
0x12b: {  	_ =	swait.ge [sflag:s25], $0x4000  }
0x12c: {  	[sflag:s25] =	ssyncset.done $0x0  }
0x12d: {  	[sflag:s25] =	ssyncadd.s32 $0xFFFFC000  }
0x12e: {  	_ =	swait.ge [sflag:s0], $0x4000  }
0x12f: {  	[sflag:s0] =	ssyncset.done $0x0  }
0x130: {  	s20 =	rddreg [dreg:$0x9];
	[sflag:s0] =	ssyncadd.s32 $0xFFFFC000  }
0x131: {  	[tilespmem:s1], [sflag:$0x2] =	stream.indirect.gather [hbm4b:s4+s29], $0x80, s20, s29, $0xb8;
	[tilespmem:$0x1D000] =	vst v63  }
0x132: {  	s21 =	rddreg [dreg:$0xa]  }
0x133: {  	[spmem:s2] =	stream.indirect.scatter.add.f32 [tilespmem:s24], [sflag:$0x5], $0x80, s21, s29, $0xb8;
	[tilespmem:$0x1D000] =	vst v63  }
0x134: {  	_ =	swait.ge [sflag:s25], $0x4000  }
0x135: {  	[sflag:s25] =	ssyncset.done $0x0  }
0x136: {  	[sflag:s25] =	ssyncadd.s32 $0xFFFFC000  }
0x137: {  	_ =	swait.ge [sflag:s5], $0x4000  }
0x138: {  	[sflag:s5] =	ssyncset.done $0x0  }
0x139: {  	s20 =	rddreg [dreg:$0xb];
	[sflag:s5] =	ssyncadd.s32 $0xFFFFC000  }
0x13a: {  	[tilespmem:s24], [sflag:$0x1] =	stream.indirect.gather [hbm4b:s4+s29], $0x80, s20, s29, $0xb8;
	[tilespmem:$0x1D000] =	vst v63  }
0x13b: {  	s21 =	rddreg [dreg:$0xc]  }
0x13c: {  	[spmem:s2] =	stream.indirect.scatter.add.f32 [tilespmem:s1], [sflag:$0x5], $0x80, s21, s29, $0xb8;
	[tilespmem:$0x1D000] =	vst v63  }
0x13d: {  	_ =	swait.ge [sflag:s25], $0x4000  }
0x13e: {  	[sflag:s25] =	ssyncset.done $0x0  }
0x13f: {  	[sflag:s25] =	ssyncadd.s32 $0xFFFFC000  }
0x140: {  	_ =	swait.ge [sflag:s0], $0x4000  }
0x141: {  	[sflag:s0] =	ssyncset.done $0x0  }
0x142: {  	s20 =	rddreg [dreg:$0xd];
	[sflag:s0] =	ssyncadd.s32 $0xFFFFC000  }
0x143: {  	[tilespmem:s1], [sflag:$0x2] =	stream.indirect.gather [hbm4b:s4+s29], $0x80, s20, s29, $0xb8;
	[tilespmem:$0x1D000] =	vst v63  }
0x144: {  	s21 =	rddreg [dreg:$0xe]  }
0x145: {  	[spmem:s2] =	stream.indirect.scatter.add.f32 [tilespmem:s24], [sflag:$0x5], $0x80, s21, s29, $0xb8;
	[tilespmem:$0x1D000] =	vst v63  }
0x146: {  	_ =	swait.ge [sflag:s25], $0x4000  }
0x147: {  	[sflag:s25] =	ssyncset.done $0x0  }
0x148: {  	[sflag:s25] =	ssyncadd.s32 $0xFFFFC000  }
0x149: {  	_ =	swait.ge [sflag:s5], $0x4000  }
0x14a: {  	[sflag:s5] =	ssyncset.done $0x0  }
0x14b: {  	[sflag:s5] =	ssyncadd.s32 $0xFFFFC000  }
0x14c: {  	_ =	swait.ge [sflag:s8], $0x400  }
0x14d: {  	[sflag:s8] =	ssyncset.done $0x0  }
0x14e: {  	[sflag:s8] =	ssyncadd.s32 $0xFFFFFC00  }
0x14f: {  	_ =	swait.ge [sflag:s8], $0x400  }
0x150: {  	[sflag:s8] =	ssyncset.done $0x0  }
0x151: {  	[sflag:s8] =	ssyncadd.s32 $0xFFFFFC00  }
0x152: {  	[tilespmem:s24], [sflag:$0x1] =	stream.indirect.gather [hbm4b:s4+s29], $0x80, s30, s29, $0xb8;
	[tilespmem:$0x1D000] =	vst v63  }
0x153: {  	s20 =	rddreg [dreg:$0xf]  }
0x154: {  	[spmem:s2] =	stream.indirect.scatter.add.f32 [tilespmem:s1], [sflag:$0x5], $0x80, s20, s29, $0xb8;
	[tilespmem:$0x1D000] =	vst v63  }
0x155: {  	p1 =	seq.s32 s16, $0x400;
	_ =	swait.ge [sflag:s25], $0x4000  }
0x156: {  	s19 =	sadd.s32 @!p1 s16, s23;
	s16 =	sadd.s32 @!p1 s16, s6;
	[sflag:s25] =	ssyncset.done $0x0  }
0x157: {  	s20 =	sadd.s32 @!p1 $0x100, s19;
	s19 =	simm.s32 @!p1 $0x0;
	[sflag:s25] =	ssyncadd.s32 $0xFFFFC000  }
0x158: {  	[tilespmem:s19], [sflag:$0x3] =	stream.linear.gather @!p1 [hbm4b:s20+s19], $0x400, $0x38;
	[tilespmem:$0x1D000] =	vst v63  }
0x159: {  	s21 =	simm.s32 @!p1 $0x800;
	s20 =	sadd.s32 @!p1 $0x100, s16  }
0x15a: {  	[tilespmem:s21], [sflag:$0x3] =	stream.linear.gather @!p1 [hbm4b:s20+s19], $0x400, $0x38;
	[tilespmem:$0x1D000] =	vst v63  }
0x15b: {  	_ =	swait.ge [sflag:s0], $0x4000  }
0x15c: {  	[sflag:s0] =	ssyncset.done $0x0  }
0x15d: {  	s21 =	rddreg [dreg:$0x10];
	[sflag:s0] =	ssyncadd.s32 $0xFFFFC000  }
0x15e: {  	[tilespmem:s1], [sflag:$0x2] =	stream.indirect.gather [hbm4b:s4+s29], $0x80, s21, s29, $0xb8;
	[tilespmem:$0x1D000] =	vst v63  }
0x15f: {  	_ = 	snop  }
0x160: {  	[spmem:s2] =	stream.indirect.scatter.add.f32 [tilespmem:s24], [sflag:$0x5], $0x80, s31, s29, $0xb8;
	[tilespmem:$0x1D000] =	vst v63  }
0x161: {  	_ =	swait.ge [sflag:s25], $0x4000  }
0x162: {  	[sflag:s25] =	ssyncset.done $0x0  }
0x163: {  	[sflag:s25] =	ssyncadd.s32 $0xFFFFC000  }
0x164: {  	_ =	swait.ge [sflag:s5], $0x4000  }
0x165: {  	[sflag:s5] =	ssyncset.done $0x0  }
0x166: {  	s20 =	rddreg [dreg:$0x11];
	[sflag:s5] =	ssyncadd.s32 $0xFFFFC000  }
0x167: {  	[tilespmem:s24], [sflag:$0x1] =	stream.indirect.gather [hbm4b:s4+s29], $0x80, s20, s29, $0xb8;
	[tilespmem:$0x1D000] =	vst v63  }
0x168: {  	s21 =	rddreg [dreg:$0x12]  }
0x169: {  	[spmem:s2] =	stream.indirect.scatter.add.f32 [tilespmem:s1], [sflag:$0x5], $0x80, s21, s29, $0xb8;
	[tilespmem:$0x1D000] =	vst v63  }
0x16a: {  	_ =	swait.ge [sflag:s25], $0x4000  }
0x16b: {  	[sflag:s25] =	ssyncset.done $0x0  }
0x16c: {  	[sflag:s25] =	ssyncadd.s32 $0xFFFFC000  }
0x16d: {  	_ =	swait.ge [sflag:s0], $0x4000  }
0x16e: {  	[sflag:s0] =	ssyncset.done $0x0  }
0x16f: {  	s20 =	rddreg [dreg:$0x13];
	[sflag:s0] =	ssyncadd.s32 $0xFFFFC000  }
0x170: {  	[tilespmem:s1], [sflag:$0x2] =	stream.indirect.gather [hbm4b:s4+s29], $0x80, s20, s29, $0xb8;
	[tilespmem:$0x1D000] =	vst v63  }
0x171: {  	s21 =	rddreg [dreg:$0x14]  }
0x172: {  	[spmem:s2] =	stream.indirect.scatter.add.f32 [tilespmem:s24], [sflag:$0x5], $0x80, s21, s29, $0xb8;
	[tilespmem:$0x1D000] =	vst v63  }
0x173: {  	_ =	swait.ge [sflag:s25], $0x4000  }
0x174: {  	[sflag:s25] =	ssyncset.done $0x0  }
0x175: {  	[sflag:s25] =	ssyncadd.s32 $0xFFFFC000  }
0x176: {  	_ =	swait.ge [sflag:s5], $0x4000  }
0x177: {  	[sflag:s5] =	ssyncset.done $0x0  }
0x178: {  	s20 =	rddreg [dreg:$0x15];
	[sflag:s5] =	ssyncadd.s32 $0xFFFFC000  }
0x179: {  	[tilespmem:s24], [sflag:$0x1] =	stream.indirect.gather [hbm4b:s4+s29], $0x80, s20, s29, $0xb8;
	[tilespmem:$0x1D000] =	vst v63  }
0x17a: {  	s21 =	rddreg [dreg:$0x16]  }
0x17b: {  	[spmem:s2] =	stream.indirect.scatter.add.f32 [tilespmem:s1], [sflag:$0x5], $0x80, s21, s29, $0xb8;
	[tilespmem:$0x1D000] =	vst v63  }
0x17c: {  	_ =	swait.ge [sflag:s25], $0x4000  }
0x17d: {  	[sflag:s25] =	ssyncset.done $0x0  }
0x17e: {  	[sflag:s25] =	ssyncadd.s32 $0xFFFFC000  }
0x17f: {  	_ =	swait.ge [sflag:s0], $0x4000  }
0x180: {  	[sflag:s0] =	ssyncset.done $0x0  }
0x181: {  	s20 =	rddreg [dreg:$0x17];
	[sflag:s0] =	ssyncadd.s32 $0xFFFFC000  }
0x182: {  	[tilespmem:s1], [sflag:$0x2] =	stream.indirect.gather [hbm4b:s4+s29], $0x80, s20, s29, $0xb8;
	[tilespmem:$0x1D000] =	vst v63  }
0x183: {  	s21 =	rddreg [dreg:$0x18]  }
0x184: {  	[spmem:s2] =	stream.indirect.scatter.add.f32 [tilespmem:s24], [sflag:$0x5], $0x80, s21, s29, $0xb8;
	[tilespmem:$0x1D000] =	vst v63  }
0x185: {  	_ =	swait.ge [sflag:s25], $0x4000  }
0x186: {  	[sflag:s25] =	ssyncset.done $0x0  }
0x187: {  	[sflag:s25] =	ssyncadd.s32 $0xFFFFC000  }
0x188: {  	_ =	swait.ge [sflag:s5], $0x4000  }
0x189: {  	[sflag:s5] =	ssyncset.done $0x0  }
0x18a: {  	s20 =	rddreg [dreg:$0x19];
	[sflag:s5] =	ssyncadd.s32 $0xFFFFC000  }
0x18b: {  	[tilespmem:s24], [sflag:$0x1] =	stream.indirect.gather [hbm4b:s4+s29], $0x80, s20, s29, $0xb8;
	[tilespmem:$0x1D000] =	vst v63  }
0x18c: {  	s21 =	rddreg [dreg:$0x1a]  }
0x18d: {  	[spmem:s2] =	stream.indirect.scatter.add.f32 [tilespmem:s1], [sflag:$0x5], $0x80, s21, s29, $0xb8;
	[tilespmem:$0x1D000] =	vst v63  }
0x18e: {  	_ =	swait.ge [sflag:s25], $0x4000  }
0x18f: {  	[sflag:s25] =	ssyncset.done $0x0  }
0x190: {  	[sflag:s25] =	ssyncadd.s32 $0xFFFFC000  }
0x191: {  	_ =	swait.ge [sflag:s0], $0x4000  }
0x192: {  	[sflag:s0] =	ssyncset.done $0x0  }
0x193: {  	[sflag:s0] =	ssyncadd.s32 $0xFFFFC000  }
0x194: {  	[tilespmem:s1], [sflag:$0x2] =	stream.indirect.gather [hbm4b:s4+s29], $0x80, s9, s29, $0xb8;
	[tilespmem:$0x1D000] =	vst v63  }
0x195: {  	_ = 	snop  }
0x196: {  	[spmem:s2] =	stream.indirect.scatter.add.f32 [tilespmem:s24], [sflag:$0x5], $0x80, s10, s29, $0xb8;
	[tilespmem:$0x1D000] =	vst v63  }
0x197: {  	_ =	swait.ge [sflag:s25], $0x4000  }
0x198: {  	[sflag:s25] =	ssyncset.done $0x0  }
0x199: {  	[sflag:s25] =	ssyncadd.s32 $0xFFFFC000  }
0x19a: {  	_ =	swait.ge [sflag:s5], $0x4000  }
0x19b: {  	s18 =	smov.u32 s17;
	[sflag:s5] =	ssyncset.done $0x0  }
0x19c: {  	s16 =	smov.u32 s18;
	s18 =	simm.s32 @!p1 $0x3;
	[sflag:s5] =	ssyncadd.s32 $0xFFFFC000  }
0x19d: {  	_ =	swait.ge @!p1 [sflag:s18], $0x400  }
0x19e: {  	[sflag:s18] =	ssyncset.done @!p1 $0x0  }
0x19f: {  	[sflag:s18] =	ssyncadd.s32 @!p1 $0xFFFFFC00  }
0x1a0: {  	s17 =	sadd.s32 $0x100, s17;
	_ =	swait.ge @!p1 [sflag:s18], $0x400  }
0x1a1: {  	p0 =	sne.s32 s17, $0x500;
	[sflag:s18] =	ssyncset.done @!p1 $0x0  }
0x1a2: {  	s20 =	simm.s32 @!p1 $0x1000;
	[sflag:s18] =	ssyncadd.s32 @!p1 $0xFFFFFC00;
	s18 =	simm.s32 @!p1 $0x80  }
0x1a3: {  	[tilespmem:s20], [sflag:$0x1] =	stream.indirect.gather @!p1 [hbm4b:s4+s18], $0x80, s19, s18, $0xb8;
	[tilespmem:$0x1D000] =	vst v63  }
.Ltmp0:
0x1a4: {  	_ = 	snop;
	(pc) =	sbr.rel @p0 .LBB2_2-.Ltmp0, $4  }
0x1a5: {  	_ = 	snop  }
0x1a6: {  	[spmem:s2] =	stream.indirect.scatter.add.f32 [tilespmem:s1], [sflag:$0x5], $0x80, s12, s29, $0xb8;
	[tilespmem:$0x1D000] =	vst v63  }
0x1a7: {  	_ =	swait.ge [sflag:s25], $0x4000  }
0x1a8: {  	[sflag:s25] =	ssyncset.done $0x0  }
0x1a9: {  	s17 =	sadd.s32 s16, s23  }
0x1aa: {  	[sflag:s25] =	ssyncadd.s32 $0xFFFFC000;
	s18 =	sadd.s32 s16, s6;
	s17 =	sadd.s32 $0x80, s17  }
0x1ab: {  	[tilespmem:s30], [sflag:$0x4] =	stream.linear.gather [hbm4b:s17+s3], $0x400, $0x38;
	[tilespmem:$0x1D000] =	vst v63  }
0x1ac: {  	s19 =	sadd.s32 $0x80, s18  }
0x1ad: {  	[tilespmem:s31], [sflag:$0x4] =	stream.linear.gather [hbm4b:s19+s3], $0x400, $0x38;
	[tilespmem:$0x1D000] =	vst v63  }
0x1ae: {  	_ =	swait.ge [sflag:s0], $0x4000  }
0x1af: {  	[sflag:s0] =	ssyncset.done $0x0  }
0x1b0: {  	[sflag:s0] =	ssyncadd.s32 $0xFFFFC000  }
0x1b1: {  	[tilespmem:s1], [sflag:$0x2] =	stream.indirect.gather [hbm4b:s4+s29], $0x80, s29, s29, $0xb8;
	[tilespmem:$0x1D000] =	vst v63  }
0x1b2: {  	_ = 	snop  }
0x1b3: {  	[spmem:s2] =	stream.indirect.scatter.add.f32 [tilespmem:s24], [sflag:$0x5], $0x80, s26, s29, $0xb8;
	[tilespmem:$0x1D000] =	vst v63  }
0x1b4: {  	_ =	swait.ge [sflag:s25], $0x4000  }
0x1b5: {  	[sflag:s25] =	ssyncset.done $0x0  }
0x1b6: {  	[sflag:s25] =	ssyncadd.s32 $0xFFFFC000  }
0x1b7: {  	_ =	swait.ge [sflag:s5], $0x4000  }
0x1b8: {  	[sflag:s5] =	ssyncset.done $0x0  }
0x1b9: {  	s20 =	rddreg [dreg:$0x3];
	[sflag:s5] =	ssyncadd.s32 $0xFFFFC000  }
0x1ba: {  	[tilespmem:s24], [sflag:$0x1] =	stream.indirect.gather [hbm4b:s4+s29], $0x80, s20, s29, $0xb8;
	[tilespmem:$0x1D000] =	vst v63  }
0x1bb: {  	s21 =	rddreg [dreg:$0x4]  }
0x1bc: {  	[spmem:s2] =	stream.indirect.scatter.add.f32 [tilespmem:s1], [sflag:$0x5], $0x80, s21, s29, $0xb8;
	[tilespmem:$0x1D000] =	vst v63  }
0x1bd: {  	_ =	swait.ge [sflag:s25], $0x4000  }
0x1be: {  	[sflag:s25] =	ssyncset.done $0x0  }
0x1bf: {  	[sflag:s25] =	ssyncadd.s32 $0xFFFFC000  }
0x1c0: {  	_ =	swait.ge [sflag:s0], $0x4000  }
0x1c1: {  	[sflag:s0] =	ssyncset.done $0x0  }
0x1c2: {  	s18 =	rddreg [dreg:$0x5];
	[sflag:s0] =	ssyncadd.s32 $0xFFFFC000  }
0x1c3: {  	[tilespmem:s1], [sflag:$0x2] =	stream.indirect.gather [hbm4b:s4+s29], $0x80, s18, s29, $0xb8;
	[tilespmem:$0x1D000] =	vst v63  }
0x1c4: {  	s19 =	rddreg [dreg:$0x6]  }
0x1c5: {  	[spmem:s2] =	stream.indirect.scatter.add.f32 [tilespmem:s24], [sflag:$0x5], $0x80, s19, s29, $0xb8;
	[tilespmem:$0x1D000] =	vst v63  }
0x1c6: {  	_ =	swait.ge [sflag:s25], $0x4000  }
0x1c7: {  	[sflag:s25] =	ssyncset.done $0x0  }
0x1c8: {  	[sflag:s25] =	ssyncadd.s32 $0xFFFFC000  }
0x1c9: {  	_ =	swait.ge [sflag:s5], $0x4000  }
0x1ca: {  	[sflag:s5] =	ssyncset.done $0x0  }
0x1cb: {  	s20 =	rddreg [dreg:$0x7];
	[sflag:s5] =	ssyncadd.s32 $0xFFFFC000  }
0x1cc: {  	[tilespmem:s24], [sflag:$0x1] =	stream.indirect.gather [hbm4b:s4+s29], $0x80, s20, s29, $0xb8;
	[tilespmem:$0x1D000] =	vst v63  }
0x1cd: {  	s21 =	rddreg [dreg:$0x8]  }
0x1ce: {  	[spmem:s2] =	stream.indirect.scatter.add.f32 [tilespmem:s1], [sflag:$0x5], $0x80, s21, s29, $0xb8;
	[tilespmem:$0x1D000] =	vst v63  }
0x1cf: {  	_ =	swait.ge [sflag:s25], $0x4000  }
0x1d0: {  	[sflag:s25] =	ssyncset.done $0x0  }
0x1d1: {  	[sflag:s25] =	ssyncadd.s32 $0xFFFFC000  }
0x1d2: {  	_ =	swait.ge [sflag:s0], $0x4000  }
0x1d3: {  	[sflag:s0] =	ssyncset.done $0x0  }
0x1d4: {  	s18 =	rddreg [dreg:$0x9];
	[sflag:s0] =	ssyncadd.s32 $0xFFFFC000  }
0x1d5: {  	[tilespmem:s1], [sflag:$0x2] =	stream.indirect.gather [hbm4b:s4+s29], $0x80, s18, s29, $0xb8;
	[tilespmem:$0x1D000] =	vst v63  }
0x1d6: {  	s19 =	rddreg [dreg:$0xa]  }
0x1d7: {  	[spmem:s2] =	stream.indirect.scatter.add.f32 [tilespmem:s24], [sflag:$0x5], $0x80, s19, s29, $0xb8;
	[tilespmem:$0x1D000] =	vst v63  }
0x1d8: {  	_ =	swait.ge [sflag:s25], $0x4000  }
0x1d9: {  	[sflag:s25] =	ssyncset.done $0x0  }
0x1da: {  	[sflag:s25] =	ssyncadd.s32 $0xFFFFC000  }
0x1db: {  	_ =	swait.ge [sflag:s5], $0x4000  }
0x1dc: {  	[sflag:s5] =	ssyncset.done $0x0  }
0x1dd: {  	s20 =	rddreg [dreg:$0xb];
	[sflag:s5] =	ssyncadd.s32 $0xFFFFC000  }
0x1de: {  	[tilespmem:s24], [sflag:$0x1] =	stream.indirect.gather [hbm4b:s4+s29], $0x80, s20, s29, $0xb8;
	[tilespmem:$0x1D000] =	vst v63  }
0x1df: {  	s21 =	rddreg [dreg:$0xc]  }
0x1e0: {  	[spmem:s2] =	stream.indirect.scatter.add.f32 [tilespmem:s1], [sflag:$0x5], $0x80, s21, s29, $0xb8;
	[tilespmem:$0x1D000] =	vst v63  }
0x1e1: {  	_ =	swait.ge [sflag:s25], $0x4000  }
0x1e2: {  	[sflag:s25] =	ssyncset.done $0x0  }
0x1e3: {  	[sflag:s25] =	ssyncadd.s32 $0xFFFFC000  }
0x1e4: {  	_ =	swait.ge [sflag:s0], $0x4000  }
0x1e5: {  	[sflag:s0] =	ssyncset.done $0x0  }
0x1e6: {  	s18 =	rddreg [dreg:$0xd];
	[sflag:s0] =	ssyncadd.s32 $0xFFFFC000  }
0x1e7: {  	[tilespmem:s1], [sflag:$0x2] =	stream.indirect.gather [hbm4b:s4+s29], $0x80, s18, s29, $0xb8;
	[tilespmem:$0x1D000] =	vst v63  }
0x1e8: {  	s19 =	rddreg [dreg:$0xe]  }
0x1e9: {  	[spmem:s2] =	stream.indirect.scatter.add.f32 [tilespmem:s24], [sflag:$0x5], $0x80, s19, s29, $0xb8;
	[tilespmem:$0x1D000] =	vst v63  }
0x1ea: {  	_ =	swait.ge [sflag:s25], $0x4000  }
0x1eb: {  	[sflag:s25] =	ssyncset.done $0x0  }
0x1ec: {  	[sflag:s25] =	ssyncadd.s32 $0xFFFFC000  }
0x1ed: {  	_ =	swait.ge [sflag:s5], $0x4000  }
0x1ee: {  	[sflag:s5] =	ssyncset.done $0x0  }
0x1ef: {  	[sflag:s5] =	ssyncadd.s32 $0xFFFFC000  }
0x1f0: {  	_ =	swait.ge [sflag:s8], $0x400  }
0x1f1: {  	[sflag:s8] =	ssyncset.done $0x0  }
0x1f2: {  	[sflag:s8] =	ssyncadd.s32 $0xFFFFFC00  }
0x1f3: {  	_ =	swait.ge [sflag:s8], $0x400  }
0x1f4: {  	[sflag:s8] =	ssyncset.done $0x0  }
0x1f5: {  	[sflag:s8] =	ssyncadd.s32 $0xFFFFFC00  }
0x1f6: {  	[tilespmem:s24], [sflag:$0x1] =	stream.indirect.gather [hbm4b:s4+s29], $0x80, s30, s29, $0xb8;
	[tilespmem:$0x1D000] =	vst v63  }
0x1f7: {  	p0 =	seq.s32 s16, $0x400;
	s20 =	rddreg [dreg:$0xf]  }
0x1f8: {  	[spmem:s2] =	stream.indirect.scatter.add.f32 [tilespmem:s1], [sflag:$0x5], $0x80, s20, s29, $0xb8;
	[tilespmem:$0x1D000] =	vst v63  }
0x1f9: {  	s17 =	sadd.s32 @!p0 s16, s23;
	_ =	swait.ge [sflag:s25], $0x4000  }
0x1fa: {  	s17 =	sadd.s32 @!p0 $0x100, s17;
	[sflag:s25] =	ssyncset.done $0x0  }
0x1fb: {  	s18 =	sadd.s32 @!p0 s16, s6;
	s16 =	simm.s32 @!p0 $0x0;
	[sflag:s25] =	ssyncadd.s32 $0xFFFFC000  }
0x1fc: {  	[tilespmem:s16], [sflag:$0x3] =	stream.linear.gather @!p0 [hbm4b:s17+s16], $0x400, $0x38;
	[tilespmem:$0x1D000] =	vst v63  }
0x1fd: {  	s17 =	sadd.s32 @!p0 $0x100, s18;
	s18 =	simm.s32 @!p0 $0x800  }
0x1fe: {  	[tilespmem:s18], [sflag:$0x3] =	stream.linear.gather @!p0 [hbm4b:s17+s16], $0x400, $0x38;
	[tilespmem:$0x1D000] =	vst v63  }
0x1ff: {  	_ =	swait.ge [sflag:s0], $0x4000  }
0x200: {  	[sflag:s0] =	ssyncset.done $0x0  }
0x201: {  	s21 =	rddreg [dreg:$0x10];
	[sflag:s0] =	ssyncadd.s32 $0xFFFFC000  }
0x202: {  	[tilespmem:s1], [sflag:$0x2] =	stream.indirect.gather [hbm4b:s4+s29], $0x80, s21, s29, $0xb8;
	[tilespmem:$0x1D000] =	vst v63  }
0x203: {  	_ = 	snop  }
0x204: {  	[spmem:s2] =	stream.indirect.scatter.add.f32 [tilespmem:s24], [sflag:$0x5], $0x80, s31, s29, $0xb8;
	[tilespmem:$0x1D000] =	vst v63  }
0x205: {  	_ =	swait.ge [sflag:s25], $0x4000  }
0x206: {  	[sflag:s25] =	ssyncset.done $0x0  }
0x207: {  	[sflag:s25] =	ssyncadd.s32 $0xFFFFC000  }
0x208: {  	_ =	swait.ge [sflag:s5], $0x4000  }
0x209: {  	[sflag:s5] =	ssyncset.done $0x0  }
0x20a: {  	s18 =	rddreg [dreg:$0x11];
	[sflag:s5] =	ssyncadd.s32 $0xFFFFC000  }
0x20b: {  	[tilespmem:s24], [sflag:$0x1] =	stream.indirect.gather [hbm4b:s4+s29], $0x80, s18, s29, $0xb8;
	[tilespmem:$0x1D000] =	vst v63  }
0x20c: {  	s19 =	rddreg [dreg:$0x12]  }
0x20d: {  	[spmem:s2] =	stream.indirect.scatter.add.f32 [tilespmem:s1], [sflag:$0x5], $0x80, s19, s29, $0xb8;
	[tilespmem:$0x1D000] =	vst v63  }
0x20e: {  	_ =	swait.ge [sflag:s25], $0x4000  }
0x20f: {  	[sflag:s25] =	ssyncset.done $0x0  }
0x210: {  	[sflag:s25] =	ssyncadd.s32 $0xFFFFC000  }
0x211: {  	_ =	swait.ge [sflag:s0], $0x4000  }
0x212: {  	[sflag:s0] =	ssyncset.done $0x0  }
0x213: {  	s20 =	rddreg [dreg:$0x13];
	[sflag:s0] =	ssyncadd.s32 $0xFFFFC000  }
0x214: {  	[tilespmem:s1], [sflag:$0x2] =	stream.indirect.gather [hbm4b:s4+s29], $0x80, s20, s29, $0xb8;
	[tilespmem:$0x1D000] =	vst v63  }
0x215: {  	s21 =	rddreg [dreg:$0x14]  }
0x216: {  	[spmem:s2] =	stream.indirect.scatter.add.f32 [tilespmem:s24], [sflag:$0x5], $0x80, s21, s29, $0xb8;
	[tilespmem:$0x1D000] =	vst v63  }
0x217: {  	_ =	swait.ge [sflag:s25], $0x4000  }
0x218: {  	[sflag:s25] =	ssyncset.done $0x0  }
0x219: {  	[sflag:s25] =	ssyncadd.s32 $0xFFFFC000  }
0x21a: {  	_ =	swait.ge [sflag:s5], $0x4000  }
0x21b: {  	[sflag:s5] =	ssyncset.done $0x0  }
0x21c: {  	s18 =	rddreg [dreg:$0x15];
	[sflag:s5] =	ssyncadd.s32 $0xFFFFC000  }
0x21d: {  	[tilespmem:s24], [sflag:$0x1] =	stream.indirect.gather [hbm4b:s4+s29], $0x80, s18, s29, $0xb8;
	[tilespmem:$0x1D000] =	vst v63  }
0x21e: {  	s19 =	rddreg [dreg:$0x16]  }
0x21f: {  	[spmem:s2] =	stream.indirect.scatter.add.f32 [tilespmem:s1], [sflag:$0x5], $0x80, s19, s29, $0xb8;
	[tilespmem:$0x1D000] =	vst v63  }
0x220: {  	_ =	swait.ge [sflag:s25], $0x4000  }
0x221: {  	[sflag:s25] =	ssyncset.done $0x0  }
0x222: {  	[sflag:s25] =	ssyncadd.s32 $0xFFFFC000  }
0x223: {  	_ =	swait.ge [sflag:s0], $0x4000  }
0x224: {  	[sflag:s0] =	ssyncset.done $0x0  }
0x225: {  	s20 =	rddreg [dreg:$0x17];
	[sflag:s0] =	ssyncadd.s32 $0xFFFFC000  }
0x226: {  	[tilespmem:s1], [sflag:$0x2] =	stream.indirect.gather [hbm4b:s4+s29], $0x80, s20, s29, $0xb8;
	[tilespmem:$0x1D000] =	vst v63  }
0x227: {  	s21 =	rddreg [dreg:$0x18]  }
0x228: {  	[spmem:s2] =	stream.indirect.scatter.add.f32 [tilespmem:s24], [sflag:$0x5], $0x80, s21, s29, $0xb8;
	[tilespmem:$0x1D000] =	vst v63  }
0x229: {  	_ =	swait.ge [sflag:s25], $0x4000  }
0x22a: {  	[sflag:s25] =	ssyncset.done $0x0  }
0x22b: {  	[sflag:s25] =	ssyncadd.s32 $0xFFFFC000  }
0x22c: {  	_ =	swait.ge [sflag:s5], $0x4000  }
0x22d: {  	[sflag:s5] =	ssyncset.done $0x0  }
0x22e: {  	s19 =	rddreg [dreg:$0x19];
	[sflag:s5] =	ssyncadd.s32 $0xFFFFC000  }
0x22f: {  	[tilespmem:s24], [sflag:$0x1] =	stream.indirect.gather [hbm4b:s4+s29], $0x80, s19, s29, $0xb8;
	[tilespmem:$0x1D000] =	vst v63  }
0x230: {  	s20 =	rddreg [dreg:$0x1a]  }
0x231: {  	[spmem:s2] =	stream.indirect.scatter.add.f32 [tilespmem:s1], [sflag:$0x5], $0x80, s20, s29, $0xb8;
	[tilespmem:$0x1D000] =	vst v63  }
0x232: {  	_ =	swait.ge [sflag:s25], $0x4000  }
0x233: {  	[sflag:s25] =	ssyncset.done $0x0  }
0x234: {  	[sflag:s25] =	ssyncadd.s32 $0xFFFFC000  }
0x235: {  	_ =	swait.ge [sflag:s0], $0x4000  }
0x236: {  	[sflag:s0] =	ssyncset.done $0x0  }
0x237: {  	[sflag:s0] =	ssyncadd.s32 $0xFFFFC000  }
0x238: {  	[tilespmem:s1], [sflag:$0x2] =	stream.indirect.gather [hbm4b:s4+s29], $0x80, s9, s29, $0xb8;
	[tilespmem:$0x1D000] =	vst v63  }
0x239: {  	_ = 	snop  }
0x23a: {  	[spmem:s2] =	stream.indirect.scatter.add.f32 [tilespmem:s24], [sflag:$0x5], $0x80, s10, s29, $0xb8;
	[tilespmem:$0x1D000] =	vst v63  }
0x23b: {  	_ =	swait.ge [sflag:s25], $0x4000  }
0x23c: {  	[sflag:s25] =	ssyncset.done $0x0  }
0x23d: {  	[sflag:s25] =	ssyncadd.s32 $0xFFFFC000  }
0x23e: {  	_ =	swait.ge [sflag:s5], $0x4000  }
0x23f: {  	[sflag:s5] =	ssyncset.done $0x0  }
0x240: {  	s17 =	simm.s32 @!p0 $0x3;
	[sflag:s5] =	ssyncadd.s32 $0xFFFFC000  }
0x241: {  	_ =	swait.ge @!p0 [sflag:s17], $0x400  }
0x242: {  	[sflag:s17] =	ssyncset.done @!p0 $0x0  }
0x243: {  	[sflag:s17] =	ssyncadd.s32 @!p0 $0xFFFFFC00  }
0x244: {  	_ =	swait.ge @!p0 [sflag:s17], $0x400  }
0x245: {  	[sflag:s17] =	ssyncset.done @!p0 $0x0  }
0x246: {  	s18 =	simm.s32 @!p0 $0x1000;
	[sflag:s17] =	ssyncadd.s32 @!p0 $0xFFFFFC00;
	s17 =	simm.s32 @!p0 $0x80  }
0x247: {  	[tilespmem:s18], [sflag:$0x1] =	stream.indirect.gather @!p0 [hbm4b:s4+s17], $0x80, s16, s17, $0xb8;
	[tilespmem:$0x1D000] =	vst v63  }
0x248: {  	_ = 	snop  }
0x249: {  	[spmem:s2] =	stream.indirect.scatter.add.f32 [tilespmem:s1], [sflag:$0x5], $0x80, s12, s29, $0xb8;
	[tilespmem:$0x1D000] =	vst v63  }
0x24a: {  	_ =	swait.ge [sflag:s25], $0x4000  }
0x24b: {  	[sflag:s25] =	ssyncset.done $0x0  }
0x24c: {  	[sflag:s25] =	ssyncadd.s32 $0xFFFFC000  }
0x24d: {  	[bflag:$0x0] =	sbarrier.arrive $0xFFFF  }
0x24e: {  	[tilespmem:s24], [sflag:$0x5] =	stream.linear.gather [spmem:s7], $0x4000, $0x38;
	[tilespmem:$0x1D000] =	vst v63  }
0x24f: {  	_ =	swait.ge [sflag:s25], $0x4000  }
0x250: {  	s21 =	sld [smem:$0x7F8]  }
0x251: {  	[sflag:s25] =	ssyncset.done $0x0  }
0x252: {  	[sflag:s25] =	ssyncadd.s32 $0xFFFFC000  }
0x253: {  	[hbm4b:s21+s3] =	stream.linear.scatter [tilespmem:s24], [sflag:$0x5], $0x4000, $0x38;
	[tilespmem:$0x1D000] =	vst v63  }
0x254: {  	_ =	swait.ge [sflag:s25], $0x4000  }
0x255: {  	[sflag:s25] =	ssyncset.done $0x0  }
0x256: {  	[sflag:s25] =	ssyncadd.s32 $0xFFFFC000  }
0x257: {  	[tilespmem:s24], [sflag:$0x5] =	stream.linear.gather [spmem:s11], $0x4000, $0x38;
	[tilespmem:$0x1D000] =	vst v63  }
0x258: {  	_ =	swait.ge [sflag:s25], $0x4000  }
0x259: {  	s17 =	sld [smem:$0x7F9]  }
0x25a: {  	[sflag:s25] =	ssyncset.done $0x0  }
0x25b: {  	[sflag:s25] =	ssyncadd.s32 $0xFFFFC000  }
0x25c: {  	[hbm4b:s17+s3] =	stream.linear.scatter [tilespmem:s24], [sflag:$0x5], $0x4000, $0x38;
	[tilespmem:$0x1D000] =	vst v63  }
0x25d: {  	_ =	swait.ge [sflag:s25], $0x4000  }
0x25e: {  	[sflag:s25] =	ssyncset.done $0x0  }
0x25f: {  	[sflag:s25] =	ssyncadd.s32 $0xFFFFC000  }
0x260: {  	[tilespmem:s24], [sflag:$0x5] =	stream.linear.gather [spmem:s13], $0x4000, $0x38;
	[tilespmem:$0x1D000] =	vst v63  }
0x261: {  	_ =	swait.ge [sflag:s25], $0x4000  }
0x262: {  	s18 =	sld [smem:$0x7FA]  }
0x263: {  	[sflag:s25] =	ssyncset.done $0x0  }
0x264: {  	[sflag:s25] =	ssyncadd.s32 $0xFFFFC000  }
0x265: {  	[hbm4b:s18+s3] =	stream.linear.scatter [tilespmem:s24], [sflag:$0x5], $0x4000, $0x38;
	[tilespmem:$0x1D000] =	vst v63  }
0x266: {  	_ =	swait.ge [sflag:s25], $0x4000  }
0x267: {  	[sflag:s25] =	ssyncset.done $0x0  }
0x268: {  	[sflag:s25] =	ssyncadd.s32 $0xFFFFC000  }
0x269: {  	[tilespmem:s24], [sflag:$0x5] =	stream.linear.gather [spmem:s15], $0x4000, $0x38;
	[tilespmem:$0x1D000] =	vst v63  }
0x26a: {  	_ =	swait.ge [sflag:s25], $0x4000  }
0x26b: {  	s19 =	sld [smem:$0x7FB]  }
0x26c: {  	[sflag:s25] =	ssyncset.done $0x0  }
0x26d: {  	[sflag:s25] =	ssyncadd.s32 $0xFFFFC000  }
0x26e: {  	[hbm4b:s19+s3] =	stream.linear.scatter [tilespmem:s24], [sflag:$0x5], $0x4000, $0x38;
	[tilespmem:$0x1D000] =	vst v63  }
0x26f: {  	_ =	swait.ge [sflag:s25], $0x4000  }
0x270: {  	[sflag:s25] =	ssyncset.done $0x0  }
0x271: {  	[sflag:s25] =	ssyncadd.s32 $0xFFFFC000  }
0x272: {  	[tilespmem:s24], [sflag:$0x5] =	stream.linear.gather [spmem:s22], $0x4000, $0x38;
	[tilespmem:$0x1D000] =	vst v63  }
0x273: {  	_ =	swait.ge [sflag:s25], $0x4000  }
0x274: {  	s20 =	sld [smem:$0x7FC]  }
0x275: {  	[sflag:s25] =	ssyncset.done $0x0  }
0x276: {  	[sflag:s25] =	ssyncadd.s32 $0xFFFFC000  }
0x277: {  	[hbm4b:s20+s3] =	stream.linear.scatter [tilespmem:s24], [sflag:$0x5], $0x4000, $0x38;
	[tilespmem:$0x1D000] =	vst v63  }
0x278: {  	_ =	swait.ge [sflag:s25], $0x4000  }
0x279: {  	s14 =	sadd.s32 $0x1, s14;
	s21 =	rddreg [dreg:$0x1c]  }
0x27a: {  	p0 =	sne.s32 s14, s21  }
.Ltmp1:
0x27b: {  	_ = 	snop;
	(pc) =	sbr.rel @p0 .LBB2_1-.Ltmp1, $3  }
0x27c: {  	_ =	sdelay $0x1  }
0x27d: {  	[sflag:s25] =	ssyncset.done $0x0  }
0x27e: {  	[sflag:s25] =	ssyncadd.s32 $0xFFFFC000  }
0x27f: {  	_ =	sfence.sel $0x180000  }
0x280: {  	[bflag:$0x0] =	sbarrier.arrive $0xFFFF  }
0x281: {  	_ =	strace $0x9000004A  }
0x282: {  	s0 =	stileid.u32;
	[bflag:$0x2] =	sbarrier.arrive $0xFFFF  }
0x283: {  	p0 =	sne.s32 s0, $0x0;
	s0 =	rddreg [dreg:$0x2]  }
0x284: {  	s0 =	sadd.s32 @!p0 $0x100000, s0  }
0x285: {  	[sflag:s0] =	ssyncadd.tile.s32 @!p0 $0x1;
	_ =	shalt  }
.Lfunc_end2:
_tile_overlayer_lowered:
.L_overlay_start_2:
0x286: {  	(tag) =	ssettag $0x2  }
0x287: {  	s0 =	rddreg [dreg:$0x0];
	s2 =	stileid.u32  }
0x288: {  	s1 =	rddreg [dreg:$0x1];
	p0 =	sne.s32 s2, $0x0  }
0x289: {  	s3 =	rddreg [dreg:$0x2];
	[bflag:$0x3] =	sbarrier.arrive $0xFFFF;
	s2 =	simm.s32 @!p0 $0x1C05  }
0x28a: {  	[timem:s3], [sflag:s2] =	dma.local @!p0 [hbm:s0], s1  }
0x28b: {  	s0 =	simm.s32 @!p0 $0x5  }
0x28c: {  	_ =	swait.ge @!p0 [sflag:s0], s1  }
0x28d: {  	s1 =	ssub.s32 @!p0 $0x0, s1;
	[sflag:s0] =	ssyncset.done @!p0 $0x0  }
0x28e: {  	[sflag:s0] =	ssyncadd.s32 @!p0 s1  }
0x28f: {  	[bflag:$0x3] =	sbarrier.arrive $0xFFFF  }
0x290: {  	_ =	shalt  }

// kernel: kernel.14.cloned.1.call-start
scs
__scs_entry_jumppad:
0x0: {  	(pc) =	sbr.rel $0x88, $3  }
0x1: {  	(tag) =	ssettag $0x0;
	lr =	simm.s32 $0x1  }
0x2: {  	[smem:$0x3F97] =	sst lr;
	_ =	strace $0xD0000000  }
0x3: {  	_ = 	snop  }
0x4: {  	_ = 	snop  }
0x5: {  	_ = 	snop  }
0x6: {  	_ = 	snop  }
0x7: {  	_ = 	snop  }
__scs_overlays_trampoline_lowered:
0x8: {  	[smem:$0x3FA6] =	sst s0  }
0x9: {  	[smem:$0x3FA7] =	sst s1  }
0xa: {  	[smem:$0x3FA8] =	sst s2  }
0xb: {  	[smem:$0x3FA9] =	sst s3  }
0xc: {  	[smem:$0x3FAA] =	sst s4  }
0xd: {  	[smem:$0x3FAB] =	sst s5  }
0xe: {  	[smem:$0x3FAC] =	sst s6  }
0xf: {  	[smem:$0x3FAD] =	sst s7  }
0x10: {  	[smem:$0x3FAE] =	sst s8  }
0x11: {  	[smem:$0x3FAF] =	sst s9;
	s0 =	simm.s32 @!p0 $0x0  }
0x12: {  	s1 =	sld [smem:$0x3F95];
	s0 =	simm.s32 @p0 $0x1  }
0x13: {  	[smem:$0x3FB0] =	sst s0;
	s0 =	simm.s32 @!p1 $0x0  }
0x14: {  	s2 =	sld [smem:$0x3F94];
	s0 =	simm.s32 @p1 $0x1  }
0x15: {  	[smem:$0x3FB1] =	sst s0;
	s0 =	simm.s32 @!p2 $0x0  }
0x16: {  	s3 =	sld [smem:$0x3FDB];
	s0 =	simm.s32 @p2 $0x1  }
0x17: {  	s4 =	simm.s32 $0x1BF5;
	[smem:$0x3FB3] =	sst s0  }
0x18: {  	s0 =	sld [smem:$0x3F96];
	_ =	swait.ge [sflag:s4], $0x0  }
0x19: {  	s7 =	sld [smem:$0x3F97]  }
0x1a: {  	s8 =	sadd.s32 $0xFFFFE003, lr  }
0x1b: {  	s9 =	sadd.s32 $0xFFFFFEF7, lr;
	s5 =	simm.s32 $0xFFFFFFFF;
	p2 =	slt.u32 s8, $0xFFFFF086  }
0x1c: {  	p1 =	slt.u32 s9, $0xF7A;
	s5 =	simm.s32 @!p2 $0x0  }
0x1d: {  	s5 =	simm.s32 @p1 $0x1;
	p0 =	seq.s32 s7, s2  }
0x1e: {  	s7 =	smul.u32 @!p0 $0xF7A, s2;
	p2 =	seq.s32 @!p0 s5, $0x0  }
0x1f: {  	s9 =	smul.u32 $0xF7A, s1;
	s8 =	simm.s32 @!p0 $0x1BF5;
	p2 =	por !p2, p0  }
0x20: {  	[sflag:s8] =	ssyncset.s32 @!p0 $0xFFFFF086;
	s6 =	sadd.s32 @!p0 s3, s7;
	s7 =	simm.s32 @!p0 $0x108  }
0x21: {  	s3 =	sadd.s32 s3, s9;
	s6 =	sadd.s32 @!p0 $0x88, s6;
	s7 =	simm.s32 @p2 $0x1082  }
0x22: {  	[simem:s7], [sflag:s8] =	dma.local @!p0 [hbm:s6], $0xF7A  }
0x23: {  	s9 =	sor.u32 $0xD0000000, s2;
	s6 =	simm.s32 $0x108;
	_ =	swait.ge @!p0 [sflag:s8], $0x0  }
0x24: {  	s3 =	sadd.s32 $0x88, s3;
	s6 =	simm.s32 @!p1 $0x1082;
	[sflag:s4] =	ssyncset.s32 $0xFFFFF086  }
0x25: {  	[simem:s6], [sflag:s4] =	dma.local [hbm:s3], $0xF7A  }
0x26: {  	[smem:$0x3F97] =	sst s1;
	(tag) =	ssettag s2;
	_ =	strace s9  }
0x27: {  	s1 =	sld [smem:$0x3FA7]  }
0x28: {  	s2 =	sld [smem:$0x3FA8]  }
0x29: {  	s4 =	sld [smem:$0x3FAA]  }
0x2a: {  	p0 =	seq.s32 s5, $0x0;
	s5 =	sld [smem:$0x3FAB]  }
0x2b: {  	s6 =	sld [smem:$0x3FAC]  }
0x2c: {  	s7 =	sld [smem:$0x3FAD]  }
0x2d: {  	s3 =	simm.s32 $0x108;
	s8 =	sld [smem:$0x3FAE]  }
0x2e: {  	s3 =	simm.s32 @!p0 $0x1082;
	s9 =	sld [smem:$0x3FAF]  }
0x2f: {  	lr =	sadd.s32 s0, s3;
	s0 =	sld [smem:$0x3FA6]  }
0x30: {  	s3 =	sld [smem:$0x3FA9]  }
0x31: {  	[smem:$0x3FB2] =	sst s10  }
0x32: {  	s10 =	sld [smem:$0x3FB0];
	_ =	sdelay $0x3  }
0x33: {  	p0 =	seq.s32 s10, $0x1;
	s10 =	sld [smem:$0x3FB2];
	_ =	sdelay $0x3  }
0x34: {  	[smem:$0x3FB2] =	sst s10  }
0x35: {  	s10 =	sld [smem:$0x3FB1];
	_ =	sdelay $0x3  }
0x36: {  	p1 =	seq.s32 s10, $0x1;
	s10 =	sld [smem:$0x3FB2];
	_ =	sdelay $0x3  }
0x37: {  	[smem:$0x3FB2] =	sst s10  }
0x38: {  	s10 =	sld [smem:$0x3FB3]  }
0x39: {  	_ = 	snop;
	(pc) =	sbr.ind lr, $3  }
0x3a: {  	_ = 	snop  }
0x3b: {  	_ = 	snop  }
0x3c: {  	p2 =	seq.s32 s10, $0x1;
	s10 =	sld [smem:$0x3FB2]  }
0x3d: {  	_ =	shalt  }
0x3e: {  	_ =	shalt  }
0x3f: {  	_ =	shalt  }
0x40: {  	_ =	shalt  }
0x41: {  	_ =	shalt  }
0x42: {  	_ =	shalt  }
0x43: {  	_ =	shalt  }
0x44: {  	_ =	shalt  }
0x45: {  	_ =	shalt  }
0x46: {  	_ =	shalt  }
0x47: {  	_ =	shalt  }
0x48: {  	_ =	shalt  }
0x49: {  	_ =	shalt  }
0x4a: {  	_ =	shalt  }
0x4b: {  	_ =	shalt  }
0x4c: {  	_ =	shalt  }
0x4d: {  	_ =	shalt  }
0x4e: {  	_ =	shalt  }
0x4f: {  	_ =	shalt  }
0x50: {  	_ =	shalt  }
0x51: {  	_ =	shalt  }
0x52: {  	_ =	shalt  }
0x53: {  	_ =	shalt  }
0x54: {  	_ =	shalt  }
0x55: {  	_ =	shalt  }
0x56: {  	_ =	shalt  }
0x57: {  	_ =	shalt  }
0x58: {  	_ =	shalt  }
0x59: {  	_ =	shalt  }
0x5a: {  	_ =	shalt  }
0x5b: {  	_ =	shalt  }
0x5c: {  	_ =	shalt  }
0x5d: {  	_ =	shalt  }
0x5e: {  	_ =	shalt  }
0x5f: {  	_ =	shalt  }
0x60: {  	_ =	shalt  }
0x61: {  	_ =	shalt  }
0x62: {  	_ =	shalt  }
0x63: {  	_ =	shalt  }
0x64: {  	_ =	shalt  }
0x65: {  	_ =	shalt  }
0x66: {  	_ =	shalt  }
0x67: {  	_ =	shalt  }
0x68: {  	_ =	shalt  }
0x69: {  	_ =	shalt  }
0x6a: {  	_ =	shalt  }
0x6b: {  	_ =	shalt  }
0x6c: {  	_ =	shalt  }
0x6d: {  	_ =	shalt  }
0x6e: {  	_ =	shalt  }
0x6f: {  	_ =	shalt  }
0x70: {  	_ =	shalt  }
0x71: {  	_ =	shalt  }
0x72: {  	_ =	shalt  }
0x73: {  	_ =	shalt  }
0x74: {  	_ =	shalt  }
0x75: {  	_ =	shalt  }
0x76: {  	_ =	shalt  }
0x77: {  	_ =	shalt  }
0x78: {  	_ =	shalt  }
0x79: {  	_ =	shalt  }
0x7a: {  	_ =	shalt  }
0x7b: {  	_ =	shalt  }
0x7c: {  	_ =	shalt  }
0x7d: {  	_ =	shalt  }
0x7e: {  	_ =	shalt  }
0x7f: {  	_ =	shalt  }
0x80: {  	_ =	shalt  }
0x81: {  	_ =	shalt  }
0x82: {  	_ =	shalt  }
0x83: {  	_ =	shalt  }
0x84: {  	_ =	shalt  }
0x85: {  	_ =	shalt  }
0x86: {  	_ =	shalt  }
0x87: {  	_ =	shalt  }
.Lfunc_end0:
.L_simem_size_0:
called_computation.2_lowered:
.L_overlay_start_0:
0x88: {  	s2 =	sld [smem:$0x3FD9]  }
0x89: {  	s3 =	sld [smem:$0x3FFE];
	_ =	sdelay $0x1  }
0x8a: {  	s1 =	srdreg.scid  }
0x8b: {  	s0 =	sand.u32 $0x1, s1  }
0x8c: {  	s16 =	sshll.u32 s0, $0xA;
	s2 =	sadd.s32 s3, s2  }
0x8d: {  	s2 =	sadd.s32 s2, s16  }
0x8e: {  	[smem:$0x3FBE] =	sst s2  }
0x8f: {  	_ = 	snop  }
0x90: {  	(tm) =	ssettm $0x1  }
0x91: {  	s17 =	sld [smem:$0x3FFB];
	_ =	sdelay $0x3  }
0x92: {  	_ =	strace s17  }
0x93: {  	s2 =	sld [smem:$0x3FFC];
	_ =	sdelay $0x3  }
0x94: {  	_ =	strace s2  }
0x95: {  	s2 =	sld [smem:$0x3FFD];
	_ =	sdelay $0x3  }
0x96: {  	_ =	strace s2  }
0x97: {  	_ =	strace $0x8FFFFFFF  }
0x98: {  	s18 =	sld [smem:$0x3FDB];
	_ =	sdelay $0x1  }
0x99: {  	s19 =	simm.s32 $_scs_section_size  }
0x9a: {  	s4 =	simm.s32 $_size__tile_overlayer_lowered;
	s5 =	simm.s32 $_tile_overlayer_lowered  }
0x9b: {  	s22 =	simm.s32 $0x1BFF;
	s21 =	sshll.u32 s5, $0x1;
	s2 =	sadd.s32 s19, s18  }
0x9c: {  	s6 =	simm.s32 $0x0;
	s20 =	sshll.u32 s4, $0x1;
	s4 =	sadd.s32 s21, s2  }
0x9d: {  	[timem:s6], [sflag:s22] =	dma.local [hbm:s4], s20  }
0x9e: {  	_ =	swait.ge [sflag:s22], s20  }
0x9f: {  	s3 =	ssub.s32 $0x0, s20;
	[sflag:s22] =	ssyncset.done $0x0  }
0xa0: {  	[sflag:s22] =	ssyncadd.s32 s3;
	_ =	sdelay $0x1  }
0xa1: {  	s23 =	simm.s32 $0x1B8B  }
0xa2: {  	_ =	swait.ge [sflag:s23], $0x1  }
0xa3: {  	[sflag:s23] =	ssyncset.done $0x0  }
0xa4: {  	s25 =	simm.s32 $0x1B8E;
	s24 =	sld [smem:$0x3FFE];
	[sflag:s23] =	ssyncadd.s32 $0xFFFFFFFF  }
0xa5: {  	s26 =	simm.s32 $execute0_lowered;
	[smem:$0x3FD2] =	sst s25  }
0xa6: {  	s4 =	sshll.u32 s26, $0x1;
	_ =	strace $0x8000004C;
	[dreg:$0x1] =	wrdreg $0xFFFFFFFF  }
0xa7: {  	s28 =	simm.s32 $_size_execute0_lowered;
	s2 =	sadd.s32 s2, s4;
	[dreg:$0x0] =	wrdreg $0x0  }
0xa8: {  	s4 =	sshll.u32 s28, $0x1;
	[dreg:$0x2] =	wrdreg s2  }
0xa9: {  	[dreg:$0x3] =	wrdreg s4  }
0xaa: {  	[dreg:$0x4] =	wrdreg $0xC0  }
0xab: {  	_ =	task [dreg:s6], $0x5FFFF  }
0xac: {  	[dreg:$0x1] =	wrdreg $0xFFFFFFFF  }
0xad: {  	[dreg:$0x0] =	wrdreg $0x60  }
0xae: {  	[dreg:$0x2] =	wrdreg s24  }
0xaf: {  	[dreg:$0x3] =	wrdreg $0x90000  }
0xb0: {  	[dreg:$0x4] =	wrdreg $0x9  }
0xb1: {  	_ =	task.clear_ibuf [dreg:s6], $0x5FFFF;
	_ =	strace $0x9000004C  }
0xb2: {  	s29 =	simm.s32 $0x9;
	_ =	strace $0x8000004E  }
0xb3: {  	_ =	swait.ge [sflag:s29], $0x1  }
0xb4: {  	[sflag:s29] =	ssyncadd.s32 $0xFFFFFFFF  }
0xb5: {  	_ =	strace $0x9000004E  }
0xb6: {  	_ =	sfence  }
0xb7: {  	s30 =	sld [smem:$0x0];
	_ =	sdelay $0x2  }
0xb8: {  	s31 =	sshll.u32 s1, $0xD;
	s1 =	sshrl.u32 s1, $0x2  }
0xb9: {  	s3 =	sand.u32 $0x4000, s31;
	s1 =	sadd.s32 s1, s30  }
0xba: {  	s0 =	sor.u32 s3, s0;
	s1 =	sshll.u32 s1, $0x11  }
0xbb: {  	s0 =	sor.u32 s1, s0  }
0xbc: {  	s0 =	sadd.s32 $0x8F2B, s0  }
0xbd: {  	[sflag:s0] =	ssyncadd.remote.s32 $0x1  }
0xbe: {  	_ =	sfence.sel $0xFFFF  }
0xbf: {  	[dreg:$0x0] =	wrdreg $0xFFFFFFFF;
	(pc) =	sbr.abs _section_cstart, $3  }
0xc0: {  	[dreg:$0x1] =	wrdreg $0xFFFFFFFF  }
0xc1: {  	_ =	task.clear_ibuf [dreg:s6], $0x2FFFF;
	_ =	strace $0x9FFFFFFF  }
0xc2: {  	(tm) =	ssettm $0x7FFFFFFF  }
0xc3: {  	_ =	shalt  }
tec
execute0_lowered:
.L_overlay_start_1:
0x0: {  	(tag) =	ssettag $0x1  }
0x1: {  	s6 =	rddreg [dreg:$0x0]  }
0x2: {  	s2 =	rddreg [dreg:$0x1];
	s14 =	stileid.u32  }
0x3: {  	s1 =	srdreg.scid;
	s3 =	simm.s32 $0x0;
	s22 =	simm.s32 $0x100  }
0x4: {  	s23 =	simm.s32 $0x880;
	s25 =	simm.s32 $0x180;
	s26 =	simm.s32 $0x900  }
0x5: {  	s15 =	simm.s32 $0x980;
	s16 =	simm.s32 $0x280;
	s28 =	simm.s32 $0x3  }
0x6: {  	s29 =	simm.s32 $0x80;
	s30 =	simm.s32 $0x400;
	[smem:$0x7FF] =	sst s3  }
0x7: {  	s0 =	smul.u32 $0x500, s14;
	_ =	strace $0x8000004D;
	[dreg:$0x3] =	wrdreg s22  }
0x8: {  	s31 =	simm.s32 $0xC00;
	s11 =	smul.u32 $0x50, s14;
	[dreg:$0x4] =	wrdreg s23  }
0x9: {  	s5 =	sand.u32 $0x1, s1;
	s12 =	smul.u32 $0x280, s14;
	[dreg:$0x5] =	wrdreg s25  }
0xa: {  	s18 =	smul.u32 $0x50000, s14;
	s14 =	simm.s32 $0x200;
	[dreg:$0x6] =	wrdreg s26  }
0xb: {  	s4 =	sadd.s32 $0x68400, s6;
	s1 =	sadd.s32 $0x5E400, s6;
	[dreg:$0x7] =	wrdreg s14  }
0xc: {  	s8 =	sadd.s32 $0xB8400, s6;
	s7 =	smul.u32 $0x2800, s5;
	[dreg:$0x8] =	wrdreg s15  }
0xd: {  	s9 =	smul.u32 $0x500, s5;
	s17 =	ssub.s32 $0x2, s5;
	[dreg:$0x9] =	wrdreg s16  }
0xe: {  	s22 =	simm.s32 $0xB00;
	s23 =	simm.s32 $0xB80;
	s26 =	simm.s32 $0x500  }
0xf: {  	s5 =	smul.u32 $0x5000, s5;
	s10 =	sadd.s32 s0, s6;
	[dreg:$0xe] =	wrdreg s22  }
0x10: {  	s13 =	sshrl.u32 s17, $0x1;
	s20 =	sshrl.u32 s18, $0x2;
	[dreg:$0xf] =	wrdreg s23  }
0x11: {  	s18 =	simm.s32 $0xA00;
	[dreg:$0x11] =	wrdreg s26;
	s22 =	simm.s32 $0xD80  }
0x12: {  	s23 =	simm.s32 $0x680;
	s26 =	simm.s32 $0xE80;
	[dreg:$0xa] =	wrdreg s18  }
0x13: {  	s9 =	sadd.s32 s11, s9;
	s13 =	ssub.s32 s17, s13;
	[dreg:$0x16] =	wrdreg s22  }
0x14: {  	s12 =	sadd.s32 s12, s7;
	s7 =	sadd.s32 s20, s2;
	[dreg:$0x17] =	wrdreg s23  }
0x15: {  	s20 =	simm.s32 $0xA80;
	s18 =	simm.s32 $0x580;
	[dreg:$0x1a] =	wrdreg s26  }
0x16: {  	s26 =	simm.s32 $0x800;
	s19 =	sshll.u32 s9, $0x4;
	[dreg:$0xc] =	wrdreg s20  }
0x17: {  	s21 =	smax.u32 s13, $0x1;
	s11 =	sadd.s32 $0x4000, s7;
	[dreg:$0x13] =	wrdreg s18  }
0x18: {  	s20 =	simm.s32 $0x600;
	s22 =	sadd.s32 $0x10000, s7;
	[dreg:$0x1c] =	wrdreg s21  }
0x19: {  	s9 =	simm.s32 $0x780;
	s6 =	sadd.s32 s1, s19;
	[dreg:$0x15] =	wrdreg s20  }
0x1a: {  	s19 =	simm.s32 $0x300;
	s21 =	simm.s32 $0x380;
	[dreg:$0x1b] =	wrdreg s6  }
0x1b: {  	s1 =	sadd.s32 s5, s1;
	s6 =	sadd.s32 $0x8400, s10;
	[dreg:$0xb] =	wrdreg s19  }
0x1c: {  	s10 =	sshll.u32 s12, $0x4;
	[dreg:$0xd] =	wrdreg s21;
	s19 =	simm.s32 $0xD00  }
0x1d: {  	s24 =	sadd.s32 s4, s10;
	s12 =	sadd.s32 $0x800, s10;
	[dreg:$0x14] =	wrdreg s19  }
0x1e: {  	s14 =	sadd.s32 $0x1000, s10;
	[dreg:$0x1d] =	wrdreg s24;
	s13 =	sadd.s32 s4, s12  }
0x1f: {  	s16 =	sadd.s32 $0x1800, s10;
	s17 =	sadd.s32 s4, s14;
	[dreg:$0x1e] =	wrdreg s13  }
0x20: {  	s5 =	simm.s32 $0x2;
	s15 =	sadd.s32 s4, s16;
	[dreg:$0x1f] =	wrdreg s17  }
0x21: {  	s23 =	sadd.s32 s0, s1;
	s25 =	sadd.s32 s8, s12;
	[smem:$0x7F7] =	sst s15  }
0x22: {  	s0 =	simm.s32 $0x1;
	s24 =	simm.s32 $0x480;
	[smem:$0x7F9] =	sst s25  }
0x23: {  	s1 =	simm.s32 $0x5000;
	s12 =	sadd.s32 s8, s14;
	[dreg:$0x10] =	wrdreg s24  }
0x24: {  	s14 =	simm.s32 $0xC80;
	s16 =	sadd.s32 s8, s16;
	[smem:$0x7FA] =	sst s12  }
0x25: {  	s13 =	sadd.s32 $0x8000, s7;
	s15 =	sadd.s32 $0xC000, s7;
	[smem:$0x7FB] =	sst s16  }
0x26: {  	s17 =	sadd.s32 $0x2000, s10;
	s10 =	sadd.s32 s8, s10;
	[dreg:$0x12] =	wrdreg s14  }
0x27: {  	s24 =	simm.s32 $0xE00;
	s25 =	simm.s32 $0x700;
	[smem:$0x7F8] =	sst s10  }
0x28: {  	s12 =	simm.s32 $0xF80;
	s14 =	simm.s32 $0x0;
	[dreg:$0x18] =	wrdreg s24  }
0x29: {  	s8 =	sadd.s32 s8, s17;
	s21 =	sadd.s32 s4, s17;
	[dreg:$0x19] =	wrdreg s25  }
0x2a: {  	s24 =	simm.s32 $0x1000;
	s25 =	simm.s32 $0x5;
	[smem:$0x7FC] =	sst s8  }
0x2b: {  	s10 =	simm.s32 $0xF00;
	[smem:$0x7FD] =	sst s21;
	s8 =	simm.s32 $0x4  }
.LBB2_1:
0x2c: {  	s16 =	rddreg [dreg:$0x1d]  }
0x2d: {  	[tilespmem:s24], [sflag:$0x5] =	stream.linear.gather [hbm4b:s16+s3], $0x4000, $0x38;
	[tilespmem:$0x1D000] =	vst v63  }
0x2e: {  	_ =	swait.ge [sflag:s25], $0x4000  }
0x2f: {  	[sflag:s25] =	ssyncset.done $0x0  }
0x30: {  	[sflag:s25] =	ssyncadd.s32 $0xFFFFC000  }
0x31: {  	[spmem:s7] =	stream.linear.scatter [tilespmem:s24], [sflag:$0x5], $0x4000, $0x38;
	[tilespmem:$0x1D000] =	vst v63  }
0x32: {  	_ =	swait.ge [sflag:s25], $0x4000  }
0x33: {  	[sflag:s25] =	ssyncset.done $0x0  }
0x34: {  	s21 =	rddreg [dreg:$0x1e];
	[sflag:s25] =	ssyncadd.s32 $0xFFFFC000  }
0x35: {  	[tilespmem:s24], [sflag:$0x5] =	stream.linear.gather [hbm4b:s21+s3], $0x4000, $0x38;
	[tilespmem:$0x1D000] =	vst v63  }
0x36: {  	_ =	swait.ge [sflag:s25], $0x4000  }
0x37: {  	[sflag:s25] =	ssyncset.done $0x0  }
0x38: {  	[sflag:s25] =	ssyncadd.s32 $0xFFFFC000  }
0x39: {  	[spmem:s11] =	stream.linear.scatter [tilespmem:s24], [sflag:$0x5], $0x4000, $0x38;
	[tilespmem:$0x1D000] =	vst v63  }
0x3a: {  	_ =	swait.ge [sflag:s25], $0x4000  }
0x3b: {  	[sflag:s25] =	ssyncset.done $0x0  }
0x3c: {  	s17 =	rddreg [dreg:$0x1f];
	[sflag:s25] =	ssyncadd.s32 $0xFFFFC000  }
0x3d: {  	[tilespmem:s24], [sflag:$0x5] =	stream.linear.gather [hbm4b:s17+s3], $0x4000, $0x38;
	[tilespmem:$0x1D000] =	vst v63  }
0x3e: {  	_ =	swait.ge [sflag:s25], $0x4000  }
0x3f: {  	[sflag:s25] =	ssyncset.done $0x0  }
0x40: {  	[sflag:s25] =	ssyncadd.s32 $0xFFFFC000  }
0x41: {  	[spmem:s13] =	stream.linear.scatter [tilespmem:s24], [sflag:$0x5], $0x4000, $0x38;
	[tilespmem:$0x1D000] =	vst v63  }
0x42: {  	_ =	swait.ge [sflag:s25], $0x4000  }
0x43: {  	s18 =	sld [smem:$0x7F7]  }
0x44: {  	[sflag:s25] =	ssyncset.done $0x0  }
0x45: {  	[sflag:s25] =	ssyncadd.s32 $0xFFFFC000  }
0x46: {  	[tilespmem:s24], [sflag:$0x5] =	stream.linear.gather [hbm4b:s18+s3], $0x4000, $0x38;
	[tilespmem:$0x1D000] =	vst v63  }
0x47: {  	_ =	swait.ge [sflag:s25], $0x4000  }
0x48: {  	[sflag:s25] =	ssyncset.done $0x0  }
0x49: {  	[sflag:s25] =	ssyncadd.s32 $0xFFFFC000  }
0x4a: {  	[spmem:s15] =	stream.linear.scatter [tilespmem:s24], [sflag:$0x5], $0x4000, $0x38;
	[tilespmem:$0x1D000] =	vst v63  }
0x4b: {  	_ =	swait.ge [sflag:s25], $0x4000  }
0x4c: {  	s19 =	sld [smem:$0x7FD]  }
0x4d: {  	[sflag:s25] =	ssyncset.done $0x0  }
0x4e: {  	[sflag:s25] =	ssyncadd.s32 $0xFFFFC000  }
0x4f: {  	[tilespmem:s24], [sflag:$0x5] =	stream.linear.gather [hbm4b:s19+s3], $0x4000, $0x38;
	[tilespmem:$0x1D000] =	vst v63  }
0x50: {  	_ =	swait.ge [sflag:s25], $0x4000  }
0x51: {  	[sflag:s25] =	ssyncset.done $0x0  }
0x52: {  	[sflag:s25] =	ssyncadd.s32 $0xFFFFC000  }
0x53: {  	[spmem:s22] =	stream.linear.scatter [tilespmem:s24], [sflag:$0x5], $0x4000, $0x38;
	[tilespmem:$0x1D000] =	vst v63  }
0x54: {  	_ =	swait.ge [sflag:s25], $0x4000  }
0x55: {  	[sflag:s25] =	ssyncset.done $0x0  }
0x56: {  	[sflag:s25] =	ssyncadd.s32 $0xFFFFC000  }
0x57: {  	[bflag:$0x0] =	sbarrier.arrive $0xFFFF  }
0x58: {  	s20 =	rddreg [dreg:$0x1b]  }
0x59: {  	[tilespmem:s3], [sflag:$0x3] =	stream.linear.gather [hbm4b:s20+s3], $0x400, $0x38;
	[tilespmem:$0x1D000] =	vst v63  }
0x5a: {  	_ = 	snop  }
0x5b: {  	[tilespmem:s26], [sflag:$0x3] =	stream.linear.gather [hbm4b:s6+s3], $0x400, $0x38;
	[tilespmem:$0x1D000] =	vst v63  }
0x5c: {  	_ =	swait.ge [sflag:s28], $0x400  }
0x5d: {  	[sflag:s28] =	ssyncset.done $0x0  }
0x5e: {  	[sflag:s28] =	ssyncadd.s32 $0xFFFFFC00  }
0x5f: {  	_ =	swait.ge [sflag:s28], $0x400  }
0x60: {  	[sflag:s28] =	ssyncset.done $0x0  }
0x61: {  	s21 =	sadd.s32 $0x0, s23;
	[sflag:s28] =	ssyncadd.s32 $0xFFFFFC00  }
0x62: {  	[tilespmem:s24], [sflag:$0x1] =	stream.indirect.gather [hbm4b:s4+s29], $0x80, s3, s29, $0xb8;
	[tilespmem:$0x1D000] =	vst v63  }
0x63: {  	s16 =	sadd.s32 $0x80, s21;
	s17 =	sadd.s32 $0x0, s6  }
0x64: {  	[tilespmem:s30], [sflag:$0x4] =	stream.linear.gather [hbm4b:s16+s3], $0x400, $0x38;
	[tilespmem:$0x1D000] =	vst v63  }
0x65: {  	s17 =	sadd.s32 $0x80, s17  }
0x66: {  	[tilespmem:s31], [sflag:$0x4] =	stream.linear.gather [hbm4b:s17+s3], $0x400, $0x38;
	[tilespmem:$0x1D000] =	vst v63  }
0x67: {  	_ =	swait.ge [sflag:s0], $0x4000  }
0x68: {  	[sflag:s0] =	ssyncset.done $0x0  }
0x69: {  	[sflag:s0] =	ssyncadd.s32 $0xFFFFC000  }
0x6a: {  	[tilespmem:s1], [sflag:$0x2] =	stream.indirect.gather [hbm4b:s4+s29], $0x80, s29, s29, $0xb8;
	[tilespmem:$0x1D000] =	vst v63  }
0x6b: {  	_ = 	snop  }
0x6c: {  	[spmem:s2] =	stream.indirect.scatter.add.f32 [tilespmem:s24], [sflag:$0x5], $0x80, s26, s29, $0xb8;
	[tilespmem:$0x1D000] =	vst v63  }
0x6d: {  	_ =	swait.ge [sflag:s25], $0x4000  }
0x6e: {  	[sflag:s25] =	ssyncset.done $0x0  }
0x6f: {  	[sflag:s25] =	ssyncadd.s32 $0xFFFFC000  }
0x70: {  	_ =	swait.ge [sflag:s5], $0x4000  }
0x71: {  	[sflag:s5] =	ssyncset.done $0x0  }
0x72: {  	s18 =	rddreg [dreg:$0x3];
	[sflag:s5] =	ssyncadd.s32 $0xFFFFC000  }
0x73: {  	[tilespmem:s24], [sflag:$0x1] =	stream.indirect.gather [hbm4b:s4+s29], $0x80, s18, s29, $0xb8;
	[tilespmem:$0x1D000] =	vst v63  }
0x74: {  	s19 =	rddreg [dreg:$0x4]  }
0x75: {  	[spmem:s2] =	stream.indirect.scatter.add.f32 [tilespmem:s1], [sflag:$0x5], $0x80, s19, s29, $0xb8;
	[tilespmem:$0x1D000] =	vst v63  }
0x76: {  	_ =	swait.ge [sflag:s25], $0x4000  }
0x77: {  	[sflag:s25] =	ssyncset.done $0x0  }
0x78: {  	[sflag:s25] =	ssyncadd.s32 $0xFFFFC000  }
0x79: {  	_ =	swait.ge [sflag:s0], $0x4000  }
0x7a: {  	[sflag:s0] =	ssyncset.done $0x0  }
0x7b: {  	s20 =	rddreg [dreg:$0x5];
	[sflag:s0] =	ssyncadd.s32 $0xFFFFC000  }
0x7c: {  	[tilespmem:s1], [sflag:$0x2] =	stream.indirect.gather [hbm4b:s4+s29], $0x80, s20, s29, $0xb8;
	[tilespmem:$0x1D000] =	vst v63  }
0x7d: {  	s21 =	rddreg [dreg:$0x6]  }
0x7e: {  	[spmem:s2] =	stream.indirect.scatter.add.f32 [tilespmem:s24], [sflag:$0x5], $0x80, s21, s29, $0xb8;
	[tilespmem:$0x1D000] =	vst v63  }
0x7f: {  	_ =	swait.ge [sflag:s25], $0x4000  }
0x80: {  	[sflag:s25] =	ssyncset.done $0x0  }
0x81: {  	[sflag:s25] =	ssyncadd.s32 $0xFFFFC000  }
0x82: {  	_ =	swait.ge [sflag:s5], $0x4000  }
0x83: {  	[sflag:s5] =	ssyncset.done $0x0  }
0x84: {  	s18 =	rddreg [dreg:$0x7];
	[sflag:s5] =	ssyncadd.s32 $0xFFFFC000  }
0x85: {  	[tilespmem:s24], [sflag:$0x1] =	stream.indirect.gather [hbm4b:s4+s29], $0x80, s18, s29, $0xb8;
	[tilespmem:$0x1D000] =	vst v63  }
0x86: {  	s19 =	rddreg [dreg:$0x8]  }
0x87: {  	[spmem:s2] =	stream.indirect.scatter.add.f32 [tilespmem:s1], [sflag:$0x5], $0x80, s19, s29, $0xb8;
	[tilespmem:$0x1D000] =	vst v63  }
0x88: {  	_ =	swait.ge [sflag:s25], $0x4000  }
0x89: {  	[sflag:s25] =	ssyncset.done $0x0  }
0x8a: {  	[sflag:s25] =	ssyncadd.s32 $0xFFFFC000  }
0x8b: {  	_ =	swait.ge [sflag:s0], $0x4000  }
0x8c: {  	[sflag:s0] =	ssyncset.done $0x0  }
0x8d: {  	s20 =	rddreg [dreg:$0x9];
	[sflag:s0] =	ssyncadd.s32 $0xFFFFC000  }
0x8e: {  	[tilespmem:s1], [sflag:$0x2] =	stream.indirect.gather [hbm4b:s4+s29], $0x80, s20, s29, $0xb8;
	[tilespmem:$0x1D000] =	vst v63  }
0x8f: {  	s21 =	rddreg [dreg:$0xa]  }
0x90: {  	[spmem:s2] =	stream.indirect.scatter.add.f32 [tilespmem:s24], [sflag:$0x5], $0x80, s21, s29, $0xb8;
	[tilespmem:$0x1D000] =	vst v63  }
0x91: {  	_ =	swait.ge [sflag:s25], $0x4000  }
0x92: {  	[sflag:s25] =	ssyncset.done $0x0  }
0x93: {  	[sflag:s25] =	ssyncadd.s32 $0xFFFFC000  }
0x94: {  	_ =	swait.ge [sflag:s5], $0x4000  }
0x95: {  	[sflag:s5] =	ssyncset.done $0x0  }
0x96: {  	s18 =	rddreg [dreg:$0xb];
	[sflag:s5] =	ssyncadd.s32 $0xFFFFC000  }
0x97: {  	[tilespmem:s24], [sflag:$0x1] =	stream.indirect.gather [hbm4b:s4+s29], $0x80, s18, s29, $0xb8;
	[tilespmem:$0x1D000] =	vst v63  }
0x98: {  	s19 =	rddreg [dreg:$0xc]  }
0x99: {  	[spmem:s2] =	stream.indirect.scatter.add.f32 [tilespmem:s1], [sflag:$0x5], $0x80, s19, s29, $0xb8;
	[tilespmem:$0x1D000] =	vst v63  }
0x9a: {  	_ =	swait.ge [sflag:s25], $0x4000  }
0x9b: {  	[sflag:s25] =	ssyncset.done $0x0  }
0x9c: {  	[sflag:s25] =	ssyncadd.s32 $0xFFFFC000  }
0x9d: {  	_ =	swait.ge [sflag:s0], $0x4000  }
0x9e: {  	[sflag:s0] =	ssyncset.done $0x0  }
0x9f: {  	s20 =	rddreg [dreg:$0xd];
	[sflag:s0] =	ssyncadd.s32 $0xFFFFC000  }
0xa0: {  	[tilespmem:s1], [sflag:$0x2] =	stream.indirect.gather [hbm4b:s4+s29], $0x80, s20, s29, $0xb8;
	[tilespmem:$0x1D000] =	vst v63  }
0xa1: {  	s21 =	rddreg [dreg:$0xe]  }
0xa2: {  	[spmem:s2] =	stream.indirect.scatter.add.f32 [tilespmem:s24], [sflag:$0x5], $0x80, s21, s29, $0xb8;
	[tilespmem:$0x1D000] =	vst v63  }
0xa3: {  	_ =	swait.ge [sflag:s25], $0x4000  }
0xa4: {  	[sflag:s25] =	ssyncset.done $0x0  }
0xa5: {  	[sflag:s25] =	ssyncadd.s32 $0xFFFFC000  }
0xa6: {  	_ =	swait.ge [sflag:s5], $0x4000  }
0xa7: {  	[sflag:s5] =	ssyncset.done $0x0  }
0xa8: {  	[sflag:s5] =	ssyncadd.s32 $0xFFFFC000  }
0xa9: {  	_ =	swait.ge [sflag:s8], $0x400  }
0xaa: {  	[sflag:s8] =	ssyncset.done $0x0  }
0xab: {  	[sflag:s8] =	ssyncadd.s32 $0xFFFFFC00  }
0xac: {  	_ =	swait.ge [sflag:s8], $0x400  }
0xad: {  	[sflag:s8] =	ssyncset.done $0x0  }
0xae: {  	[sflag:s8] =	ssyncadd.s32 $0xFFFFFC00  }
0xaf: {  	[tilespmem:s24], [sflag:$0x1] =	stream.indirect.gather [hbm4b:s4+s29], $0x80, s30, s29, $0xb8;
	[tilespmem:$0x1D000] =	vst v63  }
0xb0: {  	s18 =	rddreg [dreg:$0xf]  }
0xb1: {  	[spmem:s2] =	stream.indirect.scatter.add.f32 [tilespmem:s1], [sflag:$0x5], $0x80, s18, s29, $0xb8;
	[tilespmem:$0x1D000] =	vst v63  }
0xb2: {  	p0 =	por $0x0, $0x0;
	_ =	swait.ge [sflag:s25], $0x4000  }
0xb3: {  	s16 =	sadd.s32 @!p0 $0x0, s23;
	s17 =	sadd.s32 @!p0 $0x0, s6;
	[sflag:s25] =	ssyncset.done $0x0  }
0xb4: {  	s18 =	sadd.s32 @!p0 $0x100, s16;
	s16 =	simm.s32 @!p0 $0x0;
	[sflag:s25] =	ssyncadd.s32 $0xFFFFC000  }
0xb5: {  	[tilespmem:s16], [sflag:$0x3] =	stream.linear.gather @!p0 [hbm4b:s18+s16], $0x400, $0x38;
	[tilespmem:$0x1D000] =	vst v63  }
0xb6: {  	s17 =	sadd.s32 @!p0 $0x100, s17;
	s18 =	simm.s32 @!p0 $0x800  }
0xb7: {  	[tilespmem:s18], [sflag:$0x3] =	stream.linear.gather @!p0 [hbm4b:s17+s16], $0x400, $0x38;
	[tilespmem:$0x1D000] =	vst v63  }
0xb8: {  	_ =	swait.ge [sflag:s0], $0x4000  }
0xb9: {  	[sflag:s0] =	ssyncset.done $0x0  }
0xba: {  	s19 =	rddreg [dreg:$0x10];
	[sflag:s0] =	ssyncadd.s32 $0xFFFFC000  }
0xbb: {  	[tilespmem:s1], [sflag:$0x2] =	stream.indirect.gather [hbm4b:s4+s29], $0x80, s19, s29, $0xb8;
	[tilespmem:$0x1D000] =	vst v63  }
0xbc: {  	_ = 	snop  }
0xbd: {  	[spmem:s2] =	stream.indirect.scatter.add.f32 [tilespmem:s24], [sflag:$0x5], $0x80, s31, s29, $0xb8;
	[tilespmem:$0x1D000] =	vst v63  }
0xbe: {  	_ =	swait.ge [sflag:s25], $0x4000  }
0xbf: {  	[sflag:s25] =	ssyncset.done $0x0  }
0xc0: {  	[sflag:s25] =	ssyncadd.s32 $0xFFFFC000  }
0xc1: {  	_ =	swait.ge [sflag:s5], $0x4000  }
0xc2: {  	[sflag:s5] =	ssyncset.done $0x0  }
0xc3: {  	s20 =	rddreg [dreg:$0x11];
	[sflag:s5] =	ssyncadd.s32 $0xFFFFC000  }
0xc4: {  	[tilespmem:s24], [sflag:$0x1] =	stream.indirect.gather [hbm4b:s4+s29], $0x80, s20, s29, $0xb8;
	[tilespmem:$0x1D000] =	vst v63  }
0xc5: {  	s21 =	rddreg [dreg:$0x12]  }
0xc6: {  	[spmem:s2] =	stream.indirect.scatter.add.f32 [tilespmem:s1], [sflag:$0x5], $0x80, s21, s29, $0xb8;
	[tilespmem:$0x1D000] =	vst v63  }
0xc7: {  	_ =	swait.ge [sflag:s25], $0x4000  }
0xc8: {  	[sflag:s25] =	ssyncset.done $0x0  }
0xc9: {  	[sflag:s25] =	ssyncadd.s32 $0xFFFFC000  }
0xca: {  	_ =	swait.ge [sflag:s0], $0x4000  }
0xcb: {  	[sflag:s0] =	ssyncset.done $0x0  }
0xcc: {  	s18 =	rddreg [dreg:$0x13];
	[sflag:s0] =	ssyncadd.s32 $0xFFFFC000  }
0xcd: {  	[tilespmem:s1], [sflag:$0x2] =	stream.indirect.gather [hbm4b:s4+s29], $0x80, s18, s29, $0xb8;
	[tilespmem:$0x1D000] =	vst v63  }
0xce: {  	s19 =	rddreg [dreg:$0x14]  }
0xcf: {  	[spmem:s2] =	stream.indirect.scatter.add.f32 [tilespmem:s24], [sflag:$0x5], $0x80, s19, s29, $0xb8;
	[tilespmem:$0x1D000] =	vst v63  }
0xd0: {  	_ =	swait.ge [sflag:s25], $0x4000  }
0xd1: {  	[sflag:s25] =	ssyncset.done $0x0  }
0xd2: {  	[sflag:s25] =	ssyncadd.s32 $0xFFFFC000  }
0xd3: {  	_ =	swait.ge [sflag:s5], $0x4000  }
0xd4: {  	[sflag:s5] =	ssyncset.done $0x0  }
0xd5: {  	s20 =	rddreg [dreg:$0x15];
	[sflag:s5] =	ssyncadd.s32 $0xFFFFC000  }
0xd6: {  	[tilespmem:s24], [sflag:$0x1] =	stream.indirect.gather [hbm4b:s4+s29], $0x80, s20, s29, $0xb8;
	[tilespmem:$0x1D000] =	vst v63  }
0xd7: {  	s21 =	rddreg [dreg:$0x16]  }
0xd8: {  	[spmem:s2] =	stream.indirect.scatter.add.f32 [tilespmem:s1], [sflag:$0x5], $0x80, s21, s29, $0xb8;
	[tilespmem:$0x1D000] =	vst v63  }
0xd9: {  	_ =	swait.ge [sflag:s25], $0x4000  }
0xda: {  	[sflag:s25] =	ssyncset.done $0x0  }
0xdb: {  	[sflag:s25] =	ssyncadd.s32 $0xFFFFC000  }
0xdc: {  	_ =	swait.ge [sflag:s0], $0x4000  }
0xdd: {  	[sflag:s0] =	ssyncset.done $0x0  }
0xde: {  	s18 =	rddreg [dreg:$0x17];
	[sflag:s0] =	ssyncadd.s32 $0xFFFFC000  }
0xdf: {  	[tilespmem:s1], [sflag:$0x2] =	stream.indirect.gather [hbm4b:s4+s29], $0x80, s18, s29, $0xb8;
	[tilespmem:$0x1D000] =	vst v63  }
0xe0: {  	s19 =	rddreg [dreg:$0x18]  }
0xe1: {  	[spmem:s2] =	stream.indirect.scatter.add.f32 [tilespmem:s24], [sflag:$0x5], $0x80, s19, s29, $0xb8;
	[tilespmem:$0x1D000] =	vst v63  }
0xe2: {  	_ =	swait.ge [sflag:s25], $0x4000  }
0xe3: {  	[sflag:s25] =	ssyncset.done $0x0  }
0xe4: {  	[sflag:s25] =	ssyncadd.s32 $0xFFFFC000  }
0xe5: {  	_ =	swait.ge [sflag:s5], $0x4000  }
0xe6: {  	[sflag:s5] =	ssyncset.done $0x0  }
0xe7: {  	s20 =	rddreg [dreg:$0x19];
	[sflag:s5] =	ssyncadd.s32 $0xFFFFC000  }
0xe8: {  	[tilespmem:s24], [sflag:$0x1] =	stream.indirect.gather [hbm4b:s4+s29], $0x80, s20, s29, $0xb8;
	[tilespmem:$0x1D000] =	vst v63  }
0xe9: {  	s21 =	rddreg [dreg:$0x1a]  }
0xea: {  	[spmem:s2] =	stream.indirect.scatter.add.f32 [tilespmem:s1], [sflag:$0x5], $0x80, s21, s29, $0xb8;
	[tilespmem:$0x1D000] =	vst v63  }
0xeb: {  	_ =	swait.ge [sflag:s25], $0x4000  }
0xec: {  	[sflag:s25] =	ssyncset.done $0x0  }
0xed: {  	[sflag:s25] =	ssyncadd.s32 $0xFFFFC000  }
0xee: {  	_ =	swait.ge [sflag:s0], $0x4000  }
0xef: {  	[sflag:s0] =	ssyncset.done $0x0  }
0xf0: {  	[sflag:s0] =	ssyncadd.s32 $0xFFFFC000  }
0xf1: {  	[tilespmem:s1], [sflag:$0x2] =	stream.indirect.gather [hbm4b:s4+s29], $0x80, s9, s29, $0xb8;
	[tilespmem:$0x1D000] =	vst v63  }
0xf2: {  	_ = 	snop  }
0xf3: {  	[spmem:s2] =	stream.indirect.scatter.add.f32 [tilespmem:s24], [sflag:$0x5], $0x80, s10, s29, $0xb8;
	[tilespmem:$0x1D000] =	vst v63  }
0xf4: {  	_ =	swait.ge [sflag:s25], $0x4000  }
0xf5: {  	[sflag:s25] =	ssyncset.done $0x0  }
0xf6: {  	[sflag:s25] =	ssyncadd.s32 $0xFFFFC000  }
0xf7: {  	_ =	swait.ge [sflag:s5], $0x4000  }
0xf8: {  	[sflag:s5] =	ssyncset.done $0x0  }
0xf9: {  	s17 =	simm.s32 @!p0 $0x3;
	[sflag:s5] =	ssyncadd.s32 $0xFFFFC000  }
0xfa: {  	_ =	swait.ge @!p0 [sflag:s17], $0x400  }
0xfb: {  	[sflag:s17] =	ssyncset.done @!p0 $0x0  }
0xfc: {  	[sflag:s17] =	ssyncadd.s32 @!p0 $0xFFFFFC00  }
0xfd: {  	_ =	swait.ge @!p0 [sflag:s17], $0x400  }
0xfe: {  	[sflag:s17] =	ssyncset.done @!p0 $0x0  }
0xff: {  	s18 =	simm.s32 @!p0 $0x1000;
	[sflag:s17] =	ssyncadd.s32 @!p0 $0xFFFFFC00;
	s17 =	simm.s32 @!p0 $0x80  }
0x100: {  	[tilespmem:s18], [sflag:$0x1] =	stream.indirect.gather @!p0 [hbm4b:s4+s17], $0x80, s16, s17, $0xb8;
	[tilespmem:$0x1D000] =	vst v63  }
0x101: {  	_ = 	snop  }
0x102: {  	[spmem:s2] =	stream.indirect.scatter.add.f32 [tilespmem:s1], [sflag:$0x5], $0x80, s12, s29, $0xb8;
	[tilespmem:$0x1D000] =	vst v63  }
0x103: {  	_ =	swait.ge [sflag:s25], $0x4000  }
0x104: {  	s16 =	simm.s32 $0x100;
	s17 =	simm.s32 $0x200;
	[sflag:s25] =	ssyncset.done $0x0  }
.LBB2_2:
0x105: {  	s19 =	sadd.s32 s16, s23  }
0x106: {  	[sflag:s25] =	ssyncadd.s32 $0xFFFFC000;
	s20 =	sadd.s32 s16, s6;
	s19 =	sadd.s32 $0x80, s19  }
0x107: {  	[tilespmem:s30], [sflag:$0x4] =	stream.linear.gather [hbm4b:s19+s3], $0x400, $0x38;
	[tilespmem:$0x1D000] =	vst v63  }
0x108: {  	s21 =	sadd.s32 $0x80, s20  }
0x109: {  	[tilespmem:s31], [sflag:$0x4] =	stream.linear.gather [hbm4b:s21+s3], $0x400, $0x38;
	[tilespmem:$0x1D000] =	vst v63  }
0x10a: {  	_ =	swait.ge [sflag:s0], $0x4000  }
0x10b: {  	[sflag:s0] =	ssyncset.done $0x0  }
0x10c: {  	[sflag:s0] =	ssyncadd.s32 $0xFFFFC000  }
0x10d: {  	[tilespmem:s1], [sflag:$0x2] =	stream.indirect.gather [hbm4b:s4+s29], $0x80, s29, s29, $0xb8;
	[tilespmem:$0x1D000] =	vst v63  }
0x10e: {  	_ = 	snop  }
0x10f: {  	[spmem:s2] =	stream.indirect.scatter.add.f32 [tilespmem:s24], [sflag:$0x5], $0x80, s26, s29, $0xb8;
	[tilespmem:$0x1D000] =	vst v63  }
0x110: {  	_ =	swait.ge [sflag:s25], $0x4000  }
0x111: {  	[sflag:s25] =	ssyncset.done $0x0  }
0x112: {  	[sflag:s25] =	ssyncadd.s32 $0xFFFFC000  }
0x113: {  	_ =	swait.ge [sflag:s5], $0x4000  }
0x114: {  	[sflag:s5] =	ssyncset.done $0x0  }
0x115: {  	s20 =	rddreg [dreg:$0x3];
	[sflag:s5] =	ssyncadd.s32 $0xFFFFC000  }
0x116: {  	[tilespmem:s24], [sflag:$0x1] =	stream.indirect.gather [hbm4b:s4+s29], $0x80, s20, s29, $0xb8;
	[tilespmem:$0x1D000] =	vst v63  }
0x117: {  	s21 =	rddreg [dreg:$0x4]  }
0x118: {  	[spmem:s2] =	stream.indirect.scatter.add.f32 [tilespmem:s1], [sflag:$0x5], $0x80, s21, s29, $0xb8;
	[tilespmem:$0x1D000] =	vst v63  }
0x119: {  	_ =	swait.ge [sflag:s25], $0x4000  }
0x11a: {  	[sflag:s25] =	ssyncset.done $0x0  }
0x11b: {  	[sflag:s25] =	ssyncadd.s32 $0xFFFFC000  }
0x11c: {  	_ =	swait.ge [sflag:s0], $0x4000  }
0x11d: {  	[sflag:s0] =	ssyncset.done $0x0  }
0x11e: {  	s20 =	rddreg [dreg:$0x5];
	[sflag:s0] =	ssyncadd.s32 $0xFFFFC000  }
0x11f: {  	[tilespmem:s1], [sflag:$0x2] =	stream.indirect.gather [hbm4b:s4+s29], $0x80, s20, s29, $0xb8;
	[tilespmem:$0x1D000] =	vst v63  }
0x120: {  	s21 =	rddreg [dreg:$0x6]  }
0x121: {  	[spmem:s2] =	stream.indirect.scatter.add.f32 [tilespmem:s24], [sflag:$0x5], $0x80, s21, s29, $0xb8;
	[tilespmem:$0x1D000] =	vst v63  }
0x122: {  	_ =	swait.ge [sflag:s25], $0x4000  }
0x123: {  	[sflag:s25] =	ssyncset.done $0x0  }
0x124: {  	[sflag:s25] =	ssyncadd.s32 $0xFFFFC000  }
0x125: {  	_ =	swait.ge [sflag:s5], $0x4000  }
0x126: {  	[sflag:s5] =	ssyncset.done $0x0  }
0x127: {  	s20 =	rddreg [dreg:$0x7];
	[sflag:s5] =	ssyncadd.s32 $0xFFFFC000  }
0x128: {  	[tilespmem:s24], [sflag:$0x1] =	stream.indirect.gather [hbm4b:s4+s29], $0x80, s20, s29, $0xb8;
	[tilespmem:$0x1D000] =	vst v63  }
0x129: {  	s21 =	rddreg [dreg:$0x8]  }
0x12a: {  	[spmem:s2] =	stream.indirect.scatter.add.f32 [tilespmem:s1], [sflag:$0x5], $0x80, s21, s29, $0xb8;
	[tilespmem:$0x1D000] =	vst v63  }
0x12b: {  	_ =	swait.ge [sflag:s25], $0x4000  }
0x12c: {  	[sflag:s25] =	ssyncset.done $0x0  }
0x12d: {  	[sflag:s25] =	ssyncadd.s32 $0xFFFFC000  }
0x12e: {  	_ =	swait.ge [sflag:s0], $0x4000  }
0x12f: {  	[sflag:s0] =	ssyncset.done $0x0  }
0x130: {  	s20 =	rddreg [dreg:$0x9];
	[sflag:s0] =	ssyncadd.s32 $0xFFFFC000  }
0x131: {  	[tilespmem:s1], [sflag:$0x2] =	stream.indirect.gather [hbm4b:s4+s29], $0x80, s20, s29, $0xb8;
	[tilespmem:$0x1D000] =	vst v63  }
0x132: {  	s21 =	rddreg [dreg:$0xa]  }
0x133: {  	[spmem:s2] =	stream.indirect.scatter.add.f32 [tilespmem:s24], [sflag:$0x5], $0x80, s21, s29, $0xb8;
	[tilespmem:$0x1D000] =	vst v63  }
0x134: {  	_ =	swait.ge [sflag:s25], $0x4000  }
0x135: {  	[sflag:s25] =	ssyncset.done $0x0  }
0x136: {  	[sflag:s25] =	ssyncadd.s32 $0xFFFFC000  }
0x137: {  	_ =	swait.ge [sflag:s5], $0x4000  }
0x138: {  	[sflag:s5] =	ssyncset.done $0x0  }
0x139: {  	s20 =	rddreg [dreg:$0xb];
	[sflag:s5] =	ssyncadd.s32 $0xFFFFC000  }
0x13a: {  	[tilespmem:s24], [sflag:$0x1] =	stream.indirect.gather [hbm4b:s4+s29], $0x80, s20, s29, $0xb8;
	[tilespmem:$0x1D000] =	vst v63  }
0x13b: {  	s21 =	rddreg [dreg:$0xc]  }
0x13c: {  	[spmem:s2] =	stream.indirect.scatter.add.f32 [tilespmem:s1], [sflag:$0x5], $0x80, s21, s29, $0xb8;
	[tilespmem:$0x1D000] =	vst v63  }
0x13d: {  	_ =	swait.ge [sflag:s25], $0x4000  }
0x13e: {  	[sflag:s25] =	ssyncset.done $0x0  }
0x13f: {  	[sflag:s25] =	ssyncadd.s32 $0xFFFFC000  }
0x140: {  	_ =	swait.ge [sflag:s0], $0x4000  }
0x141: {  	[sflag:s0] =	ssyncset.done $0x0  }
0x142: {  	s20 =	rddreg [dreg:$0xd];
	[sflag:s0] =	ssyncadd.s32 $0xFFFFC000  }
0x143: {  	[tilespmem:s1], [sflag:$0x2] =	stream.indirect.gather [hbm4b:s4+s29], $0x80, s20, s29, $0xb8;
	[tilespmem:$0x1D000] =	vst v63  }
0x144: {  	s21 =	rddreg [dreg:$0xe]  }
0x145: {  	[spmem:s2] =	stream.indirect.scatter.add.f32 [tilespmem:s24], [sflag:$0x5], $0x80, s21, s29, $0xb8;
	[tilespmem:$0x1D000] =	vst v63  }
0x146: {  	_ =	swait.ge [sflag:s25], $0x4000  }
0x147: {  	[sflag:s25] =	ssyncset.done $0x0  }
0x148: {  	[sflag:s25] =	ssyncadd.s32 $0xFFFFC000  }
0x149: {  	_ =	swait.ge [sflag:s5], $0x4000  }
0x14a: {  	[sflag:s5] =	ssyncset.done $0x0  }
0x14b: {  	[sflag:s5] =	ssyncadd.s32 $0xFFFFC000  }
0x14c: {  	_ =	swait.ge [sflag:s8], $0x400  }
0x14d: {  	[sflag:s8] =	ssyncset.done $0x0  }
0x14e: {  	[sflag:s8] =	ssyncadd.s32 $0xFFFFFC00  }
0x14f: {  	_ =	swait.ge [sflag:s8], $0x400  }
0x150: {  	[sflag:s8] =	ssyncset.done $0x0  }
0x151: {  	[sflag:s8] =	ssyncadd.s32 $0xFFFFFC00  }
0x152: {  	[tilespmem:s24], [sflag:$0x1] =	stream.indirect.gather [hbm4b:s4+s29], $0x80, s30, s29, $0xb8;
	[tilespmem:$0x1D000] =	vst v63  }
0x153: {  	s20 =	rddreg [dreg:$0xf]  }
0x154: {  	[spmem:s2] =	stream.indirect.scatter.add.f32 [tilespmem:s1], [sflag:$0x5], $0x80, s20, s29, $0xb8;
	[tilespmem:$0x1D000] =	vst v63  }
0x155: {  	p1 =	seq.s32 s16, $0x400;
	_ =	swait.ge [sflag:s25], $0x4000  }
0x156: {  	s19 =	sadd.s32 @!p1 s16, s23;
	s16 =	sadd.s32 @!p1 s16, s6;
	[sflag:s25] =	ssyncset.done $0x0  }
0x157: {  	s20 =	sadd.s32 @!p1 $0x100, s19;
	s19 =	simm.s32 @!p1 $0x0;
	[sflag:s25] =	ssyncadd.s32 $0xFFFFC000  }
0x158: {  	[tilespmem:s19], [sflag:$0x3] =	stream.linear.gather @!p1 [hbm4b:s20+s19], $0x400, $0x38;
	[tilespmem:$0x1D000] =	vst v63  }
0x159: {  	s21 =	simm.s32 @!p1 $0x800;
	s20 =	sadd.s32 @!p1 $0x100, s16  }
0x15a: {  	[tilespmem:s21], [sflag:$0x3] =	stream.linear.gather @!p1 [hbm4b:s20+s19], $0x400, $0x38;
	[tilespmem:$0x1D000] =	vst v63  }
0x15b: {  	_ =	swait.ge [sflag:s0], $0x4000  }
0x15c: {  	[sflag:s0] =	ssyncset.done $0x0  }
0x15d: {  	s21 =	rddreg [dreg:$0x10];
	[sflag:s0] =	ssyncadd.s32 $0xFFFFC000  }
0x15e: {  	[tilespmem:s1], [sflag:$0x2] =	stream.indirect.gather [hbm4b:s4+s29], $0x80, s21, s29, $0xb8;
	[tilespmem:$0x1D000] =	vst v63  }
0x15f: {  	_ = 	snop  }
0x160: {  	[spmem:s2] =	stream.indirect.scatter.add.f32 [tilespmem:s24], [sflag:$0x5], $0x80, s31, s29, $0xb8;
	[tilespmem:$0x1D000] =	vst v63  }
0x161: {  	_ =	swait.ge [sflag:s25], $0x4000  }
0x162: {  	[sflag:s25] =	ssyncset.done $0x0  }
0x163: {  	[sflag:s25] =	ssyncadd.s32 $0xFFFFC000  }
0x164: {  	_ =	swait.ge [sflag:s5], $0x4000  }
0x165: {  	[sflag:s5] =	ssyncset.done $0x0  }
0x166: {  	s20 =	rddreg [dreg:$0x11];
	[sflag:s5] =	ssyncadd.s32 $0xFFFFC000  }
0x167: {  	[tilespmem:s24], [sflag:$0x1] =	stream.indirect.gather [hbm4b:s4+s29], $0x80, s20, s29, $0xb8;
	[tilespmem:$0x1D000] =	vst v63  }
0x168: {  	s21 =	rddreg [dreg:$0x12]  }
0x169: {  	[spmem:s2] =	stream.indirect.scatter.add.f32 [tilespmem:s1], [sflag:$0x5], $0x80, s21, s29, $0xb8;
	[tilespmem:$0x1D000] =	vst v63  }
0x16a: {  	_ =	swait.ge [sflag:s25], $0x4000  }
0x16b: {  	[sflag:s25] =	ssyncset.done $0x0  }
0x16c: {  	[sflag:s25] =	ssyncadd.s32 $0xFFFFC000  }
0x16d: {  	_ =	swait.ge [sflag:s0], $0x4000  }
0x16e: {  	[sflag:s0] =	ssyncset.done $0x0  }
0x16f: {  	s20 =	rddreg [dreg:$0x13];
	[sflag:s0] =	ssyncadd.s32 $0xFFFFC000  }
0x170: {  	[tilespmem:s1], [sflag:$0x2] =	stream.indirect.gather [hbm4b:s4+s29], $0x80, s20, s29, $0xb8;
	[tilespmem:$0x1D000] =	vst v63  }
0x171: {  	s21 =	rddreg [dreg:$0x14]  }
0x172: {  	[spmem:s2] =	stream.indirect.scatter.add.f32 [tilespmem:s24], [sflag:$0x5], $0x80, s21, s29, $0xb8;
	[tilespmem:$0x1D000] =	vst v63  }
0x173: {  	_ =	swait.ge [sflag:s25], $0x4000  }
0x174: {  	[sflag:s25] =	ssyncset.done $0x0  }
0x175: {  	[sflag:s25] =	ssyncadd.s32 $0xFFFFC000  }
0x176: {  	_ =	swait.ge [sflag:s5], $0x4000  }
0x177: {  	[sflag:s5] =	ssyncset.done $0x0  }
0x178: {  	s20 =	rddreg [dreg:$0x15];
	[sflag:s5] =	ssyncadd.s32 $0xFFFFC000  }
0x179: {  	[tilespmem:s24], [sflag:$0x1] =	stream.indirect.gather [hbm4b:s4+s29], $0x80, s20, s29, $0xb8;
	[tilespmem:$0x1D000] =	vst v63  }
0x17a: {  	s21 =	rddreg [dreg:$0x16]  }
0x17b: {  	[spmem:s2] =	stream.indirect.scatter.add.f32 [tilespmem:s1], [sflag:$0x5], $0x80, s21, s29, $0xb8;
	[tilespmem:$0x1D000] =	vst v63  }
0x17c: {  	_ =	swait.ge [sflag:s25], $0x4000  }
0x17d: {  	[sflag:s25] =	ssyncset.done $0x0  }
0x17e: {  	[sflag:s25] =	ssyncadd.s32 $0xFFFFC000  }
0x17f: {  	_ =	swait.ge [sflag:s0], $0x4000  }
0x180: {  	[sflag:s0] =	ssyncset.done $0x0  }
0x181: {  	s20 =	rddreg [dreg:$0x17];
	[sflag:s0] =	ssyncadd.s32 $0xFFFFC000  }
0x182: {  	[tilespmem:s1], [sflag:$0x2] =	stream.indirect.gather [hbm4b:s4+s29], $0x80, s20, s29, $0xb8;
	[tilespmem:$0x1D000] =	vst v63  }
0x183: {  	s21 =	rddreg [dreg:$0x18]  }
0x184: {  	[spmem:s2] =	stream.indirect.scatter.add.f32 [tilespmem:s24], [sflag:$0x5], $0x80, s21, s29, $0xb8;
	[tilespmem:$0x1D000] =	vst v63  }
0x185: {  	_ =	swait.ge [sflag:s25], $0x4000  }
0x186: {  	[sflag:s25] =	ssyncset.done $0x0  }
0x187: {  	[sflag:s25] =	ssyncadd.s32 $0xFFFFC000  }
0x188: {  	_ =	swait.ge [sflag:s5], $0x4000  }
0x189: {  	[sflag:s5] =	ssyncset.done $0x0  }
0x18a: {  	s20 =	rddreg [dreg:$0x19];
	[sflag:s5] =	ssyncadd.s32 $0xFFFFC000  }
0x18b: {  	[tilespmem:s24], [sflag:$0x1] =	stream.indirect.gather [hbm4b:s4+s29], $0x80, s20, s29, $0xb8;
	[tilespmem:$0x1D000] =	vst v63  }
0x18c: {  	s21 =	rddreg [dreg:$0x1a]  }
0x18d: {  	[spmem:s2] =	stream.indirect.scatter.add.f32 [tilespmem:s1], [sflag:$0x5], $0x80, s21, s29, $0xb8;
	[tilespmem:$0x1D000] =	vst v63  }
0x18e: {  	_ =	swait.ge [sflag:s25], $0x4000  }
0x18f: {  	[sflag:s25] =	ssyncset.done $0x0  }
0x190: {  	[sflag:s25] =	ssyncadd.s32 $0xFFFFC000  }
0x191: {  	_ =	swait.ge [sflag:s0], $0x4000  }
0x192: {  	[sflag:s0] =	ssyncset.done $0x0  }
0x193: {  	[sflag:s0] =	ssyncadd.s32 $0xFFFFC000  }
0x194: {  	[tilespmem:s1], [sflag:$0x2] =	stream.indirect.gather [hbm4b:s4+s29], $0x80, s9, s29, $0xb8;
	[tilespmem:$0x1D000] =	vst v63  }
0x195: {  	_ = 	snop  }
0x196: {  	[spmem:s2] =	stream.indirect.scatter.add.f32 [tilespmem:s24], [sflag:$0x5], $0x80, s10, s29, $0xb8;
	[tilespmem:$0x1D000] =	vst v63  }
0x197: {  	_ =	swait.ge [sflag:s25], $0x4000  }
0x198: {  	[sflag:s25] =	ssyncset.done $0x0  }
0x199: {  	[sflag:s25] =	ssyncadd.s32 $0xFFFFC000  }
0x19a: {  	_ =	swait.ge [sflag:s5], $0x4000  }
0x19b: {  	s18 =	smov.u32 s17;
	[sflag:s5] =	ssyncset.done $0x0  }
0x19c: {  	s16 =	smov.u32 s18;
	s18 =	simm.s32 @!p1 $0x3;
	[sflag:s5] =	ssyncadd.s32 $0xFFFFC000  }
0x19d: {  	_ =	swait.ge @!p1 [sflag:s18], $0x400  }
0x19e: {  	[sflag:s18] =	ssyncset.done @!p1 $0x0  }
0x19f: {  	[sflag:s18] =	ssyncadd.s32 @!p1 $0xFFFFFC00  }
0x1a0: {  	s17 =	sadd.s32 $0x100, s17;
	_ =	swait.ge @!p1 [sflag:s18], $0x400  }
0x1a1: {  	p0 =	sne.s32 s17, $0x500;
	[sflag:s18] =	ssyncset.done @!p1 $0x0  }
0x1a2: {  	s20 =	simm.s32 @!p1 $0x1000;
	[sflag:s18] =	ssyncadd.s32 @!p1 $0xFFFFFC00;
	s18 =	simm.s32 @!p1 $0x80  }
0x1a3: {  	[tilespmem:s20], [sflag:$0x1] =	stream.indirect.gather @!p1 [hbm4b:s4+s18], $0x80, s19, s18, $0xb8;
	[tilespmem:$0x1D000] =	vst v63  }
.Ltmp0:
0x1a4: {  	_ = 	snop;
	(pc) =	sbr.rel @p0 .LBB2_2-.Ltmp0, $4  }
0x1a5: {  	_ = 	snop  }
0x1a6: {  	[spmem:s2] =	stream.indirect.scatter.add.f32 [tilespmem:s1], [sflag:$0x5], $0x80, s12, s29, $0xb8;
	[tilespmem:$0x1D000] =	vst v63  }
0x1a7: {  	_ =	swait.ge [sflag:s25], $0x4000  }
0x1a8: {  	[sflag:s25] =	ssyncset.done $0x0  }
0x1a9: {  	s17 =	sadd.s32 s16, s23  }
0x1aa: {  	[sflag:s25] =	ssyncadd.s32 $0xFFFFC000;
	s18 =	sadd.s32 s16, s6;
	s17 =	sadd.s32 $0x80, s17  }
0x1ab: {  	[tilespmem:s30], [sflag:$0x4] =	stream.linear.gather [hbm4b:s17+s3], $0x400, $0x38;
	[tilespmem:$0x1D000] =	vst v63  }
0x1ac: {  	s19 =	sadd.s32 $0x80, s18  }
0x1ad: {  	[tilespmem:s31], [sflag:$0x4] =	stream.linear.gather [hbm4b:s19+s3], $0x400, $0x38;
	[tilespmem:$0x1D000] =	vst v63  }
0x1ae: {  	_ =	swait.ge [sflag:s0], $0x4000  }
0x1af: {  	[sflag:s0] =	ssyncset.done $0x0  }
0x1b0: {  	[sflag:s0] =	ssyncadd.s32 $0xFFFFC000  }
0x1b1: {  	[tilespmem:s1], [sflag:$0x2] =	stream.indirect.gather [hbm4b:s4+s29], $0x80, s29, s29, $0xb8;
	[tilespmem:$0x1D000] =	vst v63  }
0x1b2: {  	_ = 	snop  }
0x1b3: {  	[spmem:s2] =	stream.indirect.scatter.add.f32 [tilespmem:s24], [sflag:$0x5], $0x80, s26, s29, $0xb8;
	[tilespmem:$0x1D000] =	vst v63  }
0x1b4: {  	_ =	swait.ge [sflag:s25], $0x4000  }
0x1b5: {  	[sflag:s25] =	ssyncset.done $0x0  }
0x1b6: {  	[sflag:s25] =	ssyncadd.s32 $0xFFFFC000  }
0x1b7: {  	_ =	swait.ge [sflag:s5], $0x4000  }
0x1b8: {  	[sflag:s5] =	ssyncset.done $0x0  }
0x1b9: {  	s20 =	rddreg [dreg:$0x3];
	[sflag:s5] =	ssyncadd.s32 $0xFFFFC000  }
0x1ba: {  	[tilespmem:s24], [sflag:$0x1] =	stream.indirect.gather [hbm4b:s4+s29], $0x80, s20, s29, $0xb8;
	[tilespmem:$0x1D000] =	vst v63  }
0x1bb: {  	s21 =	rddreg [dreg:$0x4]  }
0x1bc: {  	[spmem:s2] =	stream.indirect.scatter.add.f32 [tilespmem:s1], [sflag:$0x5], $0x80, s21, s29, $0xb8;
	[tilespmem:$0x1D000] =	vst v63  }
0x1bd: {  	_ =	swait.ge [sflag:s25], $0x4000  }
0x1be: {  	[sflag:s25] =	ssyncset.done $0x0  }
0x1bf: {  	[sflag:s25] =	ssyncadd.s32 $0xFFFFC000  }
0x1c0: {  	_ =	swait.ge [sflag:s0], $0x4000  }
0x1c1: {  	[sflag:s0] =	ssyncset.done $0x0  }
0x1c2: {  	s18 =	rddreg [dreg:$0x5];
	[sflag:s0] =	ssyncadd.s32 $0xFFFFC000  }
0x1c3: {  	[tilespmem:s1], [sflag:$0x2] =	stream.indirect.gather [hbm4b:s4+s29], $0x80, s18, s29, $0xb8;
	[tilespmem:$0x1D000] =	vst v63  }
0x1c4: {  	s19 =	rddreg [dreg:$0x6]  }
0x1c5: {  	[spmem:s2] =	stream.indirect.scatter.add.f32 [tilespmem:s24], [sflag:$0x5], $0x80, s19, s29, $0xb8;
	[tilespmem:$0x1D000] =	vst v63  }
0x1c6: {  	_ =	swait.ge [sflag:s25], $0x4000  }
0x1c7: {  	[sflag:s25] =	ssyncset.done $0x0  }
0x1c8: {  	[sflag:s25] =	ssyncadd.s32 $0xFFFFC000  }
0x1c9: {  	_ =	swait.ge [sflag:s5], $0x4000  }
0x1ca: {  	[sflag:s5] =	ssyncset.done $0x0  }
0x1cb: {  	s20 =	rddreg [dreg:$0x7];
	[sflag:s5] =	ssyncadd.s32 $0xFFFFC000  }
0x1cc: {  	[tilespmem:s24], [sflag:$0x1] =	stream.indirect.gather [hbm4b:s4+s29], $0x80, s20, s29, $0xb8;
	[tilespmem:$0x1D000] =	vst v63  }
0x1cd: {  	s21 =	rddreg [dreg:$0x8]  }
0x1ce: {  	[spmem:s2] =	stream.indirect.scatter.add.f32 [tilespmem:s1], [sflag:$0x5], $0x80, s21, s29, $0xb8;
	[tilespmem:$0x1D000] =	vst v63  }
0x1cf: {  	_ =	swait.ge [sflag:s25], $0x4000  }
0x1d0: {  	[sflag:s25] =	ssyncset.done $0x0  }
0x1d1: {  	[sflag:s25] =	ssyncadd.s32 $0xFFFFC000  }
0x1d2: {  	_ =	swait.ge [sflag:s0], $0x4000  }
0x1d3: {  	[sflag:s0] =	ssyncset.done $0x0  }
0x1d4: {  	s18 =	rddreg [dreg:$0x9];
	[sflag:s0] =	ssyncadd.s32 $0xFFFFC000  }
0x1d5: {  	[tilespmem:s1], [sflag:$0x2] =	stream.indirect.gather [hbm4b:s4+s29], $0x80, s18, s29, $0xb8;
	[tilespmem:$0x1D000] =	vst v63  }
0x1d6: {  	s19 =	rddreg [dreg:$0xa]  }
0x1d7: {  	[spmem:s2] =	stream.indirect.scatter.add.f32 [tilespmem:s24], [sflag:$0x5], $0x80, s19, s29, $0xb8;
	[tilespmem:$0x1D000] =	vst v63  }
0x1d8: {  	_ =	swait.ge [sflag:s25], $0x4000  }
0x1d9: {  	[sflag:s25] =	ssyncset.done $0x0  }
0x1da: {  	[sflag:s25] =	ssyncadd.s32 $0xFFFFC000  }
0x1db: {  	_ =	swait.ge [sflag:s5], $0x4000  }
0x1dc: {  	[sflag:s5] =	ssyncset.done $0x0  }
0x1dd: {  	s20 =	rddreg [dreg:$0xb];
	[sflag:s5] =	ssyncadd.s32 $0xFFFFC000  }
0x1de: {  	[tilespmem:s24], [sflag:$0x1] =	stream.indirect.gather [hbm4b:s4+s29], $0x80, s20, s29, $0xb8;
	[tilespmem:$0x1D000] =	vst v63  }
0x1df: {  	s21 =	rddreg [dreg:$0xc]  }
0x1e0: {  	[spmem:s2] =	stream.indirect.scatter.add.f32 [tilespmem:s1], [sflag:$0x5], $0x80, s21, s29, $0xb8;
	[tilespmem:$0x1D000] =	vst v63  }
0x1e1: {  	_ =	swait.ge [sflag:s25], $0x4000  }
0x1e2: {  	[sflag:s25] =	ssyncset.done $0x0  }
0x1e3: {  	[sflag:s25] =	ssyncadd.s32 $0xFFFFC000  }
0x1e4: {  	_ =	swait.ge [sflag:s0], $0x4000  }
0x1e5: {  	[sflag:s0] =	ssyncset.done $0x0  }
0x1e6: {  	s18 =	rddreg [dreg:$0xd];
	[sflag:s0] =	ssyncadd.s32 $0xFFFFC000  }
0x1e7: {  	[tilespmem:s1], [sflag:$0x2] =	stream.indirect.gather [hbm4b:s4+s29], $0x80, s18, s29, $0xb8;
	[tilespmem:$0x1D000] =	vst v63  }
0x1e8: {  	s19 =	rddreg [dreg:$0xe]  }
0x1e9: {  	[spmem:s2] =	stream.indirect.scatter.add.f32 [tilespmem:s24], [sflag:$0x5], $0x80, s19, s29, $0xb8;
	[tilespmem:$0x1D000] =	vst v63  }
0x1ea: {  	_ =	swait.ge [sflag:s25], $0x4000  }
0x1eb: {  	[sflag:s25] =	ssyncset.done $0x0  }
0x1ec: {  	[sflag:s25] =	ssyncadd.s32 $0xFFFFC000  }
0x1ed: {  	_ =	swait.ge [sflag:s5], $0x4000  }
0x1ee: {  	[sflag:s5] =	ssyncset.done $0x0  }
0x1ef: {  	[sflag:s5] =	ssyncadd.s32 $0xFFFFC000  }
0x1f0: {  	_ =	swait.ge [sflag:s8], $0x400  }
0x1f1: {  	[sflag:s8] =	ssyncset.done $0x0  }
0x1f2: {  	[sflag:s8] =	ssyncadd.s32 $0xFFFFFC00  }
0x1f3: {  	_ =	swait.ge [sflag:s8], $0x400  }
0x1f4: {  	[sflag:s8] =	ssyncset.done $0x0  }
0x1f5: {  	[sflag:s8] =	ssyncadd.s32 $0xFFFFFC00  }
0x1f6: {  	[tilespmem:s24], [sflag:$0x1] =	stream.indirect.gather [hbm4b:s4+s29], $0x80, s30, s29, $0xb8;
	[tilespmem:$0x1D000] =	vst v63  }
0x1f7: {  	p0 =	seq.s32 s16, $0x400;
	s20 =	rddreg [dreg:$0xf]  }
0x1f8: {  	[spmem:s2] =	stream.indirect.scatter.add.f32 [tilespmem:s1], [sflag:$0x5], $0x80, s20, s29, $0xb8;
	[tilespmem:$0x1D000] =	vst v63  }
0x1f9: {  	s17 =	sadd.s32 @!p0 s16, s23;
	_ =	swait.ge [sflag:s25], $0x4000  }
0x1fa: {  	s17 =	sadd.s32 @!p0 $0x100, s17;
	[sflag:s25] =	ssyncset.done $0x0  }
0x1fb: {  	s18 =	sadd.s32 @!p0 s16, s6;
	s16 =	simm.s32 @!p0 $0x0;
	[sflag:s25] =	ssyncadd.s32 $0xFFFFC000  }
0x1fc: {  	[tilespmem:s16], [sflag:$0x3] =	stream.linear.gather @!p0 [hbm4b:s17+s16], $0x400, $0x38;
	[tilespmem:$0x1D000] =	vst v63  }
0x1fd: {  	s17 =	sadd.s32 @!p0 $0x100, s18;
	s18 =	simm.s32 @!p0 $0x800  }
0x1fe: {  	[tilespmem:s18], [sflag:$0x3] =	stream.linear.gather @!p0 [hbm4b:s17+s16], $0x400, $0x38;
	[tilespmem:$0x1D000] =	vst v63  }
0x1ff: {  	_ =	swait.ge [sflag:s0], $0x4000  }
0x200: {  	[sflag:s0] =	ssyncset.done $0x0  }
0x201: {  	s21 =	rddreg [dreg:$0x10];
	[sflag:s0] =	ssyncadd.s32 $0xFFFFC000  }
0x202: {  	[tilespmem:s1], [sflag:$0x2] =	stream.indirect.gather [hbm4b:s4+s29], $0x80, s21, s29, $0xb8;
	[tilespmem:$0x1D000] =	vst v63  }
0x203: {  	_ = 	snop  }
0x204: {  	[spmem:s2] =	stream.indirect.scatter.add.f32 [tilespmem:s24], [sflag:$0x5], $0x80, s31, s29, $0xb8;
	[tilespmem:$0x1D000] =	vst v63  }
0x205: {  	_ =	swait.ge [sflag:s25], $0x4000  }
0x206: {  	[sflag:s25] =	ssyncset.done $0x0  }
0x207: {  	[sflag:s25] =	ssyncadd.s32 $0xFFFFC000  }
0x208: {  	_ =	swait.ge [sflag:s5], $0x4000  }
0x209: {  	[sflag:s5] =	ssyncset.done $0x0  }
0x20a: {  	s18 =	rddreg [dreg:$0x11];
	[sflag:s5] =	ssyncadd.s32 $0xFFFFC000  }
0x20b: {  	[tilespmem:s24], [sflag:$0x1] =	stream.indirect.gather [hbm4b:s4+s29], $0x80, s18, s29, $0xb8;
	[tilespmem:$0x1D000] =	vst v63  }
0x20c: {  	s19 =	rddreg [dreg:$0x12]  }
0x20d: {  	[spmem:s2] =	stream.indirect.scatter.add.f32 [tilespmem:s1], [sflag:$0x5], $0x80, s19, s29, $0xb8;
	[tilespmem:$0x1D000] =	vst v63  }
0x20e: {  	_ =	swait.ge [sflag:s25], $0x4000  }
0x20f: {  	[sflag:s25] =	ssyncset.done $0x0  }
0x210: {  	[sflag:s25] =	ssyncadd.s32 $0xFFFFC000  }
0x211: {  	_ =	swait.ge [sflag:s0], $0x4000  }
0x212: {  	[sflag:s0] =	ssyncset.done $0x0  }
0x213: {  	s20 =	rddreg [dreg:$0x13];
	[sflag:s0] =	ssyncadd.s32 $0xFFFFC000  }
0x214: {  	[tilespmem:s1], [sflag:$0x2] =	stream.indirect.gather [hbm4b:s4+s29], $0x80, s20, s29, $0xb8;
	[tilespmem:$0x1D000] =	vst v63  }
0x215: {  	s21 =	rddreg [dreg:$0x14]  }
0x216: {  	[spmem:s2] =	stream.indirect.scatter.add.f32 [tilespmem:s24], [sflag:$0x5], $0x80, s21, s29, $0xb8;
	[tilespmem:$0x1D000] =	vst v63  }
0x217: {  	_ =	swait.ge [sflag:s25], $0x4000  }
0x218: {  	[sflag:s25] =	ssyncset.done $0x0  }
0x219: {  	[sflag:s25] =	ssyncadd.s32 $0xFFFFC000  }
0x21a: {  	_ =	swait.ge [sflag:s5], $0x4000  }
0x21b: {  	[sflag:s5] =	ssyncset.done $0x0  }
0x21c: {  	s18 =	rddreg [dreg:$0x15];
	[sflag:s5] =	ssyncadd.s32 $0xFFFFC000  }
0x21d: {  	[tilespmem:s24], [sflag:$0x1] =	stream.indirect.gather [hbm4b:s4+s29], $0x80, s18, s29, $0xb8;
	[tilespmem:$0x1D000] =	vst v63  }
0x21e: {  	s19 =	rddreg [dreg:$0x16]  }
0x21f: {  	[spmem:s2] =	stream.indirect.scatter.add.f32 [tilespmem:s1], [sflag:$0x5], $0x80, s19, s29, $0xb8;
	[tilespmem:$0x1D000] =	vst v63  }
0x220: {  	_ =	swait.ge [sflag:s25], $0x4000  }
0x221: {  	[sflag:s25] =	ssyncset.done $0x0  }
0x222: {  	[sflag:s25] =	ssyncadd.s32 $0xFFFFC000  }
0x223: {  	_ =	swait.ge [sflag:s0], $0x4000  }
0x224: {  	[sflag:s0] =	ssyncset.done $0x0  }
0x225: {  	s20 =	rddreg [dreg:$0x17];
	[sflag:s0] =	ssyncadd.s32 $0xFFFFC000  }
0x226: {  	[tilespmem:s1], [sflag:$0x2] =	stream.indirect.gather [hbm4b:s4+s29], $0x80, s20, s29, $0xb8;
	[tilespmem:$0x1D000] =	vst v63  }
0x227: {  	s21 =	rddreg [dreg:$0x18]  }
0x228: {  	[spmem:s2] =	stream.indirect.scatter.add.f32 [tilespmem:s24], [sflag:$0x5], $0x80, s21, s29, $0xb8;
	[tilespmem:$0x1D000] =	vst v63  }
0x229: {  	_ =	swait.ge [sflag:s25], $0x4000  }
0x22a: {  	[sflag:s25] =	ssyncset.done $0x0  }
0x22b: {  	[sflag:s25] =	ssyncadd.s32 $0xFFFFC000  }
0x22c: {  	_ =	swait.ge [sflag:s5], $0x4000  }
0x22d: {  	[sflag:s5] =	ssyncset.done $0x0  }
0x22e: {  	s19 =	rddreg [dreg:$0x19];
	[sflag:s5] =	ssyncadd.s32 $0xFFFFC000  }
0x22f: {  	[tilespmem:s24], [sflag:$0x1] =	stream.indirect.gather [hbm4b:s4+s29], $0x80, s19, s29, $0xb8;
	[tilespmem:$0x1D000] =	vst v63  }
0x230: {  	s20 =	rddreg [dreg:$0x1a]  }
0x231: {  	[spmem:s2] =	stream.indirect.scatter.add.f32 [tilespmem:s1], [sflag:$0x5], $0x80, s20, s29, $0xb8;
	[tilespmem:$0x1D000] =	vst v63  }
0x232: {  	_ =	swait.ge [sflag:s25], $0x4000  }
0x233: {  	[sflag:s25] =	ssyncset.done $0x0  }
0x234: {  	[sflag:s25] =	ssyncadd.s32 $0xFFFFC000  }
0x235: {  	_ =	swait.ge [sflag:s0], $0x4000  }
0x236: {  	[sflag:s0] =	ssyncset.done $0x0  }
0x237: {  	[sflag:s0] =	ssyncadd.s32 $0xFFFFC000  }
0x238: {  	[tilespmem:s1], [sflag:$0x2] =	stream.indirect.gather [hbm4b:s4+s29], $0x80, s9, s29, $0xb8;
	[tilespmem:$0x1D000] =	vst v63  }
0x239: {  	_ = 	snop  }
0x23a: {  	[spmem:s2] =	stream.indirect.scatter.add.f32 [tilespmem:s24], [sflag:$0x5], $0x80, s10, s29, $0xb8;
	[tilespmem:$0x1D000] =	vst v63  }
0x23b: {  	_ =	swait.ge [sflag:s25], $0x4000  }
0x23c: {  	[sflag:s25] =	ssyncset.done $0x0  }
0x23d: {  	[sflag:s25] =	ssyncadd.s32 $0xFFFFC000  }
0x23e: {  	_ =	swait.ge [sflag:s5], $0x4000  }
0x23f: {  	[sflag:s5] =	ssyncset.done $0x0  }
0x240: {  	s17 =	simm.s32 @!p0 $0x3;
	[sflag:s5] =	ssyncadd.s32 $0xFFFFC000  }
0x241: {  	_ =	swait.ge @!p0 [sflag:s17], $0x400  }
0x242: {  	[sflag:s17] =	ssyncset.done @!p0 $0x0  }
0x243: {  	[sflag:s17] =	ssyncadd.s32 @!p0 $0xFFFFFC00  }
0x244: {  	_ =	swait.ge @!p0 [sflag:s17], $0x400  }
0x245: {  	[sflag:s17] =	ssyncset.done @!p0 $0x0  }
0x246: {  	s18 =	simm.s32 @!p0 $0x1000;
	[sflag:s17] =	ssyncadd.s32 @!p0 $0xFFFFFC00;
	s17 =	simm.s32 @!p0 $0x80  }
0x247: {  	[tilespmem:s18], [sflag:$0x1] =	stream.indirect.gather @!p0 [hbm4b:s4+s17], $0x80, s16, s17, $0xb8;
	[tilespmem:$0x1D000] =	vst v63  }
0x248: {  	_ = 	snop  }
0x249: {  	[spmem:s2] =	stream.indirect.scatter.add.f32 [tilespmem:s1], [sflag:$0x5], $0x80, s12, s29, $0xb8;
	[tilespmem:$0x1D000] =	vst v63  }
0x24a: {  	_ =	swait.ge [sflag:s25], $0x4000  }
0x24b: {  	[sflag:s25] =	ssyncset.done $0x0  }
0x24c: {  	[sflag:s25] =	ssyncadd.s32 $0xFFFFC000  }
0x24d: {  	[bflag:$0x0] =	sbarrier.arrive $0xFFFF  }
0x24e: {  	[tilespmem:s24], [sflag:$0x5] =	stream.linear.gather [spmem:s7], $0x4000, $0x38;
	[tilespmem:$0x1D000] =	vst v63  }
0x24f: {  	_ =	swait.ge [sflag:s25], $0x4000  }
0x250: {  	s21 =	sld [smem:$0x7F8]  }
0x251: {  	[sflag:s25] =	ssyncset.done $0x0  }
0x252: {  	[sflag:s25] =	ssyncadd.s32 $0xFFFFC000  }
0x253: {  	[hbm4b:s21+s3] =	stream.linear.scatter [tilespmem:s24], [sflag:$0x5], $0x4000, $0x38;
	[tilespmem:$0x1D000] =	vst v63  }
0x254: {  	_ =	swait.ge [sflag:s25], $0x4000  }
0x255: {  	[sflag:s25] =	ssyncset.done $0x0  }
0x256: {  	[sflag:s25] =	ssyncadd.s32 $0xFFFFC000  }
0x257: {  	[tilespmem:s24], [sflag:$0x5] =	stream.linear.gather [spmem:s11], $0x4000, $0x38;
	[tilespmem:$0x1D000] =	vst v63  }
0x258: {  	_ =	swait.ge [sflag:s25], $0x4000  }
0x259: {  	s17 =	sld [smem:$0x7F9]  }
0x25a: {  	[sflag:s25] =	ssyncset.done $0x0  }
0x25b: {  	[sflag:s25] =	ssyncadd.s32 $0xFFFFC000  }
0x25c: {  	[hbm4b:s17+s3] =	stream.linear.scatter [tilespmem:s24], [sflag:$0x5], $0x4000, $0x38;
	[tilespmem:$0x1D000] =	vst v63  }
0x25d: {  	_ =	swait.ge [sflag:s25], $0x4000  }
0x25e: {  	[sflag:s25] =	ssyncset.done $0x0  }
0x25f: {  	[sflag:s25] =	ssyncadd.s32 $0xFFFFC000  }
0x260: {  	[tilespmem:s24], [sflag:$0x5] =	stream.linear.gather [spmem:s13], $0x4000, $0x38;
	[tilespmem:$0x1D000] =	vst v63  }
0x261: {  	_ =	swait.ge [sflag:s25], $0x4000  }
0x262: {  	s18 =	sld [smem:$0x7FA]  }
0x263: {  	[sflag:s25] =	ssyncset.done $0x0  }
0x264: {  	[sflag:s25] =	ssyncadd.s32 $0xFFFFC000  }
0x265: {  	[hbm4b:s18+s3] =	stream.linear.scatter [tilespmem:s24], [sflag:$0x5], $0x4000, $0x38;
	[tilespmem:$0x1D000] =	vst v63  }
0x266: {  	_ =	swait.ge [sflag:s25], $0x4000  }
0x267: {  	[sflag:s25] =	ssyncset.done $0x0  }
0x268: {  	[sflag:s25] =	ssyncadd.s32 $0xFFFFC000  }
0x269: {  	[tilespmem:s24], [sflag:$0x5] =	stream.linear.gather [spmem:s15], $0x4000, $0x38;
	[tilespmem:$0x1D000] =	vst v63  }
0x26a: {  	_ =	swait.ge [sflag:s25], $0x4000  }
0x26b: {  	s19 =	sld [smem:$0x7FB]  }
0x26c: {  	[sflag:s25] =	ssyncset.done $0x0  }
0x26d: {  	[sflag:s25] =	ssyncadd.s32 $0xFFFFC000  }
0x26e: {  	[hbm4b:s19+s3] =	stream.linear.scatter [tilespmem:s24], [sflag:$0x5], $0x4000, $0x38;
	[tilespmem:$0x1D000] =	vst v63  }
0x26f: {  	_ =	swait.ge [sflag:s25], $0x4000  }
0x270: {  	[sflag:s25] =	ssyncset.done $0x0  }
0x271: {  	[sflag:s25] =	ssyncadd.s32 $0xFFFFC000  }
0x272: {  	[tilespmem:s24], [sflag:$0x5] =	stream.linear.gather [spmem:s22], $0x4000, $0x38;
	[tilespmem:$0x1D000] =	vst v63  }
0x273: {  	_ =	swait.ge [sflag:s25], $0x4000  }
0x274: {  	s20 =	sld [smem:$0x7FC]  }
0x275: {  	[sflag:s25] =	ssyncset.done $0x0  }
0x276: {  	[sflag:s25] =	ssyncadd.s32 $0xFFFFC000  }
0x277: {  	[hbm4b:s20+s3] =	stream.linear.scatter [tilespmem:s24], [sflag:$0x5], $0x4000, $0x38;
	[tilespmem:$0x1D000] =	vst v63  }
0x278: {  	_ =	swait.ge [sflag:s25], $0x4000  }
0x279: {  	s14 =	sadd.s32 $0x1, s14;
	s21 =	rddreg [dreg:$0x1c]  }
0x27a: {  	p0 =	sne.s32 s14, s21  }
.Ltmp1:
0x27b: {  	_ = 	snop;
	(pc) =	sbr.rel @p0 .LBB2_1-.Ltmp1, $3  }
0x27c: {  	_ =	sdelay $0x1  }
0x27d: {  	[sflag:s25] =	ssyncset.done $0x0  }
0x27e: {  	[sflag:s25] =	ssyncadd.s32 $0xFFFFC000  }
0x27f: {  	_ =	sfence.sel $0x180000  }
0x280: {  	[bflag:$0x0] =	sbarrier.arrive $0xFFFF  }
0x281: {  	_ =	strace $0x9000004D  }
0x282: {  	s0 =	stileid.u32;
	[bflag:$0x2] =	sbarrier.arrive $0xFFFF  }
0x283: {  	p0 =	sne.s32 s0, $0x0;
	s0 =	rddreg [dreg:$0x2]  }
0x284: {  	s0 =	sadd.s32 @!p0 $0x100000, s0  }
0x285: {  	[sflag:s0] =	ssyncadd.tile.s32 @!p0 $0x1;
	_ =	shalt  }
.Lfunc_end2:
_tile_overlayer_lowered:
.L_overlay_start_2:
0x286: {  	(tag) =	ssettag $0x2  }
0x287: {  	s0 =	rddreg [dreg:$0x0];
	s2 =	stileid.u32  }
0x288: {  	s1 =	rddreg [dreg:$0x1];
	p0 =	sne.s32 s2, $0x0  }
0x289: {  	s3 =	rddreg [dreg:$0x2];
	[bflag:$0x3] =	sbarrier.arrive $0xFFFF;
	s2 =	simm.s32 @!p0 $0x1C05  }
0x28a: {  	[timem:s3], [sflag:s2] =	dma.local @!p0 [hbm:s0], s1  }
0x28b: {  	s0 =	simm.s32 @!p0 $0x5  }
0x28c: {  	_ =	swait.ge @!p0 [sflag:s0], s1  }
0x28d: {  	s1 =	ssub.s32 @!p0 $0x0, s1;
	[sflag:s0] =	ssyncset.done @!p0 $0x0  }
0x28e: {  	[sflag:s0] =	ssyncadd.s32 @!p0 s1  }
0x28f: {  	[bflag:$0x3] =	sbarrier.arrive $0xFFFF  }
0x290: {  	_ =	shalt  }

// kernel: kernel.8.cloned.1.call-start
scs
__scs_entry_jumppad:
0x0: {  	(pc) =	sbr.rel $0x88, $3  }
0x1: {  	(tag) =	ssettag $0x0;
	lr =	simm.s32 $0x1  }
0x2: {  	[smem:$0x3F97] =	sst lr;
	_ =	strace $0xD0000000  }
0x3: {  	_ = 	snop  }
0x4: {  	_ = 	snop  }
0x5: {  	_ = 	snop  }
0x6: {  	_ = 	snop  }
0x7: {  	_ = 	snop  }
__scs_overlays_trampoline_lowered:
0x8: {  	[smem:$0x3FA6] =	sst s0  }
0x9: {  	[smem:$0x3FA7] =	sst s1  }
0xa: {  	[smem:$0x3FA8] =	sst s2  }
0xb: {  	[smem:$0x3FA9] =	sst s3  }
0xc: {  	[smem:$0x3FAA] =	sst s4  }
0xd: {  	[smem:$0x3FAB] =	sst s5  }
0xe: {  	[smem:$0x3FAC] =	sst s6  }
0xf: {  	[smem:$0x3FAD] =	sst s7  }
0x10: {  	[smem:$0x3FAE] =	sst s8  }
0x11: {  	[smem:$0x3FAF] =	sst s9;
	s0 =	simm.s32 @!p0 $0x0  }
0x12: {  	s1 =	sld [smem:$0x3F95];
	s0 =	simm.s32 @p0 $0x1  }
0x13: {  	[smem:$0x3FB0] =	sst s0;
	s0 =	simm.s32 @!p1 $0x0  }
0x14: {  	s2 =	sld [smem:$0x3F94];
	s0 =	simm.s32 @p1 $0x1  }
0x15: {  	[smem:$0x3FB1] =	sst s0;
	s0 =	simm.s32 @!p2 $0x0  }
0x16: {  	s3 =	sld [smem:$0x3FDB];
	s0 =	simm.s32 @p2 $0x1  }
0x17: {  	s4 =	simm.s32 $0x1BF5;
	[smem:$0x3FB3] =	sst s0  }
0x18: {  	s0 =	sld [smem:$0x3F96];
	_ =	swait.ge [sflag:s4], $0x0  }
0x19: {  	s7 =	sld [smem:$0x3F97]  }
0x1a: {  	s8 =	sadd.s32 $0xFFFFE003, lr  }
0x1b: {  	s9 =	sadd.s32 $0xFFFFFEF7, lr;
	s5 =	simm.s32 $0xFFFFFFFF;
	p2 =	slt.u32 s8, $0xFFFFF086  }
0x1c: {  	p1 =	slt.u32 s9, $0xF7A;
	s5 =	simm.s32 @!p2 $0x0  }
0x1d: {  	s5 =	simm.s32 @p1 $0x1;
	p0 =	seq.s32 s7, s2  }
0x1e: {  	s7 =	smul.u32 @!p0 $0xF7A, s2;
	p2 =	seq.s32 @!p0 s5, $0x0  }
0x1f: {  	s9 =	smul.u32 $0xF7A, s1;
	s8 =	simm.s32 @!p0 $0x1BF5;
	p2 =	por !p2, p0  }
0x20: {  	[sflag:s8] =	ssyncset.s32 @!p0 $0xFFFFF086;
	s6 =	sadd.s32 @!p0 s3, s7;
	s7 =	simm.s32 @!p0 $0x108  }
0x21: {  	s3 =	sadd.s32 s3, s9;
	s6 =	sadd.s32 @!p0 $0x88, s6;
	s7 =	simm.s32 @p2 $0x1082  }
0x22: {  	[simem:s7], [sflag:s8] =	dma.local @!p0 [hbm:s6], $0xF7A  }
0x23: {  	s9 =	sor.u32 $0xD0000000, s2;
	s6 =	simm.s32 $0x108;
	_ =	swait.ge @!p0 [sflag:s8], $0x0  }
0x24: {  	s3 =	sadd.s32 $0x88, s3;
	s6 =	simm.s32 @!p1 $0x1082;
	[sflag:s4] =	ssyncset.s32 $0xFFFFF086  }
0x25: {  	[simem:s6], [sflag:s4] =	dma.local [hbm:s3], $0xF7A  }
0x26: {  	[smem:$0x3F97] =	sst s1;
	(tag) =	ssettag s2;
	_ =	strace s9  }
0x27: {  	s1 =	sld [smem:$0x3FA7]  }
0x28: {  	s2 =	sld [smem:$0x3FA8]  }
0x29: {  	s4 =	sld [smem:$0x3FAA]  }
0x2a: {  	p0 =	seq.s32 s5, $0x0;
	s5 =	sld [smem:$0x3FAB]  }
0x2b: {  	s6 =	sld [smem:$0x3FAC]  }
0x2c: {  	s7 =	sld [smem:$0x3FAD]  }
0x2d: {  	s3 =	simm.s32 $0x108;
	s8 =	sld [smem:$0x3FAE]  }
0x2e: {  	s3 =	simm.s32 @!p0 $0x1082;
	s9 =	sld [smem:$0x3FAF]  }
0x2f: {  	lr =	sadd.s32 s0, s3;
	s0 =	sld [smem:$0x3FA6]  }
0x30: {  	s3 =	sld [smem:$0x3FA9]  }
0x31: {  	[smem:$0x3FB2] =	sst s10  }
0x32: {  	s10 =	sld [smem:$0x3FB0];
	_ =	sdelay $0x3  }
0x33: {  	p0 =	seq.s32 s10, $0x1;
	s10 =	sld [smem:$0x3FB2];
	_ =	sdelay $0x3  }
0x34: {  	[smem:$0x3FB2] =	sst s10  }
0x35: {  	s10 =	sld [smem:$0x3FB1];
	_ =	sdelay $0x3  }
0x36: {  	p1 =	seq.s32 s10, $0x1;
	s10 =	sld [smem:$0x3FB2];
	_ =	sdelay $0x3  }
0x37: {  	[smem:$0x3FB2] =	sst s10  }
0x38: {  	s10 =	sld [smem:$0x3FB3]  }
0x39: {  	_ = 	snop;
	(pc) =	sbr.ind lr, $3  }
0x3a: {  	_ = 	snop  }
0x3b: {  	_ = 	snop  }
0x3c: {  	p2 =	seq.s32 s10, $0x1;
	s10 =	sld [smem:$0x3FB2]  }
0x3d: {  	_ =	shalt  }
0x3e: {  	_ =	shalt  }
0x3f: {  	_ =	shalt  }
0x40: {  	_ =	shalt  }
0x41: {  	_ =	shalt  }
0x42: {  	_ =	shalt  }
0x43: {  	_ =	shalt  }
0x44: {  	_ =	shalt  }
0x45: {  	_ =	shalt  }
0x46: {  	_ =	shalt  }
0x47: {  	_ =	shalt  }
0x48: {  	_ =	shalt  }
0x49: {  	_ =	shalt  }
0x4a: {  	_ =	shalt  }
0x4b: {  	_ =	shalt  }
0x4c: {  	_ =	shalt  }
0x4d: {  	_ =	shalt  }
0x4e: {  	_ =	shalt  }
0x4f: {  	_ =	shalt  }
0x50: {  	_ =	shalt  }
0x51: {  	_ =	shalt  }
0x52: {  	_ =	shalt  }
0x53: {  	_ =	shalt  }
0x54: {  	_ =	shalt  }
0x55: {  	_ =	shalt  }
0x56: {  	_ =	shalt  }
0x57: {  	_ =	shalt  }
0x58: {  	_ =	shalt  }
0x59: {  	_ =	shalt  }
0x5a: {  	_ =	shalt  }
0x5b: {  	_ =	shalt  }
0x5c: {  	_ =	shalt  }
0x5d: {  	_ =	shalt  }
0x5e: {  	_ =	shalt  }
0x5f: {  	_ =	shalt  }
0x60: {  	_ =	shalt  }
0x61: {  	_ =	shalt  }
0x62: {  	_ =	shalt  }
0x63: {  	_ =	shalt  }
0x64: {  	_ =	shalt  }
0x65: {  	_ =	shalt  }
0x66: {  	_ =	shalt  }
0x67: {  	_ =	shalt  }
0x68: {  	_ =	shalt  }
0x69: {  	_ =	shalt  }
0x6a: {  	_ =	shalt  }
0x6b: {  	_ =	shalt  }
0x6c: {  	_ =	shalt  }
0x6d: {  	_ =	shalt  }
0x6e: {  	_ =	shalt  }
0x6f: {  	_ =	shalt  }
0x70: {  	_ =	shalt  }
0x71: {  	_ =	shalt  }
0x72: {  	_ =	shalt  }
0x73: {  	_ =	shalt  }
0x74: {  	_ =	shalt  }
0x75: {  	_ =	shalt  }
0x76: {  	_ =	shalt  }
0x77: {  	_ =	shalt  }
0x78: {  	_ =	shalt  }
0x79: {  	_ =	shalt  }
0x7a: {  	_ =	shalt  }
0x7b: {  	_ =	shalt  }
0x7c: {  	_ =	shalt  }
0x7d: {  	_ =	shalt  }
0x7e: {  	_ =	shalt  }
0x7f: {  	_ =	shalt  }
0x80: {  	_ =	shalt  }
0x81: {  	_ =	shalt  }
0x82: {  	_ =	shalt  }
0x83: {  	_ =	shalt  }
0x84: {  	_ =	shalt  }
0x85: {  	_ =	shalt  }
0x86: {  	_ =	shalt  }
0x87: {  	_ =	shalt  }
.Lfunc_end0:
.L_simem_size_0:
called_computation_lowered:
.L_overlay_start_0:
0x88: {  	s2 =	sld [smem:$0x3FD9]  }
0x89: {  	s3 =	sld [smem:$0x3FFE];
	_ =	sdelay $0x1  }
0x8a: {  	s1 =	srdreg.scid  }
0x8b: {  	s0 =	sand.u32 $0x1, s1  }
0x8c: {  	s16 =	sshll.u32 s0, $0xA;
	s2 =	sadd.s32 s3, s2  }
0x8d: {  	s2 =	sadd.s32 s2, s16  }
0x8e: {  	[smem:$0x3FBE] =	sst s2  }
0x8f: {  	_ = 	snop  }
0x90: {  	(tm) =	ssettm $0x1  }
0x91: {  	s17 =	sld [smem:$0x3FFB];
	_ =	sdelay $0x3  }
0x92: {  	_ =	strace s17  }
0x93: {  	s2 =	sld [smem:$0x3FFC];
	_ =	sdelay $0x3  }
0x94: {  	_ =	strace s2  }
0x95: {  	s2 =	sld [smem:$0x3FFD];
	_ =	sdelay $0x3  }
0x96: {  	_ =	strace s2  }
0x97: {  	_ =	strace $0x8FFFFFFF  }
0x98: {  	s18 =	sld [smem:$0x3FDB];
	_ =	sdelay $0x1  }
0x99: {  	s19 =	simm.s32 $_scs_section_size  }
0x9a: {  	s4 =	simm.s32 $_size__tile_overlayer_lowered;
	s5 =	simm.s32 $_tile_overlayer_lowered  }
0x9b: {  	s22 =	simm.s32 $0x1BFF;
	s21 =	sshll.u32 s5, $0x1;
	s2 =	sadd.s32 s19, s18  }
0x9c: {  	s6 =	simm.s32 $0x0;
	s20 =	sshll.u32 s4, $0x1;
	s4 =	sadd.s32 s21, s2  }
0x9d: {  	[timem:s6], [sflag:s22] =	dma.local [hbm:s4], s20  }
0x9e: {  	_ =	swait.ge [sflag:s22], s20  }
0x9f: {  	s3 =	ssub.s32 $0x0, s20;
	[sflag:s22] =	ssyncset.done $0x0  }
0xa0: {  	[sflag:s22] =	ssyncadd.s32 s3;
	_ =	sdelay $0x1  }
0xa1: {  	s23 =	simm.s32 $0x1B8B  }
0xa2: {  	_ =	swait.ge [sflag:s23], $0x1  }
0xa3: {  	[sflag:s23] =	ssyncset.done $0x0  }
0xa4: {  	s25 =	simm.s32 $0x1B8E;
	s24 =	sld [smem:$0x3FFE];
	[sflag:s23] =	ssyncadd.s32 $0xFFFFFFFF  }
0xa5: {  	s26 =	simm.s32 $execute0_lowered;
	[smem:$0x3FD2] =	sst s25  }
0xa6: {  	s4 =	sshll.u32 s26, $0x1;
	_ =	strace $0x80000046;
	[dreg:$0x1] =	wrdreg $0xFFFFFFFF  }
0xa7: {  	s28 =	simm.s32 $_size_execute0_lowered;
	s2 =	sadd.s32 s2, s4;
	[dreg:$0x0] =	wrdreg $0x0  }
0xa8: {  	s4 =	sshll.u32 s28, $0x1;
	[dreg:$0x2] =	wrdreg s2  }
0xa9: {  	[dreg:$0x3] =	wrdreg s4  }
0xaa: {  	[dreg:$0x4] =	wrdreg $0xC0  }
0xab: {  	_ =	task [dreg:s6], $0x5FFFF  }
0xac: {  	[dreg:$0x1] =	wrdreg $0xFFFFFFFF  }
0xad: {  	[dreg:$0x0] =	wrdreg $0x60  }
0xae: {  	[dreg:$0x2] =	wrdreg s24  }
0xaf: {  	[dreg:$0x3] =	wrdreg $0x40800  }
0xb0: {  	[dreg:$0x4] =	wrdreg $0x9  }
0xb1: {  	_ =	task.clear_ibuf [dreg:s6], $0x5FFFF;
	_ =	strace $0x90000046  }
0xb2: {  	s29 =	simm.s32 $0x9;
	_ =	strace $0x80000048  }
0xb3: {  	_ =	swait.ge [sflag:s29], $0x1  }
0xb4: {  	[sflag:s29] =	ssyncadd.s32 $0xFFFFFFFF  }
0xb5: {  	_ =	strace $0x90000048  }
0xb6: {  	_ =	sfence  }
0xb7: {  	s30 =	sld [smem:$0x0];
	_ =	sdelay $0x2  }
0xb8: {  	s31 =	sshll.u32 s1, $0xD;
	s1 =	sshrl.u32 s1, $0x2  }
0xb9: {  	s3 =	sand.u32 $0x4000, s31;
	s1 =	sadd.s32 s1, s30  }
0xba: {  	s0 =	sor.u32 s3, s0;
	s1 =	sshll.u32 s1, $0x11  }
0xbb: {  	s0 =	sor.u32 s1, s0  }
0xbc: {  	s0 =	sadd.s32 $0x8F2B, s0  }
0xbd: {  	[sflag:s0] =	ssyncadd.remote.s32 $0x1  }
0xbe: {  	_ =	sfence.sel $0xFFFF  }
0xbf: {  	[dreg:$0x0] =	wrdreg $0xFFFFFFFF;
	(pc) =	sbr.abs _section_cstart, $3  }
0xc0: {  	[dreg:$0x1] =	wrdreg $0xFFFFFFFF  }
0xc1: {  	_ =	task.clear_ibuf [dreg:s6], $0x2FFFF;
	_ =	strace $0x9FFFFFFF  }
0xc2: {  	(tm) =	ssettm $0x7FFFFFFF  }
0xc3: {  	_ =	shalt  }
tec
execute0_lowered:
.L_overlay_start_1:
0x0: {  	(tag) =	ssettag $0x1  }
0x1: {  	s0 =	srdreg.scid;
	s7 =	rddreg [dreg:$0x0]  }
0x2: {  	s2 =	rddreg [dreg:$0x1];
	s6 =	sand.u32 $0x1, s0  }
0x3: {  	s0 =	stileid.u32;
	s4 =	smul.u32 $0x14000, s6  }
0x4: {  	s1 =	rddreg [dreg:$0x2];
	s5 =	smul.u32 $0x1400, s0  }
0x5: {  	s3 =	simm.s32 $0x0;
	s18 =	simm.s32 $0x80;
	s8 =	smul.u32 $0x280, s0  }
0x6: {  	s19 =	simm.s32 $0x1;
	s20 =	simm.s32 $0x0;
	s9 =	smul.u32 $0x2800, s6  }
0x7: {  	[smem:$0x7FF] =	sst s3;
	s10 =	smul.u32 $0x50000, s0;
	s6 =	ssub.s32 $0x2, s6  }
0x8: {  	_ =	strace $0x80000047;
	s31 =	sshrl.u32 s6, $0x1;
	s4 =	sadd.s32 s5, s4  }
0x9: {  	s5 =	sadd.s32 $0xD400, s7;
	s8 =	sadd.s32 s9, s8;
	s10 =	sshrl.u32 s10, $0x2  }
0xa: {  	s9 =	ssub.s32 s6, s31;
	s4 =	sshrl.u32 s4, $0x3;
	s8 =	sshll.u32 s8, $0x4  }
0xb: {  	s6 =	sadd.s32 s10, s2;
	s17 =	sadd.s32 s4, s7;
	s4 =	sadd.s32 $0xDC00, s7  }
0xc: {  	s16 =	sadd.s32 s8, s7;
	s7 =	smax.u32 s9, $0x1;
	s8 =	sadd.s32 $0x4000, s6  }
0xd: {  	s9 =	sadd.s32 $0x8000, s6;
	s10 =	sadd.s32 $0xC000, s6;
	s11 =	sadd.s32 $0x10000, s6  }
0xe: {  	s12 =	sadd.s32 $0xE400, s16;
	s13 =	sadd.s32 $0xEC00, s16;
	s14 =	sadd.s32 $0xF400, s16  }
0xf: {  	s15 =	sadd.s32 $0xFC00, s16;
	s16 =	sadd.s32 $0x10400, s16;
	s17 =	sadd.s32 $0x3400, s17  }
.LBB2_1:
0x10: {  	[tilespmem:s18], [sflag:$0x1] =	stream.linear.gather [hbm4b:s5+s3], $0x4000, $0x38;
	[tilespmem:$0x18080] =	vst v63  }
0x11: {  	_ =	swait.ge [sflag:s19], $0x4000  }
0x12: {  	[sflag:s19] =	ssyncset.done $0x0  }
0x13: {  	[sflag:s19] =	ssyncadd.s32 $0xFFFFC000  }
0x14: {  	[spmem:s6] =	stream.linear.scatter [tilespmem:s18], [sflag:$0x1], $0x4000, $0x38;
	[tilespmem:$0x18080] =	vst v63  }
0x15: {  	_ =	swait.ge [sflag:s19], $0x4000  }
0x16: {  	[sflag:s19] =	ssyncset.done $0x0  }
0x17: {  	[sflag:s19] =	ssyncadd.s32 $0xFFFFC000  }
0x18: {  	[spmem:s8] =	stream.linear.scatter [tilespmem:s18], [sflag:$0x1], $0x4000, $0x38;
	[tilespmem:$0x18080] =	vst v63  }
0x19: {  	_ =	swait.ge [sflag:s19], $0x4000  }
0x1a: {  	[sflag:s19] =	ssyncset.done $0x0  }
0x1b: {  	[sflag:s19] =	ssyncadd.s32 $0xFFFFC000  }
0x1c: {  	[spmem:s9] =	stream.linear.scatter [tilespmem:s18], [sflag:$0x1], $0x4000, $0x38;
	[tilespmem:$0x18080] =	vst v63  }
0x1d: {  	_ =	swait.ge [sflag:s19], $0x4000  }
0x1e: {  	[sflag:s19] =	ssyncset.done $0x0  }
0x1f: {  	[sflag:s19] =	ssyncadd.s32 $0xFFFFC000  }
0x20: {  	[spmem:s10] =	stream.linear.scatter [tilespmem:s18], [sflag:$0x1], $0x4000, $0x38;
	[tilespmem:$0x18080] =	vst v63  }
0x21: {  	_ =	swait.ge [sflag:s19], $0x4000  }
0x22: {  	[sflag:s19] =	ssyncset.done $0x0  }
0x23: {  	[sflag:s19] =	ssyncadd.s32 $0xFFFFC000  }
0x24: {  	[spmem:s11] =	stream.linear.scatter [tilespmem:s18], [sflag:$0x1], $0x4000, $0x38;
	[tilespmem:$0x18080] =	vst v63  }
0x25: {  	_ =	swait.ge [sflag:s19], $0x4000  }
0x26: {  	[sflag:s19] =	ssyncset.done $0x0  }
0x27: {  	[sflag:s19] =	ssyncadd.s32 $0xFFFFC000  }
0x28: {  	[tilespmem:s18], [sflag:$0x1] =	stream.linear.gather [hbm4b:s4+s3], $0x4000, $0x38;
	[tilespmem:$0x18080] =	vst v63  }
0x29: {  	_ =	swait.ge [sflag:s19], $0x4000  }
0x2a: {  	[sflag:s19] =	ssyncset.done $0x0  }
0x2b: {  	[sflag:s19] =	ssyncadd.s32 $0xFFFFC000  }
0x2c: {  	s21 =	sadd.s32 $0x0, s17;
	[bflag:$0x0] =	sbarrier.arrive $0xFFFF  }
0x2d: {  	[tilespmem:s3], [sflag:$0x1] =	stream.linear.gather [hbm4b:s21+s3], $0x80, $0x38;
	[tilespmem:$0x18080] =	vst v63  }
0x2e: {  	_ =	swait.ge [sflag:s19], $0x80  }
0x2f: {  	[sflag:s19] =	ssyncset.done $0x0  }
0x30: {  	[sflag:s19] =	ssyncadd.s32 $0xFFFFFF80  }
0x31: {  	[spmem:s2] =	stream.indirect.scatter.add.f32 [tilespmem:s18], [sflag:$0x1], $0x80, s3, s18, $0xb8;
	[tilespmem:$0x18080] =	vst v63  }
0x32: {  	_ =	swait.ge [sflag:s19], $0x4000  }
0x33: {  	s22 =	simm.s32 $0x20;
	s21 =	simm.s32 $0x10;
	[sflag:s19] =	ssyncset.done $0x0  }
.LBB2_2:
0x34: {  	s23 =	sadd.s32 s21, s17  }
0x35: {  	[sflag:s19] =	ssyncadd.s32 $0xFFFFC000;
	s21 =	smov.u32 s22;
	s24 =	sadd.s32 $0x10, s22  }
0x36: {  	[tilespmem:s3], [sflag:$0x1] =	stream.linear.gather [hbm4b:s23+s3], $0x80, $0x38;
	[tilespmem:$0x18080] =	vst v63  }
0x37: {  	p0 =	sne.s32 s22, $0x270;
	_ =	swait.ge [sflag:s19], $0x80  }
.Ltmp0:
0x38: {  	[sflag:s19] =	ssyncset.done $0x0;
	(pc) =	sbr.rel @p0 .LBB2_2-.Ltmp0, $4  }
0x39: {  	[sflag:s19] =	ssyncadd.s32 $0xFFFFFF80  }
0x3a: {  	[spmem:s2] =	stream.indirect.scatter.add.f32 [tilespmem:s18], [sflag:$0x1], $0x80, s3, s18, $0xb8;
	[tilespmem:$0x18080] =	vst v63  }
0x3b: {  	_ =	swait.ge [sflag:s19], $0x4000  }
0x3c: {  	s22 =	smov.u32 s24;
	[sflag:s19] =	ssyncset.done $0x0  }
0x3d: {  	s21 =	sadd.s32 s21, s17;
	[sflag:s19] =	ssyncadd.s32 $0xFFFFC000  }
0x3e: {  	[tilespmem:s3], [sflag:$0x1] =	stream.linear.gather [hbm4b:s21+s3], $0x80, $0x38;
	[tilespmem:$0x18080] =	vst v63  }
0x3f: {  	_ =	swait.ge [sflag:s19], $0x80  }
0x40: {  	[sflag:s19] =	ssyncset.done $0x0  }
0x41: {  	[sflag:s19] =	ssyncadd.s32 $0xFFFFFF80  }
0x42: {  	[spmem:s2] =	stream.indirect.scatter.add.f32 [tilespmem:s18], [sflag:$0x1], $0x80, s3, s18, $0xb8;
	[tilespmem:$0x18080] =	vst v63  }
0x43: {  	_ =	swait.ge [sflag:s19], $0x4000  }
0x44: {  	[sflag:s19] =	ssyncset.done $0x0  }
0x45: {  	[sflag:s19] =	ssyncadd.s32 $0xFFFFC000  }
0x46: {  	[bflag:$0x0] =	sbarrier.arrive $0xFFFF  }
0x47: {  	[tilespmem:s18], [sflag:$0x1] =	stream.linear.gather [spmem:s6], $0x4000, $0x38;
	[tilespmem:$0x18080] =	vst v63  }
0x48: {  	_ =	swait.ge [sflag:s19], $0x4000  }
0x49: {  	[sflag:s19] =	ssyncset.done $0x0  }
0x4a: {  	[sflag:s19] =	ssyncadd.s32 $0xFFFFC000  }
0x4b: {  	[hbm4b:s12+s3] =	stream.linear.scatter [tilespmem:s18], [sflag:$0x1], $0x4000, $0x38;
	[tilespmem:$0x18080] =	vst v63  }
0x4c: {  	_ =	swait.ge [sflag:s19], $0x4000  }
0x4d: {  	[sflag:s19] =	ssyncset.done $0x0  }
0x4e: {  	[sflag:s19] =	ssyncadd.s32 $0xFFFFC000  }
0x4f: {  	[tilespmem:s18], [sflag:$0x1] =	stream.linear.gather [spmem:s8], $0x4000, $0x38;
	[tilespmem:$0x18080] =	vst v63  }
0x50: {  	_ =	swait.ge [sflag:s19], $0x4000  }
0x51: {  	[sflag:s19] =	ssyncset.done $0x0  }
0x52: {  	[sflag:s19] =	ssyncadd.s32 $0xFFFFC000  }
0x53: {  	[hbm4b:s13+s3] =	stream.linear.scatter [tilespmem:s18], [sflag:$0x1], $0x4000, $0x38;
	[tilespmem:$0x18080] =	vst v63  }
0x54: {  	_ =	swait.ge [sflag:s19], $0x4000  }
0x55: {  	[sflag:s19] =	ssyncset.done $0x0  }
0x56: {  	[sflag:s19] =	ssyncadd.s32 $0xFFFFC000  }
0x57: {  	[tilespmem:s18], [sflag:$0x1] =	stream.linear.gather [spmem:s9], $0x4000, $0x38;
	[tilespmem:$0x18080] =	vst v63  }
0x58: {  	_ =	swait.ge [sflag:s19], $0x4000  }
0x59: {  	[sflag:s19] =	ssyncset.done $0x0  }
0x5a: {  	[sflag:s19] =	ssyncadd.s32 $0xFFFFC000  }
0x5b: {  	[hbm4b:s14+s3] =	stream.linear.scatter [tilespmem:s18], [sflag:$0x1], $0x4000, $0x38;
	[tilespmem:$0x18080] =	vst v63  }
0x5c: {  	_ =	swait.ge [sflag:s19], $0x4000  }
0x5d: {  	[sflag:s19] =	ssyncset.done $0x0  }
0x5e: {  	[sflag:s19] =	ssyncadd.s32 $0xFFFFC000  }
0x5f: {  	[tilespmem:s18], [sflag:$0x1] =	stream.linear.gather [spmem:s10], $0x4000, $0x38;
	[tilespmem:$0x18080] =	vst v63  }
0x60: {  	_ =	swait.ge [sflag:s19], $0x4000  }
0x61: {  	[sflag:s19] =	ssyncset.done $0x0  }
0x62: {  	[sflag:s19] =	ssyncadd.s32 $0xFFFFC000  }
0x63: {  	[hbm4b:s15+s3] =	stream.linear.scatter [tilespmem:s18], [sflag:$0x1], $0x4000, $0x38;
	[tilespmem:$0x18080] =	vst v63  }
0x64: {  	_ =	swait.ge [sflag:s19], $0x4000  }
0x65: {  	[sflag:s19] =	ssyncset.done $0x0  }
0x66: {  	[sflag:s19] =	ssyncadd.s32 $0xFFFFC000  }
0x67: {  	[tilespmem:s18], [sflag:$0x1] =	stream.linear.gather [spmem:s11], $0x4000, $0x38;
	[tilespmem:$0x18080] =	vst v63  }
0x68: {  	s20 =	sadd.s32 $0x1, s20;
	_ =	swait.ge [sflag:s19], $0x4000  }
0x69: {  	p0 =	sne.s32 s20, s7;
	[sflag:s19] =	ssyncset.done $0x0  }
.Ltmp1:
0x6a: {  	[sflag:s19] =	ssyncadd.s32 $0xFFFFC000;
	(pc) =	sbr.rel @p0 .LBB2_1-.Ltmp1, $4  }
0x6b: {  	[hbm4b:s16+s3] =	stream.linear.scatter [tilespmem:s18], [sflag:$0x1], $0x4000, $0x38;
	[tilespmem:$0x18080] =	vst v63  }
0x6c: {  	_ =	swait.ge [sflag:s19], $0x4000  }
0x6d: {  	[sflag:s19] =	ssyncset.done $0x0  }
0x6e: {  	[sflag:s19] =	ssyncadd.s32 $0xFFFFC000  }
0x6f: {  	_ =	sfence.sel $0x180000  }
0x70: {  	[bflag:$0x0] =	sbarrier.arrive $0xFFFF  }
0x71: {  	p0 =	sne.s32 s0, $0x0;
	_ =	strace $0x90000047  }
0x72: {  	s0 =	sadd.s32 @!p0 $0x100000, s1;
	[bflag:$0x2] =	sbarrier.arrive $0xFFFF  }
0x73: {  	[sflag:s0] =	ssyncadd.tile.s32 @!p0 $0x1;
	_ =	shalt  }
.Lfunc_end2:
_tile_overlayer_lowered:
.L_overlay_start_2:
0x74: {  	(tag) =	ssettag $0x2  }
0x75: {  	s0 =	rddreg [dreg:$0x0];
	s2 =	stileid.u32  }
0x76: {  	s1 =	rddreg [dreg:$0x1];
	p0 =	sne.s32 s2, $0x0  }
0x77: {  	s3 =	rddreg [dreg:$0x2];
	[bflag:$0x3] =	sbarrier.arrive $0xFFFF;
	s2 =	simm.s32 @!p0 $0x1C01  }
0x78: {  	[timem:s3], [sflag:s2] =	dma.local @!p0 [hbm:s0], s1  }
0x79: {  	s0 =	simm.s32 @!p0 $0x1  }
0x7a: {  	_ =	swait.ge @!p0 [sflag:s0], s1  }
0x7b: {  	s1 =	ssub.s32 @!p0 $0x0, s1;
	[sflag:s0] =	ssyncset.done @!p0 $0x0  }
0x7c: {  	[sflag:s0] =	ssyncadd.s32 @!p0 s1  }
0x7d: {  	[bflag:$0x3] =	sbarrier.arrive $0xFFFF  }
0x7e: {  	_ =	shalt  }

</sc_bundles>
